<compile_context>
chip_gen: v7x
topology: tpu7x:2x2x1
jax: 0.10.2.dev20260603
libtpu: 0.0.44.dev20260713+nightly
codegen_flags: <defaults>
</compile_context>

<pallas_src>
import functools

import jax
import jax.numpy as jnp
from jax import lax
from jax.experimental import pallas as pl
from jax.experimental.pallas import tpu as pltpu
from jax.experimental.pallas import tpu_sc as plsc

N = 10000
E = 320000
D = 128
K = 16
H = 512
C = 10
G = 64

NUM_CORES = 2
NUM_SUBCORES = 16
NW = NUM_CORES * NUM_SUBCORES
EPW = E // NW
STEP = 50
NSTEP = EPW // STEP
GROUP = 40
NGROUP = NSTEP // GROUP
ROWS_A = 624
TAIL = N - NUM_SUBCORES * ROWS_A
TAIL0 = NUM_SUBCORES * ROWS_A


@jax.jit
def _sc_spmm_multi(tables, sd_idx, zeros):
    ntab = len(tables)
    mesh = plsc.VectorSubcoreMesh(core_axis_name="c", subcore_axis_name="s")
    fc = 128

    @functools.partial(
        pl.kernel,
        mesh=mesh,
        out_type=[jax.ShapeDtypeStruct((NUM_CORES, N, fc), jnp.float32)] * ntab,
        scratch_types=[
            pltpu.VMEM((2, 2, GROUP, STEP), jnp.int32),
            pltpu.VMEM((4, STEP, fc), jnp.float32),
            pltpu.VMEM_SHARED((N, fc), jnp.float32),
        ] + [pltpu.SemaphoreType.DMA] * 10,
    )
    def k(*refs):
        table_refs = refs[:ntab]
        sd_hbm, zeros_hbm = refs[ntab:ntab + 2]
        out_refs = refs[ntab + 2:2 * ntab + 2]
        (sd, rows, acc_ref, sa0, sa1, sa2, sa3, sb0, sb1, sb2, sb3,
         isem0, isem1) = refs[2 * ntab + 2:]
        semsa = (sa0, sa1, sa2, sa3)
        semsb = (sb0, sb1, sb2, sb3)
        isems = (isem0, isem1)
        c = lax.axis_index("c")
        s = lax.axis_index("s")
        wid = c * NUM_SUBCORES + s
        r0 = s * ROWS_A

        for t in range(ntab):
            table_hbm = table_refs[t]
            pltpu.async_copy(sd_hbm.at[wid, 0], sd.at[0], isem0)
            pltpu.sync_copy(zeros_hbm.at[pl.ds(0, ROWS_A)],
                            acc_ref.at[pl.ds(r0, ROWS_A)])

            @pl.when(s == NUM_SUBCORES - 1)
            def _ztail():
                pltpu.sync_copy(zeros_hbm.at[pl.ds(0, TAIL)],
                                acc_ref.at[pl.ds(TAIL0, TAIL)])

            plsc.subcore_barrier()

            for g in range(NGROUP):
                gb = g % 2
                pltpu.make_async_copy(sd_hbm.at[wid, g], sd.at[gb],
                                      isems[gb]).wait()
                if g + 1 < NGROUP:
                    pltpu.async_copy(sd_hbm.at[wid, g + 1], sd.at[1 - gb],
                                     isems[1 - gb])
                sidx = sd.at[gb, 0]
                didx = sd.at[gb, 1]
                HS = STEP // 2

                def _gather(jj, bb):
                    pltpu.async_copy(
                        table_hbm.at[sidx.at[jj, pl.ds(0, HS)]],
                        rows.at[bb, pl.ds(0, HS)], semsa[bb])
                    pltpu.async_copy(
                        table_hbm.at[sidx.at[jj, pl.ds(HS, HS)]],
                        rows.at[bb, pl.ds(HS, HS)], semsb[bb])

                for b in range(3):
                    _gather(b, b)

                def quad(q, carry2):
                    j0 = 4 * q
                    for b in range(4):
                        j = j0 + b
                        jn = j + 3
                        bn = (b + 3) % 4

                        @pl.when(jn < GROUP)
                        def _next():
                            _gather(jn, bn)

                        pltpu.make_async_copy(
                            table_hbm.at[sidx.at[j, pl.ds(0, HS)]],
                            rows.at[b, pl.ds(0, HS)], semsa[b]).wait()
                        pltpu.make_async_copy(
                            table_hbm.at[sidx.at[j, pl.ds(HS, HS)]],
                            rows.at[b, pl.ds(HS, HS)], semsb[b]).wait()
                        pltpu.sync_copy(rows.at[b], acc_ref.at[didx.at[j]],
                                        add=True)
                    return carry2

                lax.fori_loop(0, GROUP // 4, quad, 0)

            plsc.subcore_barrier()
            pltpu.sync_copy(acc_ref.at[pl.ds(r0, ROWS_A)],
                            out_refs[t].at[c, pl.ds(r0, ROWS_A)])

            @pl.when(s == NUM_SUBCORES - 1)
            def _otail():
                pltpu.sync_copy(acc_ref.at[pl.ds(TAIL0, TAIL)],
                                out_refs[t].at[c, pl.ds(TAIL0, TAIL)])

    return k(*tables, sd_idx, zeros)



@jax.jit
def _sc_spmm_lap(table, sd_idx, zeros):
    mesh = plsc.VectorSubcoreMesh(core_axis_name="c", subcore_axis_name="s")
    fc = K

    @functools.partial(
        pl.kernel,
        mesh=mesh,
        out_type=jax.ShapeDtypeStruct((NUM_CORES, N, fc), jnp.float32),
        scratch_types=[
            pltpu.VMEM((2, 2, GROUP, STEP), jnp.int32),
            pltpu.VMEM((4, STEP, fc), jnp.float32),
            pltpu.VMEM_SHARED((N, fc), jnp.float32),
        ] + [pltpu.SemaphoreType.DMA] * 6,
        compiler_params=pltpu.CompilerParams(use_tc_tiling_on_sc=False),
    )
    def k(table_hbm, sd_hbm, zeros_hbm, out_hbm, sd, rows, acc_ref,
          sem0, sem1, sem2, sem3, isem0, isem1):
        sems = (sem0, sem1, sem2, sem3)
        isems = (isem0, isem1)
        c = lax.axis_index("c")
        s = lax.axis_index("s")
        wid = c * NUM_SUBCORES + s
        r0 = s * ROWS_A

        pltpu.async_copy(sd_hbm.at[wid, 0], sd.at[0], isem0)
        pltpu.sync_copy(zeros_hbm.at[pl.ds(0, ROWS_A)],
                        acc_ref.at[pl.ds(r0, ROWS_A)])

        @pl.when(s == NUM_SUBCORES - 1)
        def _ztail():
            pltpu.sync_copy(zeros_hbm.at[pl.ds(0, TAIL)],
                            acc_ref.at[pl.ds(TAIL0, TAIL)])

        plsc.subcore_barrier()

        for g in range(NGROUP):
            gb = g % 2
            pltpu.make_async_copy(sd_hbm.at[wid, g], sd.at[gb],
                                  isems[gb]).wait()
            if g + 1 < NGROUP:
                pltpu.async_copy(sd_hbm.at[wid, g + 1], sd.at[1 - gb],
                                 isems[1 - gb])
            sidx = sd.at[gb, 0]
            didx = sd.at[gb, 1]
            for b in range(3):
                pltpu.async_copy(table_hbm.at[sidx.at[b]], rows.at[b],
                                 sems[b])

            def quad(q, carry2):
                j0 = 4 * q
                for b in range(4):
                    j = j0 + b
                    jn = j + 3
                    bn = (b + 3) % 4

                    @pl.when(jn < GROUP)
                    def _next():
                        pltpu.async_copy(table_hbm.at[sidx.at[jn]],
                                         rows.at[bn], sems[bn])

                    pltpu.make_async_copy(table_hbm.at[sidx.at[j]],
                                          rows.at[b], sems[b]).wait()
                    pltpu.sync_copy(rows.at[b], acc_ref.at[didx.at[j]],
                                    add=True)
                return carry2

            lax.fori_loop(0, GROUP // 4, quad, 0)

        plsc.subcore_barrier()
        pltpu.sync_copy(acc_ref.at[pl.ds(r0, ROWS_A)],
                        out_hbm.at[c, pl.ds(r0, ROWS_A)])

        @pl.when(s == NUM_SUBCORES - 1)
        def _otail():
            pltpu.sync_copy(acc_ref.at[pl.ds(TAIL0, TAIL)],
                            out_hbm.at[c, pl.ds(TAIL0, TAIL)])

    return k(table, sd_idx, zeros)


RBLK = 2000
NBLK = N // RBLK


def _mlp_body(nch, residual, *refs):
    i = 0
    h_refs = refs[i:i + nch]; i += nch
    lap_ref = refs[i]; i += 1
    a_refs = refs[i:i + nch]; i += nch
    alap_ref = refs[i]; i += 1
    W1_ref = refs[i]; i += 1
    b1_ref = refs[i]; i += 1
    W2_ref = refs[i]; i += 1
    b2_ref = refs[i]; i += 1
    ep_ref = refs[i]; i += 1
    o_refs = refs[i:i + 4]

    ep = ep_ref[0, 0]
    acc = jnp.zeros((RBLK, H), dtype=jnp.float32)
    for cidx in range(nch):
        a = a_refs[cidx]
        z = ep * h_refs[cidx][...] + a[0] + a[1]
        w = W1_ref[cidx * 128:(cidx + 1) * 128, :]
        acc = acc + jnp.dot(z, w, preferred_element_type=jnp.float32)
    zlap = ep * lap_ref[...] + alap_ref[0] + alap_ref[1]
    wlap = W1_ref[nch * 128:nch * 128 + K, :]
    acc = acc + jnp.dot(zlap, wlap, preferred_element_type=jnp.float32)
    t = jnp.maximum(acc + b1_ref[...], 0.0)
    o = jnp.dot(t, W2_ref[...], preferred_element_type=jnp.float32) + b2_ref[...]
    o = jnp.maximum(o, 0.0)
    for cidx in range(4):
        oc = o[:, cidx * 128:(cidx + 1) * 128]
        if residual:
            oc = oc + h_refs[cidx][...]
        o_refs[cidx][...] = oc


@functools.partial(jax.jit, static_argnames=("nch", "residual"))
def _mlp(h_chunks, lap, agg_chunks, agglap, W1, b1, W2, b2, ep,
         nch, residual):
    row_spec = pl.BlockSpec((RBLK, 128), lambda i: (i, 0))
    lap_spec = pl.BlockSpec((RBLK, K), lambda i: (i, 0))
    agg_spec = pl.BlockSpec((2, RBLK, 128), lambda i: (0, i, 0))
    alap_spec = pl.BlockSpec((2, RBLK, K), lambda i: (0, i, 0))
    full = lambda shape: pl.BlockSpec(shape, lambda i: tuple(0 for _ in shape))
    smem = pl.BlockSpec(memory_space=pltpu.SMEM)

    in_specs = ([row_spec] * nch + [lap_spec] + [agg_spec] * nch +
                [alap_spec, full(W1.shape), full((1, H)), full(W2.shape),
                 full((1, H)), smem])
    out_specs = [row_spec] * 4
    out_shape = [jax.ShapeDtypeStruct((N, 128), jnp.float32)] * 4

    return pl.pallas_call(
        functools.partial(_mlp_body, nch, residual),
        grid=(NBLK,),
        in_specs=in_specs,
        out_specs=out_specs,
        out_shape=out_shape,
    )(*h_chunks, lap, *agg_chunks, agglap, W1, b1.reshape(1, H),
      W2, b2.reshape(1, H), ep)




def _mlp_pool_body(*refs):
    h_refs = refs[0:4]
    lap_ref = refs[4]
    a_refs = refs[5:9]
    alap_ref = refs[9]
    W1_ref, b1_ref, W2_ref, b2_ref, ep_ref, b_ref, Wp_ref, bp_ref = refs[10:18]
    out_ref = refs[18]
    psum, cnt = refs[19:21]

    i = pl.program_id(0)

    @pl.when(i == 0)
    def _init():
        psum[...] = jnp.zeros_like(psum)
        cnt[...] = jnp.zeros_like(cnt)

    ep = ep_ref[0, 0]
    acc = jnp.zeros((RBLK, H), dtype=jnp.float32)
    for cidx in range(4):
        a = a_refs[cidx]
        z = (ep * h_refs[cidx][...] + a[0].astype(jnp.float32)
             + a[1].astype(jnp.float32))
        w = W1_ref[cidx * 128:(cidx + 1) * 128, :]
        acc = acc + jnp.dot(z, w, preferred_element_type=jnp.float32)
    zlap = (ep * lap_ref[...] + alap_ref[0].astype(jnp.float32)
            + alap_ref[1].astype(jnp.float32))
    wlap = W1_ref[4 * 128:4 * 128 + K, :]
    acc = acc + jnp.dot(zlap, wlap, preferred_element_type=jnp.float32)
    t = jnp.maximum(acc + b1_ref[...], 0.0)
    o = jnp.dot(t, W2_ref[...], preferred_element_type=jnp.float32) + b2_ref[...]
    o = jnp.maximum(o, 0.0)
    hcat = jnp.concatenate([h_refs[c][...] for c in range(4)], axis=1)
    h3 = o + hcat

    batch = b_ref[0, 0, :]
    ids = lax.broadcasted_iota(jnp.int32, (G, RBLK), 0)
    mask = (batch[None, :] == ids).astype(jnp.float32)
    psum[...] += jnp.dot(mask, h3, preferred_element_type=jnp.float32)
    cnt[...] += jnp.sum(mask, axis=1, keepdims=True)

    @pl.when(i == NBLK - 1)
    def _final():
        pooled = psum[...] / jnp.maximum(cnt[...], 1.0)
        out_ref[...] = (jnp.dot(pooled, Wp_ref[...],
                                preferred_element_type=jnp.float32)
                        + bp_ref[...])


@jax.jit
def _mlp_pool(h_chunks, lap, agg_chunks, agglap, W1, b1, W2, b2, ep,
              batch, Wp, bp):
    row_spec = pl.BlockSpec((RBLK, 128), lambda i: (i, 0))
    lap_spec = pl.BlockSpec((RBLK, K), lambda i: (i, 0))
    agg_spec = pl.BlockSpec((2, RBLK, 128), lambda i: (0, i, 0))
    alap_spec = pl.BlockSpec((2, RBLK, K), lambda i: (0, i, 0))
    full = lambda shape: pl.BlockSpec(shape, lambda i: tuple(0 for _ in shape))
    smem = pl.BlockSpec(memory_space=pltpu.SMEM)
    batchr = batch.reshape(NBLK, 1, RBLK)

    in_specs = ([row_spec] * 4 + [lap_spec] + [agg_spec] * 4 +
                [alap_spec, full(W1.shape), full((1, H)), full(W2.shape),
                 full((1, H)), smem,
                 pl.BlockSpec((1, 1, RBLK), lambda i: (i, 0, 0)),
                 full(Wp.shape), full((1, C))])

    return pl.pallas_call(
        _mlp_pool_body,
        grid=(NBLK,),
        in_specs=in_specs,
        out_specs=full((G, C)),
        out_shape=jax.ShapeDtypeStruct((G, C), jnp.float32),
        scratch_shapes=[pltpu.VMEM((G, H), jnp.float32),
                        pltpu.VMEM((G, 1), jnp.float32)],
    )(*h_chunks, lap, *agg_chunks, agglap, W1, b1.reshape(1, H),
      W2, b2.reshape(1, H), ep, batchr, Wp, bp.reshape(1, C))


def _pool_body(h0, h1, h2, h3, b_ref, Wp_ref, bp_ref, out_ref, psum, cnt):
    i = pl.program_id(0)

    @pl.when(i == 0)
    def _init():
        psum[...] = jnp.zeros_like(psum)
        cnt[...] = jnp.zeros_like(cnt)

    batch = b_ref[0, 0, :]
    ids = lax.broadcasted_iota(jnp.int32, (G, RBLK), 0)
    mask = (batch[None, :] == ids).astype(jnp.float32)
    hcat = jnp.concatenate([h0[...], h1[...], h2[...], h3[...]], axis=1)
    psum[...] += jnp.dot(mask, hcat, preferred_element_type=jnp.float32)
    cnt[...] += jnp.sum(mask, axis=1, keepdims=True)

    @pl.when(i == NBLK - 1)
    def _final():
        pooled = psum[...] / jnp.maximum(cnt[...], 1.0)
        out_ref[...] = (jnp.dot(pooled, Wp_ref[...],
                                preferred_element_type=jnp.float32)
                        + bp_ref[...])


@jax.jit
def _pool(h_chunks, batch, Wp, bp):
    row_spec = pl.BlockSpec((RBLK, 128), lambda i: (i, 0))
    batchr = batch.reshape(NBLK, 1, RBLK)
    full = lambda shape: pl.BlockSpec(shape, lambda i: tuple(0 for _ in shape))
    return pl.pallas_call(
        _pool_body,
        grid=(NBLK,),
        in_specs=[row_spec] * 4 + [
            pl.BlockSpec((1, 1, RBLK), lambda i: (i, 0, 0)),
            full(Wp.shape), full((1, C))],
        out_specs=full((G, C)),
        out_shape=jax.ShapeDtypeStruct((G, C), jnp.float32),
        scratch_shapes=[pltpu.VMEM((G, H), jnp.float32),
                        pltpu.VMEM((G, 1), jnp.float32)],
    )(*h_chunks, batchr, Wp, bp.reshape(1, C))


def kernel(x, edge_index, laplace_feats, batch,
           W1_0, b1_0, W2_0, b2_0, eps_0,
           W1_1, b1_1, W2_1, b2_1, eps_1,
           W1_2, b1_2, W2_2, b2_2, eps_2,
           Wp, bp):
    srcr = edge_index[0].reshape(NW, NGROUP, 1, GROUP, STEP)
    dstr = edge_index[1].reshape(NW, NGROUP, 1, GROUP, STEP)
    sd = jnp.concatenate([srcr, dstr], axis=2)
    z128 = jnp.zeros((ROWS_A, 128), dtype=jnp.float32)

    z16 = jnp.zeros((ROWS_A, K), dtype=jnp.float32)
    agglap = _sc_spmm_lap(laplace_feats, sd, z16)
    (aggx,) = _sc_spmm_multi([x], sd, z128)

    ep0 = jnp.reshape(1.0 + eps_0, (1, 1))
    h1 = _mlp([x], laplace_feats, [aggx], agglap,
              W1_0, b1_0, W2_0, b2_0, ep0, nch=1, residual=False)

    agg1 = _sc_spmm_multi(h1, sd, z128)
    ep1 = jnp.reshape(1.0 + eps_1, (1, 1))
    h2 = _mlp(h1, laplace_feats, agg1, agglap,
              W1_1, b1_1, W2_1, b2_1, ep1, nch=4, residual=True)

    agg2 = _sc_spmm_multi(h2, sd, z128)
    ep2 = jnp.reshape(1.0 + eps_2, (1, 1))
    return _mlp_pool(h2, laplace_feats, agg2, agglap,
                     W1_2, b1_2, W2_2, b2_2, ep2, batch, Wp, bp)

# --- scband reference (transcript-rebuilt; emitter-appended) ---
"""Pipeline reference for scband-ginelaplace-variant-85555748536458 (READ-ONLY COPY).

The authoritative reference and input builder live on the scoring server;
editing this copy changes nothing except your own understanding.
"""

import jax, jax.numpy as jnp
import numpy as np

N = 10000
E = 320000
D = 128
K = 16
H = 512
C = 10
G = 64


def setup_inputs(seed: int = 0) -> dict:
    key = jax.random.key(seed)
    ks = jax.random.split(key, 24)
    inp = {}
    inp["x"] = jax.random.normal(ks[0], (N, D), dtype=jnp.float32)
    inp["edge_index"] = jax.random.randint(ks[1], (2, E), 0, N, dtype=jnp.int32)
    inp["laplace_feats"] = jax.random.normal(ks[2], (N, K), dtype=jnp.float32)
    inp["batch"] = jnp.sort(jax.random.randint(ks[3], (N,), 0, G, dtype=jnp.int32))
    # GIN layer MLP params: layer 0 in_dim = D + K, layers 1,2 in_dim = H + K
    dins = [D + K, H + K, H + K]
    s = 0.02
    for l, din in enumerate(dins):
        inp[f"W1_{l}"] = jax.random.normal(ks[4 + 4 * l], (din, H), dtype=jnp.float32) * s
        inp[f"b1_{l}"] = jnp.zeros((H,), dtype=jnp.float32)
        inp[f"W2_{l}"] = jax.random.normal(ks[5 + 4 * l], (H, H), dtype=jnp.float32) * s
        inp[f"b2_{l}"] = jnp.zeros((H,), dtype=jnp.float32)
        inp[f"eps_{l}"] = jnp.zeros((), dtype=jnp.float32)
    inp["Wp"] = jax.random.normal(ks[20], (H, C), dtype=jnp.float32) * s
    inp["bp"] = jnp.zeros((C,), dtype=jnp.float32)
    return inp


def reference(x, edge_index, laplace_feats, batch,
              W1_0, b1_0, W2_0, b2_0, eps_0,
              W1_1, b1_1, W2_1, b2_1, eps_1,
              W1_2, b1_2, W2_2, b2_2, eps_2,
              Wp, bp):
    src = edge_index[0]
    dst = edge_index[1]
    layers = [
        (W1_0, b1_0, W2_0, b2_0, eps_0),
        (W1_1, b1_1, W2_1, b2_1, eps_1),
        (W1_2, b1_2, W2_2, b2_2, eps_2),
    ]
    h = x
    for i, (W1, b1, W2, b2, eps) in enumerate(layers):
        # concat laplace sketch features before each conv (k > 0)
        h_cat = jnp.concatenate([h, laplace_feats], axis=1)
        # GINConv: (1 + eps) * x_i + sum_{j in N(i)} x_j, then MLP
        msgs = jnp.take(h_cat, src, axis=0)
        agg = jax.ops.segment_sum(msgs, dst, num_segments=N)
        z = (1.0 + eps) * h_cat + agg
        z = jnp.maximum(jnp.dot(z, W1) + b1, 0.0)
        z = jnp.dot(z, W2) + b2
        # bn is Identity (use_batch_norm=False), then ReLU; dropout p=0
        h_new = jnp.maximum(z, 0.0)
        if i > 0:
            h = h_new + h
        else:
            h = h_new
    # global_mean_pool over graphs in the batch
    sums = jax.ops.segment_sum(h, batch, num_segments=G)
    cnt = jax.ops.segment_sum(jnp.ones((N, 1), dtype=jnp.float32), batch, num_segments=G)
    pooled = sums / jnp.maximum(cnt, 1.0)
    out = jnp.dot(pooled, Wp) + bp
    return out

if __name__ == "__main__":
    import jax
    _d = setup_inputs()
    print(jax.jit(kernel)(*tuple(_d.values())))

</pallas_src>

<mosaic_0001>
#map = affine_map<(d0, d1) -> (0, 0)>
#map1 = affine_map<(d0, d1) -> (0, 0, 0, 0, 0)>
#map2 = affine_map<(d0, d1) -> (0, 0, 0)>
module attributes {stable_mosaic.version = 14 : i64} {
  func.func @k(%arg0: i32, %arg1: i32, %arg2: memref<10000x16xf32, #tpu.memory_space<hbm>>, %arg3: memref<32x5x2x40x50xi32, #tpu.memory_space<hbm>>, %arg4: memref<624x16xf32, #tpu.memory_space<hbm>>, %arg5: memref<2x10000x16xf32, #tpu.memory_space<hbm>>, %arg6: memref<2x2x40x50xi32, #tpu.memory_space<vmem>>, %arg7: memref<4x50x16xf32, #tpu.memory_space<vmem>>, %arg8: memref<10000x16xf32, #tpu.memory_space<vmem_shared>>, %arg9: memref<!tpu.dma_semaphore, #tpu.memory_space<semaphore_mem>>, %arg10: memref<!tpu.dma_semaphore, #tpu.memory_space<semaphore_mem>>, %arg11: memref<!tpu.dma_semaphore, #tpu.memory_space<semaphore_mem>>, %arg12: memref<!tpu.dma_semaphore, #tpu.memory_space<semaphore_mem>>, %arg13: memref<!tpu.dma_semaphore, #tpu.memory_space<semaphore_mem>>, %arg14: memref<!tpu.dma_semaphore, #tpu.memory_space<semaphore_mem>>) attributes {dimension_semantics = [#tpu.dimension_semantics<core_parallel>, #tpu.dimension_semantics<subcore_parallel>], iteration_bounds = array<i64: 2, 16>, scalar_prefetch = 0 : i64, scratch_operands = 9 : i64, tpu.core_type = #tpu.core_type<sc_vector_subcore>, window_params = [{transform_indices = #map}, {transform_indices = #map1}, {transform_indices = #map}, {transform_indices = #map2}]} {
    %mul3A = arith.constant 16 : i32
    %mul3A_0 = arith.muli %arg0, %mul3A : i32
    %add3A = arith.addi %mul3A_0, %arg1 : i32
    %mul3A_1 = arith.constant 624 : i32
    %mul3A_2 = arith.muli %arg1, %mul3A_1 : i32
    %dma_start3A = arith.constant 0 : i32
    %dma_start3A_3 = arith.constant 0 : i32
    %dma_start3A_4 = arith.constant 0 : i32
    %dma_start3A_5 = arith.constant 0 : i32
    %dma_start3A_6 = arith.constant 0 : i32
    %dma_start3A_7 = tpu.memref_slice %arg6[%dma_start3A_3, %dma_start3A_4, %dma_start3A_5, %dma_start3A_6] : memref<2x2x40x50xi32, #tpu.memory_space<vmem>> -> memref<1x2x40x50xi32, #tpu.memory_space<vmem>>
    %dma_start3A_8 = tpu.memref_squeeze %dma_start3A_7 : memref<1x2x40x50xi32, #tpu.memory_space<vmem>> -> memref<2x40x50xi32, #tpu.memory_space<vmem>>
    %dma_start3A_9 = arith.constant 0 : i32
    %dma_start3A_10 = arith.constant 0 : i32
    %dma_start3A_11 = arith.constant 0 : i32
    %dma_start3A_12 = tpu.memref_slice %arg3[%add3A, %dma_start3A, %dma_start3A_9, %dma_start3A_10, %dma_start3A_11] : memref<32x5x2x40x50xi32, #tpu.memory_space<hbm>> -> memref<1x1x2x40x50xi32, #tpu.memory_space<hbm>>
    %dma_start3A_13 = tpu.memref_squeeze %dma_start3A_12 : memref<1x1x2x40x50xi32, #tpu.memory_space<hbm>> -> memref<2x40x50xi32, #tpu.memory_space<hbm>>
    %dma_start3A_14 = arith.constant 0 : i32
    %dma_start3A_15 = arith.constant 0 : i32
    %dma_start3A_16 = arith.constant 0 : i32
    %dma_start3A_17 = tpu.memref_slice %arg6[%dma_start3A_3, %dma_start3A_14, %dma_start3A_15, %dma_start3A_16] : memref<2x2x40x50xi32, #tpu.memory_space<vmem>> -> memref<1x2x40x50xi32, #tpu.memory_space<vmem>>
    %dma_start3A_18 = tpu.memref_squeeze %dma_start3A_17 : memref<1x2x40x50xi32, #tpu.memory_space<vmem>> -> memref<2x40x50xi32, #tpu.memory_space<vmem>>
    %dma_start3A_19 = arith.constant 0 : i32
    %dma_start3A_20 = arith.constant 0 : i32
    %dma_start3A_21 = arith.constant 0 : i32
    %dma_start3A_22 = tpu.memref_slice %arg3[%add3A, %dma_start3A, %dma_start3A_19, %dma_start3A_20, %dma_start3A_21] : memref<32x5x2x40x50xi32, #tpu.memory_space<hbm>> -> memref<1x1x2x40x50xi32, #tpu.memory_space<hbm>>
    %dma_start3A_23 = tpu.memref_squeeze %dma_start3A_22 : memref<1x1x2x40x50xi32, #tpu.memory_space<hbm>> -> memref<2x40x50xi32, #tpu.memory_space<hbm>>
    tpu.enqueue_dma source(%dma_start3A_23 : memref<2x40x50xi32, #tpu.memory_space<hbm>>) target(%dma_start3A_18 : memref<2x40x50xi32, #tpu.memory_space<vmem>>) target_semaphore(%arg13 : memref<!tpu.dma_semaphore, #tpu.memory_space<semaphore_mem>>)
    "tpu.region"() ({
      %run_scoped3A = tpu.sem_alloc : memref<!tpu.dma_semaphore, #tpu.memory_space<semaphore_mem>>
      %dma_start3A_548 = arith.constant 0 : i32
      %dma_start3A_549 = tpu.memref_slice %arg8[%mul3A_2, %dma_start3A_548] : memref<10000x16xf32, #tpu.memory_space<vmem_shared>> -> memref<624x16xf32, #tpu.memory_space<vmem_shared>>
      %dma_start3A_550 = arith.constant 0 : i32
      %dma_start3A_551 = arith.constant 0 : i32
      %dma_start3A_552 = tpu.memref_slice %arg4[%dma_start3A_550, %dma_start3A_551] : memref<624x16xf32, #tpu.memory_space<hbm>> -> memref<624x16xf32, #tpu.memory_space<hbm>>
      tpu.enqueue_dma source(%dma_start3A_552 : memref<624x16xf32, #tpu.memory_space<hbm>>) target(%dma_start3A_549 : memref<624x16xf32, #tpu.memory_space<vmem_shared>>) target_semaphore(%run_scoped3A : memref<!tpu.dma_semaphore, #tpu.memory_space<semaphore_mem>>)
      %dma_wait3A_553 = arith.constant 0 : i32
      %dma_wait3A_554 = tpu.memref_slice %arg8[%mul3A_2, %dma_wait3A_553] : memref<10000x16xf32, #tpu.memory_space<vmem_shared>> -> memref<624x16xf32, #tpu.memory_space<vmem_shared>>
      %dma_wait3A_555 = arith.constant 0 : i32
      %dma_wait3A_556 = arith.constant 0 : i32
      %dma_wait3A_557 = tpu.memref_slice %arg4[%dma_wait3A_555, %dma_wait3A_556] : memref<624x16xf32, #tpu.memory_space<hbm>> -> memref<624x16xf32, #tpu.memory_space<hbm>>
      tpu.wait_dma2 semaphore(%run_scoped3A : memref<!tpu.dma_semaphore, #tpu.memory_space<semaphore_mem>>) src(%dma_wait3A_557 : memref<624x16xf32, #tpu.memory_space<hbm>>) dst(%dma_wait3A_554 : memref<624x16xf32, #tpu.memory_space<vmem_shared>>)
      tpu.yield
    }) : () -> ()
    %eq3A = arith.constant 15 : i32
    %eq3A_24 = arith.cmpi eq, %arg1, %eq3A : i32
    %convert_element_type3A = arith.extui %eq3A_24 : i1 to i32
    %cond3A = arith.constant 0 : i32
    %cond3A_25 = arith.cmpi ne, %convert_element_type3A, %cond3A : i32
    scf.if %cond3A_25 {
      "tpu.region"() ({
        %run_scoped3A = tpu.sem_alloc : memref<!tpu.dma_semaphore, #tpu.memory_space<semaphore_mem>>
        %dma_start3A_548 = arith.constant 9984 : i32
        %dma_start3A_549 = arith.constant 0 : i32
        %dma_start3A_550 = tpu.memref_slice %arg8[%dma_start3A_548, %dma_start3A_549] : memref<10000x16xf32, #tpu.memory_space<vmem_shared>> -> memref<16x16xf32, #tpu.memory_space<vmem_shared>>
        %dma_start3A_551 = arith.constant 0 : i32
        %dma_start3A_552 = arith.constant 0 : i32
        %dma_start3A_553 = tpu.memref_slice %arg4[%dma_start3A_551, %dma_start3A_552] : memref<624x16xf32, #tpu.memory_space<hbm>> -> memref<16x16xf32, #tpu.memory_space<hbm>>
        tpu.enqueue_dma source(%dma_start3A_553 : memref<16x16xf32, #tpu.memory_space<hbm>>) target(%dma_start3A_550 : memref<16x16xf32, #tpu.memory_space<vmem_shared>>) target_semaphore(%run_scoped3A : memref<!tpu.dma_semaphore, #tpu.memory_space<semaphore_mem>>)
        %dma_wait3A_554 = arith.constant 9984 : i32
        %dma_wait3A_555 = arith.constant 0 : i32
        %dma_wait3A_556 = tpu.memref_slice %arg8[%dma_wait3A_554, %dma_wait3A_555] : memref<10000x16xf32, #tpu.memory_space<vmem_shared>> -> memref<16x16xf32, #tpu.memory_space<vmem_shared>>
        %dma_wait3A_557 = arith.constant 0 : i32
        %dma_wait3A_558 = arith.constant 0 : i32
        %dma_wait3A_559 = tpu.memref_slice %arg4[%dma_wait3A_557, %dma_wait3A_558] : memref<624x16xf32, #tpu.memory_space<hbm>> -> memref<16x16xf32, #tpu.memory_space<hbm>>
        tpu.wait_dma2 semaphore(%run_scoped3A : memref<!tpu.dma_semaphore, #tpu.memory_space<semaphore_mem>>) src(%dma_wait3A_559 : memref<16x16xf32, #tpu.memory_space<hbm>>) dst(%dma_wait3A_556 : memref<16x16xf32, #tpu.memory_space<vmem_shared>>)
        tpu.yield
      }) : () -> ()
    } else {
    }
    %barrier3A = arith.constant 0 : index
    tpu.barrier barrier_id(%barrier3A)
    %dma_wait3A = arith.constant 0 : i32
    %dma_wait3A_26 = arith.constant 0 : i32
    %dma_wait3A_27 = arith.constant 0 : i32
    %dma_wait3A_28 = arith.constant 0 : i32
    %dma_wait3A_29 = arith.constant 0 : i32
    %dma_wait3A_30 = tpu.memref_slice %arg6[%dma_wait3A_26, %dma_wait3A_27, %dma_wait3A_28, %dma_wait3A_29] : memref<2x2x40x50xi32, #tpu.memory_space<vmem>> -> memref<1x2x40x50xi32, #tpu.memory_space<vmem>>
    %dma_wait3A_31 = tpu.memref_squeeze %dma_wait3A_30 : memref<1x2x40x50xi32, #tpu.memory_space<vmem>> -> memref<2x40x50xi32, #tpu.memory_space<vmem>>
    %dma_wait3A_32 = arith.constant 0 : i32
    %dma_wait3A_33 = arith.constant 0 : i32
    %dma_wait3A_34 = arith.constant 0 : i32
    %dma_wait3A_35 = tpu.memref_slice %arg3[%add3A, %dma_wait3A, %dma_wait3A_32, %dma_wait3A_33, %dma_wait3A_34] : memref<32x5x2x40x50xi32, #tpu.memory_space<hbm>> -> memref<1x1x2x40x50xi32, #tpu.memory_space<hbm>>
    %dma_wait3A_36 = tpu.memref_squeeze %dma_wait3A_35 : memref<1x1x2x40x50xi32, #tpu.memory_space<hbm>> -> memref<2x40x50xi32, #tpu.memory_space<hbm>>
    %dma_wait3A_37 = arith.constant 0 : i32
    %dma_wait3A_38 = arith.constant 0 : i32
    %dma_wait3A_39 = arith.constant 0 : i32
    %dma_wait3A_40 = tpu.memref_slice %arg6[%dma_wait3A_26, %dma_wait3A_37, %dma_wait3A_38, %dma_wait3A_39] : memref<2x2x40x50xi32, #tpu.memory_space<vmem>> -> memref<1x2x40x50xi32, #tpu.memory_space<vmem>>
    %dma_wait3A_41 = tpu.memref_squeeze %dma_wait3A_40 : memref<1x2x40x50xi32, #tpu.memory_space<vmem>> -> memref<2x40x50xi32, #tpu.memory_space<vmem>>
    %dma_wait3A_42 = arith.constant 0 : i32
    %dma_wait3A_43 = arith.constant 0 : i32
    %dma_wait3A_44 = arith.constant 0 : i32
    %dma_wait3A_45 = tpu.memref_slice %arg3[%add3A, %dma_wait3A, %dma_wait3A_42, %dma_wait3A_43, %dma_wait3A_44] : memref<32x5x2x40x50xi32, #tpu.memory_space<hbm>> -> memref<1x1x2x40x50xi32, #tpu.memory_space<hbm>>
    %dma_wait3A_46 = tpu.memref_squeeze %dma_wait3A_45 : memref<1x1x2x40x50xi32, #tpu.memory_space<hbm>> -> memref<2x40x50xi32, #tpu.memory_space<hbm>>
    tpu.wait_dma2 semaphore(%arg13 : memref<!tpu.dma_semaphore, #tpu.memory_space<semaphore_mem>>) src(%dma_wait3A_46 : memref<2x40x50xi32, #tpu.memory_space<hbm>>) dst(%dma_wait3A_41 : memref<2x40x50xi32, #tpu.memory_space<vmem>>)
    %dma_start3A_47 = arith.constant 1 : i32
    %dma_start3A_48 = arith.constant 1 : i32
    %dma_start3A_49 = arith.constant 0 : i32
    %dma_start3A_50 = arith.constant 0 : i32
    %dma_start3A_51 = arith.constant 0 : i32
    %dma_start3A_52 = tpu.memref_slice %arg6[%dma_start3A_48, %dma_start3A_49, %dma_start3A_50, %dma_start3A_51] : memref<2x2x40x50xi32, #tpu.memory_space<vmem>> -> memref<1x2x40x50xi32, #tpu.memory_space<vmem>>
    %dma_start3A_53 = tpu.memref_squeeze %dma_start3A_52 : memref<1x2x40x50xi32, #tpu.memory_space<vmem>> -> memref<2x40x50xi32, #tpu.memory_space<vmem>>
    %dma_start3A_54 = arith.constant 0 : i32
    %dma_start3A_55 = arith.constant 0 : i32
    %dma_start3A_56 = arith.constant 0 : i32
    %dma_start3A_57 = tpu.memref_slice %arg3[%add3A, %dma_start3A_47, %dma_start3A_54, %dma_start3A_55, %dma_start3A_56] : memref<32x5x2x40x50xi32, #tpu.memory_space<hbm>> -> memref<1x1x2x40x50xi32, #tpu.memory_space<hbm>>
    %dma_start3A_58 = tpu.memref_squeeze %dma_start3A_57 : memref<1x1x2x40x50xi32, #tpu.memory_space<hbm>> -> memref<2x40x50xi32, #tpu.memory_space<hbm>>
    %dma_start3A_59 = arith.constant 0 : i32
    %dma_start3A_60 = arith.constant 0 : i32
    %dma_start3A_61 = arith.constant 0 : i32
    %dma_start3A_62 = tpu.memref_slice %arg6[%dma_start3A_48, %dma_start3A_59, %dma_start3A_60, %dma_start3A_61] : memref<2x2x40x50xi32, #tpu.memory_space<vmem>> -> memref<1x2x40x50xi32, #tpu.memory_space<vmem>>
    %dma_start3A_63 = tpu.memref_squeeze %dma_start3A_62 : memref<1x2x40x50xi32, #tpu.memory_space<vmem>> -> memref<2x40x50xi32, #tpu.memory_space<vmem>>
    %dma_start3A_64 = arith.constant 0 : i32
    %dma_start3A_65 = arith.constant 0 : i32
    %dma_start3A_66 = arith.constant 0 : i32
    %dma_start3A_67 = tpu.memref_slice %arg3[%add3A, %dma_start3A_47, %dma_start3A_64, %dma_start3A_65, %dma_start3A_66] : memref<32x5x2x40x50xi32, #tpu.memory_space<hbm>> -> memref<1x1x2x40x50xi32, #tpu.memory_space<hbm>>
    %dma_start3A_68 = tpu.memref_squeeze %dma_start3A_67 : memref<1x1x2x40x50xi32, #tpu.memory_space<hbm>> -> memref<2x40x50xi32, #tpu.memory_space<hbm>>
    tpu.enqueue_dma source(%dma_start3A_68 : memref<2x40x50xi32, #tpu.memory_space<hbm>>) target(%dma_start3A_63 : memref<2x40x50xi32, #tpu.memory_space<vmem>>) target_semaphore(%arg14 : memref<!tpu.dma_semaphore, #tpu.memory_space<semaphore_mem>>)
    %dma_start3A_69 = arith.constant 0 : i32
    %dma_start3A_70 = arith.constant 0 : i32
    %dma_start3A_71 = arith.constant 0 : i32
    %dma_start3A_72 = arith.constant 0 : i32
    %dma_start3A_73 = arith.constant 0 : i32
    %dma_start3A_74 = arith.constant 0 : i32
    %dma_start3A_75 = tpu.memref_slice %arg7[%dma_start3A_72, %dma_start3A_73, %dma_start3A_74] : memref<4x50x16xf32, #tpu.memory_space<vmem>> -> memref<1x50x16xf32, #tpu.memory_space<vmem>>
    %dma_start3A_76 = tpu.memref_squeeze %dma_start3A_75 : memref<1x50x16xf32, #tpu.memory_space<vmem>> -> memref<50x16xf32, #tpu.memory_space<vmem>>
    %dma_start3A_77 = arith.constant 0 : i32
    %dma_start3A_78 = arith.constant 0 : i32
    %dma_start3A_79 = tpu.memref_slice %arg6[%dma_start3A_69, %dma_start3A_70, %dma_start3A_77, %dma_start3A_78] : memref<2x2x40x50xi32, #tpu.memory_space<vmem>> -> memref<1x1x40x50xi32, #tpu.memory_space<vmem>>
    %dma_start3A_80 = tpu.memref_squeeze %dma_start3A_79 : memref<1x1x40x50xi32, #tpu.memory_space<vmem>> -> memref<40x50xi32, #tpu.memory_space<vmem>>
    %dma_start3A_81 = arith.constant 0 : i32
    %dma_start3A_82 = tpu.memref_slice %dma_start3A_80[%dma_start3A_71, %dma_start3A_81] : memref<40x50xi32, #tpu.memory_space<vmem>> -> memref<1x50xi32, #tpu.memory_space<vmem>>
    %dma_start3A_83 = tpu.memref_squeeze %dma_start3A_82 : memref<1x50xi32, #tpu.memory_space<vmem>> -> memref<50xi32, #tpu.memory_space<vmem>>
    %dma_start3A_84 = arith.constant 0 : i32
    %dma_start3A_85 = arith.constant 0 : i32
    %dma_start3A_86 = tpu.memref_slice %arg2[%dma_start3A_84, %dma_start3A_85] : memref<10000x16xf32, #tpu.memory_space<hbm>> -> memref<10000x16xf32, #tpu.memory_space<hbm>>
    tpu.enqueue_indirect_dma source(%dma_start3A_86 : memref<10000x16xf32, #tpu.memory_space<hbm>>) target(%dma_start3A_76 : memref<50x16xf32, #tpu.memory_space<vmem>>) offsets(%dma_start3A_83 : memref<50xi32, #tpu.memory_space<vmem>>) semaphore(%arg9 : memref<!tpu.dma_semaphore, #tpu.memory_space<semaphore_mem>>)
    %dma_start3A_87 = arith.constant 0 : i32
    %dma_start3A_88 = arith.constant 0 : i32
    %dma_start3A_89 = arith.constant 1 : i32
    %dma_start3A_90 = arith.constant 1 : i32
    %dma_start3A_91 = arith.constant 0 : i32
    %dma_start3A_92 = arith.constant 0 : i32
    %dma_start3A_93 = tpu.memref_slice %arg7[%dma_start3A_90, %dma_start3A_91, %dma_start3A_92] : memref<4x50x16xf32, #tpu.memory_space<vmem>> -> memref<1x50x16xf32, #tpu.memory_space<vmem>>
    %dma_start3A_94 = tpu.memref_squeeze %dma_start3A_93 : memref<1x50x16xf32, #tpu.memory_space<vmem>> -> memref<50x16xf32, #tpu.memory_space<vmem>>
    %dma_start3A_95 = arith.constant 0 : i32
    %dma_start3A_96 = arith.constant 0 : i32
    %dma_start3A_97 = tpu.memref_slice %arg6[%dma_start3A_87, %dma_start3A_88, %dma_start3A_95, %dma_start3A_96] : memref<2x2x40x50xi32, #tpu.memory_space<vmem>> -> memref<1x1x40x50xi32, #tpu.memory_space<vmem>>
    %dma_start3A_98 = tpu.memref_squeeze %dma_start3A_97 : memref<1x1x40x50xi32, #tpu.memory_space<vmem>> -> memref<40x50xi32, #tpu.memory_space<vmem>>
    %dma_start3A_99 = arith.constant 0 : i32
    %dma_start3A_100 = tpu.memref_slice %dma_start3A_98[%dma_start3A_89, %dma_start3A_99] : memref<40x50xi32, #tpu.memory_space<vmem>> -> memref<1x50xi32, #tpu.memory_space<vmem>>
    %dma_start3A_101 = tpu.memref_squeeze %dma_start3A_100 : memref<1x50xi32, #tpu.memory_space<vmem>> -> memref<50xi32, #tpu.memory_space<vmem>>
    %dma_start3A_102 = arith.constant 0 : i32
    %dma_start3A_103 = arith.constant 0 : i32
    %dma_start3A_104 = tpu.memref_slice %arg2[%dma_start3A_102, %dma_start3A_103] : memref<10000x16xf32, #tpu.memory_space<hbm>> -> memref<10000x16xf32, #tpu.memory_space<hbm>>
    tpu.enqueue_indirect_dma source(%dma_start3A_104 : memref<10000x16xf32, #tpu.memory_space<hbm>>) target(%dma_start3A_94 : memref<50x16xf32, #tpu.memory_space<vmem>>) offsets(%dma_start3A_101 : memref<50xi32, #tpu.memory_space<vmem>>) semaphore(%arg10 : memref<!tpu.dma_semaphore, #tpu.memory_space<semaphore_mem>>)
    %dma_start3A_105 = arith.constant 0 : i32
    %dma_start3A_106 = arith.constant 0 : i32
    %dma_start3A_107 = arith.constant 2 : i32
    %dma_start3A_108 = arith.constant 2 : i32
    %dma_start3A_109 = arith.constant 0 : i32
    %dma_start3A_110 = arith.constant 0 : i32
    %dma_start3A_111 = tpu.memref_slice %arg7[%dma_start3A_108, %dma_start3A_109, %dma_start3A_110] : memref<4x50x16xf32, #tpu.memory_space<vmem>> -> memref<1x50x16xf32, #tpu.memory_space<vmem>>
    %dma_start3A_112 = tpu.memref_squeeze %dma_start3A_111 : memref<1x50x16xf32, #tpu.memory_space<vmem>> -> memref<50x16xf32, #tpu.memory_space<vmem>>
    %dma_start3A_113 = arith.constant 0 : i32
    %dma_start3A_114 = arith.constant 0 : i32
    %dma_start3A_115 = tpu.memref_slice %arg6[%dma_start3A_105, %dma_start3A_106, %dma_start3A_113, %dma_start3A_114] : memref<2x2x40x50xi32, #tpu.memory_space<vmem>> -> memref<1x1x40x50xi32, #tpu.memory_space<vmem>>
    %dma_start3A_116 = tpu.memref_squeeze %dma_start3A_115 : memref<1x1x40x50xi32, #tpu.memory_space<vmem>> -> memref<40x50xi32, #tpu.memory_space<vmem>>
    %dma_start3A_117 = arith.constant 0 : i32
    %dma_start3A_118 = tpu.memref_slice %dma_start3A_116[%dma_start3A_107, %dma_start3A_117] : memref<40x50xi32, #tpu.memory_space<vmem>> -> memref<1x50xi32, #tpu.memory_space<vmem>>
    %dma_start3A_119 = tpu.memref_squeeze %dma_start3A_118 : memref<1x50xi32, #tpu.memory_space<vmem>> -> memref<50xi32, #tpu.memory_space<vmem>>
    %dma_start3A_120 = arith.constant 0 : i32
    %dma_start3A_121 = arith.constant 0 : i32
    %dma_start3A_122 = tpu.memref_slice %arg2[%dma_start3A_120, %dma_start3A_121] : memref<10000x16xf32, #tpu.memory_space<hbm>> -> memref<10000x16xf32, #tpu.memory_space<hbm>>
    tpu.enqueue_indirect_dma source(%dma_start3A_122 : memref<10000x16xf32, #tpu.memory_space<hbm>>) target(%dma_start3A_112 : memref<50x16xf32, #tpu.memory_space<vmem>>) offsets(%dma_start3A_119 : memref<50xi32, #tpu.memory_space<vmem>>) semaphore(%arg11 : memref<!tpu.dma_semaphore, #tpu.memory_space<semaphore_mem>>)
    %scan3A = arith.constant 0 : i32
    %scan3A_123 = arith.constant 0 : i32
    %scan3A_124 = arith.constant 0 : i32
    %scan3A_125 = arith.constant 0 : i32
    %scan3A_126 = arith.constant 1 : i32
    %scan3A_127 = arith.constant 0 : i32
    %scan3A_128 = arith.constant 10 : i32
    %scan3A_129 = arith.addi %scan3A_127, %scan3A_128 : i32
    %scan3A_130 = arith.constant 1 : i32
    scf.for %scan3A_548 = %scan3A_127 to %scan3A_129 step %scan3A_130  : i32 {
      %mul3A_549 = arith.constant 4 : i32
      %mul3A_550 = arith.muli %mul3A_549, %scan3A_548 : i32
      %add3A_551 = arith.constant 0 : i32
      %add3A_552 = arith.addi %mul3A_550, %add3A_551 : i32
      %add3A_553 = arith.constant 3 : i32
      %add3A_554 = arith.addi %add3A_552, %add3A_553 : i32
      %lt3A = arith.constant 40 : i32
      %lt3A_555 = arith.cmpi slt, %add3A_554, %lt3A : i32
      %convert_element_type3A_556 = arith.extui %lt3A_555 : i1 to i32
      %cond3A_557 = arith.constant 0 : i32
      %cond3A_558 = arith.cmpi ne, %convert_element_type3A_556, %cond3A_557 : i32
      scf.if %cond3A_558 {
        %dma_start3A_649 = arith.constant 3 : i32
        %dma_start3A_650 = arith.constant 0 : i32
        %dma_start3A_651 = arith.constant 0 : i32
        %dma_start3A_652 = tpu.memref_slice %arg7[%dma_start3A_649, %dma_start3A_650, %dma_start3A_651] : memref<4x50x16xf32, #tpu.memory_space<vmem>> -> memref<1x50x16xf32, #tpu.memory_space<vmem>>
        %dma_start3A_653 = tpu.memref_squeeze %dma_start3A_652 : memref<1x50x16xf32, #tpu.memory_space<vmem>> -> memref<50x16xf32, #tpu.memory_space<vmem>>
        %dma_start3A_654 = arith.constant 0 : i32
        %dma_start3A_655 = arith.constant 0 : i32
        %dma_start3A_656 = tpu.memref_slice %arg6[%scan3A_123, %scan3A_124, %dma_start3A_654, %dma_start3A_655] : memref<2x2x40x50xi32, #tpu.memory_space<vmem>> -> memref<1x1x40x50xi32, #tpu.memory_space<vmem>>
        %dma_start3A_657 = tpu.memref_squeeze %dma_start3A_656 : memref<1x1x40x50xi32, #tpu.memory_space<vmem>> -> memref<40x50xi32, #tpu.memory_space<vmem>>
        %dma_start3A_658 = arith.constant 0 : i32
        %dma_start3A_659 = tpu.memref_slice %dma_start3A_657[%add3A_554, %dma_start3A_658] : memref<40x50xi32, #tpu.memory_space<vmem>> -> memref<1x50xi32, #tpu.memory_space<vmem>>
        %dma_start3A_660 = tpu.memref_squeeze %dma_start3A_659 : memref<1x50xi32, #tpu.memory_space<vmem>> -> memref<50xi32, #tpu.memory_space<vmem>>
        %dma_start3A_661 = arith.constant 0 : i32
        %dma_start3A_662 = arith.constant 0 : i32
        %dma_start3A_663 = tpu.memref_slice %arg2[%dma_start3A_661, %dma_start3A_662] : memref<10000x16xf32, #tpu.memory_space<hbm>> -> memref<10000x16xf32, #tpu.memory_space<hbm>>
        tpu.enqueue_indirect_dma source(%dma_start3A_663 : memref<10000x16xf32, #tpu.memory_space<hbm>>) target(%dma_start3A_653 : memref<50x16xf32, #tpu.memory_space<vmem>>) offsets(%dma_start3A_660 : memref<50xi32, #tpu.memory_space<vmem>>) semaphore(%arg12 : memref<!tpu.dma_semaphore, #tpu.memory_space<semaphore_mem>>)
      } else {
      }
      %dma_wait3A_559 = arith.constant 0 : i32
      %dma_wait3A_560 = arith.constant 0 : i32
      %dma_wait3A_561 = arith.constant 0 : i32
      %dma_wait3A_562 = tpu.memref_slice %arg7[%dma_wait3A_559, %dma_wait3A_560, %dma_wait3A_561] : memref<4x50x16xf32, #tpu.memory_space<vmem>> -> memref<1x50x16xf32, #tpu.memory_space<vmem>>
      %dma_wait3A_563 = tpu.memref_squeeze %dma_wait3A_562 : memref<1x50x16xf32, #tpu.memory_space<vmem>> -> memref<50x16xf32, #tpu.memory_space<vmem>>
      %dma_wait3A_564 = arith.constant 0 : i32
      %dma_wait3A_565 = arith.constant 0 : i32
      %dma_wait3A_566 = tpu.memref_slice %arg6[%scan3A_123, %scan3A_124, %dma_wait3A_564, %dma_wait3A_565] : memref<2x2x40x50xi32, #tpu.memory_space<vmem>> -> memref<1x1x40x50xi32, #tpu.memory_space<vmem>>
      %dma_wait3A_567 = tpu.memref_squeeze %dma_wait3A_566 : memref<1x1x40x50xi32, #tpu.memory_space<vmem>> -> memref<40x50xi32, #tpu.memory_space<vmem>>
      %dma_wait3A_568 = arith.constant 0 : i32
      %dma_wait3A_569 = tpu.memref_slice %dma_wait3A_567[%add3A_552, %dma_wait3A_568] : memref<40x50xi32, #tpu.memory_space<vmem>> -> memref<1x50xi32, #tpu.memory_space<vmem>>
      %dma_wait3A_570 = tpu.memref_squeeze %dma_wait3A_569 : memref<1x50xi32, #tpu.memory_space<vmem>> -> memref<50xi32, #tpu.memory_space<vmem>>
      %dma_wait3A_571 = arith.constant 0 : i32
      %dma_wait3A_572 = arith.constant 0 : i32
      %dma_wait3A_573 = tpu.memref_slice %arg2[%dma_wait3A_571, %dma_wait3A_572] : memref<10000x16xf32, #tpu.memory_space<hbm>> -> memref<10000x16xf32, #tpu.memory_space<hbm>>
      tpu.wait_indirect_dma semaphore(%arg9 : memref<!tpu.dma_semaphore, #tpu.memory_space<semaphore_mem>>) src(%dma_wait3A_573 : memref<10000x16xf32, #tpu.memory_space<hbm>>) dst(%dma_wait3A_563 : memref<50x16xf32, #tpu.memory_space<vmem>>)
      %run_scoped3A = arith.constant 0 : i32
      "tpu.region"() ({
        %run_scoped3A_649 = tpu.sem_alloc : memref<!tpu.dma_semaphore, #tpu.memory_space<semaphore_mem>>
        %dma_start3A_650 = arith.constant 0 : i32
        %dma_start3A_651 = arith.constant 0 : i32
        %dma_start3A_652 = tpu.memref_slice %arg7[%run_scoped3A, %dma_start3A_650, %dma_start3A_651] : memref<4x50x16xf32, #tpu.memory_space<vmem>> -> memref<1x50x16xf32, #tpu.memory_space<vmem>>
        %dma_start3A_653 = tpu.memref_squeeze %dma_start3A_652 : memref<1x50x16xf32, #tpu.memory_space<vmem>> -> memref<50x16xf32, #tpu.memory_space<vmem>>
        %dma_start3A_654 = arith.constant 0 : i32
        %dma_start3A_655 = arith.constant 0 : i32
        %dma_start3A_656 = tpu.memref_slice %arg6[%scan3A_125, %scan3A_126, %dma_start3A_654, %dma_start3A_655] : memref<2x2x40x50xi32, #tpu.memory_space<vmem>> -> memref<1x1x40x50xi32, #tpu.memory_space<vmem>>
        %dma_start3A_657 = tpu.memref_squeeze %dma_start3A_656 : memref<1x1x40x50xi32, #tpu.memory_space<vmem>> -> memref<40x50xi32, #tpu.memory_space<vmem>>
        %dma_start3A_658 = arith.constant 0 : i32
        %dma_start3A_659 = tpu.memref_slice %dma_start3A_657[%add3A_552, %dma_start3A_658] : memref<40x50xi32, #tpu.memory_space<vmem>> -> memref<1x50xi32, #tpu.memory_space<vmem>>
        %dma_start3A_660 = tpu.memref_squeeze %dma_start3A_659 : memref<1x50xi32, #tpu.memory_space<vmem>> -> memref<50xi32, #tpu.memory_space<vmem>>
        %dma_start3A_661 = arith.constant 0 : i32
        %dma_start3A_662 = arith.constant 0 : i32
        %dma_start3A_663 = tpu.memref_slice %arg8[%dma_start3A_661, %dma_start3A_662] : memref<10000x16xf32, #tpu.memory_space<vmem_shared>> -> memref<10000x16xf32, #tpu.memory_space<vmem_shared>>
        tpu.enqueue_indirect_dma source(%dma_start3A_653 : memref<50x16xf32, #tpu.memory_space<vmem>>) target(%dma_start3A_663 : memref<10000x16xf32, #tpu.memory_space<vmem_shared>>) offsets(%dma_start3A_660 : memref<50xi32, #tpu.memory_space<vmem>>) semaphore(%run_scoped3A_649 : memref<!tpu.dma_semaphore, #tpu.memory_space<semaphore_mem>>) {add = true}
        %dma_wait3A_664 = arith.constant 0 : i32
        %dma_wait3A_665 = arith.constant 0 : i32
        %dma_wait3A_666 = tpu.memref_slice %arg7[%run_scoped3A, %dma_wait3A_664, %dma_wait3A_665] : memref<4x50x16xf32, #tpu.memory_space<vmem>> -> memref<1x50x16xf32, #tpu.memory_space<vmem>>
        %dma_wait3A_667 = tpu.memref_squeeze %dma_wait3A_666 : memref<1x50x16xf32, #tpu.memory_space<vmem>> -> memref<50x16xf32, #tpu.memory_space<vmem>>
        %dma_wait3A_668 = arith.constant 0 : i32
        %dma_wait3A_669 = arith.constant 0 : i32
        %dma_wait3A_670 = tpu.memref_slice %arg6[%scan3A_125, %scan3A_126, %dma_wait3A_668, %dma_wait3A_669] : memref<2x2x40x50xi32, #tpu.memory_space<vmem>> -> memref<1x1x40x50xi32, #tpu.memory_space<vmem>>
        %dma_wait3A_671 = tpu.memref_squeeze %dma_wait3A_670 : memref<1x1x40x50xi32, #tpu.memory_space<vmem>> -> memref<40x50xi32, #tpu.memory_space<vmem>>
        %dma_wait3A_672 = arith.constant 0 : i32
        %dma_wait3A_673 = tpu.memref_slice %dma_wait3A_671[%add3A_552, %dma_wait3A_672] : memref<40x50xi32, #tpu.memory_space<vmem>> -> memref<1x50xi32, #tpu.memory_space<vmem>>
        %dma_wait3A_674 = tpu.memref_squeeze %dma_wait3A_673 : memref<1x50xi32, #tpu.memory_space<vmem>> -> memref<50xi32, #tpu.memory_space<vmem>>
        %dma_wait3A_675 = arith.constant 0 : i32
        %dma_wait3A_676 = arith.constant 0 : i32
        %dma_wait3A_677 = tpu.memref_slice %arg8[%dma_wait3A_675, %dma_wait3A_676] : memref<10000x16xf32, #tpu.memory_space<vmem_shared>> -> memref<10000x16xf32, #tpu.memory_space<vmem_shared>>
        tpu.wait_indirect_dma semaphore(%run_scoped3A_649 : memref<!tpu.dma_semaphore, #tpu.memory_space<semaphore_mem>>) src(%dma_wait3A_667 : memref<50x16xf32, #tpu.memory_space<vmem>>) dst(%dma_wait3A_677 : memref<10000x16xf32, #tpu.memory_space<vmem_shared>>)
        tpu.yield
      }) : () -> ()
      %add3A_574 = arith.constant 1 : i32
      %add3A_575 = arith.addi %mul3A_550, %add3A_574 : i32
      %add3A_576 = arith.constant 3 : i32
      %add3A_577 = arith.addi %add3A_575, %add3A_576 : i32
      %lt3A_578 = arith.constant 40 : i32
      %lt3A_579 = arith.cmpi slt, %add3A_577, %lt3A_578 : i32
      %convert_element_type3A_580 = arith.extui %lt3A_579 : i1 to i32
      %cond3A_581 = arith.constant 0 : i32
      %cond3A_582 = arith.cmpi ne, %convert_element_type3A_580, %cond3A_581 : i32
      scf.if %cond3A_582 {
        %dma_start3A_649 = arith.constant 0 : i32
        %dma_start3A_650 = arith.constant 0 : i32
        %dma_start3A_651 = arith.constant 0 : i32
        %dma_start3A_652 = tpu.memref_slice %arg7[%dma_start3A_649, %dma_start3A_650, %dma_start3A_651] : memref<4x50x16xf32, #tpu.memory_space<vmem>> -> memref<1x50x16xf32, #tpu.memory_space<vmem>>
        %dma_start3A_653 = tpu.memref_squeeze %dma_start3A_652 : memref<1x50x16xf32, #tpu.memory_space<vmem>> -> memref<50x16xf32, #tpu.memory_space<vmem>>
        %dma_start3A_654 = arith.constant 0 : i32
        %dma_start3A_655 = arith.constant 0 : i32
        %dma_start3A_656 = tpu.memref_slice %arg6[%scan3A_123, %scan3A_124, %dma_start3A_654, %dma_start3A_655] : memref<2x2x40x50xi32, #tpu.memory_space<vmem>> -> memref<1x1x40x50xi32, #tpu.memory_space<vmem>>
        %dma_start3A_657 = tpu.memref_squeeze %dma_start3A_656 : memref<1x1x40x50xi32, #tpu.memory_space<vmem>> -> memref<40x50xi32, #tpu.memory_space<vmem>>
        %dma_start3A_658 = arith.constant 0 : i32
        %dma_start3A_659 = tpu.memref_slice %dma_start3A_657[%add3A_577, %dma_start3A_658] : memref<40x50xi32, #tpu.memory_space<vmem>> -> memref<1x50xi32, #tpu.memory_space<vmem>>
        %dma_start3A_660 = tpu.memref_squeeze %dma_start3A_659 : memref<1x50xi32, #tpu.memory_space<vmem>> -> memref<50xi32, #tpu.memory_space<vmem>>
        %dma_start3A_661 = arith.constant 0 : i32
        %dma_start3A_662 = arith.constant 0 : i32
        %dma_start3A_663 = tpu.memref_slice %arg2[%dma_start3A_661, %dma_start3A_662] : memref<10000x16xf32, #tpu.memory_space<hbm>> -> memref<10000x16xf32, #tpu.memory_space<hbm>>
        tpu.enqueue_indirect_dma source(%dma_start3A_663 : memref<10000x16xf32, #tpu.memory_space<hbm>>) target(%dma_start3A_653 : memref<50x16xf32, #tpu.memory_space<vmem>>) offsets(%dma_start3A_660 : memref<50xi32, #tpu.memory_space<vmem>>) semaphore(%arg9 : memref<!tpu.dma_semaphore, #tpu.memory_space<semaphore_mem>>)
      } else {
      }
      %dma_wait3A_583 = arith.constant 1 : i32
      %dma_wait3A_584 = arith.constant 0 : i32
      %dma_wait3A_585 = arith.constant 0 : i32
      %dma_wait3A_586 = tpu.memref_slice %arg7[%dma_wait3A_583, %dma_wait3A_584, %dma_wait3A_585] : memref<4x50x16xf32, #tpu.memory_space<vmem>> -> memref<1x50x16xf32, #tpu.memory_space<vmem>>
      %dma_wait3A_587 = tpu.memref_squeeze %dma_wait3A_586 : memref<1x50x16xf32, #tpu.memory_space<vmem>> -> memref<50x16xf32, #tpu.memory_space<vmem>>
      %dma_wait3A_588 = arith.constant 0 : i32
      %dma_wait3A_589 = arith.constant 0 : i32
      %dma_wait3A_590 = tpu.memref_slice %arg6[%scan3A_123, %scan3A_124, %dma_wait3A_588, %dma_wait3A_589] : memref<2x2x40x50xi32, #tpu.memory_space<vmem>> -> memref<1x1x40x50xi32, #tpu.memory_space<vmem>>
      %dma_wait3A_591 = tpu.memref_squeeze %dma_wait3A_590 : memref<1x1x40x50xi32, #tpu.memory_space<vmem>> -> memref<40x50xi32, #tpu.memory_space<vmem>>
      %dma_wait3A_592 = arith.constant 0 : i32
      %dma_wait3A_593 = tpu.memref_slice %dma_wait3A_591[%add3A_575, %dma_wait3A_592] : memref<40x50xi32, #tpu.memory_space<vmem>> -> memref<1x50xi32, #tpu.memory_space<vmem>>
      %dma_wait3A_594 = tpu.memref_squeeze %dma_wait3A_593 : memref<1x50xi32, #tpu.memory_space<vmem>> -> memref<50xi32, #tpu.memory_space<vmem>>
      %dma_wait3A_595 = arith.constant 0 : i32
      %dma_wait3A_596 = arith.constant 0 : i32
      %dma_wait3A_597 = tpu.memref_slice %arg2[%dma_wait3A_595, %dma_wait3A_596] : memref<10000x16xf32, #tpu.memory_space<hbm>> -> memref<10000x16xf32, #tpu.memory_space<hbm>>
      tpu.wait_indirect_dma semaphore(%arg10 : memref<!tpu.dma_semaphore, #tpu.memory_space<semaphore_mem>>) src(%dma_wait3A_597 : memref<10000x16xf32, #tpu.memory_space<hbm>>) dst(%dma_wait3A_587 : memref<50x16xf32, #tpu.memory_space<vmem>>)
      %run_scoped3A_598 = arith.constant 1 : i32
      "tpu.region"() ({
        %run_scoped3A_649 = tpu.sem_alloc : memref<!tpu.dma_semaphore, #tpu.memory_space<semaphore_mem>>
        %dma_start3A_650 = arith.constant 0 : i32
        %dma_start3A_651 = arith.constant 0 : i32
        %dma_start3A_652 = tpu.memref_slice %arg7[%run_scoped3A_598, %dma_start3A_650, %dma_start3A_651] : memref<4x50x16xf32, #tpu.memory_space<vmem>> -> memref<1x50x16xf32, #tpu.memory_space<vmem>>
        %dma_start3A_653 = tpu.memref_squeeze %dma_start3A_652 : memref<1x50x16xf32, #tpu.memory_space<vmem>> -> memref<50x16xf32, #tpu.memory_space<vmem>>
        %dma_start3A_654 = arith.constant 0 : i32
        %dma_start3A_655 = arith.constant 0 : i32
        %dma_start3A_656 = tpu.memref_slice %arg6[%scan3A_125, %scan3A_126, %dma_start3A_654, %dma_start3A_655] : memref<2x2x40x50xi32, #tpu.memory_space<vmem>> -> memref<1x1x40x50xi32, #tpu.memory_space<vmem>>
        %dma_start3A_657 = tpu.memref_squeeze %dma_start3A_656 : memref<1x1x40x50xi32, #tpu.memory_space<vmem>> -> memref<40x50xi32, #tpu.memory_space<vmem>>
        %dma_start3A_658 = arith.constant 0 : i32
        %dma_start3A_659 = tpu.memref_slice %dma_start3A_657[%add3A_575, %dma_start3A_658] : memref<40x50xi32, #tpu.memory_space<vmem>> -> memref<1x50xi32, #tpu.memory_space<vmem>>
        %dma_start3A_660 = tpu.memref_squeeze %dma_start3A_659 : memref<1x50xi32, #tpu.memory_space<vmem>> -> memref<50xi32, #tpu.memory_space<vmem>>
        %dma_start3A_661 = arith.constant 0 : i32
        %dma_start3A_662 = arith.constant 0 : i32
        %dma_start3A_663 = tpu.memref_slice %arg8[%dma_start3A_661, %dma_start3A_662] : memref<10000x16xf32, #tpu.memory_space<vmem_shared>> -> memref<10000x16xf32, #tpu.memory_space<vmem_shared>>
        tpu.enqueue_indirect_dma source(%dma_start3A_653 : memref<50x16xf32, #tpu.memory_space<vmem>>) target(%dma_start3A_663 : memref<10000x16xf32, #tpu.memory_space<vmem_shared>>) offsets(%dma_start3A_660 : memref<50xi32, #tpu.memory_space<vmem>>) semaphore(%run_scoped3A_649 : memref<!tpu.dma_semaphore, #tpu.memory_space<semaphore_mem>>) {add = true}
        %dma_wait3A_664 = arith.constant 0 : i32
        %dma_wait3A_665 = arith.constant 0 : i32
        %dma_wait3A_666 = tpu.memref_slice %arg7[%run_scoped3A_598, %dma_wait3A_664, %dma_wait3A_665] : memref<4x50x16xf32, #tpu.memory_space<vmem>> -> memref<1x50x16xf32, #tpu.memory_space<vmem>>
        %dma_wait3A_667 = tpu.memref_squeeze %dma_wait3A_666 : memref<1x50x16xf32, #tpu.memory_space<vmem>> -> memref<50x16xf32, #tpu.memory_space<vmem>>
        %dma_wait3A_668 = arith.constant 0 : i32
        %dma_wait3A_669 = arith.constant 0 : i32
        %dma_wait3A_670 = tpu.memref_slice %arg6[%scan3A_125, %scan3A_126, %dma_wait3A_668, %dma_wait3A_669] : memref<2x2x40x50xi32, #tpu.memory_space<vmem>> -> memref<1x1x40x50xi32, #tpu.memory_space<vmem>>
        %dma_wait3A_671 = tpu.memref_squeeze %dma_wait3A_670 : memref<1x1x40x50xi32, #tpu.memory_space<vmem>> -> memref<40x50xi32, #tpu.memory_space<vmem>>
        %dma_wait3A_672 = arith.constant 0 : i32
        %dma_wait3A_673 = tpu.memref_slice %dma_wait3A_671[%add3A_575, %dma_wait3A_672] : memref<40x50xi32, #tpu.memory_space<vmem>> -> memref<1x50xi32, #tpu.memory_space<vmem>>
        %dma_wait3A_674 = tpu.memref_squeeze %dma_wait3A_673 : memref<1x50xi32, #tpu.memory_space<vmem>> -> memref<50xi32, #tpu.memory_space<vmem>>
        %dma_wait3A_675 = arith.constant 0 : i32
        %dma_wait3A_676 = arith.constant 0 : i32
        %dma_wait3A_677 = tpu.memref_slice %arg8[%dma_wait3A_675, %dma_wait3A_676] : memref<10000x16xf32, #tpu.memory_space<vmem_shared>> -> memref<10000x16xf32, #tpu.memory_space<vmem_shared>>
        tpu.wait_indirect_dma semaphore(%run_scoped3A_649 : memref<!tpu.dma_semaphore, #tpu.memory_space<semaphore_mem>>) src(%dma_wait3A_667 : memref<50x16xf32, #tpu.memory_space<vmem>>) dst(%dma_wait3A_677 : memref<10000x16xf32, #tpu.memory_space<vmem_shared>>)
        tpu.yield
      }) : () -> ()
      %add3A_599 = arith.constant 2 : i32
      %add3A_600 = arith.addi %mul3A_550, %add3A_599 : i32
      %add3A_601 = arith.constant 3 : i32
      %add3A_602 = arith.addi %add3A_600, %add3A_601 : i32
      %lt3A_603 = arith.constant 40 : i32
      %lt3A_604 = arith.cmpi slt, %add3A_602, %lt3A_603 : i32
      %convert_element_type3A_605 = arith.extui %lt3A_604 : i1 to i32
      %cond3A_606 = arith.constant 0 : i32
      %cond3A_607 = arith.cmpi ne, %convert_element_type3A_605, %cond3A_606 : i32
      scf.if %cond3A_607 {
        %dma_start3A_649 = arith.constant 1 : i32
        %dma_start3A_650 = arith.constant 0 : i32
        %dma_start3A_651 = arith.constant 0 : i32
        %dma_start3A_652 = tpu.memref_slice %arg7[%dma_start3A_649, %dma_start3A_650, %dma_start3A_651] : memref<4x50x16xf32, #tpu.memory_space<vmem>> -> memref<1x50x16xf32, #tpu.memory_space<vmem>>
        %dma_start3A_653 = tpu.memref_squeeze %dma_start3A_652 : memref<1x50x16xf32, #tpu.memory_space<vmem>> -> memref<50x16xf32, #tpu.memory_space<vmem>>
        %dma_start3A_654 = arith.constant 0 : i32
        %dma_start3A_655 = arith.constant 0 : i32
        %dma_start3A_656 = tpu.memref_slice %arg6[%scan3A_123, %scan3A_124, %dma_start3A_654, %dma_start3A_655] : memref<2x2x40x50xi32, #tpu.memory_space<vmem>> -> memref<1x1x40x50xi32, #tpu.memory_space<vmem>>
        %dma_start3A_657 = tpu.memref_squeeze %dma_start3A_656 : memref<1x1x40x50xi32, #tpu.memory_space<vmem>> -> memref<40x50xi32, #tpu.memory_space<vmem>>
        %dma_start3A_658 = arith.constant 0 : i32
        %dma_start3A_659 = tpu.memref_slice %dma_start3A_657[%add3A_602, %dma_start3A_658] : memref<40x50xi32, #tpu.memory_space<vmem>> -> memref<1x50xi32, #tpu.memory_space<vmem>>
        %dma_start3A_660 = tpu.memref_squeeze %dma_start3A_659 : memref<1x50xi32, #tpu.memory_space<vmem>> -> memref<50xi32, #tpu.memory_space<vmem>>
        %dma_start3A_661 = arith.constant 0 : i32
        %dma_start3A_662 = arith.constant 0 : i32
        %dma_start3A_663 = tpu.memref_slice %arg2[%dma_start3A_661, %dma_start3A_662] : memref<10000x16xf32, #tpu.memory_space<hbm>> -> memref<10000x16xf32, #tpu.memory_space<hbm>>
        tpu.enqueue_indirect_dma source(%dma_start3A_663 : memref<10000x16xf32, #tpu.memory_space<hbm>>) target(%dma_start3A_653 : memref<50x16xf32, #tpu.memory_space<vmem>>) offsets(%dma_start3A_660 : memref<50xi32, #tpu.memory_space<vmem>>) semaphore(%arg10 : memref<!tpu.dma_semaphore, #tpu.memory_space<semaphore_mem>>)
      } else {
      }
      %dma_wait3A_608 = arith.constant 2 : i32
      %dma_wait3A_609 = arith.constant 0 : i32
      %dma_wait3A_610 = arith.constant 0 : i32
      %dma_wait3A_611 = tpu.memref_slice %arg7[%dma_wait3A_608, %dma_wait3A_609, %dma_wait3A_610] : memref<4x50x16xf32, #tpu.memory_space<vmem>> -> memref<1x50x16xf32, #tpu.memory_space<vmem>>
      %dma_wait3A_612 = tpu.memref_squeeze %dma_wait3A_611 : memref<1x50x16xf32, #tpu.memory_space<vmem>> -> memref<50x16xf32, #tpu.memory_space<vmem>>
      %dma_wait3A_613 = arith.constant 0 : i32
      %dma_wait3A_614 = arith.constant 0 : i32
      %dma_wait3A_615 = tpu.memref_slice %arg6[%scan3A_123, %scan3A_124, %dma_wait3A_613, %dma_wait3A_614] : memref<2x2x40x50xi32, #tpu.memory_space<vmem>> -> memref<1x1x40x50xi32, #tpu.memory_space<vmem>>
      %dma_wait3A_616 = tpu.memref_squeeze %dma_wait3A_615 : memref<1x1x40x50xi32, #tpu.memory_space<vmem>> -> memref<40x50xi32, #tpu.memory_space<vmem>>
      %dma_wait3A_617 = arith.constant 0 : i32
      %dma_wait3A_618 = tpu.memref_slice %dma_wait3A_616[%add3A_600, %dma_wait3A_617] : memref<40x50xi32, #tpu.memory_space<vmem>> -> memref<1x50xi32, #tpu.memory_space<vmem>>
      %dma_wait3A_619 = tpu.memref_squeeze %dma_wait3A_618 : memref<1x50xi32, #tpu.memory_space<vmem>> -> memref<50xi32, #tpu.memory_space<vmem>>
      %dma_wait3A_620 = arith.constant 0 : i32
      %dma_wait3A_621 = arith.constant 0 : i32
      %dma_wait3A_622 = tpu.memref_slice %arg2[%dma_wait3A_620, %dma_wait3A_621] : memref<10000x16xf32, #tpu.memory_space<hbm>> -> memref<10000x16xf32, #tpu.memory_space<hbm>>
      tpu.wait_indirect_dma semaphore(%arg11 : memref<!tpu.dma_semaphore, #tpu.memory_space<semaphore_mem>>) src(%dma_wait3A_622 : memref<10000x16xf32, #tpu.memory_space<hbm>>) dst(%dma_wait3A_612 : memref<50x16xf32, #tpu.memory_space<vmem>>)
      %run_scoped3A_623 = arith.constant 2 : i32
      "tpu.region"() ({
        %run_scoped3A_649 = tpu.sem_alloc : memref<!tpu.dma_semaphore, #tpu.memory_space<semaphore_mem>>
        %dma_start3A_650 = arith.constant 0 : i32
        %dma_start3A_651 = arith.constant 0 : i32
        %dma_start3A_652 = tpu.memref_slice %arg7[%run_scoped3A_623, %dma_start3A_650, %dma_start3A_651] : memref<4x50x16xf32, #tpu.memory_space<vmem>> -> memref<1x50x16xf32, #tpu.memory_space<vmem>>
        %dma_start3A_653 = tpu.memref_squeeze %dma_start3A_652 : memref<1x50x16xf32, #tpu.memory_space<vmem>> -> memref<50x16xf32, #tpu.memory_space<vmem>>
        %dma_start3A_654 = arith.constant 0 : i32
        %dma_start3A_655 = arith.constant 0 : i32
        %dma_start3A_656 = tpu.memref_slice %arg6[%scan3A_125, %scan3A_126, %dma_start3A_654, %dma_start3A_655] : memref<2x2x40x50xi32, #tpu.memory_space<vmem>> -> memref<1x1x40x50xi32, #tpu.memory_space<vmem>>
        %dma_start3A_657 = tpu.memref_squeeze %dma_start3A_656 : memref<1x1x40x50xi32, #tpu.memory_space<vmem>> -> memref<40x50xi32, #tpu.memory_space<vmem>>
        %dma_start3A_658 = arith.constant 0 : i32
        %dma_start3A_659 = tpu.memref_slice %dma_start3A_657[%add3A_600, %dma_start3A_658] : memref<40x50xi32, #tpu.memory_space<vmem>> -> memref<1x50xi32, #tpu.memory_space<vmem>>
        %dma_start3A_660 = tpu.memref_squeeze %dma_start3A_659 : memref<1x50xi32, #tpu.memory_space<vmem>> -> memref<50xi32, #tpu.memory_space<vmem>>
        %dma_start3A_661 = arith.constant 0 : i32
        %dma_start3A_662 = arith.constant 0 : i32
        %dma_start3A_663 = tpu.memref_slice %arg8[%dma_start3A_661, %dma_start3A_662] : memref<10000x16xf32, #tpu.memory_space<vmem_shared>> -> memref<10000x16xf32, #tpu.memory_space<vmem_shared>>
        tpu.enqueue_indirect_dma source(%dma_start3A_653 : memref<50x16xf32, #tpu.memory_space<vmem>>) target(%dma_start3A_663 : memref<10000x16xf32, #tpu.memory_space<vmem_shared>>) offsets(%dma_start3A_660 : memref<50xi32, #tpu.memory_space<vmem>>) semaphore(%run_scoped3A_649 : memref<!tpu.dma_semaphore, #tpu.memory_space<semaphore_mem>>) {add = true}
        %dma_wait3A_664 = arith.constant 0 : i32
        %dma_wait3A_665 = arith.constant 0 : i32
        %dma_wait3A_666 = tpu.memref_slice %arg7[%run_scoped3A_623, %dma_wait3A_664, %dma_wait3A_665] : memref<4x50x16xf32, #tpu.memory_space<vmem>> -> memref<1x50x16xf32, #tpu.memory_space<vmem>>
        %dma_wait3A_667 = tpu.memref_squeeze %dma_wait3A_666 : memref<1x50x16xf32, #tpu.memory_space<vmem>> -> memref<50x16xf32, #tpu.memory_space<vmem>>
        %dma_wait3A_668 = arith.constant 0 : i32
        %dma_wait3A_669 = arith.constant 0 : i32
        %dma_wait3A_670 = tpu.memref_slice %arg6[%scan3A_125, %scan3A_126, %dma_wait3A_668, %dma_wait3A_669] : memref<2x2x40x50xi32, #tpu.memory_space<vmem>> -> memref<1x1x40x50xi32, #tpu.memory_space<vmem>>
        %dma_wait3A_671 = tpu.memref_squeeze %dma_wait3A_670 : memref<1x1x40x50xi32, #tpu.memory_space<vmem>> -> memref<40x50xi32, #tpu.memory_space<vmem>>
        %dma_wait3A_672 = arith.constant 0 : i32
        %dma_wait3A_673 = tpu.memref_slice %dma_wait3A_671[%add3A_600, %dma_wait3A_672] : memref<40x50xi32, #tpu.memory_space<vmem>> -> memref<1x50xi32, #tpu.memory_space<vmem>>
        %dma_wait3A_674 = tpu.memref_squeeze %dma_wait3A_673 : memref<1x50xi32, #tpu.memory_space<vmem>> -> memref<50xi32, #tpu.memory_space<vmem>>
        %dma_wait3A_675 = arith.constant 0 : i32
        %dma_wait3A_676 = arith.constant 0 : i32
        %dma_wait3A_677 = tpu.memref_slice %arg8[%dma_wait3A_675, %dma_wait3A_676] : memref<10000x16xf32, #tpu.memory_space<vmem_shared>> -> memref<10000x16xf32, #tpu.memory_space<vmem_shared>>
        tpu.wait_indirect_dma semaphore(%run_scoped3A_649 : memref<!tpu.dma_semaphore, #tpu.memory_space<semaphore_mem>>) src(%dma_wait3A_667 : memref<50x16xf32, #tpu.memory_space<vmem>>) dst(%dma_wait3A_677 : memref<10000x16xf32, #tpu.memory_space<vmem_shared>>)
        tpu.yield
      }) : () -> ()
      %add3A_624 = arith.constant 3 : i32
      %add3A_625 = arith.addi %mul3A_550, %add3A_624 : i32
      %add3A_626 = arith.constant 3 : i32
      %add3A_627 = arith.addi %add3A_625, %add3A_626 : i32
      %lt3A_628 = arith.constant 40 : i32
      %lt3A_629 = arith.cmpi slt, %add3A_627, %lt3A_628 : i32
      %convert_element_type3A_630 = arith.extui %lt3A_629 : i1 to i32
      %cond3A_631 = arith.constant 0 : i32
      %cond3A_632 = arith.cmpi ne, %convert_element_type3A_630, %cond3A_631 : i32
      scf.if %cond3A_632 {
        %dma_start3A_649 = arith.constant 2 : i32
        %dma_start3A_650 = arith.constant 0 : i32
        %dma_start3A_651 = arith.constant 0 : i32
        %dma_start3A_652 = tpu.memref_slice %arg7[%dma_start3A_649, %dma_start3A_650, %dma_start3A_651] : memref<4x50x16xf32, #tpu.memory_space<vmem>> -> memref<1x50x16xf32, #tpu.memory_space<vmem>>
        %dma_start3A_653 = tpu.memref_squeeze %dma_start3A_652 : memref<1x50x16xf32, #tpu.memory_space<vmem>> -> memref<50x16xf32, #tpu.memory_space<vmem>>
        %dma_start3A_654 = arith.constant 0 : i32
        %dma_start3A_655 = arith.constant 0 : i32
        %dma_start3A_656 = tpu.memref_slice %arg6[%scan3A_123, %scan3A_124, %dma_start3A_654, %dma_start3A_655] : memref<2x2x40x50xi32, #tpu.memory_space<vmem>> -> memref<1x1x40x50xi32, #tpu.memory_space<vmem>>
        %dma_start3A_657 = tpu.memref_squeeze %dma_start3A_656 : memref<1x1x40x50xi32, #tpu.memory_space<vmem>> -> memref<40x50xi32, #tpu.memory_space<vmem>>
        %dma_start3A_658 = arith.constant 0 : i32
        %dma_start3A_659 = tpu.memref_slice %dma_start3A_657[%add3A_627, %dma_start3A_658] : memref<40x50xi32, #tpu.memory_space<vmem>> -> memref<1x50xi32, #tpu.memory_space<vmem>>
        %dma_start3A_660 = tpu.memref_squeeze %dma_start3A_659 : memref<1x50xi32, #tpu.memory_space<vmem>> -> memref<50xi32, #tpu.memory_space<vmem>>
        %dma_start3A_661 = arith.constant 0 : i32
        %dma_start3A_662 = arith.constant 0 : i32
        %dma_start3A_663 = tpu.memref_slice %arg2[%dma_start3A_661, %dma_start3A_662] : memref<10000x16xf32, #tpu.memory_space<hbm>> -> memref<10000x16xf32, #tpu.memory_space<hbm>>
        tpu.enqueue_indirect_dma source(%dma_start3A_663 : memref<10000x16xf32, #tpu.memory_space<hbm>>) target(%dma_start3A_653 : memref<50x16xf32, #tpu.memory_space<vmem>>) offsets(%dma_start3A_660 : memref<50xi32, #tpu.memory_space<vmem>>) semaphore(%arg11 : memref<!tpu.dma_semaphore, #tpu.memory_space<semaphore_mem>>)
      } else {
      }
      %dma_wait3A_633 = arith.constant 3 : i32
      %dma_wait3A_634 = arith.constant 0 : i32
      %dma_wait3A_635 = arith.constant 0 : i32
      %dma_wait3A_636 = tpu.memref_slice %arg7[%dma_wait3A_633, %dma_wait3A_634, %dma_wait3A_635] : memref<4x50x16xf32, #tpu.memory_space<vmem>> -> memref<1x50x16xf32, #tpu.memory_space<vmem>>
      %dma_wait3A_637 = tpu.memref_squeeze %dma_wait3A_636 : memref<1x50x16xf32, #tpu.memory_space<vmem>> -> memref<50x16xf32, #tpu.memory_space<vmem>>
      %dma_wait3A_638 = arith.constant 0 : i32
      %dma_wait3A_639 = arith.constant 0 : i32
      %dma_wait3A_640 = tpu.memref_slice %arg6[%scan3A_123, %scan3A_124, %dma_wait3A_638, %dma_wait3A_639] : memref<2x2x40x50xi32, #tpu.memory_space<vmem>> -> memref<1x1x40x50xi32, #tpu.memory_space<vmem>>
      %dma_wait3A_641 = tpu.memref_squeeze %dma_wait3A_640 : memref<1x1x40x50xi32, #tpu.memory_space<vmem>> -> memref<40x50xi32, #tpu.memory_space<vmem>>
      %dma_wait3A_642 = arith.constant 0 : i32
      %dma_wait3A_643 = tpu.memref_slice %dma_wait3A_641[%add3A_625, %dma_wait3A_642] : memref<40x50xi32, #tpu.memory_space<vmem>> -> memref<1x50xi32, #tpu.memory_space<vmem>>
      %dma_wait3A_644 = tpu.memref_squeeze %dma_wait3A_643 : memref<1x50xi32, #tpu.memory_space<vmem>> -> memref<50xi32, #tpu.memory_space<vmem>>
      %dma_wait3A_645 = arith.constant 0 : i32
      %dma_wait3A_646 = arith.constant 0 : i32
      %dma_wait3A_647 = tpu.memref_slice %arg2[%dma_wait3A_645, %dma_wait3A_646] : memref<10000x16xf32, #tpu.memory_space<hbm>> -> memref<10000x16xf32, #tpu.memory_space<hbm>>
      tpu.wait_indirect_dma semaphore(%arg12 : memref<!tpu.dma_semaphore, #tpu.memory_space<semaphore_mem>>) src(%dma_wait3A_647 : memref<10000x16xf32, #tpu.memory_space<hbm>>) dst(%dma_wait3A_637 : memref<50x16xf32, #tpu.memory_space<vmem>>)
      %run_scoped3A_648 = arith.constant 3 : i32
      "tpu.region"() ({
        %run_scoped3A_649 = tpu.sem_alloc : memref<!tpu.dma_semaphore, #tpu.memory_space<semaphore_mem>>
        %dma_start3A_650 = arith.constant 0 : i32
        %dma_start3A_651 = arith.constant 0 : i32
        %dma_start3A_652 = tpu.memref_slice %arg7[%run_scoped3A_648, %dma_start3A_650, %dma_start3A_651] : memref<4x50x16xf32, #tpu.memory_space<vmem>> -> memref<1x50x16xf32, #tpu.memory_space<vmem>>
        %dma_start3A_653 = tpu.memref_squeeze %dma_start3A_652 : memref<1x50x16xf32, #tpu.memory_space<vmem>> -> memref<50x16xf32, #tpu.memory_space<vmem>>
        %dma_start3A_654 = arith.constant 0 : i32
        %dma_start3A_655 = arith.constant 0 : i32
        %dma_start3A_656 = tpu.memref_slice %arg6[%scan3A_125, %scan3A_126, %dma_start3A_654, %dma_start3A_655] : memref<2x2x40x50xi32, #tpu.memory_space<vmem>> -> memref<1x1x40x50xi32, #tpu.memory_space<vmem>>
        %dma_start3A_657 = tpu.memref_squeeze %dma_start3A_656 : memref<1x1x40x50xi32, #tpu.memory_space<vmem>> -> memref<40x50xi32, #tpu.memory_space<vmem>>
        %dma_start3A_658 = arith.constant 0 : i32
        %dma_start3A_659 = tpu.memref_slice %dma_start3A_657[%add3A_625, %dma_start3A_658] : memref<40x50xi32, #tpu.memory_space<vmem>> -> memref<1x50xi32, #tpu.memory_space<vmem>>
        %dma_start3A_660 = tpu.memref_squeeze %dma_start3A_659 : memref<1x50xi32, #tpu.memory_space<vmem>> -> memref<50xi32, #tpu.memory_space<vmem>>
        %dma_start3A_661 = arith.constant 0 : i32
        %dma_start3A_662 = arith.constant 0 : i32
        %dma_start3A_663 = tpu.memref_slice %arg8[%dma_start3A_661, %dma_start3A_662] : memref<10000x16xf32, #tpu.memory_space<vmem_shared>> -> memref<10000x16xf32, #tpu.memory_space<vmem_shared>>
        tpu.enqueue_indirect_dma source(%dma_start3A_653 : memref<50x16xf32, #tpu.memory_space<vmem>>) target(%dma_start3A_663 : memref<10000x16xf32, #tpu.memory_space<vmem_shared>>) offsets(%dma_start3A_660 : memref<50xi32, #tpu.memory_space<vmem>>) semaphore(%run_scoped3A_649 : memref<!tpu.dma_semaphore, #tpu.memory_space<semaphore_mem>>) {add = true}
        %dma_wait3A_664 = arith.constant 0 : i32
        %dma_wait3A_665 = arith.constant 0 : i32
        %dma_wait3A_666 = tpu.memref_slice %arg7[%run_scoped3A_648, %dma_wait3A_664, %dma_wait3A_665] : memref<4x50x16xf32, #tpu.memory_space<vmem>> -> memref<1x50x16xf32, #tpu.memory_space<vmem>>
        %dma_wait3A_667 = tpu.memref_squeeze %dma_wait3A_666 : memref<1x50x16xf32, #tpu.memory_space<vmem>> -> memref<50x16xf32, #tpu.memory_space<vmem>>
        %dma_wait3A_668 = arith.constant 0 : i32
        %dma_wait3A_669 = arith.constant 0 : i32
        %dma_wait3A_670 = tpu.memref_slice %arg6[%scan3A_125, %scan3A_126, %dma_wait3A_668, %dma_wait3A_669] : memref<2x2x40x50xi32, #tpu.memory_space<vmem>> -> memref<1x1x40x50xi32, #tpu.memory_space<vmem>>
        %dma_wait3A_671 = tpu.memref_squeeze %dma_wait3A_670 : memref<1x1x40x50xi32, #tpu.memory_space<vmem>> -> memref<40x50xi32, #tpu.memory_space<vmem>>
        %dma_wait3A_672 = arith.constant 0 : i32
        %dma_wait3A_673 = tpu.memref_slice %dma_wait3A_671[%add3A_625, %dma_wait3A_672] : memref<40x50xi32, #tpu.memory_space<vmem>> -> memref<1x50xi32, #tpu.memory_space<vmem>>
        %dma_wait3A_674 = tpu.memref_squeeze %dma_wait3A_673 : memref<1x50xi32, #tpu.memory_space<vmem>> -> memref<50xi32, #tpu.memory_space<vmem>>
        %dma_wait3A_675 = arith.constant 0 : i32
        %dma_wait3A_676 = arith.constant 0 : i32
        %dma_wait3A_677 = tpu.memref_slice %arg8[%dma_wait3A_675, %dma_wait3A_676] : memref<10000x16xf32, #tpu.memory_space<vmem_shared>> -> memref<10000x16xf32, #tpu.memory_space<vmem_shared>>
        tpu.wait_indirect_dma semaphore(%run_scoped3A_649 : memref<!tpu.dma_semaphore, #tpu.memory_space<semaphore_mem>>) src(%dma_wait3A_667 : memref<50x16xf32, #tpu.memory_space<vmem>>) dst(%dma_wait3A_677 : memref<10000x16xf32, #tpu.memory_space<vmem_shared>>)
        tpu.yield
      }) : () -> ()
    }
    %scan3A_131 = arith.constant 10 : i32
    %dma_wait3A_132 = arith.constant 1 : i32
    %dma_wait3A_133 = arith.constant 1 : i32
    %dma_wait3A_134 = arith.constant 0 : i32
    %dma_wait3A_135 = arith.constant 0 : i32
    %dma_wait3A_136 = arith.constant 0 : i32
    %dma_wait3A_137 = tpu.memref_slice %arg6[%dma_wait3A_133, %dma_wait3A_134, %dma_wait3A_135, %dma_wait3A_136] : memref<2x2x40x50xi32, #tpu.memory_space<vmem>> -> memref<1x2x40x50xi32, #tpu.memory_space<vmem>>
    %dma_wait3A_138 = tpu.memref_squeeze %dma_wait3A_137 : memref<1x2x40x50xi32, #tpu.memory_space<vmem>> -> memref<2x40x50xi32, #tpu.memory_space<vmem>>
    %dma_wait3A_139 = arith.constant 0 : i32
    %dma_wait3A_140 = arith.constant 0 : i32
    %dma_wait3A_141 = arith.constant 0 : i32
    %dma_wait3A_142 = tpu.memref_slice %arg3[%add3A, %dma_wait3A_132, %dma_wait3A_139, %dma_wait3A_140, %dma_wait3A_141] : memref<32x5x2x40x50xi32, #tpu.memory_space<hbm>> -> memref<1x1x2x40x50xi32, #tpu.memory_space<hbm>>
    %dma_wait3A_143 = tpu.memref_squeeze %dma_wait3A_142 : memref<1x1x2x40x50xi32, #tpu.memory_space<hbm>> -> memref<2x40x50xi32, #tpu.memory_space<hbm>>
    %dma_wait3A_144 = arith.constant 0 : i32
    %dma_wait3A_145 = arith.constant 0 : i32
    %dma_wait3A_146 = arith.constant 0 : i32
    %dma_wait3A_147 = tpu.memref_slice %arg6[%dma_wait3A_133, %dma_wait3A_144, %dma_wait3A_145, %dma_wait3A_146] : memref<2x2x40x50xi32, #tpu.memory_space<vmem>> -> memref<1x2x40x50xi32, #tpu.memory_space<vmem>>
    %dma_wait3A_148 = tpu.memref_squeeze %dma_wait3A_147 : memref<1x2x40x50xi32, #tpu.memory_space<vmem>> -> memref<2x40x50xi32, #tpu.memory_space<vmem>>
    %dma_wait3A_149 = arith.constant 0 : i32
    %dma_wait3A_150 = arith.constant 0 : i32
    %dma_wait3A_151 = arith.constant 0 : i32
    %dma_wait3A_152 = tpu.memref_slice %arg3[%add3A, %dma_wait3A_132, %dma_wait3A_149, %dma_wait3A_150, %dma_wait3A_151] : memref<32x5x2x40x50xi32, #tpu.memory_space<hbm>> -> memref<1x1x2x40x50xi32, #tpu.memory_space<hbm>>
    %dma_wait3A_153 = tpu.memref_squeeze %dma_wait3A_152 : memref<1x1x2x40x50xi32, #tpu.memory_space<hbm>> -> memref<2x40x50xi32, #tpu.memory_space<hbm>>
    tpu.wait_dma2 semaphore(%arg14 : memref<!tpu.dma_semaphore, #tpu.memory_space<semaphore_mem>>) src(%dma_wait3A_153 : memref<2x40x50xi32, #tpu.memory_space<hbm>>) dst(%dma_wait3A_148 : memref<2x40x50xi32, #tpu.memory_space<vmem>>)
    %dma_start3A_154 = arith.constant 2 : i32
    %dma_start3A_155 = arith.constant 0 : i32
    %dma_start3A_156 = arith.constant 0 : i32
    %dma_start3A_157 = arith.constant 0 : i32
    %dma_start3A_158 = arith.constant 0 : i32
    %dma_start3A_159 = tpu.memref_slice %arg6[%dma_start3A_155, %dma_start3A_156, %dma_start3A_157, %dma_start3A_158] : memref<2x2x40x50xi32, #tpu.memory_space<vmem>> -> memref<1x2x40x50xi32, #tpu.memory_space<vmem>>
    %dma_start3A_160 = tpu.memref_squeeze %dma_start3A_159 : memref<1x2x40x50xi32, #tpu.memory_space<vmem>> -> memref<2x40x50xi32, #tpu.memory_space<vmem>>
    %dma_start3A_161 = arith.constant 0 : i32
    %dma_start3A_162 = arith.constant 0 : i32
    %dma_start3A_163 = arith.constant 0 : i32
    %dma_start3A_164 = tpu.memref_slice %arg3[%add3A, %dma_start3A_154, %dma_start3A_161, %dma_start3A_162, %dma_start3A_163] : memref<32x5x2x40x50xi32, #tpu.memory_space<hbm>> -> memref<1x1x2x40x50xi32, #tpu.memory_space<hbm>>
    %dma_start3A_165 = tpu.memref_squeeze %dma_start3A_164 : memref<1x1x2x40x50xi32, #tpu.memory_space<hbm>> -> memref<2x40x50xi32, #tpu.memory_space<hbm>>
    %dma_start3A_166 = arith.constant 0 : i32
    %dma_start3A_167 = arith.constant 0 : i32
    %dma_start3A_168 = arith.constant 0 : i32
    %dma_start3A_169 = tpu.memref_slice %arg6[%dma_start3A_155, %dma_start3A_166, %dma_start3A_167, %dma_start3A_168] : memref<2x2x40x50xi32, #tpu.memory_space<vmem>> -> memref<1x2x40x50xi32, #tpu.memory_space<vmem>>
    %dma_start3A_170 = tpu.memref_squeeze %dma_start3A_169 : memref<1x2x40x50xi32, #tpu.memory_space<vmem>> -> memref<2x40x50xi32, #tpu.memory_space<vmem>>
    %dma_start3A_171 = arith.constant 0 : i32
    %dma_start3A_172 = arith.constant 0 : i32
    %dma_start3A_173 = arith.constant 0 : i32
    %dma_start3A_174 = tpu.memref_slice %arg3[%add3A, %dma_start3A_154, %dma_start3A_171, %dma_start3A_172, %dma_start3A_173] : memref<32x5x2x40x50xi32, #tpu.memory_space<hbm>> -> memref<1x1x2x40x50xi32, #tpu.memory_space<hbm>>
    %dma_start3A_175 = tpu.memref_squeeze %dma_start3A_174 : memref<1x1x2x40x50xi32, #tpu.memory_space<hbm>> -> memref<2x40x50xi32, #tpu.memory_space<hbm>>
    tpu.enqueue_dma source(%dma_start3A_175 : memref<2x40x50xi32, #tpu.memory_space<hbm>>) target(%dma_start3A_170 : memref<2x40x50xi32, #tpu.memory_space<vmem>>) target_semaphore(%arg13 : memref<!tpu.dma_semaphore, #tpu.memory_space<semaphore_mem>>)
    %dma_start3A_176 = arith.constant 1 : i32
    %dma_start3A_177 = arith.constant 0 : i32
    %dma_start3A_178 = arith.constant 0 : i32
    %dma_start3A_179 = arith.constant 0 : i32
    %dma_start3A_180 = arith.constant 0 : i32
    %dma_start3A_181 = arith.constant 0 : i32
    %dma_start3A_182 = tpu.memref_slice %arg7[%dma_start3A_179, %dma_start3A_180, %dma_start3A_181] : memref<4x50x16xf32, #tpu.memory_space<vmem>> -> memref<1x50x16xf32, #tpu.memory_space<vmem>>
    %dma_start3A_183 = tpu.memref_squeeze %dma_start3A_182 : memref<1x50x16xf32, #tpu.memory_space<vmem>> -> memref<50x16xf32, #tpu.memory_space<vmem>>
    %dma_start3A_184 = arith.constant 0 : i32
    %dma_start3A_185 = arith.constant 0 : i32
    %dma_start3A_186 = tpu.memref_slice %arg6[%dma_start3A_176, %dma_start3A_177, %dma_start3A_184, %dma_start3A_185] : memref<2x2x40x50xi32, #tpu.memory_space<vmem>> -> memref<1x1x40x50xi32, #tpu.memory_space<vmem>>
    %dma_start3A_187 = tpu.memref_squeeze %dma_start3A_186 : memref<1x1x40x50xi32, #tpu.memory_space<vmem>> -> memref<40x50xi32, #tpu.memory_space<vmem>>
    %dma_start3A_188 = arith.constant 0 : i32
    %dma_start3A_189 = tpu.memref_slice %dma_start3A_187[%dma_start3A_178, %dma_start3A_188] : memref<40x50xi32, #tpu.memory_space<vmem>> -> memref<1x50xi32, #tpu.memory_space<vmem>>
    %dma_start3A_190 = tpu.memref_squeeze %dma_start3A_189 : memref<1x50xi32, #tpu.memory_space<vmem>> -> memref<50xi32, #tpu.memory_space<vmem>>
    %dma_start3A_191 = arith.constant 0 : i32
    %dma_start3A_192 = arith.constant 0 : i32
    %dma_start3A_193 = tpu.memref_slice %arg2[%dma_start3A_191, %dma_start3A_192] : memref<10000x16xf32, #tpu.memory_space<hbm>> -> memref<10000x16xf32, #tpu.memory_space<hbm>>
    tpu.enqueue_indirect_dma source(%dma_start3A_193 : memref<10000x16xf32, #tpu.memory_space<hbm>>) target(%dma_start3A_183 : memref<50x16xf32, #tpu.memory_space<vmem>>) offsets(%dma_start3A_190 : memref<50xi32, #tpu.memory_space<vmem>>) semaphore(%arg9 : memref<!tpu.dma_semaphore, #tpu.memory_space<semaphore_mem>>)
    %dma_start3A_194 = arith.constant 1 : i32
    %dma_start3A_195 = arith.constant 0 : i32
    %dma_start3A_196 = arith.constant 1 : i32
    %dma_start3A_197 = arith.constant 1 : i32
    %dma_start3A_198 = arith.constant 0 : i32
    %dma_start3A_199 = arith.constant 0 : i32
    %dma_start3A_200 = tpu.memref_slice %arg7[%dma_start3A_197, %dma_start3A_198, %dma_start3A_199] : memref<4x50x16xf32, #tpu.memory_space<vmem>> -> memref<1x50x16xf32, #tpu.memory_space<vmem>>
    %dma_start3A_201 = tpu.memref_squeeze %dma_start3A_200 : memref<1x50x16xf32, #tpu.memory_space<vmem>> -> memref<50x16xf32, #tpu.memory_space<vmem>>
    %dma_start3A_202 = arith.constant 0 : i32
    %dma_start3A_203 = arith.constant 0 : i32
    %dma_start3A_204 = tpu.memref_slice %arg6[%dma_start3A_194, %dma_start3A_195, %dma_start3A_202, %dma_start3A_203] : memref<2x2x40x50xi32, #tpu.memory_space<vmem>> -> memref<1x1x40x50xi32, #tpu.memory_space<vmem>>
    %dma_start3A_205 = tpu.memref_squeeze %dma_start3A_204 : memref<1x1x40x50xi32, #tpu.memory_space<vmem>> -> memref<40x50xi32, #tpu.memory_space<vmem>>
    %dma_start3A_206 = arith.constant 0 : i32
    %dma_start3A_207 = tpu.memref_slice %dma_start3A_205[%dma_start3A_196, %dma_start3A_206] : memref<40x50xi32, #tpu.memory_space<vmem>> -> memref<1x50xi32, #tpu.memory_space<vmem>>
    %dma_start3A_208 = tpu.memref_squeeze %dma_start3A_207 : memref<1x50xi32, #tpu.memory_space<vmem>> -> memref<50xi32, #tpu.memory_space<vmem>>
    %dma_start3A_209 = arith.constant 0 : i32
    %dma_start3A_210 = arith.constant 0 : i32
    %dma_start3A_211 = tpu.memref_slice %arg2[%dma_start3A_209, %dma_start3A_210] : memref<10000x16xf32, #tpu.memory_space<hbm>> -> memref<10000x16xf32, #tpu.memory_space<hbm>>
    tpu.enqueue_indirect_dma source(%dma_start3A_211 : memref<10000x16xf32, #tpu.memory_space<hbm>>) target(%dma_start3A_201 : memref<50x16xf32, #tpu.memory_space<vmem>>) offsets(%dma_start3A_208 : memref<50xi32, #tpu.memory_space<vmem>>) semaphore(%arg10 : memref<!tpu.dma_semaphore, #tpu.memory_space<semaphore_mem>>)
    %dma_start3A_212 = arith.constant 1 : i32
    %dma_start3A_213 = arith.constant 0 : i32
    %dma_start3A_214 = arith.constant 2 : i32
    %dma_start3A_215 = arith.constant 2 : i32
    %dma_start3A_216 = arith.constant 0 : i32
    %dma_start3A_217 = arith.constant 0 : i32
    %dma_start3A_218 = tpu.memref_slice %arg7[%dma_start3A_215, %dma_start3A_216, %dma_start3A_217] : memref<4x50x16xf32, #tpu.memory_space<vmem>> -> memref<1x50x16xf32, #tpu.memory_space<vmem>>
    %dma_start3A_219 = tpu.memref_squeeze %dma_start3A_218 : memref<1x50x16xf32, #tpu.memory_space<vmem>> -> memref<50x16xf32, #tpu.memory_space<vmem>>
    %dma_start3A_220 = arith.constant 0 : i32
    %dma_start3A_221 = arith.constant 0 : i32
    %dma_start3A_222 = tpu.memref_slice %arg6[%dma_start3A_212, %dma_start3A_213, %dma_start3A_220, %dma_start3A_221] : memref<2x2x40x50xi32, #tpu.memory_space<vmem>> -> memref<1x1x40x50xi32, #tpu.memory_space<vmem>>
    %dma_start3A_223 = tpu.memref_squeeze %dma_start3A_222 : memref<1x1x40x50xi32, #tpu.memory_space<vmem>> -> memref<40x50xi32, #tpu.memory_space<vmem>>
    %dma_start3A_224 = arith.constant 0 : i32
    %dma_start3A_225 = tpu.memref_slice %dma_start3A_223[%dma_start3A_214, %dma_start3A_224] : memref<40x50xi32, #tpu.memory_space<vmem>> -> memref<1x50xi32, #tpu.memory_space<vmem>>
    %dma_start3A_226 = tpu.memref_squeeze %dma_start3A_225 : memref<1x50xi32, #tpu.memory_space<vmem>> -> memref<50xi32, #tpu.memory_space<vmem>>
    %dma_start3A_227 = arith.constant 0 : i32
    %dma_start3A_228 = arith.constant 0 : i32
    %dma_start3A_229 = tpu.memref_slice %arg2[%dma_start3A_227, %dma_start3A_228] : memref<10000x16xf32, #tpu.memory_space<hbm>> -> memref<10000x16xf32, #tpu.memory_space<hbm>>
    tpu.enqueue_indirect_dma source(%dma_start3A_229 : memref<10000x16xf32, #tpu.memory_space<hbm>>) target(%dma_start3A_219 : memref<50x16xf32, #tpu.memory_space<vmem>>) offsets(%dma_start3A_226 : memref<50xi32, #tpu.memory_space<vmem>>) semaphore(%arg11 : memref<!tpu.dma_semaphore, #tpu.memory_space<semaphore_mem>>)
    %scan3A_230 = arith.constant 0 : i32
    %scan3A_231 = arith.constant 1 : i32
    %scan3A_232 = arith.constant 0 : i32
    %scan3A_233 = arith.constant 1 : i32
    %scan3A_234 = arith.constant 1 : i32
    %scan3A_235 = arith.constant 0 : i32
    %scan3A_236 = arith.constant 10 : i32
    %scan3A_237 = arith.addi %scan3A_235, %scan3A_236 : i32
    %scan3A_238 = arith.constant 1 : i32
    scf.for %scan3A_548 = %scan3A_235 to %scan3A_237 step %scan3A_238  : i32 {
      %mul3A_549 = arith.constant 4 : i32
      %mul3A_550 = arith.muli %mul3A_549, %scan3A_548 : i32
      %add3A_551 = arith.constant 0 : i32
      %add3A_552 = arith.addi %mul3A_550, %add3A_551 : i32
      %add3A_553 = arith.constant 3 : i32
      %add3A_554 = arith.addi %add3A_552, %add3A_553 : i32
      %lt3A = arith.constant 40 : i32
      %lt3A_555 = arith.cmpi slt, %add3A_554, %lt3A : i32
      %convert_element_type3A_556 = arith.extui %lt3A_555 : i1 to i32
      %cond3A_557 = arith.constant 0 : i32
      %cond3A_558 = arith.cmpi ne, %convert_element_type3A_556, %cond3A_557 : i32
      scf.if %cond3A_558 {
        %dma_start3A_649 = arith.constant 3 : i32
        %dma_start3A_650 = arith.constant 0 : i32
        %dma_start3A_651 = arith.constant 0 : i32
        %dma_start3A_652 = tpu.memref_slice %arg7[%dma_start3A_649, %dma_start3A_650, %dma_start3A_651] : memref<4x50x16xf32, #tpu.memory_space<vmem>> -> memref<1x50x16xf32, #tpu.memory_space<vmem>>
        %dma_start3A_653 = tpu.memref_squeeze %dma_start3A_652 : memref<1x50x16xf32, #tpu.memory_space<vmem>> -> memref<50x16xf32, #tpu.memory_space<vmem>>
        %dma_start3A_654 = arith.constant 0 : i32
        %dma_start3A_655 = arith.constant 0 : i32
        %dma_start3A_656 = tpu.memref_slice %arg6[%scan3A_231, %scan3A_232, %dma_start3A_654, %dma_start3A_655] : memref<2x2x40x50xi32, #tpu.memory_space<vmem>> -> memref<1x1x40x50xi32, #tpu.memory_space<vmem>>
        %dma_start3A_657 = tpu.memref_squeeze %dma_start3A_656 : memref<1x1x40x50xi32, #tpu.memory_space<vmem>> -> memref<40x50xi32, #tpu.memory_space<vmem>>
        %dma_start3A_658 = arith.constant 0 : i32
        %dma_start3A_659 = tpu.memref_slice %dma_start3A_657[%add3A_554, %dma_start3A_658] : memref<40x50xi32, #tpu.memory_space<vmem>> -> memref<1x50xi32, #tpu.memory_space<vmem>>
        %dma_start3A_660 = tpu.memref_squeeze %dma_start3A_659 : memref<1x50xi32, #tpu.memory_space<vmem>> -> memref<50xi32, #tpu.memory_space<vmem>>
        %dma_start3A_661 = arith.constant 0 : i32
        %dma_start3A_662 = arith.constant 0 : i32
        %dma_start3A_663 = tpu.memref_slice %arg2[%dma_start3A_661, %dma_start3A_662] : memref<10000x16xf32, #tpu.memory_space<hbm>> -> memref<10000x16xf32, #tpu.memory_space<hbm>>
        tpu.enqueue_indirect_dma source(%dma_start3A_663 : memref<10000x16xf32, #tpu.memory_space<hbm>>) target(%dma_start3A_653 : memref<50x16xf32, #tpu.memory_space<vmem>>) offsets(%dma_start3A_660 : memref<50xi32, #tpu.memory_space<vmem>>) semaphore(%arg12 : memref<!tpu.dma_semaphore, #tpu.memory_space<semaphore_mem>>)
      } else {
      }
      %dma_wait3A_559 = arith.constant 0 : i32
      %dma_wait3A_560 = arith.constant 0 : i32
      %dma_wait3A_561 = arith.constant 0 : i32
      %dma_wait3A_562 = tpu.memref_slice %arg7[%dma_wait3A_559, %dma_wait3A_560, %dma_wait3A_561] : memref<4x50x16xf32, #tpu.memory_space<vmem>> -> memref<1x50x16xf32, #tpu.memory_space<vmem>>
      %dma_wait3A_563 = tpu.memref_squeeze %dma_wait3A_562 : memref<1x50x16xf32, #tpu.memory_space<vmem>> -> memref<50x16xf32, #tpu.memory_space<vmem>>
      %dma_wait3A_564 = arith.constant 0 : i32
      %dma_wait3A_565 = arith.constant 0 : i32
      %dma_wait3A_566 = tpu.memref_slice %arg6[%scan3A_231, %scan3A_232, %dma_wait3A_564, %dma_wait3A_565] : memref<2x2x40x50xi32, #tpu.memory_space<vmem>> -> memref<1x1x40x50xi32, #tpu.memory_space<vmem>>
      %dma_wait3A_567 = tpu.memref_squeeze %dma_wait3A_566 : memref<1x1x40x50xi32, #tpu.memory_space<vmem>> -> memref<40x50xi32, #tpu.memory_space<vmem>>
      %dma_wait3A_568 = arith.constant 0 : i32
      %dma_wait3A_569 = tpu.memref_slice %dma_wait3A_567[%add3A_552, %dma_wait3A_568] : memref<40x50xi32, #tpu.memory_space<vmem>> -> memref<1x50xi32, #tpu.memory_space<vmem>>
      %dma_wait3A_570 = tpu.memref_squeeze %dma_wait3A_569 : memref<1x50xi32, #tpu.memory_space<vmem>> -> memref<50xi32, #tpu.memory_space<vmem>>
      %dma_wait3A_571 = arith.constant 0 : i32
      %dma_wait3A_572 = arith.constant 0 : i32
      %dma_wait3A_573 = tpu.memref_slice %arg2[%dma_wait3A_571, %dma_wait3A_572] : memref<10000x16xf32, #tpu.memory_space<hbm>> -> memref<10000x16xf32, #tpu.memory_space<hbm>>
      tpu.wait_indirect_dma semaphore(%arg9 : memref<!tpu.dma_semaphore, #tpu.memory_space<semaphore_mem>>) src(%dma_wait3A_573 : memref<10000x16xf32, #tpu.memory_space<hbm>>) dst(%dma_wait3A_563 : memref<50x16xf32, #tpu.memory_space<vmem>>)
      %run_scoped3A = arith.constant 0 : i32
      "tpu.region"() ({
        %run_scoped3A_649 = tpu.sem_alloc : memref<!tpu.dma_semaphore, #tpu.memory_space<semaphore_mem>>
        %dma_start3A_650 = arith.constant 0 : i32
        %dma_start3A_651 = arith.constant 0 : i32
        %dma_start3A_652 = tpu.memref_slice %arg7[%run_scoped3A, %dma_start3A_650, %dma_start3A_651] : memref<4x50x16xf32, #tpu.memory_space<vmem>> -> memref<1x50x16xf32, #tpu.memory_space<vmem>>
        %dma_start3A_653 = tpu.memref_squeeze %dma_start3A_652 : memref<1x50x16xf32, #tpu.memory_space<vmem>> -> memref<50x16xf32, #tpu.memory_space<vmem>>
        %dma_start3A_654 = arith.constant 0 : i32
        %dma_start3A_655 = arith.constant 0 : i32
        %dma_start3A_656 = tpu.memref_slice %arg6[%scan3A_233, %scan3A_234, %dma_start3A_654, %dma_start3A_655] : memref<2x2x40x50xi32, #tpu.memory_space<vmem>> -> memref<1x1x40x50xi32, #tpu.memory_space<vmem>>
        %dma_start3A_657 = tpu.memref_squeeze %dma_start3A_656 : memref<1x1x40x50xi32, #tpu.memory_space<vmem>> -> memref<40x50xi32, #tpu.memory_space<vmem>>
        %dma_start3A_658 = arith.constant 0 : i32
        %dma_start3A_659 = tpu.memref_slice %dma_start3A_657[%add3A_552, %dma_start3A_658] : memref<40x50xi32, #tpu.memory_space<vmem>> -> memref<1x50xi32, #tpu.memory_space<vmem>>
        %dma_start3A_660 = tpu.memref_squeeze %dma_start3A_659 : memref<1x50xi32, #tpu.memory_space<vmem>> -> memref<50xi32, #tpu.memory_space<vmem>>
        %dma_start3A_661 = arith.constant 0 : i32
        %dma_start3A_662 = arith.constant 0 : i32
        %dma_start3A_663 = tpu.memref_slice %arg8[%dma_start3A_661, %dma_start3A_662] : memref<10000x16xf32, #tpu.memory_space<vmem_shared>> -> memref<10000x16xf32, #tpu.memory_space<vmem_shared>>
        tpu.enqueue_indirect_dma source(%dma_start3A_653 : memref<50x16xf32, #tpu.memory_space<vmem>>) target(%dma_start3A_663 : memref<10000x16xf32, #tpu.memory_space<vmem_shared>>) offsets(%dma_start3A_660 : memref<50xi32, #tpu.memory_space<vmem>>) semaphore(%run_scoped3A_649 : memref<!tpu.dma_semaphore, #tpu.memory_space<semaphore_mem>>) {add = true}
        %dma_wait3A_664 = arith.constant 0 : i32
        %dma_wait3A_665 = arith.constant 0 : i32
        %dma_wait3A_666 = tpu.memref_slice %arg7[%run_scoped3A, %dma_wait3A_664, %dma_wait3A_665] : memref<4x50x16xf32, #tpu.memory_space<vmem>> -> memref<1x50x16xf32, #tpu.memory_space<vmem>>
        %dma_wait3A_667 = tpu.memref_squeeze %dma_wait3A_666 : memref<1x50x16xf32, #tpu.memory_space<vmem>> -> memref<50x16xf32, #tpu.memory_space<vmem>>
        %dma_wait3A_668 = arith.constant 0 : i32
        %dma_wait3A_669 = arith.constant 0 : i32
        %dma_wait3A_670 = tpu.memref_slice %arg6[%scan3A_233, %scan3A_234, %dma_wait3A_668, %dma_wait3A_669] : memref<2x2x40x50xi32, #tpu.memory_space<vmem>> -> memref<1x1x40x50xi32, #tpu.memory_space<vmem>>
        %dma_wait3A_671 = tpu.memref_squeeze %dma_wait3A_670 : memref<1x1x40x50xi32, #tpu.memory_space<vmem>> -> memref<40x50xi32, #tpu.memory_space<vmem>>
        %dma_wait3A_672 = arith.constant 0 : i32
        %dma_wait3A_673 = tpu.memref_slice %dma_wait3A_671[%add3A_552, %dma_wait3A_672] : memref<40x50xi32, #tpu.memory_space<vmem>> -> memref<1x50xi32, #tpu.memory_space<vmem>>
        %dma_wait3A_674 = tpu.memref_squeeze %dma_wait3A_673 : memref<1x50xi32, #tpu.memory_space<vmem>> -> memref<50xi32, #tpu.memory_space<vmem>>
        %dma_wait3A_675 = arith.constant 0 : i32
        %dma_wait3A_676 = arith.constant 0 : i32
        %dma_wait3A_677 = tpu.memref_slice %arg8[%dma_wait3A_675, %dma_wait3A_676] : memref<10000x16xf32, #tpu.memory_space<vmem_shared>> -> memref<10000x16xf32, #tpu.memory_space<vmem_shared>>
        tpu.wait_indirect_dma semaphore(%run_scoped3A_649 : memref<!tpu.dma_semaphore, #tpu.memory_space<semaphore_mem>>) src(%dma_wait3A_667 : memref<50x16xf32, #tpu.memory_space<vmem>>) dst(%dma_wait3A_677 : memref<10000x16xf32, #tpu.memory_space<vmem_shared>>)
        tpu.yield
      }) : () -> ()
      %add3A_574 = arith.constant 1 : i32
      %add3A_575 = arith.addi %mul3A_550, %add3A_574 : i32
      %add3A_576 = arith.constant 3 : i32
      %add3A_577 = arith.addi %add3A_575, %add3A_576 : i32
      %lt3A_578 = arith.constant 40 : i32
      %lt3A_579 = arith.cmpi slt, %add3A_577, %lt3A_578 : i32
      %convert_element_type3A_580 = arith.extui %lt3A_579 : i1 to i32
      %cond3A_581 = arith.constant 0 : i32
      %cond3A_582 = arith.cmpi ne, %convert_element_type3A_580, %cond3A_581 : i32
      scf.if %cond3A_582 {
        %dma_start3A_649 = arith.constant 0 : i32
        %dma_start3A_650 = arith.constant 0 : i32
        %dma_start3A_651 = arith.constant 0 : i32
        %dma_start3A_652 = tpu.memref_slice %arg7[%dma_start3A_649, %dma_start3A_650, %dma_start3A_651] : memref<4x50x16xf32, #tpu.memory_space<vmem>> -> memref<1x50x16xf32, #tpu.memory_space<vmem>>
        %dma_start3A_653 = tpu.memref_squeeze %dma_start3A_652 : memref<1x50x16xf32, #tpu.memory_space<vmem>> -> memref<50x16xf32, #tpu.memory_space<vmem>>
        %dma_start3A_654 = arith.constant 0 : i32
        %dma_start3A_655 = arith.constant 0 : i32
        %dma_start3A_656 = tpu.memref_slice %arg6[%scan3A_231, %scan3A_232, %dma_start3A_654, %dma_start3A_655] : memref<2x2x40x50xi32, #tpu.memory_space<vmem>> -> memref<1x1x40x50xi32, #tpu.memory_space<vmem>>
        %dma_start3A_657 = tpu.memref_squeeze %dma_start3A_656 : memref<1x1x40x50xi32, #tpu.memory_space<vmem>> -> memref<40x50xi32, #tpu.memory_space<vmem>>
        %dma_start3A_658 = arith.constant 0 : i32
        %dma_start3A_659 = tpu.memref_slice %dma_start3A_657[%add3A_577, %dma_start3A_658] : memref<40x50xi32, #tpu.memory_space<vmem>> -> memref<1x50xi32, #tpu.memory_space<vmem>>
        %dma_start3A_660 = tpu.memref_squeeze %dma_start3A_659 : memref<1x50xi32, #tpu.memory_space<vmem>> -> memref<50xi32, #tpu.memory_space<vmem>>
        %dma_start3A_661 = arith.constant 0 : i32
        %dma_start3A_662 = arith.constant 0 : i32
        %dma_start3A_663 = tpu.memref_slice %arg2[%dma_start3A_661, %dma_start3A_662] : memref<10000x16xf32, #tpu.memory_space<hbm>> -> memref<10000x16xf32, #tpu.memory_space<hbm>>
        tpu.enqueue_indirect_dma source(%dma_start3A_663 : memref<10000x16xf32, #tpu.memory_space<hbm>>) target(%dma_start3A_653 : memref<50x16xf32, #tpu.memory_space<vmem>>) offsets(%dma_start3A_660 : memref<50xi32, #tpu.memory_space<vmem>>) semaphore(%arg9 : memref<!tpu.dma_semaphore, #tpu.memory_space<semaphore_mem>>)
      } else {
      }
      %dma_wait3A_583 = arith.constant 1 : i32
      %dma_wait3A_584 = arith.constant 0 : i32
      %dma_wait3A_585 = arith.constant 0 : i32
      %dma_wait3A_586 = tpu.memref_slice %arg7[%dma_wait3A_583, %dma_wait3A_584, %dma_wait3A_585] : memref<4x50x16xf32, #tpu.memory_space<vmem>> -> memref<1x50x16xf32, #tpu.memory_space<vmem>>
      %dma_wait3A_587 = tpu.memref_squeeze %dma_wait3A_586 : memref<1x50x16xf32, #tpu.memory_space<vmem>> -> memref<50x16xf32, #tpu.memory_space<vmem>>
      %dma_wait3A_588 = arith.constant 0 : i32
      %dma_wait3A_589 = arith.constant 0 : i32
      %dma_wait3A_590 = tpu.memref_slice %arg6[%scan3A_231, %scan3A_232, %dma_wait3A_588, %dma_wait3A_589] : memref<2x2x40x50xi32, #tpu.memory_space<vmem>> -> memref<1x1x40x50xi32, #tpu.memory_space<vmem>>
      %dma_wait3A_591 = tpu.memref_squeeze %dma_wait3A_590 : memref<1x1x40x50xi32, #tpu.memory_space<vmem>> -> memref<40x50xi32, #tpu.memory_space<vmem>>
      %dma_wait3A_592 = arith.constant 0 : i32
      %dma_wait3A_593 = tpu.memref_slice %dma_wait3A_591[%add3A_575, %dma_wait3A_592] : memref<40x50xi32, #tpu.memory_space<vmem>> -> memref<1x50xi32, #tpu.memory_space<vmem>>
      %dma_wait3A_594 = tpu.memref_squeeze %dma_wait3A_593 : memref<1x50xi32, #tpu.memory_space<vmem>> -> memref<50xi32, #tpu.memory_space<vmem>>
      %dma_wait3A_595 = arith.constant 0 : i32
      %dma_wait3A_596 = arith.constant 0 : i32
      %dma_wait3A_597 = tpu.memref_slice %arg2[%dma_wait3A_595, %dma_wait3A_596] : memref<10000x16xf32, #tpu.memory_space<hbm>> -> memref<10000x16xf32, #tpu.memory_space<hbm>>
      tpu.wait_indirect_dma semaphore(%arg10 : memref<!tpu.dma_semaphore, #tpu.memory_space<semaphore_mem>>) src(%dma_wait3A_597 : memref<10000x16xf32, #tpu.memory_space<hbm>>) dst(%dma_wait3A_587 : memref<50x16xf32, #tpu.memory_space<vmem>>)
      %run_scoped3A_598 = arith.constant 1 : i32
      "tpu.region"() ({
        %run_scoped3A_649 = tpu.sem_alloc : memref<!tpu.dma_semaphore, #tpu.memory_space<semaphore_mem>>
        %dma_start3A_650 = arith.constant 0 : i32
        %dma_start3A_651 = arith.constant 0 : i32
        %dma_start3A_652 = tpu.memref_slice %arg7[%run_scoped3A_598, %dma_start3A_650, %dma_start3A_651] : memref<4x50x16xf32, #tpu.memory_space<vmem>> -> memref<1x50x16xf32, #tpu.memory_space<vmem>>
        %dma_start3A_653 = tpu.memref_squeeze %dma_start3A_652 : memref<1x50x16xf32, #tpu.memory_space<vmem>> -> memref<50x16xf32, #tpu.memory_space<vmem>>
        %dma_start3A_654 = arith.constant 0 : i32
        %dma_start3A_655 = arith.constant 0 : i32
        %dma_start3A_656 = tpu.memref_slice %arg6[%scan3A_233, %scan3A_234, %dma_start3A_654, %dma_start3A_655] : memref<2x2x40x50xi32, #tpu.memory_space<vmem>> -> memref<1x1x40x50xi32, #tpu.memory_space<vmem>>
        %dma_start3A_657 = tpu.memref_squeeze %dma_start3A_656 : memref<1x1x40x50xi32, #tpu.memory_space<vmem>> -> memref<40x50xi32, #tpu.memory_space<vmem>>
        %dma_start3A_658 = arith.constant 0 : i32
        %dma_start3A_659 = tpu.memref_slice %dma_start3A_657[%add3A_575, %dma_start3A_658] : memref<40x50xi32, #tpu.memory_space<vmem>> -> memref<1x50xi32, #tpu.memory_space<vmem>>
        %dma_start3A_660 = tpu.memref_squeeze %dma_start3A_659 : memref<1x50xi32, #tpu.memory_space<vmem>> -> memref<50xi32, #tpu.memory_space<vmem>>
        %dma_start3A_661 = arith.constant 0 : i32
        %dma_start3A_662 = arith.constant 0 : i32
        %dma_start3A_663 = tpu.memref_slice %arg8[%dma_start3A_661, %dma_start3A_662] : memref<10000x16xf32, #tpu.memory_space<vmem_shared>> -> memref<10000x16xf32, #tpu.memory_space<vmem_shared>>
        tpu.enqueue_indirect_dma source(%dma_start3A_653 : memref<50x16xf32, #tpu.memory_space<vmem>>) target(%dma_start3A_663 : memref<10000x16xf32, #tpu.memory_space<vmem_shared>>) offsets(%dma_start3A_660 : memref<50xi32, #tpu.memory_space<vmem>>) semaphore(%run_scoped3A_649 : memref<!tpu.dma_semaphore, #tpu.memory_space<semaphore_mem>>) {add = true}
        %dma_wait3A_664 = arith.constant 0 : i32
        %dma_wait3A_665 = arith.constant 0 : i32
        %dma_wait3A_666 = tpu.memref_slice %arg7[%run_scoped3A_598, %dma_wait3A_664, %dma_wait3A_665] : memref<4x50x16xf32, #tpu.memory_space<vmem>> -> memref<1x50x16xf32, #tpu.memory_space<vmem>>
        %dma_wait3A_667 = tpu.memref_squeeze %dma_wait3A_666 : memref<1x50x16xf32, #tpu.memory_space<vmem>> -> memref<50x16xf32, #tpu.memory_space<vmem>>
        %dma_wait3A_668 = arith.constant 0 : i32
        %dma_wait3A_669 = arith.constant 0 : i32
        %dma_wait3A_670 = tpu.memref_slice %arg6[%scan3A_233, %scan3A_234, %dma_wait3A_668, %dma_wait3A_669] : memref<2x2x40x50xi32, #tpu.memory_space<vmem>> -> memref<1x1x40x50xi32, #tpu.memory_space<vmem>>
        %dma_wait3A_671 = tpu.memref_squeeze %dma_wait3A_670 : memref<1x1x40x50xi32, #tpu.memory_space<vmem>> -> memref<40x50xi32, #tpu.memory_space<vmem>>
        %dma_wait3A_672 = arith.constant 0 : i32
        %dma_wait3A_673 = tpu.memref_slice %dma_wait3A_671[%add3A_575, %dma_wait3A_672] : memref<40x50xi32, #tpu.memory_space<vmem>> -> memref<1x50xi32, #tpu.memory_space<vmem>>
        %dma_wait3A_674 = tpu.memref_squeeze %dma_wait3A_673 : memref<1x50xi32, #tpu.memory_space<vmem>> -> memref<50xi32, #tpu.memory_space<vmem>>
        %dma_wait3A_675 = arith.constant 0 : i32
        %dma_wait3A_676 = arith.constant 0 : i32
        %dma_wait3A_677 = tpu.memref_slice %arg8[%dma_wait3A_675, %dma_wait3A_676] : memref<10000x16xf32, #tpu.memory_space<vmem_shared>> -> memref<10000x16xf32, #tpu.memory_space<vmem_shared>>
        tpu.wait_indirect_dma semaphore(%run_scoped3A_649 : memref<!tpu.dma_semaphore, #tpu.memory_space<semaphore_mem>>) src(%dma_wait3A_667 : memref<50x16xf32, #tpu.memory_space<vmem>>) dst(%dma_wait3A_677 : memref<10000x16xf32, #tpu.memory_space<vmem_shared>>)
        tpu.yield
      }) : () -> ()
      %add3A_599 = arith.constant 2 : i32
      %add3A_600 = arith.addi %mul3A_550, %add3A_599 : i32
      %add3A_601 = arith.constant 3 : i32
      %add3A_602 = arith.addi %add3A_600, %add3A_601 : i32
      %lt3A_603 = arith.constant 40 : i32
      %lt3A_604 = arith.cmpi slt, %add3A_602, %lt3A_603 : i32
      %convert_element_type3A_605 = arith.extui %lt3A_604 : i1 to i32
      %cond3A_606 = arith.constant 0 : i32
      %cond3A_607 = arith.cmpi ne, %convert_element_type3A_605, %cond3A_606 : i32
      scf.if %cond3A_607 {
        %dma_start3A_649 = arith.constant 1 : i32
        %dma_start3A_650 = arith.constant 0 : i32
        %dma_start3A_651 = arith.constant 0 : i32
        %dma_start3A_652 = tpu.memref_slice %arg7[%dma_start3A_649, %dma_start3A_650, %dma_start3A_651] : memref<4x50x16xf32, #tpu.memory_space<vmem>> -> memref<1x50x16xf32, #tpu.memory_space<vmem>>
        %dma_start3A_653 = tpu.memref_squeeze %dma_start3A_652 : memref<1x50x16xf32, #tpu.memory_space<vmem>> -> memref<50x16xf32, #tpu.memory_space<vmem>>
        %dma_start3A_654 = arith.constant 0 : i32
        %dma_start3A_655 = arith.constant 0 : i32
        %dma_start3A_656 = tpu.memref_slice %arg6[%scan3A_231, %scan3A_232, %dma_start3A_654, %dma_start3A_655] : memref<2x2x40x50xi32, #tpu.memory_space<vmem>> -> memref<1x1x40x50xi32, #tpu.memory_space<vmem>>
        %dma_start3A_657 = tpu.memref_squeeze %dma_start3A_656 : memref<1x1x40x50xi32, #tpu.memory_space<vmem>> -> memref<40x50xi32, #tpu.memory_space<vmem>>
        %dma_start3A_658 = arith.constant 0 : i32
        %dma_start3A_659 = tpu.memref_slice %dma_start3A_657[%add3A_602, %dma_start3A_658] : memref<40x50xi32, #tpu.memory_space<vmem>> -> memref<1x50xi32, #tpu.memory_space<vmem>>
        %dma_start3A_660 = tpu.memref_squeeze %dma_start3A_659 : memref<1x50xi32, #tpu.memory_space<vmem>> -> memref<50xi32, #tpu.memory_space<vmem>>
        %dma_start3A_661 = arith.constant 0 : i32
        %dma_start3A_662 = arith.constant 0 : i32
        %dma_start3A_663 = tpu.memref_slice %arg2[%dma_start3A_661, %dma_start3A_662] : memref<10000x16xf32, #tpu.memory_space<hbm>> -> memref<10000x16xf32, #tpu.memory_space<hbm>>
        tpu.enqueue_indirect_dma source(%dma_start3A_663 : memref<10000x16xf32, #tpu.memory_space<hbm>>) target(%dma_start3A_653 : memref<50x16xf32, #tpu.memory_space<vmem>>) offsets(%dma_start3A_660 : memref<50xi32, #tpu.memory_space<vmem>>) semaphore(%arg10 : memref<!tpu.dma_semaphore, #tpu.memory_space<semaphore_mem>>)
      } else {
      }
      %dma_wait3A_608 = arith.constant 2 : i32
      %dma_wait3A_609 = arith.constant 0 : i32
      %dma_wait3A_610 = arith.constant 0 : i32
      %dma_wait3A_611 = tpu.memref_slice %arg7[%dma_wait3A_608, %dma_wait3A_609, %dma_wait3A_610] : memref<4x50x16xf32, #tpu.memory_space<vmem>> -> memref<1x50x16xf32, #tpu.memory_space<vmem>>
      %dma_wait3A_612 = tpu.memref_squeeze %dma_wait3A_611 : memref<1x50x16xf32, #tpu.memory_space<vmem>> -> memref<50x16xf32, #tpu.memory_space<vmem>>
      %dma_wait3A_613 = arith.constant 0 : i32
      %dma_wait3A_614 = arith.constant 0 : i32
      %dma_wait3A_615 = tpu.memref_slice %arg6[%scan3A_231, %scan3A_232, %dma_wait3A_613, %dma_wait3A_614] : memref<2x2x40x50xi32, #tpu.memory_space<vmem>> -> memref<1x1x40x50xi32, #tpu.memory_space<vmem>>
      %dma_wait3A_616 = tpu.memref_squeeze %dma_wait3A_615 : memref<1x1x40x50xi32, #tpu.memory_space<vmem>> -> memref<40x50xi32, #tpu.memory_space<vmem>>
      %dma_wait3A_617 = arith.constant 0 : i32
      %dma_wait3A_618 = tpu.memref_slice %dma_wait3A_616[%add3A_600, %dma_wait3A_617] : memref<40x50xi32, #tpu.memory_space<vmem>> -> memref<1x50xi32, #tpu.memory_space<vmem>>
      %dma_wait3A_619 = tpu.memref_squeeze %dma_wait3A_618 : memref<1x50xi32, #tpu.memory_space<vmem>> -> memref<50xi32, #tpu.memory_space<vmem>>
      %dma_wait3A_620 = arith.constant 0 : i32
      %dma_wait3A_621 = arith.constant 0 : i32
      %dma_wait3A_622 = tpu.memref_slice %arg2[%dma_wait3A_620, %dma_wait3A_621] : memref<10000x16xf32, #tpu.memory_space<hbm>> -> memref<10000x16xf32, #tpu.memory_space<hbm>>
      tpu.wait_indirect_dma semaphore(%arg11 : memref<!tpu.dma_semaphore, #tpu.memory_space<semaphore_mem>>) src(%dma_wait3A_622 : memref<10000x16xf32, #tpu.memory_space<hbm>>) dst(%dma_wait3A_612 : memref<50x16xf32, #tpu.memory_space<vmem>>)
      %run_scoped3A_623 = arith.constant 2 : i32
      "tpu.region"() ({
        %run_scoped3A_649 = tpu.sem_alloc : memref<!tpu.dma_semaphore, #tpu.memory_space<semaphore_mem>>
        %dma_start3A_650 = arith.constant 0 : i32
        %dma_start3A_651 = arith.constant 0 : i32
        %dma_start3A_652 = tpu.memref_slice %arg7[%run_scoped3A_623, %dma_start3A_650, %dma_start3A_651] : memref<4x50x16xf32, #tpu.memory_space<vmem>> -> memref<1x50x16xf32, #tpu.memory_space<vmem>>
        %dma_start3A_653 = tpu.memref_squeeze %dma_start3A_652 : memref<1x50x16xf32, #tpu.memory_space<vmem>> -> memref<50x16xf32, #tpu.memory_space<vmem>>
        %dma_start3A_654 = arith.constant 0 : i32
        %dma_start3A_655 = arith.constant 0 : i32
        %dma_start3A_656 = tpu.memref_slice %arg6[%scan3A_233, %scan3A_234, %dma_start3A_654, %dma_start3A_655] : memref<2x2x40x50xi32, #tpu.memory_space<vmem>> -> memref<1x1x40x50xi32, #tpu.memory_space<vmem>>
        %dma_start3A_657 = tpu.memref_squeeze %dma_start3A_656 : memref<1x1x40x50xi32, #tpu.memory_space<vmem>> -> memref<40x50xi32, #tpu.memory_space<vmem>>
        %dma_start3A_658 = arith.constant 0 : i32
        %dma_start3A_659 = tpu.memref_slice %dma_start3A_657[%add3A_600, %dma_start3A_658] : memref<40x50xi32, #tpu.memory_space<vmem>> -> memref<1x50xi32, #tpu.memory_space<vmem>>
        %dma_start3A_660 = tpu.memref_squeeze %dma_start3A_659 : memref<1x50xi32, #tpu.memory_space<vmem>> -> memref<50xi32, #tpu.memory_space<vmem>>
        %dma_start3A_661 = arith.constant 0 : i32
        %dma_start3A_662 = arith.constant 0 : i32
        %dma_start3A_663 = tpu.memref_slice %arg8[%dma_start3A_661, %dma_start3A_662] : memref<10000x16xf32, #tpu.memory_space<vmem_shared>> -> memref<10000x16xf32, #tpu.memory_space<vmem_shared>>
        tpu.enqueue_indirect_dma source(%dma_start3A_653 : memref<50x16xf32, #tpu.memory_space<vmem>>) target(%dma_start3A_663 : memref<10000x16xf32, #tpu.memory_space<vmem_shared>>) offsets(%dma_start3A_660 : memref<50xi32, #tpu.memory_space<vmem>>) semaphore(%run_scoped3A_649 : memref<!tpu.dma_semaphore, #tpu.memory_space<semaphore_mem>>) {add = true}
        %dma_wait3A_664 = arith.constant 0 : i32
        %dma_wait3A_665 = arith.constant 0 : i32
        %dma_wait3A_666 = tpu.memref_slice %arg7[%run_scoped3A_623, %dma_wait3A_664, %dma_wait3A_665] : memref<4x50x16xf32, #tpu.memory_space<vmem>> -> memref<1x50x16xf32, #tpu.memory_space<vmem>>
        %dma_wait3A_667 = tpu.memref_squeeze %dma_wait3A_666 : memref<1x50x16xf32, #tpu.memory_space<vmem>> -> memref<50x16xf32, #tpu.memory_space<vmem>>
        %dma_wait3A_668 = arith.constant 0 : i32
        %dma_wait3A_669 = arith.constant 0 : i32
        %dma_wait3A_670 = tpu.memref_slice %arg6[%scan3A_233, %scan3A_234, %dma_wait3A_668, %dma_wait3A_669] : memref<2x2x40x50xi32, #tpu.memory_space<vmem>> -> memref<1x1x40x50xi32, #tpu.memory_space<vmem>>
        %dma_wait3A_671 = tpu.memref_squeeze %dma_wait3A_670 : memref<1x1x40x50xi32, #tpu.memory_space<vmem>> -> memref<40x50xi32, #tpu.memory_space<vmem>>
        %dma_wait3A_672 = arith.constant 0 : i32
        %dma_wait3A_673 = tpu.memref_slice %dma_wait3A_671[%add3A_600, %dma_wait3A_672] : memref<40x50xi32, #tpu.memory_space<vmem>> -> memref<1x50xi32, #tpu.memory_space<vmem>>
        %dma_wait3A_674 = tpu.memref_squeeze %dma_wait3A_673 : memref<1x50xi32, #tpu.memory_space<vmem>> -> memref<50xi32, #tpu.memory_space<vmem>>
        %dma_wait3A_675 = arith.constant 0 : i32
        %dma_wait3A_676 = arith.constant 0 : i32
        %dma_wait3A_677 = tpu.memref_slice %arg8[%dma_wait3A_675, %dma_wait3A_676] : memref<10000x16xf32, #tpu.memory_space<vmem_shared>> -> memref<10000x16xf32, #tpu.memory_space<vmem_shared>>
        tpu.wait_indirect_dma semaphore(%run_scoped3A_649 : memref<!tpu.dma_semaphore, #tpu.memory_space<semaphore_mem>>) src(%dma_wait3A_667 : memref<50x16xf32, #tpu.memory_space<vmem>>) dst(%dma_wait3A_677 : memref<10000x16xf32, #tpu.memory_space<vmem_shared>>)
        tpu.yield
      }) : () -> ()
      %add3A_624 = arith.constant 3 : i32
      %add3A_625 = arith.addi %mul3A_550, %add3A_624 : i32
      %add3A_626 = arith.constant 3 : i32
      %add3A_627 = arith.addi %add3A_625, %add3A_626 : i32
      %lt3A_628 = arith.constant 40 : i32
      %lt3A_629 = arith.cmpi slt, %add3A_627, %lt3A_628 : i32
      %convert_element_type3A_630 = arith.extui %lt3A_629 : i1 to i32
      %cond3A_631 = arith.constant 0 : i32
      %cond3A_632 = arith.cmpi ne, %convert_element_type3A_630, %cond3A_631 : i32
      scf.if %cond3A_632 {
        %dma_start3A_649 = arith.constant 2 : i32
        %dma_start3A_650 = arith.constant 0 : i32
        %dma_start3A_651 = arith.constant 0 : i32
        %dma_start3A_652 = tpu.memref_slice %arg7[%dma_start3A_649, %dma_start3A_650, %dma_start3A_651] : memref<4x50x16xf32, #tpu.memory_space<vmem>> -> memref<1x50x16xf32, #tpu.memory_space<vmem>>
        %dma_start3A_653 = tpu.memref_squeeze %dma_start3A_652 : memref<1x50x16xf32, #tpu.memory_space<vmem>> -> memref<50x16xf32, #tpu.memory_space<vmem>>
        %dma_start3A_654 = arith.constant 0 : i32
        %dma_start3A_655 = arith.constant 0 : i32
        %dma_start3A_656 = tpu.memref_slice %arg6[%scan3A_231, %scan3A_232, %dma_start3A_654, %dma_start3A_655] : memref<2x2x40x50xi32, #tpu.memory_space<vmem>> -> memref<1x1x40x50xi32, #tpu.memory_space<vmem>>
        %dma_start3A_657 = tpu.memref_squeeze %dma_start3A_656 : memref<1x1x40x50xi32, #tpu.memory_space<vmem>> -> memref<40x50xi32, #tpu.memory_space<vmem>>
        %dma_start3A_658 = arith.constant 0 : i32
        %dma_start3A_659 = tpu.memref_slice %dma_start3A_657[%add3A_627, %dma_start3A_658] : memref<40x50xi32, #tpu.memory_space<vmem>> -> memref<1x50xi32, #tpu.memory_space<vmem>>
        %dma_start3A_660 = tpu.memref_squeeze %dma_start3A_659 : memref<1x50xi32, #tpu.memory_space<vmem>> -> memref<50xi32, #tpu.memory_space<vmem>>
        %dma_start3A_661 = arith.constant 0 : i32
        %dma_start3A_662 = arith.constant 0 : i32
        %dma_start3A_663 = tpu.memref_slice %arg2[%dma_start3A_661, %dma_start3A_662] : memref<10000x16xf32, #tpu.memory_space<hbm>> -> memref<10000x16xf32, #tpu.memory_space<hbm>>
        tpu.enqueue_indirect_dma source(%dma_start3A_663 : memref<10000x16xf32, #tpu.memory_space<hbm>>) target(%dma_start3A_653 : memref<50x16xf32, #tpu.memory_space<vmem>>) offsets(%dma_start3A_660 : memref<50xi32, #tpu.memory_space<vmem>>) semaphore(%arg11 : memref<!tpu.dma_semaphore, #tpu.memory_space<semaphore_mem>>)
      } else {
      }
      %dma_wait3A_633 = arith.constant 3 : i32
      %dma_wait3A_634 = arith.constant 0 : i32
      %dma_wait3A_635 = arith.constant 0 : i32
      %dma_wait3A_636 = tpu.memref_slice %arg7[%dma_wait3A_633, %dma_wait3A_634, %dma_wait3A_635] : memref<4x50x16xf32, #tpu.memory_space<vmem>> -> memref<1x50x16xf32, #tpu.memory_space<vmem>>
      %dma_wait3A_637 = tpu.memref_squeeze %dma_wait3A_636 : memref<1x50x16xf32, #tpu.memory_space<vmem>> -> memref<50x16xf32, #tpu.memory_space<vmem>>
      %dma_wait3A_638 = arith.constant 0 : i32
      %dma_wait3A_639 = arith.constant 0 : i32
      %dma_wait3A_640 = tpu.memref_slice %arg6[%scan3A_231, %scan3A_232, %dma_wait3A_638, %dma_wait3A_639] : memref<2x2x40x50xi32, #tpu.memory_space<vmem>> -> memref<1x1x40x50xi32, #tpu.memory_space<vmem>>
      %dma_wait3A_641 = tpu.memref_squeeze %dma_wait3A_640 : memref<1x1x40x50xi32, #tpu.memory_space<vmem>> -> memref<40x50xi32, #tpu.memory_space<vmem>>
      %dma_wait3A_642 = arith.constant 0 : i32
      %dma_wait3A_643 = tpu.memref_slice %dma_wait3A_641[%add3A_625, %dma_wait3A_642] : memref<40x50xi32, #tpu.memory_space<vmem>> -> memref<1x50xi32, #tpu.memory_space<vmem>>
      %dma_wait3A_644 = tpu.memref_squeeze %dma_wait3A_643 : memref<1x50xi32, #tpu.memory_space<vmem>> -> memref<50xi32, #tpu.memory_space<vmem>>
      %dma_wait3A_645 = arith.constant 0 : i32
      %dma_wait3A_646 = arith.constant 0 : i32
      %dma_wait3A_647 = tpu.memref_slice %arg2[%dma_wait3A_645, %dma_wait3A_646] : memref<10000x16xf32, #tpu.memory_space<hbm>> -> memref<10000x16xf32, #tpu.memory_space<hbm>>
      tpu.wait_indirect_dma semaphore(%arg12 : memref<!tpu.dma_semaphore, #tpu.memory_space<semaphore_mem>>) src(%dma_wait3A_647 : memref<10000x16xf32, #tpu.memory_space<hbm>>) dst(%dma_wait3A_637 : memref<50x16xf32, #tpu.memory_space<vmem>>)
      %run_scoped3A_648 = arith.constant 3 : i32
      "tpu.region"() ({
        %run_scoped3A_649 = tpu.sem_alloc : memref<!tpu.dma_semaphore, #tpu.memory_space<semaphore_mem>>
        %dma_start3A_650 = arith.constant 0 : i32
        %dma_start3A_651 = arith.constant 0 : i32
        %dma_start3A_652 = tpu.memref_slice %arg7[%run_scoped3A_648, %dma_start3A_650, %dma_start3A_651] : memref<4x50x16xf32, #tpu.memory_space<vmem>> -> memref<1x50x16xf32, #tpu.memory_space<vmem>>
        %dma_start3A_653 = tpu.memref_squeeze %dma_start3A_652 : memref<1x50x16xf32, #tpu.memory_space<vmem>> -> memref<50x16xf32, #tpu.memory_space<vmem>>
        %dma_start3A_654 = arith.constant 0 : i32
        %dma_start3A_655 = arith.constant 0 : i32
        %dma_start3A_656 = tpu.memref_slice %arg6[%scan3A_233, %scan3A_234, %dma_start3A_654, %dma_start3A_655] : memref<2x2x40x50xi32, #tpu.memory_space<vmem>> -> memref<1x1x40x50xi32, #tpu.memory_space<vmem>>
        %dma_start3A_657 = tpu.memref_squeeze %dma_start3A_656 : memref<1x1x40x50xi32, #tpu.memory_space<vmem>> -> memref<40x50xi32, #tpu.memory_space<vmem>>
        %dma_start3A_658 = arith.constant 0 : i32
        %dma_start3A_659 = tpu.memref_slice %dma_start3A_657[%add3A_625, %dma_start3A_658] : memref<40x50xi32, #tpu.memory_space<vmem>> -> memref<1x50xi32, #tpu.memory_space<vmem>>
        %dma_start3A_660 = tpu.memref_squeeze %dma_start3A_659 : memref<1x50xi32, #tpu.memory_space<vmem>> -> memref<50xi32, #tpu.memory_space<vmem>>
        %dma_start3A_661 = arith.constant 0 : i32
        %dma_start3A_662 = arith.constant 0 : i32
        %dma_start3A_663 = tpu.memref_slice %arg8[%dma_start3A_661, %dma_start3A_662] : memref<10000x16xf32, #tpu.memory_space<vmem_shared>> -> memref<10000x16xf32, #tpu.memory_space<vmem_shared>>
        tpu.enqueue_indirect_dma source(%dma_start3A_653 : memref<50x16xf32, #tpu.memory_space<vmem>>) target(%dma_start3A_663 : memref<10000x16xf32, #tpu.memory_space<vmem_shared>>) offsets(%dma_start3A_660 : memref<50xi32, #tpu.memory_space<vmem>>) semaphore(%run_scoped3A_649 : memref<!tpu.dma_semaphore, #tpu.memory_space<semaphore_mem>>) {add = true}
        %dma_wait3A_664 = arith.constant 0 : i32
        %dma_wait3A_665 = arith.constant 0 : i32
        %dma_wait3A_666 = tpu.memref_slice %arg7[%run_scoped3A_648, %dma_wait3A_664, %dma_wait3A_665] : memref<4x50x16xf32, #tpu.memory_space<vmem>> -> memref<1x50x16xf32, #tpu.memory_space<vmem>>
        %dma_wait3A_667 = tpu.memref_squeeze %dma_wait3A_666 : memref<1x50x16xf32, #tpu.memory_space<vmem>> -> memref<50x16xf32, #tpu.memory_space<vmem>>
        %dma_wait3A_668 = arith.constant 0 : i32
        %dma_wait3A_669 = arith.constant 0 : i32
        %dma_wait3A_670 = tpu.memref_slice %arg6[%scan3A_233, %scan3A_234, %dma_wait3A_668, %dma_wait3A_669] : memref<2x2x40x50xi32, #tpu.memory_space<vmem>> -> memref<1x1x40x50xi32, #tpu.memory_space<vmem>>
        %dma_wait3A_671 = tpu.memref_squeeze %dma_wait3A_670 : memref<1x1x40x50xi32, #tpu.memory_space<vmem>> -> memref<40x50xi32, #tpu.memory_space<vmem>>
        %dma_wait3A_672 = arith.constant 0 : i32
        %dma_wait3A_673 = tpu.memref_slice %dma_wait3A_671[%add3A_625, %dma_wait3A_672] : memref<40x50xi32, #tpu.memory_space<vmem>> -> memref<1x50xi32, #tpu.memory_space<vmem>>
        %dma_wait3A_674 = tpu.memref_squeeze %dma_wait3A_673 : memref<1x50xi32, #tpu.memory_space<vmem>> -> memref<50xi32, #tpu.memory_space<vmem>>
        %dma_wait3A_675 = arith.constant 0 : i32
        %dma_wait3A_676 = arith.constant 0 : i32
        %dma_wait3A_677 = tpu.memref_slice %arg8[%dma_wait3A_675, %dma_wait3A_676] : memref<10000x16xf32, #tpu.memory_space<vmem_shared>> -> memref<10000x16xf32, #tpu.memory_space<vmem_shared>>
        tpu.wait_indirect_dma semaphore(%run_scoped3A_649 : memref<!tpu.dma_semaphore, #tpu.memory_space<semaphore_mem>>) src(%dma_wait3A_667 : memref<50x16xf32, #tpu.memory_space<vmem>>) dst(%dma_wait3A_677 : memref<10000x16xf32, #tpu.memory_space<vmem_shared>>)
        tpu.yield
      }) : () -> ()
    }
    %scan3A_239 = arith.constant 10 : i32
    %dma_wait3A_240 = arith.constant 2 : i32
    %dma_wait3A_241 = arith.constant 0 : i32
    %dma_wait3A_242 = arith.constant 0 : i32
    %dma_wait3A_243 = arith.constant 0 : i32
    %dma_wait3A_244 = arith.constant 0 : i32
    %dma_wait3A_245 = tpu.memref_slice %arg6[%dma_wait3A_241, %dma_wait3A_242, %dma_wait3A_243, %dma_wait3A_244] : memref<2x2x40x50xi32, #tpu.memory_space<vmem>> -> memref<1x2x40x50xi32, #tpu.memory_space<vmem>>
    %dma_wait3A_246 = tpu.memref_squeeze %dma_wait3A_245 : memref<1x2x40x50xi32, #tpu.memory_space<vmem>> -> memref<2x40x50xi32, #tpu.memory_space<vmem>>
    %dma_wait3A_247 = arith.constant 0 : i32
    %dma_wait3A_248 = arith.constant 0 : i32
    %dma_wait3A_249 = arith.constant 0 : i32
    %dma_wait3A_250 = tpu.memref_slice %arg3[%add3A, %dma_wait3A_240, %dma_wait3A_247, %dma_wait3A_248, %dma_wait3A_249] : memref<32x5x2x40x50xi32, #tpu.memory_space<hbm>> -> memref<1x1x2x40x50xi32, #tpu.memory_space<hbm>>
    %dma_wait3A_251 = tpu.memref_squeeze %dma_wait3A_250 : memref<1x1x2x40x50xi32, #tpu.memory_space<hbm>> -> memref<2x40x50xi32, #tpu.memory_space<hbm>>
    %dma_wait3A_252 = arith.constant 0 : i32
    %dma_wait3A_253 = arith.constant 0 : i32
    %dma_wait3A_254 = arith.constant 0 : i32
    %dma_wait3A_255 = tpu.memref_slice %arg6[%dma_wait3A_241, %dma_wait3A_252, %dma_wait3A_253, %dma_wait3A_254] : memref<2x2x40x50xi32, #tpu.memory_space<vmem>> -> memref<1x2x40x50xi32, #tpu.memory_space<vmem>>
    %dma_wait3A_256 = tpu.memref_squeeze %dma_wait3A_255 : memref<1x2x40x50xi32, #tpu.memory_space<vmem>> -> memref<2x40x50xi32, #tpu.memory_space<vmem>>
    %dma_wait3A_257 = arith.constant 0 : i32
    %dma_wait3A_258 = arith.constant 0 : i32
    %dma_wait3A_259 = arith.constant 0 : i32
    %dma_wait3A_260 = tpu.memref_slice %arg3[%add3A, %dma_wait3A_240, %dma_wait3A_257, %dma_wait3A_258, %dma_wait3A_259] : memref<32x5x2x40x50xi32, #tpu.memory_space<hbm>> -> memref<1x1x2x40x50xi32, #tpu.memory_space<hbm>>
    %dma_wait3A_261 = tpu.memref_squeeze %dma_wait3A_260 : memref<1x1x2x40x50xi32, #tpu.memory_space<hbm>> -> memref<2x40x50xi32, #tpu.memory_space<hbm>>
    tpu.wait_dma2 semaphore(%arg13 : memref<!tpu.dma_semaphore, #tpu.memory_space<semaphore_mem>>) src(%dma_wait3A_261 : memref<2x40x50xi32, #tpu.memory_space<hbm>>) dst(%dma_wait3A_256 : memref<2x40x50xi32, #tpu.memory_space<vmem>>)
    %dma_start3A_262 = arith.constant 3 : i32
    %dma_start3A_263 = arith.constant 1 : i32
    %dma_start3A_264 = arith.constant 0 : i32
    %dma_start3A_265 = arith.constant 0 : i32
    %dma_start3A_266 = arith.constant 0 : i32
    %dma_start3A_267 = tpu.memref_slice %arg6[%dma_start3A_263, %dma_start3A_264, %dma_start3A_265, %dma_start3A_266] : memref<2x2x40x50xi32, #tpu.memory_space<vmem>> -> memref<1x2x40x50xi32, #tpu.memory_space<vmem>>
    %dma_start3A_268 = tpu.memref_squeeze %dma_start3A_267 : memref<1x2x40x50xi32, #tpu.memory_space<vmem>> -> memref<2x40x50xi32, #tpu.memory_space<vmem>>
    %dma_start3A_269 = arith.constant 0 : i32
    %dma_start3A_270 = arith.constant 0 : i32
    %dma_start3A_271 = arith.constant 0 : i32
    %dma_start3A_272 = tpu.memref_slice %arg3[%add3A, %dma_start3A_262, %dma_start3A_269, %dma_start3A_270, %dma_start3A_271] : memref<32x5x2x40x50xi32, #tpu.memory_space<hbm>> -> memref<1x1x2x40x50xi32, #tpu.memory_space<hbm>>
    %dma_start3A_273 = tpu.memref_squeeze %dma_start3A_272 : memref<1x1x2x40x50xi32, #tpu.memory_space<hbm>> -> memref<2x40x50xi32, #tpu.memory_space<hbm>>
    %dma_start3A_274 = arith.constant 0 : i32
    %dma_start3A_275 = arith.constant 0 : i32
    %dma_start3A_276 = arith.constant 0 : i32
    %dma_start3A_277 = tpu.memref_slice %arg6[%dma_start3A_263, %dma_start3A_274, %dma_start3A_275, %dma_start3A_276] : memref<2x2x40x50xi32, #tpu.memory_space<vmem>> -> memref<1x2x40x50xi32, #tpu.memory_space<vmem>>
    %dma_start3A_278 = tpu.memref_squeeze %dma_start3A_277 : memref<1x2x40x50xi32, #tpu.memory_space<vmem>> -> memref<2x40x50xi32, #tpu.memory_space<vmem>>
    %dma_start3A_279 = arith.constant 0 : i32
    %dma_start3A_280 = arith.constant 0 : i32
    %dma_start3A_281 = arith.constant 0 : i32
    %dma_start3A_282 = tpu.memref_slice %arg3[%add3A, %dma_start3A_262, %dma_start3A_279, %dma_start3A_280, %dma_start3A_281] : memref<32x5x2x40x50xi32, #tpu.memory_space<hbm>> -> memref<1x1x2x40x50xi32, #tpu.memory_space<hbm>>
    %dma_start3A_283 = tpu.memref_squeeze %dma_start3A_282 : memref<1x1x2x40x50xi32, #tpu.memory_space<hbm>> -> memref<2x40x50xi32, #tpu.memory_space<hbm>>
    tpu.enqueue_dma source(%dma_start3A_283 : memref<2x40x50xi32, #tpu.memory_space<hbm>>) target(%dma_start3A_278 : memref<2x40x50xi32, #tpu.memory_space<vmem>>) target_semaphore(%arg14 : memref<!tpu.dma_semaphore, #tpu.memory_space<semaphore_mem>>)
    %dma_start3A_284 = arith.constant 0 : i32
    %dma_start3A_285 = arith.constant 0 : i32
    %dma_start3A_286 = arith.constant 0 : i32
    %dma_start3A_287 = arith.constant 0 : i32
    %dma_start3A_288 = arith.constant 0 : i32
    %dma_start3A_289 = arith.constant 0 : i32
    %dma_start3A_290 = tpu.memref_slice %arg7[%dma_start3A_287, %dma_start3A_288, %dma_start3A_289] : memref<4x50x16xf32, #tpu.memory_space<vmem>> -> memref<1x50x16xf32, #tpu.memory_space<vmem>>
    %dma_start3A_291 = tpu.memref_squeeze %dma_start3A_290 : memref<1x50x16xf32, #tpu.memory_space<vmem>> -> memref<50x16xf32, #tpu.memory_space<vmem>>
    %dma_start3A_292 = arith.constant 0 : i32
    %dma_start3A_293 = arith.constant 0 : i32
    %dma_start3A_294 = tpu.memref_slice %arg6[%dma_start3A_284, %dma_start3A_285, %dma_start3A_292, %dma_start3A_293] : memref<2x2x40x50xi32, #tpu.memory_space<vmem>> -> memref<1x1x40x50xi32, #tpu.memory_space<vmem>>
    %dma_start3A_295 = tpu.memref_squeeze %dma_start3A_294 : memref<1x1x40x50xi32, #tpu.memory_space<vmem>> -> memref<40x50xi32, #tpu.memory_space<vmem>>
    %dma_start3A_296 = arith.constant 0 : i32
    %dma_start3A_297 = tpu.memref_slice %dma_start3A_295[%dma_start3A_286, %dma_start3A_296] : memref<40x50xi32, #tpu.memory_space<vmem>> -> memref<1x50xi32, #tpu.memory_space<vmem>>
    %dma_start3A_298 = tpu.memref_squeeze %dma_start3A_297 : memref<1x50xi32, #tpu.memory_space<vmem>> -> memref<50xi32, #tpu.memory_space<vmem>>
    %dma_start3A_299 = arith.constant 0 : i32
    %dma_start3A_300 = arith.constant 0 : i32
    %dma_start3A_301 = tpu.memref_slice %arg2[%dma_start3A_299, %dma_start3A_300] : memref<10000x16xf32, #tpu.memory_space<hbm>> -> memref<10000x16xf32, #tpu.memory_space<hbm>>
    tpu.enqueue_indirect_dma source(%dma_start3A_301 : memref<10000x16xf32, #tpu.memory_space<hbm>>) target(%dma_start3A_291 : memref<50x16xf32, #tpu.memory_space<vmem>>) offsets(%dma_start3A_298 : memref<50xi32, #tpu.memory_space<vmem>>) semaphore(%arg9 : memref<!tpu.dma_semaphore, #tpu.memory_space<semaphore_mem>>)
    %dma_start3A_302 = arith.constant 0 : i32
    %dma_start3A_303 = arith.constant 0 : i32
    %dma_start3A_304 = arith.constant 1 : i32
    %dma_start3A_305 = arith.constant 1 : i32
    %dma_start3A_306 = arith.constant 0 : i32
    %dma_start3A_307 = arith.constant 0 : i32
    %dma_start3A_308 = tpu.memref_slice %arg7[%dma_start3A_305, %dma_start3A_306, %dma_start3A_307] : memref<4x50x16xf32, #tpu.memory_space<vmem>> -> memref<1x50x16xf32, #tpu.memory_space<vmem>>
    %dma_start3A_309 = tpu.memref_squeeze %dma_start3A_308 : memref<1x50x16xf32, #tpu.memory_space<vmem>> -> memref<50x16xf32, #tpu.memory_space<vmem>>
    %dma_start3A_310 = arith.constant 0 : i32
    %dma_start3A_311 = arith.constant 0 : i32
    %dma_start3A_312 = tpu.memref_slice %arg6[%dma_start3A_302, %dma_start3A_303, %dma_start3A_310, %dma_start3A_311] : memref<2x2x40x50xi32, #tpu.memory_space<vmem>> -> memref<1x1x40x50xi32, #tpu.memory_space<vmem>>
    %dma_start3A_313 = tpu.memref_squeeze %dma_start3A_312 : memref<1x1x40x50xi32, #tpu.memory_space<vmem>> -> memref<40x50xi32, #tpu.memory_space<vmem>>
    %dma_start3A_314 = arith.constant 0 : i32
    %dma_start3A_315 = tpu.memref_slice %dma_start3A_313[%dma_start3A_304, %dma_start3A_314] : memref<40x50xi32, #tpu.memory_space<vmem>> -> memref<1x50xi32, #tpu.memory_space<vmem>>
    %dma_start3A_316 = tpu.memref_squeeze %dma_start3A_315 : memref<1x50xi32, #tpu.memory_space<vmem>> -> memref<50xi32, #tpu.memory_space<vmem>>
    %dma_start3A_317 = arith.constant 0 : i32
    %dma_start3A_318 = arith.constant 0 : i32
    %dma_start3A_319 = tpu.memref_slice %arg2[%dma_start3A_317, %dma_start3A_318] : memref<10000x16xf32, #tpu.memory_space<hbm>> -> memref<10000x16xf32, #tpu.memory_space<hbm>>
    tpu.enqueue_indirect_dma source(%dma_start3A_319 : memref<10000x16xf32, #tpu.memory_space<hbm>>) target(%dma_start3A_309 : memref<50x16xf32, #tpu.memory_space<vmem>>) offsets(%dma_start3A_316 : memref<50xi32, #tpu.memory_space<vmem>>) semaphore(%arg10 : memref<!tpu.dma_semaphore, #tpu.memory_space<semaphore_mem>>)
    %dma_start3A_320 = arith.constant 0 : i32
    %dma_start3A_321 = arith.constant 0 : i32
    %dma_start3A_322 = arith.constant 2 : i32
    %dma_start3A_323 = arith.constant 2 : i32
    %dma_start3A_324 = arith.constant 0 : i32
    %dma_start3A_325 = arith.constant 0 : i32
    %dma_start3A_326 = tpu.memref_slice %arg7[%dma_start3A_323, %dma_start3A_324, %dma_start3A_325] : memref<4x50x16xf32, #tpu.memory_space<vmem>> -> memref<1x50x16xf32, #tpu.memory_space<vmem>>
    %dma_start3A_327 = tpu.memref_squeeze %dma_start3A_326 : memref<1x50x16xf32, #tpu.memory_space<vmem>> -> memref<50x16xf32, #tpu.memory_space<vmem>>
    %dma_start3A_328 = arith.constant 0 : i32
    %dma_start3A_329 = arith.constant 0 : i32
    %dma_start3A_330 = tpu.memref_slice %arg6[%dma_start3A_320, %dma_start3A_321, %dma_start3A_328, %dma_start3A_329] : memref<2x2x40x50xi32, #tpu.memory_space<vmem>> -> memref<1x1x40x50xi32, #tpu.memory_space<vmem>>
    %dma_start3A_331 = tpu.memref_squeeze %dma_start3A_330 : memref<1x1x40x50xi32, #tpu.memory_space<vmem>> -> memref<40x50xi32, #tpu.memory_space<vmem>>
    %dma_start3A_332 = arith.constant 0 : i32
    %dma_start3A_333 = tpu.memref_slice %dma_start3A_331[%dma_start3A_322, %dma_start3A_332] : memref<40x50xi32, #tpu.memory_space<vmem>> -> memref<1x50xi32, #tpu.memory_space<vmem>>
    %dma_start3A_334 = tpu.memref_squeeze %dma_start3A_333 : memref<1x50xi32, #tpu.memory_space<vmem>> -> memref<50xi32, #tpu.memory_space<vmem>>
    %dma_start3A_335 = arith.constant 0 : i32
    %dma_start3A_336 = arith.constant 0 : i32
    %dma_start3A_337 = tpu.memref_slice %arg2[%dma_start3A_335, %dma_start3A_336] : memref<10000x16xf32, #tpu.memory_space<hbm>> -> memref<10000x16xf32, #tpu.memory_space<hbm>>
    tpu.enqueue_indirect_dma source(%dma_start3A_337 : memref<10000x16xf32, #tpu.memory_space<hbm>>) target(%dma_start3A_327 : memref<50x16xf32, #tpu.memory_space<vmem>>) offsets(%dma_start3A_334 : memref<50xi32, #tpu.memory_space<vmem>>) semaphore(%arg11 : memref<!tpu.dma_semaphore, #tpu.memory_space<semaphore_mem>>)
    %scan3A_338 = arith.constant 0 : i32
    %scan3A_339 = arith.constant 0 : i32
    %scan3A_340 = arith.constant 0 : i32
    %scan3A_341 = arith.constant 0 : i32
    %scan3A_342 = arith.constant 1 : i32
    %scan3A_343 = arith.constant 0 : i32
    %scan3A_344 = arith.constant 10 : i32
    %scan3A_345 = arith.addi %scan3A_343, %scan3A_344 : i32
    %scan3A_346 = arith.constant 1 : i32
    scf.for %scan3A_548 = %scan3A_343 to %scan3A_345 step %scan3A_346  : i32 {
      %mul3A_549 = arith.constant 4 : i32
      %mul3A_550 = arith.muli %mul3A_549, %scan3A_548 : i32
      %add3A_551 = arith.constant 0 : i32
      %add3A_552 = arith.addi %mul3A_550, %add3A_551 : i32
      %add3A_553 = arith.constant 3 : i32
      %add3A_554 = arith.addi %add3A_552, %add3A_553 : i32
      %lt3A = arith.constant 40 : i32
      %lt3A_555 = arith.cmpi slt, %add3A_554, %lt3A : i32
      %convert_element_type3A_556 = arith.extui %lt3A_555 : i1 to i32
      %cond3A_557 = arith.constant 0 : i32
      %cond3A_558 = arith.cmpi ne, %convert_element_type3A_556, %cond3A_557 : i32
      scf.if %cond3A_558 {
        %dma_start3A_649 = arith.constant 3 : i32
        %dma_start3A_650 = arith.constant 0 : i32
        %dma_start3A_651 = arith.constant 0 : i32
        %dma_start3A_652 = tpu.memref_slice %arg7[%dma_start3A_649, %dma_start3A_650, %dma_start3A_651] : memref<4x50x16xf32, #tpu.memory_space<vmem>> -> memref<1x50x16xf32, #tpu.memory_space<vmem>>
        %dma_start3A_653 = tpu.memref_squeeze %dma_start3A_652 : memref<1x50x16xf32, #tpu.memory_space<vmem>> -> memref<50x16xf32, #tpu.memory_space<vmem>>
        %dma_start3A_654 = arith.constant 0 : i32
        %dma_start3A_655 = arith.constant 0 : i32
        %dma_start3A_656 = tpu.memref_slice %arg6[%scan3A_339, %scan3A_340, %dma_start3A_654, %dma_start3A_655] : memref<2x2x40x50xi32, #tpu.memory_space<vmem>> -> memref<1x1x40x50xi32, #tpu.memory_space<vmem>>
        %dma_start3A_657 = tpu.memref_squeeze %dma_start3A_656 : memref<1x1x40x50xi32, #tpu.memory_space<vmem>> -> memref<40x50xi32, #tpu.memory_space<vmem>>
        %dma_start3A_658 = arith.constant 0 : i32
        %dma_start3A_659 = tpu.memref_slice %dma_start3A_657[%add3A_554, %dma_start3A_658] : memref<40x50xi32, #tpu.memory_space<vmem>> -> memref<1x50xi32, #tpu.memory_space<vmem>>
        %dma_start3A_660 = tpu.memref_squeeze %dma_start3A_659 : memref<1x50xi32, #tpu.memory_space<vmem>> -> memref<50xi32, #tpu.memory_space<vmem>>
        %dma_start3A_661 = arith.constant 0 : i32
        %dma_start3A_662 = arith.constant 0 : i32
        %dma_start3A_663 = tpu.memref_slice %arg2[%dma_start3A_661, %dma_start3A_662] : memref<10000x16xf32, #tpu.memory_space<hbm>> -> memref<10000x16xf32, #tpu.memory_space<hbm>>
        tpu.enqueue_indirect_dma source(%dma_start3A_663 : memref<10000x16xf32, #tpu.memory_space<hbm>>) target(%dma_start3A_653 : memref<50x16xf32, #tpu.memory_space<vmem>>) offsets(%dma_start3A_660 : memref<50xi32, #tpu.memory_space<vmem>>) semaphore(%arg12 : memref<!tpu.dma_semaphore, #tpu.memory_space<semaphore_mem>>)
      } else {
      }
      %dma_wait3A_559 = arith.constant 0 : i32
      %dma_wait3A_560 = arith.constant 0 : i32
      %dma_wait3A_561 = arith.constant 0 : i32
      %dma_wait3A_562 = tpu.memref_slice %arg7[%dma_wait3A_559, %dma_wait3A_560, %dma_wait3A_561] : memref<4x50x16xf32, #tpu.memory_space<vmem>> -> memref<1x50x16xf32, #tpu.memory_space<vmem>>
      %dma_wait3A_563 = tpu.memref_squeeze %dma_wait3A_562 : memref<1x50x16xf32, #tpu.memory_space<vmem>> -> memref<50x16xf32, #tpu.memory_space<vmem>>
      %dma_wait3A_564 = arith.constant 0 : i32
      %dma_wait3A_565 = arith.constant 0 : i32
      %dma_wait3A_566 = tpu.memref_slice %arg6[%scan3A_339, %scan3A_340, %dma_wait3A_564, %dma_wait3A_565] : memref<2x2x40x50xi32, #tpu.memory_space<vmem>> -> memref<1x1x40x50xi32, #tpu.memory_space<vmem>>
      %dma_wait3A_567 = tpu.memref_squeeze %dma_wait3A_566 : memref<1x1x40x50xi32, #tpu.memory_space<vmem>> -> memref<40x50xi32, #tpu.memory_space<vmem>>
      %dma_wait3A_568 = arith.constant 0 : i32
      %dma_wait3A_569 = tpu.memref_slice %dma_wait3A_567[%add3A_552, %dma_wait3A_568] : memref<40x50xi32, #tpu.memory_space<vmem>> -> memref<1x50xi32, #tpu.memory_space<vmem>>
      %dma_wait3A_570 = tpu.memref_squeeze %dma_wait3A_569 : memref<1x50xi32, #tpu.memory_space<vmem>> -> memref<50xi32, #tpu.memory_space<vmem>>
      %dma_wait3A_571 = arith.constant 0 : i32
      %dma_wait3A_572 = arith.constant 0 : i32
      %dma_wait3A_573 = tpu.memref_slice %arg2[%dma_wait3A_571, %dma_wait3A_572] : memref<10000x16xf32, #tpu.memory_space<hbm>> -> memref<10000x16xf32, #tpu.memory_space<hbm>>
      tpu.wait_indirect_dma semaphore(%arg9 : memref<!tpu.dma_semaphore, #tpu.memory_space<semaphore_mem>>) src(%dma_wait3A_573 : memref<10000x16xf32, #tpu.memory_space<hbm>>) dst(%dma_wait3A_563 : memref<50x16xf32, #tpu.memory_space<vmem>>)
      %run_scoped3A = arith.constant 0 : i32
      "tpu.region"() ({
        %run_scoped3A_649 = tpu.sem_alloc : memref<!tpu.dma_semaphore, #tpu.memory_space<semaphore_mem>>
        %dma_start3A_650 = arith.constant 0 : i32
        %dma_start3A_651 = arith.constant 0 : i32
        %dma_start3A_652 = tpu.memref_slice %arg7[%run_scoped3A, %dma_start3A_650, %dma_start3A_651] : memref<4x50x16xf32, #tpu.memory_space<vmem>> -> memref<1x50x16xf32, #tpu.memory_space<vmem>>
        %dma_start3A_653 = tpu.memref_squeeze %dma_start3A_652 : memref<1x50x16xf32, #tpu.memory_space<vmem>> -> memref<50x16xf32, #tpu.memory_space<vmem>>
        %dma_start3A_654 = arith.constant 0 : i32
        %dma_start3A_655 = arith.constant 0 : i32
        %dma_start3A_656 = tpu.memref_slice %arg6[%scan3A_341, %scan3A_342, %dma_start3A_654, %dma_start3A_655] : memref<2x2x40x50xi32, #tpu.memory_space<vmem>> -> memref<1x1x40x50xi32, #tpu.memory_space<vmem>>
        %dma_start3A_657 = tpu.memref_squeeze %dma_start3A_656 : memref<1x1x40x50xi32, #tpu.memory_space<vmem>> -> memref<40x50xi32, #tpu.memory_space<vmem>>
        %dma_start3A_658 = arith.constant 0 : i32
        %dma_start3A_659 = tpu.memref_slice %dma_start3A_657[%add3A_552, %dma_start3A_658] : memref<40x50xi32, #tpu.memory_space<vmem>> -> memref<1x50xi32, #tpu.memory_space<vmem>>
        %dma_start3A_660 = tpu.memref_squeeze %dma_start3A_659 : memref<1x50xi32, #tpu.memory_space<vmem>> -> memref<50xi32, #tpu.memory_space<vmem>>
        %dma_start3A_661 = arith.constant 0 : i32
        %dma_start3A_662 = arith.constant 0 : i32
        %dma_start3A_663 = tpu.memref_slice %arg8[%dma_start3A_661, %dma_start3A_662] : memref<10000x16xf32, #tpu.memory_space<vmem_shared>> -> memref<10000x16xf32, #tpu.memory_space<vmem_shared>>
        tpu.enqueue_indirect_dma source(%dma_start3A_653 : memref<50x16xf32, #tpu.memory_space<vmem>>) target(%dma_start3A_663 : memref<10000x16xf32, #tpu.memory_space<vmem_shared>>) offsets(%dma_start3A_660 : memref<50xi32, #tpu.memory_space<vmem>>) semaphore(%run_scoped3A_649 : memref<!tpu.dma_semaphore, #tpu.memory_space<semaphore_mem>>) {add = true}
        %dma_wait3A_664 = arith.constant 0 : i32
        %dma_wait3A_665 = arith.constant 0 : i32
        %dma_wait3A_666 = tpu.memref_slice %arg7[%run_scoped3A, %dma_wait3A_664, %dma_wait3A_665] : memref<4x50x16xf32, #tpu.memory_space<vmem>> -> memref<1x50x16xf32, #tpu.memory_space<vmem>>
        %dma_wait3A_667 = tpu.memref_squeeze %dma_wait3A_666 : memref<1x50x16xf32, #tpu.memory_space<vmem>> -> memref<50x16xf32, #tpu.memory_space<vmem>>
        %dma_wait3A_668 = arith.constant 0 : i32
        %dma_wait3A_669 = arith.constant 0 : i32
        %dma_wait3A_670 = tpu.memref_slice %arg6[%scan3A_341, %scan3A_342, %dma_wait3A_668, %dma_wait3A_669] : memref<2x2x40x50xi32, #tpu.memory_space<vmem>> -> memref<1x1x40x50xi32, #tpu.memory_space<vmem>>
        %dma_wait3A_671 = tpu.memref_squeeze %dma_wait3A_670 : memref<1x1x40x50xi32, #tpu.memory_space<vmem>> -> memref<40x50xi32, #tpu.memory_space<vmem>>
        %dma_wait3A_672 = arith.constant 0 : i32
        %dma_wait3A_673 = tpu.memref_slice %dma_wait3A_671[%add3A_552, %dma_wait3A_672] : memref<40x50xi32, #tpu.memory_space<vmem>> -> memref<1x50xi32, #tpu.memory_space<vmem>>
        %dma_wait3A_674 = tpu.memref_squeeze %dma_wait3A_673 : memref<1x50xi32, #tpu.memory_space<vmem>> -> memref<50xi32, #tpu.memory_space<vmem>>
        %dma_wait3A_675 = arith.constant 0 : i32
        %dma_wait3A_676 = arith.constant 0 : i32
        %dma_wait3A_677 = tpu.memref_slice %arg8[%dma_wait3A_675, %dma_wait3A_676] : memref<10000x16xf32, #tpu.memory_space<vmem_shared>> -> memref<10000x16xf32, #tpu.memory_space<vmem_shared>>
        tpu.wait_indirect_dma semaphore(%run_scoped3A_649 : memref<!tpu.dma_semaphore, #tpu.memory_space<semaphore_mem>>) src(%dma_wait3A_667 : memref<50x16xf32, #tpu.memory_space<vmem>>) dst(%dma_wait3A_677 : memref<10000x16xf32, #tpu.memory_space<vmem_shared>>)
        tpu.yield
      }) : () -> ()
      %add3A_574 = arith.constant 1 : i32
      %add3A_575 = arith.addi %mul3A_550, %add3A_574 : i32
      %add3A_576 = arith.constant 3 : i32
      %add3A_577 = arith.addi %add3A_575, %add3A_576 : i32
      %lt3A_578 = arith.constant 40 : i32
      %lt3A_579 = arith.cmpi slt, %add3A_577, %lt3A_578 : i32
      %convert_element_type3A_580 = arith.extui %lt3A_579 : i1 to i32
      %cond3A_581 = arith.constant 0 : i32
      %cond3A_582 = arith.cmpi ne, %convert_element_type3A_580, %cond3A_581 : i32
      scf.if %cond3A_582 {
        %dma_start3A_649 = arith.constant 0 : i32
        %dma_start3A_650 = arith.constant 0 : i32
        %dma_start3A_651 = arith.constant 0 : i32
        %dma_start3A_652 = tpu.memref_slice %arg7[%dma_start3A_649, %dma_start3A_650, %dma_start3A_651] : memref<4x50x16xf32, #tpu.memory_space<vmem>> -> memref<1x50x16xf32, #tpu.memory_space<vmem>>
        %dma_start3A_653 = tpu.memref_squeeze %dma_start3A_652 : memref<1x50x16xf32, #tpu.memory_space<vmem>> -> memref<50x16xf32, #tpu.memory_space<vmem>>
        %dma_start3A_654 = arith.constant 0 : i32
        %dma_start3A_655 = arith.constant 0 : i32
        %dma_start3A_656 = tpu.memref_slice %arg6[%scan3A_339, %scan3A_340, %dma_start3A_654, %dma_start3A_655] : memref<2x2x40x50xi32, #tpu.memory_space<vmem>> -> memref<1x1x40x50xi32, #tpu.memory_space<vmem>>
        %dma_start3A_657 = tpu.memref_squeeze %dma_start3A_656 : memref<1x1x40x50xi32, #tpu.memory_space<vmem>> -> memref<40x50xi32, #tpu.memory_space<vmem>>
        %dma_start3A_658 = arith.constant 0 : i32
        %dma_start3A_659 = tpu.memref_slice %dma_start3A_657[%add3A_577, %dma_start3A_658] : memref<40x50xi32, #tpu.memory_space<vmem>> -> memref<1x50xi32, #tpu.memory_space<vmem>>
        %dma_start3A_660 = tpu.memref_squeeze %dma_start3A_659 : memref<1x50xi32, #tpu.memory_space<vmem>> -> memref<50xi32, #tpu.memory_space<vmem>>
        %dma_start3A_661 = arith.constant 0 : i32
        %dma_start3A_662 = arith.constant 0 : i32
        %dma_start3A_663 = tpu.memref_slice %arg2[%dma_start3A_661, %dma_start3A_662] : memref<10000x16xf32, #tpu.memory_space<hbm>> -> memref<10000x16xf32, #tpu.memory_space<hbm>>
        tpu.enqueue_indirect_dma source(%dma_start3A_663 : memref<10000x16xf32, #tpu.memory_space<hbm>>) target(%dma_start3A_653 : memref<50x16xf32, #tpu.memory_space<vmem>>) offsets(%dma_start3A_660 : memref<50xi32, #tpu.memory_space<vmem>>) semaphore(%arg9 : memref<!tpu.dma_semaphore, #tpu.memory_space<semaphore_mem>>)
      } else {
      }
      %dma_wait3A_583 = arith.constant 1 : i32
      %dma_wait3A_584 = arith.constant 0 : i32
      %dma_wait3A_585 = arith.constant 0 : i32
      %dma_wait3A_586 = tpu.memref_slice %arg7[%dma_wait3A_583, %dma_wait3A_584, %dma_wait3A_585] : memref<4x50x16xf32, #tpu.memory_space<vmem>> -> memref<1x50x16xf32, #tpu.memory_space<vmem>>
      %dma_wait3A_587 = tpu.memref_squeeze %dma_wait3A_586 : memref<1x50x16xf32, #tpu.memory_space<vmem>> -> memref<50x16xf32, #tpu.memory_space<vmem>>
      %dma_wait3A_588 = arith.constant 0 : i32
      %dma_wait3A_589 = arith.constant 0 : i32
      %dma_wait3A_590 = tpu.memref_slice %arg6[%scan3A_339, %scan3A_340, %dma_wait3A_588, %dma_wait3A_589] : memref<2x2x40x50xi32, #tpu.memory_space<vmem>> -> memref<1x1x40x50xi32, #tpu.memory_space<vmem>>
      %dma_wait3A_591 = tpu.memref_squeeze %dma_wait3A_590 : memref<1x1x40x50xi32, #tpu.memory_space<vmem>> -> memref<40x50xi32, #tpu.memory_space<vmem>>
      %dma_wait3A_592 = arith.constant 0 : i32
      %dma_wait3A_593 = tpu.memref_slice %dma_wait3A_591[%add3A_575, %dma_wait3A_592] : memref<40x50xi32, #tpu.memory_space<vmem>> -> memref<1x50xi32, #tpu.memory_space<vmem>>
      %dma_wait3A_594 = tpu.memref_squeeze %dma_wait3A_593 : memref<1x50xi32, #tpu.memory_space<vmem>> -> memref<50xi32, #tpu.memory_space<vmem>>
      %dma_wait3A_595 = arith.constant 0 : i32
      %dma_wait3A_596 = arith.constant 0 : i32
      %dma_wait3A_597 = tpu.memref_slice %arg2[%dma_wait3A_595, %dma_wait3A_596] : memref<10000x16xf32, #tpu.memory_space<hbm>> -> memref<10000x16xf32, #tpu.memory_space<hbm>>
      tpu.wait_indirect_dma semaphore(%arg10 : memref<!tpu.dma_semaphore, #tpu.memory_space<semaphore_mem>>) src(%dma_wait3A_597 : memref<10000x16xf32, #tpu.memory_space<hbm>>) dst(%dma_wait3A_587 : memref<50x16xf32, #tpu.memory_space<vmem>>)
      %run_scoped3A_598 = arith.constant 1 : i32
      "tpu.region"() ({
        %run_scoped3A_649 = tpu.sem_alloc : memref<!tpu.dma_semaphore, #tpu.memory_space<semaphore_mem>>
        %dma_start3A_650 = arith.constant 0 : i32
        %dma_start3A_651 = arith.constant 0 : i32
        %dma_start3A_652 = tpu.memref_slice %arg7[%run_scoped3A_598, %dma_start3A_650, %dma_start3A_651] : memref<4x50x16xf32, #tpu.memory_space<vmem>> -> memref<1x50x16xf32, #tpu.memory_space<vmem>>
        %dma_start3A_653 = tpu.memref_squeeze %dma_start3A_652 : memref<1x50x16xf32, #tpu.memory_space<vmem>> -> memref<50x16xf32, #tpu.memory_space<vmem>>
        %dma_start3A_654 = arith.constant 0 : i32
        %dma_start3A_655 = arith.constant 0 : i32
        %dma_start3A_656 = tpu.memref_slice %arg6[%scan3A_341, %scan3A_342, %dma_start3A_654, %dma_start3A_655] : memref<2x2x40x50xi32, #tpu.memory_space<vmem>> -> memref<1x1x40x50xi32, #tpu.memory_space<vmem>>
        %dma_start3A_657 = tpu.memref_squeeze %dma_start3A_656 : memref<1x1x40x50xi32, #tpu.memory_space<vmem>> -> memref<40x50xi32, #tpu.memory_space<vmem>>
        %dma_start3A_658 = arith.constant 0 : i32
        %dma_start3A_659 = tpu.memref_slice %dma_start3A_657[%add3A_575, %dma_start3A_658] : memref<40x50xi32, #tpu.memory_space<vmem>> -> memref<1x50xi32, #tpu.memory_space<vmem>>
        %dma_start3A_660 = tpu.memref_squeeze %dma_start3A_659 : memref<1x50xi32, #tpu.memory_space<vmem>> -> memref<50xi32, #tpu.memory_space<vmem>>
        %dma_start3A_661 = arith.constant 0 : i32
        %dma_start3A_662 = arith.constant 0 : i32
        %dma_start3A_663 = tpu.memref_slice %arg8[%dma_start3A_661, %dma_start3A_662] : memref<10000x16xf32, #tpu.memory_space<vmem_shared>> -> memref<10000x16xf32, #tpu.memory_space<vmem_shared>>
        tpu.enqueue_indirect_dma source(%dma_start3A_653 : memref<50x16xf32, #tpu.memory_space<vmem>>) target(%dma_start3A_663 : memref<10000x16xf32, #tpu.memory_space<vmem_shared>>) offsets(%dma_start3A_660 : memref<50xi32, #tpu.memory_space<vmem>>) semaphore(%run_scoped3A_649 : memref<!tpu.dma_semaphore, #tpu.memory_space<semaphore_mem>>) {add = true}
        %dma_wait3A_664 = arith.constant 0 : i32
        %dma_wait3A_665 = arith.constant 0 : i32
        %dma_wait3A_666 = tpu.memref_slice %arg7[%run_scoped3A_598, %dma_wait3A_664, %dma_wait3A_665] : memref<4x50x16xf32, #tpu.memory_space<vmem>> -> memref<1x50x16xf32, #tpu.memory_space<vmem>>
        %dma_wait3A_667 = tpu.memref_squeeze %dma_wait3A_666 : memref<1x50x16xf32, #tpu.memory_space<vmem>> -> memref<50x16xf32, #tpu.memory_space<vmem>>
        %dma_wait3A_668 = arith.constant 0 : i32
        %dma_wait3A_669 = arith.constant 0 : i32
        %dma_wait3A_670 = tpu.memref_slice %arg6[%scan3A_341, %scan3A_342, %dma_wait3A_668, %dma_wait3A_669] : memref<2x2x40x50xi32, #tpu.memory_space<vmem>> -> memref<1x1x40x50xi32, #tpu.memory_space<vmem>>
        %dma_wait3A_671 = tpu.memref_squeeze %dma_wait3A_670 : memref<1x1x40x50xi32, #tpu.memory_space<vmem>> -> memref<40x50xi32, #tpu.memory_space<vmem>>
        %dma_wait3A_672 = arith.constant 0 : i32
        %dma_wait3A_673 = tpu.memref_slice %dma_wait3A_671[%add3A_575, %dma_wait3A_672] : memref<40x50xi32, #tpu.memory_space<vmem>> -> memref<1x50xi32, #tpu.memory_space<vmem>>
        %dma_wait3A_674 = tpu.memref_squeeze %dma_wait3A_673 : memref<1x50xi32, #tpu.memory_space<vmem>> -> memref<50xi32, #tpu.memory_space<vmem>>
        %dma_wait3A_675 = arith.constant 0 : i32
        %dma_wait3A_676 = arith.constant 0 : i32
        %dma_wait3A_677 = tpu.memref_slice %arg8[%dma_wait3A_675, %dma_wait3A_676] : memref<10000x16xf32, #tpu.memory_space<vmem_shared>> -> memref<10000x16xf32, #tpu.memory_space<vmem_shared>>
        tpu.wait_indirect_dma semaphore(%run_scoped3A_649 : memref<!tpu.dma_semaphore, #tpu.memory_space<semaphore_mem>>) src(%dma_wait3A_667 : memref<50x16xf32, #tpu.memory_space<vmem>>) dst(%dma_wait3A_677 : memref<10000x16xf32, #tpu.memory_space<vmem_shared>>)
        tpu.yield
      }) : () -> ()
      %add3A_599 = arith.constant 2 : i32
      %add3A_600 = arith.addi %mul3A_550, %add3A_599 : i32
      %add3A_601 = arith.constant 3 : i32
      %add3A_602 = arith.addi %add3A_600, %add3A_601 : i32
      %lt3A_603 = arith.constant 40 : i32
      %lt3A_604 = arith.cmpi slt, %add3A_602, %lt3A_603 : i32
      %convert_element_type3A_605 = arith.extui %lt3A_604 : i1 to i32
      %cond3A_606 = arith.constant 0 : i32
      %cond3A_607 = arith.cmpi ne, %convert_element_type3A_605, %cond3A_606 : i32
      scf.if %cond3A_607 {
        %dma_start3A_649 = arith.constant 1 : i32
        %dma_start3A_650 = arith.constant 0 : i32
        %dma_start3A_651 = arith.constant 0 : i32
        %dma_start3A_652 = tpu.memref_slice %arg7[%dma_start3A_649, %dma_start3A_650, %dma_start3A_651] : memref<4x50x16xf32, #tpu.memory_space<vmem>> -> memref<1x50x16xf32, #tpu.memory_space<vmem>>
        %dma_start3A_653 = tpu.memref_squeeze %dma_start3A_652 : memref<1x50x16xf32, #tpu.memory_space<vmem>> -> memref<50x16xf32, #tpu.memory_space<vmem>>
        %dma_start3A_654 = arith.constant 0 : i32
        %dma_start3A_655 = arith.constant 0 : i32
        %dma_start3A_656 = tpu.memref_slice %arg6[%scan3A_339, %scan3A_340, %dma_start3A_654, %dma_start3A_655] : memref<2x2x40x50xi32, #tpu.memory_space<vmem>> -> memref<1x1x40x50xi32, #tpu.memory_space<vmem>>
        %dma_start3A_657 = tpu.memref_squeeze %dma_start3A_656 : memref<1x1x40x50xi32, #tpu.memory_space<vmem>> -> memref<40x50xi32, #tpu.memory_space<vmem>>
        %dma_start3A_658 = arith.constant 0 : i32
        %dma_start3A_659 = tpu.memref_slice %dma_start3A_657[%add3A_602, %dma_start3A_658] : memref<40x50xi32, #tpu.memory_space<vmem>> -> memref<1x50xi32, #tpu.memory_space<vmem>>
        %dma_start3A_660 = tpu.memref_squeeze %dma_start3A_659 : memref<1x50xi32, #tpu.memory_space<vmem>> -> memref<50xi32, #tpu.memory_space<vmem>>
        %dma_start3A_661 = arith.constant 0 : i32
        %dma_start3A_662 = arith.constant 0 : i32
        %dma_start3A_663 = tpu.memref_slice %arg2[%dma_start3A_661, %dma_start3A_662] : memref<10000x16xf32, #tpu.memory_space<hbm>> -> memref<10000x16xf32, #tpu.memory_space<hbm>>
        tpu.enqueue_indirect_dma source(%dma_start3A_663 : memref<10000x16xf32, #tpu.memory_space<hbm>>) target(%dma_start3A_653 : memref<50x16xf32, #tpu.memory_space<vmem>>) offsets(%dma_start3A_660 : memref<50xi32, #tpu.memory_space<vmem>>) semaphore(%arg10 : memref<!tpu.dma_semaphore, #tpu.memory_space<semaphore_mem>>)
      } else {
      }
      %dma_wait3A_608 = arith.constant 2 : i32
      %dma_wait3A_609 = arith.constant 0 : i32
      %dma_wait3A_610 = arith.constant 0 : i32
      %dma_wait3A_611 = tpu.memref_slice %arg7[%dma_wait3A_608, %dma_wait3A_609, %dma_wait3A_610] : memref<4x50x16xf32, #tpu.memory_space<vmem>> -> memref<1x50x16xf32, #tpu.memory_space<vmem>>
      %dma_wait3A_612 = tpu.memref_squeeze %dma_wait3A_611 : memref<1x50x16xf32, #tpu.memory_space<vmem>> -> memref<50x16xf32, #tpu.memory_space<vmem>>
      %dma_wait3A_613 = arith.constant 0 : i32
      %dma_wait3A_614 = arith.constant 0 : i32
      %dma_wait3A_615 = tpu.memref_slice %arg6[%scan3A_339, %scan3A_340, %dma_wait3A_613, %dma_wait3A_614] : memref<2x2x40x50xi32, #tpu.memory_space<vmem>> -> memref<1x1x40x50xi32, #tpu.memory_space<vmem>>
      %dma_wait3A_616 = tpu.memref_squeeze %dma_wait3A_615 : memref<1x1x40x50xi32, #tpu.memory_space<vmem>> -> memref<40x50xi32, #tpu.memory_space<vmem>>
      %dma_wait3A_617 = arith.constant 0 : i32
      %dma_wait3A_618 = tpu.memref_slice %dma_wait3A_616[%add3A_600, %dma_wait3A_617] : memref<40x50xi32, #tpu.memory_space<vmem>> -> memref<1x50xi32, #tpu.memory_space<vmem>>
      %dma_wait3A_619 = tpu.memref_squeeze %dma_wait3A_618 : memref<1x50xi32, #tpu.memory_space<vmem>> -> memref<50xi32, #tpu.memory_space<vmem>>
      %dma_wait3A_620 = arith.constant 0 : i32
      %dma_wait3A_621 = arith.constant 0 : i32
      %dma_wait3A_622 = tpu.memref_slice %arg2[%dma_wait3A_620, %dma_wait3A_621] : memref<10000x16xf32, #tpu.memory_space<hbm>> -> memref<10000x16xf32, #tpu.memory_space<hbm>>
      tpu.wait_indirect_dma semaphore(%arg11 : memref<!tpu.dma_semaphore, #tpu.memory_space<semaphore_mem>>) src(%dma_wait3A_622 : memref<10000x16xf32, #tpu.memory_space<hbm>>) dst(%dma_wait3A_612 : memref<50x16xf32, #tpu.memory_space<vmem>>)
      %run_scoped3A_623 = arith.constant 2 : i32
      "tpu.region"() ({
        %run_scoped3A_649 = tpu.sem_alloc : memref<!tpu.dma_semaphore, #tpu.memory_space<semaphore_mem>>
        %dma_start3A_650 = arith.constant 0 : i32
        %dma_start3A_651 = arith.constant 0 : i32
        %dma_start3A_652 = tpu.memref_slice %arg7[%run_scoped3A_623, %dma_start3A_650, %dma_start3A_651] : memref<4x50x16xf32, #tpu.memory_space<vmem>> -> memref<1x50x16xf32, #tpu.memory_space<vmem>>
        %dma_start3A_653 = tpu.memref_squeeze %dma_start3A_652 : memref<1x50x16xf32, #tpu.memory_space<vmem>> -> memref<50x16xf32, #tpu.memory_space<vmem>>
        %dma_start3A_654 = arith.constant 0 : i32
        %dma_start3A_655 = arith.constant 0 : i32
        %dma_start3A_656 = tpu.memref_slice %arg6[%scan3A_341, %scan3A_342, %dma_start3A_654, %dma_start3A_655] : memref<2x2x40x50xi32, #tpu.memory_space<vmem>> -> memref<1x1x40x50xi32, #tpu.memory_space<vmem>>
        %dma_start3A_657 = tpu.memref_squeeze %dma_start3A_656 : memref<1x1x40x50xi32, #tpu.memory_space<vmem>> -> memref<40x50xi32, #tpu.memory_space<vmem>>
        %dma_start3A_658 = arith.constant 0 : i32
        %dma_start3A_659 = tpu.memref_slice %dma_start3A_657[%add3A_600, %dma_start3A_658] : memref<40x50xi32, #tpu.memory_space<vmem>> -> memref<1x50xi32, #tpu.memory_space<vmem>>
        %dma_start3A_660 = tpu.memref_squeeze %dma_start3A_659 : memref<1x50xi32, #tpu.memory_space<vmem>> -> memref<50xi32, #tpu.memory_space<vmem>>
        %dma_start3A_661 = arith.constant 0 : i32
        %dma_start3A_662 = arith.constant 0 : i32
        %dma_start3A_663 = tpu.memref_slice %arg8[%dma_start3A_661, %dma_start3A_662] : memref<10000x16xf32, #tpu.memory_space<vmem_shared>> -> memref<10000x16xf32, #tpu.memory_space<vmem_shared>>
        tpu.enqueue_indirect_dma source(%dma_start3A_653 : memref<50x16xf32, #tpu.memory_space<vmem>>) target(%dma_start3A_663 : memref<10000x16xf32, #tpu.memory_space<vmem_shared>>) offsets(%dma_start3A_660 : memref<50xi32, #tpu.memory_space<vmem>>) semaphore(%run_scoped3A_649 : memref<!tpu.dma_semaphore, #tpu.memory_space<semaphore_mem>>) {add = true}
        %dma_wait3A_664 = arith.constant 0 : i32
        %dma_wait3A_665 = arith.constant 0 : i32
        %dma_wait3A_666 = tpu.memref_slice %arg7[%run_scoped3A_623, %dma_wait3A_664, %dma_wait3A_665] : memref<4x50x16xf32, #tpu.memory_space<vmem>> -> memref<1x50x16xf32, #tpu.memory_space<vmem>>
        %dma_wait3A_667 = tpu.memref_squeeze %dma_wait3A_666 : memref<1x50x16xf32, #tpu.memory_space<vmem>> -> memref<50x16xf32, #tpu.memory_space<vmem>>
        %dma_wait3A_668 = arith.constant 0 : i32
        %dma_wait3A_669 = arith.constant 0 : i32
        %dma_wait3A_670 = tpu.memref_slice %arg6[%scan3A_341, %scan3A_342, %dma_wait3A_668, %dma_wait3A_669] : memref<2x2x40x50xi32, #tpu.memory_space<vmem>> -> memref<1x1x40x50xi32, #tpu.memory_space<vmem>>
        %dma_wait3A_671 = tpu.memref_squeeze %dma_wait3A_670 : memref<1x1x40x50xi32, #tpu.memory_space<vmem>> -> memref<40x50xi32, #tpu.memory_space<vmem>>
        %dma_wait3A_672 = arith.constant 0 : i32
        %dma_wait3A_673 = tpu.memref_slice %dma_wait3A_671[%add3A_600, %dma_wait3A_672] : memref<40x50xi32, #tpu.memory_space<vmem>> -> memref<1x50xi32, #tpu.memory_space<vmem>>
        %dma_wait3A_674 = tpu.memref_squeeze %dma_wait3A_673 : memref<1x50xi32, #tpu.memory_space<vmem>> -> memref<50xi32, #tpu.memory_space<vmem>>
        %dma_wait3A_675 = arith.constant 0 : i32
        %dma_wait3A_676 = arith.constant 0 : i32
        %dma_wait3A_677 = tpu.memref_slice %arg8[%dma_wait3A_675, %dma_wait3A_676] : memref<10000x16xf32, #tpu.memory_space<vmem_shared>> -> memref<10000x16xf32, #tpu.memory_space<vmem_shared>>
        tpu.wait_indirect_dma semaphore(%run_scoped3A_649 : memref<!tpu.dma_semaphore, #tpu.memory_space<semaphore_mem>>) src(%dma_wait3A_667 : memref<50x16xf32, #tpu.memory_space<vmem>>) dst(%dma_wait3A_677 : memref<10000x16xf32, #tpu.memory_space<vmem_shared>>)
        tpu.yield
      }) : () -> ()
      %add3A_624 = arith.constant 3 : i32
      %add3A_625 = arith.addi %mul3A_550, %add3A_624 : i32
      %add3A_626 = arith.constant 3 : i32
      %add3A_627 = arith.addi %add3A_625, %add3A_626 : i32
      %lt3A_628 = arith.constant 40 : i32
      %lt3A_629 = arith.cmpi slt, %add3A_627, %lt3A_628 : i32
      %convert_element_type3A_630 = arith.extui %lt3A_629 : i1 to i32
      %cond3A_631 = arith.constant 0 : i32
      %cond3A_632 = arith.cmpi ne, %convert_element_type3A_630, %cond3A_631 : i32
      scf.if %cond3A_632 {
        %dma_start3A_649 = arith.constant 2 : i32
        %dma_start3A_650 = arith.constant 0 : i32
        %dma_start3A_651 = arith.constant 0 : i32
        %dma_start3A_652 = tpu.memref_slice %arg7[%dma_start3A_649, %dma_start3A_650, %dma_start3A_651] : memref<4x50x16xf32, #tpu.memory_space<vmem>> -> memref<1x50x16xf32, #tpu.memory_space<vmem>>
        %dma_start3A_653 = tpu.memref_squeeze %dma_start3A_652 : memref<1x50x16xf32, #tpu.memory_space<vmem>> -> memref<50x16xf32, #tpu.memory_space<vmem>>
        %dma_start3A_654 = arith.constant 0 : i32
        %dma_start3A_655 = arith.constant 0 : i32
        %dma_start3A_656 = tpu.memref_slice %arg6[%scan3A_339, %scan3A_340, %dma_start3A_654, %dma_start3A_655] : memref<2x2x40x50xi32, #tpu.memory_space<vmem>> -> memref<1x1x40x50xi32, #tpu.memory_space<vmem>>
        %dma_start3A_657 = tpu.memref_squeeze %dma_start3A_656 : memref<1x1x40x50xi32, #tpu.memory_space<vmem>> -> memref<40x50xi32, #tpu.memory_space<vmem>>
        %dma_start3A_658 = arith.constant 0 : i32
        %dma_start3A_659 = tpu.memref_slice %dma_start3A_657[%add3A_627, %dma_start3A_658] : memref<40x50xi32, #tpu.memory_space<vmem>> -> memref<1x50xi32, #tpu.memory_space<vmem>>
        %dma_start3A_660 = tpu.memref_squeeze %dma_start3A_659 : memref<1x50xi32, #tpu.memory_space<vmem>> -> memref<50xi32, #tpu.memory_space<vmem>>
        %dma_start3A_661 = arith.constant 0 : i32
        %dma_start3A_662 = arith.constant 0 : i32
        %dma_start3A_663 = tpu.memref_slice %arg2[%dma_start3A_661, %dma_start3A_662] : memref<10000x16xf32, #tpu.memory_space<hbm>> -> memref<10000x16xf32, #tpu.memory_space<hbm>>
        tpu.enqueue_indirect_dma source(%dma_start3A_663 : memref<10000x16xf32, #tpu.memory_space<hbm>>) target(%dma_start3A_653 : memref<50x16xf32, #tpu.memory_space<vmem>>) offsets(%dma_start3A_660 : memref<50xi32, #tpu.memory_space<vmem>>) semaphore(%arg11 : memref<!tpu.dma_semaphore, #tpu.memory_space<semaphore_mem>>)
      } else {
      }
      %dma_wait3A_633 = arith.constant 3 : i32
      %dma_wait3A_634 = arith.constant 0 : i32
      %dma_wait3A_635 = arith.constant 0 : i32
      %dma_wait3A_636 = tpu.memref_slice %arg7[%dma_wait3A_633, %dma_wait3A_634, %dma_wait3A_635] : memref<4x50x16xf32, #tpu.memory_space<vmem>> -> memref<1x50x16xf32, #tpu.memory_space<vmem>>
      %dma_wait3A_637 = tpu.memref_squeeze %dma_wait3A_636 : memref<1x50x16xf32, #tpu.memory_space<vmem>> -> memref<50x16xf32, #tpu.memory_space<vmem>>
      %dma_wait3A_638 = arith.constant 0 : i32
      %dma_wait3A_639 = arith.constant 0 : i32
      %dma_wait3A_640 = tpu.memref_slice %arg6[%scan3A_339, %scan3A_340, %dma_wait3A_638, %dma_wait3A_639] : memref<2x2x40x50xi32, #tpu.memory_space<vmem>> -> memref<1x1x40x50xi32, #tpu.memory_space<vmem>>
      %dma_wait3A_641 = tpu.memref_squeeze %dma_wait3A_640 : memref<1x1x40x50xi32, #tpu.memory_space<vmem>> -> memref<40x50xi32, #tpu.memory_space<vmem>>
      %dma_wait3A_642 = arith.constant 0 : i32
      %dma_wait3A_643 = tpu.memref_slice %dma_wait3A_641[%add3A_625, %dma_wait3A_642] : memref<40x50xi32, #tpu.memory_space<vmem>> -> memref<1x50xi32, #tpu.memory_space<vmem>>
      %dma_wait3A_644 = tpu.memref_squeeze %dma_wait3A_643 : memref<1x50xi32, #tpu.memory_space<vmem>> -> memref<50xi32, #tpu.memory_space<vmem>>
      %dma_wait3A_645 = arith.constant 0 : i32
      %dma_wait3A_646 = arith.constant 0 : i32
      %dma_wait3A_647 = tpu.memref_slice %arg2[%dma_wait3A_645, %dma_wait3A_646] : memref<10000x16xf32, #tpu.memory_space<hbm>> -> memref<10000x16xf32, #tpu.memory_space<hbm>>
      tpu.wait_indirect_dma semaphore(%arg12 : memref<!tpu.dma_semaphore, #tpu.memory_space<semaphore_mem>>) src(%dma_wait3A_647 : memref<10000x16xf32, #tpu.memory_space<hbm>>) dst(%dma_wait3A_637 : memref<50x16xf32, #tpu.memory_space<vmem>>)
      %run_scoped3A_648 = arith.constant 3 : i32
      "tpu.region"() ({
        %run_scoped3A_649 = tpu.sem_alloc : memref<!tpu.dma_semaphore, #tpu.memory_space<semaphore_mem>>
        %dma_start3A_650 = arith.constant 0 : i32
        %dma_start3A_651 = arith.constant 0 : i32
        %dma_start3A_652 = tpu.memref_slice %arg7[%run_scoped3A_648, %dma_start3A_650, %dma_start3A_651] : memref<4x50x16xf32, #tpu.memory_space<vmem>> -> memref<1x50x16xf32, #tpu.memory_space<vmem>>
        %dma_start3A_653 = tpu.memref_squeeze %dma_start3A_652 : memref<1x50x16xf32, #tpu.memory_space<vmem>> -> memref<50x16xf32, #tpu.memory_space<vmem>>
        %dma_start3A_654 = arith.constant 0 : i32
        %dma_start3A_655 = arith.constant 0 : i32
        %dma_start3A_656 = tpu.memref_slice %arg6[%scan3A_341, %scan3A_342, %dma_start3A_654, %dma_start3A_655] : memref<2x2x40x50xi32, #tpu.memory_space<vmem>> -> memref<1x1x40x50xi32, #tpu.memory_space<vmem>>
        %dma_start3A_657 = tpu.memref_squeeze %dma_start3A_656 : memref<1x1x40x50xi32, #tpu.memory_space<vmem>> -> memref<40x50xi32, #tpu.memory_space<vmem>>
        %dma_start3A_658 = arith.constant 0 : i32
        %dma_start3A_659 = tpu.memref_slice %dma_start3A_657[%add3A_625, %dma_start3A_658] : memref<40x50xi32, #tpu.memory_space<vmem>> -> memref<1x50xi32, #tpu.memory_space<vmem>>
        %dma_start3A_660 = tpu.memref_squeeze %dma_start3A_659 : memref<1x50xi32, #tpu.memory_space<vmem>> -> memref<50xi32, #tpu.memory_space<vmem>>
        %dma_start3A_661 = arith.constant 0 : i32
        %dma_start3A_662 = arith.constant 0 : i32
        %dma_start3A_663 = tpu.memref_slice %arg8[%dma_start3A_661, %dma_start3A_662] : memref<10000x16xf32, #tpu.memory_space<vmem_shared>> -> memref<10000x16xf32, #tpu.memory_space<vmem_shared>>
        tpu.enqueue_indirect_dma source(%dma_start3A_653 : memref<50x16xf32, #tpu.memory_space<vmem>>) target(%dma_start3A_663 : memref<10000x16xf32, #tpu.memory_space<vmem_shared>>) offsets(%dma_start3A_660 : memref<50xi32, #tpu.memory_space<vmem>>) semaphore(%run_scoped3A_649 : memref<!tpu.dma_semaphore, #tpu.memory_space<semaphore_mem>>) {add = true}
        %dma_wait3A_664 = arith.constant 0 : i32
        %dma_wait3A_665 = arith.constant 0 : i32
        %dma_wait3A_666 = tpu.memref_slice %arg7[%run_scoped3A_648, %dma_wait3A_664, %dma_wait3A_665] : memref<4x50x16xf32, #tpu.memory_space<vmem>> -> memref<1x50x16xf32, #tpu.memory_space<vmem>>
        %dma_wait3A_667 = tpu.memref_squeeze %dma_wait3A_666 : memref<1x50x16xf32, #tpu.memory_space<vmem>> -> memref<50x16xf32, #tpu.memory_space<vmem>>
        %dma_wait3A_668 = arith.constant 0 : i32
        %dma_wait3A_669 = arith.constant 0 : i32
        %dma_wait3A_670 = tpu.memref_slice %arg6[%scan3A_341, %scan3A_342, %dma_wait3A_668, %dma_wait3A_669] : memref<2x2x40x50xi32, #tpu.memory_space<vmem>> -> memref<1x1x40x50xi32, #tpu.memory_space<vmem>>
        %dma_wait3A_671 = tpu.memref_squeeze %dma_wait3A_670 : memref<1x1x40x50xi32, #tpu.memory_space<vmem>> -> memref<40x50xi32, #tpu.memory_space<vmem>>
        %dma_wait3A_672 = arith.constant 0 : i32
        %dma_wait3A_673 = tpu.memref_slice %dma_wait3A_671[%add3A_625, %dma_wait3A_672] : memref<40x50xi32, #tpu.memory_space<vmem>> -> memref<1x50xi32, #tpu.memory_space<vmem>>
        %dma_wait3A_674 = tpu.memref_squeeze %dma_wait3A_673 : memref<1x50xi32, #tpu.memory_space<vmem>> -> memref<50xi32, #tpu.memory_space<vmem>>
        %dma_wait3A_675 = arith.constant 0 : i32
        %dma_wait3A_676 = arith.constant 0 : i32
        %dma_wait3A_677 = tpu.memref_slice %arg8[%dma_wait3A_675, %dma_wait3A_676] : memref<10000x16xf32, #tpu.memory_space<vmem_shared>> -> memref<10000x16xf32, #tpu.memory_space<vmem_shared>>
        tpu.wait_indirect_dma semaphore(%run_scoped3A_649 : memref<!tpu.dma_semaphore, #tpu.memory_space<semaphore_mem>>) src(%dma_wait3A_667 : memref<50x16xf32, #tpu.memory_space<vmem>>) dst(%dma_wait3A_677 : memref<10000x16xf32, #tpu.memory_space<vmem_shared>>)
        tpu.yield
      }) : () -> ()
    }
    %scan3A_347 = arith.constant 10 : i32
    %dma_wait3A_348 = arith.constant 3 : i32
    %dma_wait3A_349 = arith.constant 1 : i32
    %dma_wait3A_350 = arith.constant 0 : i32
    %dma_wait3A_351 = arith.constant 0 : i32
    %dma_wait3A_352 = arith.constant 0 : i32
    %dma_wait3A_353 = tpu.memref_slice %arg6[%dma_wait3A_349, %dma_wait3A_350, %dma_wait3A_351, %dma_wait3A_352] : memref<2x2x40x50xi32, #tpu.memory_space<vmem>> -> memref<1x2x40x50xi32, #tpu.memory_space<vmem>>
    %dma_wait3A_354 = tpu.memref_squeeze %dma_wait3A_353 : memref<1x2x40x50xi32, #tpu.memory_space<vmem>> -> memref<2x40x50xi32, #tpu.memory_space<vmem>>
    %dma_wait3A_355 = arith.constant 0 : i32
    %dma_wait3A_356 = arith.constant 0 : i32
    %dma_wait3A_357 = arith.constant 0 : i32
    %dma_wait3A_358 = tpu.memref_slice %arg3[%add3A, %dma_wait3A_348, %dma_wait3A_355, %dma_wait3A_356, %dma_wait3A_357] : memref<32x5x2x40x50xi32, #tpu.memory_space<hbm>> -> memref<1x1x2x40x50xi32, #tpu.memory_space<hbm>>
    %dma_wait3A_359 = tpu.memref_squeeze %dma_wait3A_358 : memref<1x1x2x40x50xi32, #tpu.memory_space<hbm>> -> memref<2x40x50xi32, #tpu.memory_space<hbm>>
    %dma_wait3A_360 = arith.constant 0 : i32
    %dma_wait3A_361 = arith.constant 0 : i32
    %dma_wait3A_362 = arith.constant 0 : i32
    %dma_wait3A_363 = tpu.memref_slice %arg6[%dma_wait3A_349, %dma_wait3A_360, %dma_wait3A_361, %dma_wait3A_362] : memref<2x2x40x50xi32, #tpu.memory_space<vmem>> -> memref<1x2x40x50xi32, #tpu.memory_space<vmem>>
    %dma_wait3A_364 = tpu.memref_squeeze %dma_wait3A_363 : memref<1x2x40x50xi32, #tpu.memory_space<vmem>> -> memref<2x40x50xi32, #tpu.memory_space<vmem>>
    %dma_wait3A_365 = arith.constant 0 : i32
    %dma_wait3A_366 = arith.constant 0 : i32
    %dma_wait3A_367 = arith.constant 0 : i32
    %dma_wait3A_368 = tpu.memref_slice %arg3[%add3A, %dma_wait3A_348, %dma_wait3A_365, %dma_wait3A_366, %dma_wait3A_367] : memref<32x5x2x40x50xi32, #tpu.memory_space<hbm>> -> memref<1x1x2x40x50xi32, #tpu.memory_space<hbm>>
    %dma_wait3A_369 = tpu.memref_squeeze %dma_wait3A_368 : memref<1x1x2x40x50xi32, #tpu.memory_space<hbm>> -> memref<2x40x50xi32, #tpu.memory_space<hbm>>
    tpu.wait_dma2 semaphore(%arg14 : memref<!tpu.dma_semaphore, #tpu.memory_space<semaphore_mem>>) src(%dma_wait3A_369 : memref<2x40x50xi32, #tpu.memory_space<hbm>>) dst(%dma_wait3A_364 : memref<2x40x50xi32, #tpu.memory_space<vmem>>)
    %dma_start3A_370 = arith.constant 4 : i32
    %dma_start3A_371 = arith.constant 0 : i32
    %dma_start3A_372 = arith.constant 0 : i32
    %dma_start3A_373 = arith.constant 0 : i32
    %dma_start3A_374 = arith.constant 0 : i32
    %dma_start3A_375 = tpu.memref_slice %arg6[%dma_start3A_371, %dma_start3A_372, %dma_start3A_373, %dma_start3A_374] : memref<2x2x40x50xi32, #tpu.memory_space<vmem>> -> memref<1x2x40x50xi32, #tpu.memory_space<vmem>>
    %dma_start3A_376 = tpu.memref_squeeze %dma_start3A_375 : memref<1x2x40x50xi32, #tpu.memory_space<vmem>> -> memref<2x40x50xi32, #tpu.memory_space<vmem>>
    %dma_start3A_377 = arith.constant 0 : i32
    %dma_start3A_378 = arith.constant 0 : i32
    %dma_start3A_379 = arith.constant 0 : i32
    %dma_start3A_380 = tpu.memref_slice %arg3[%add3A, %dma_start3A_370, %dma_start3A_377, %dma_start3A_378, %dma_start3A_379] : memref<32x5x2x40x50xi32, #tpu.memory_space<hbm>> -> memref<1x1x2x40x50xi32, #tpu.memory_space<hbm>>
    %dma_start3A_381 = tpu.memref_squeeze %dma_start3A_380 : memref<1x1x2x40x50xi32, #tpu.memory_space<hbm>> -> memref<2x40x50xi32, #tpu.memory_space<hbm>>
    %dma_start3A_382 = arith.constant 0 : i32
    %dma_start3A_383 = arith.constant 0 : i32
    %dma_start3A_384 = arith.constant 0 : i32
    %dma_start3A_385 = tpu.memref_slice %arg6[%dma_start3A_371, %dma_start3A_382, %dma_start3A_383, %dma_start3A_384] : memref<2x2x40x50xi32, #tpu.memory_space<vmem>> -> memref<1x2x40x50xi32, #tpu.memory_space<vmem>>
    %dma_start3A_386 = tpu.memref_squeeze %dma_start3A_385 : memref<1x2x40x50xi32, #tpu.memory_space<vmem>> -> memref<2x40x50xi32, #tpu.memory_space<vmem>>
    %dma_start3A_387 = arith.constant 0 : i32
    %dma_start3A_388 = arith.constant 0 : i32
    %dma_start3A_389 = arith.constant 0 : i32
    %dma_start3A_390 = tpu.memref_slice %arg3[%add3A, %dma_start3A_370, %dma_start3A_387, %dma_start3A_388, %dma_start3A_389] : memref<32x5x2x40x50xi32, #tpu.memory_space<hbm>> -> memref<1x1x2x40x50xi32, #tpu.memory_space<hbm>>
    %dma_start3A_391 = tpu.memref_squeeze %dma_start3A_390 : memref<1x1x2x40x50xi32, #tpu.memory_space<hbm>> -> memref<2x40x50xi32, #tpu.memory_space<hbm>>
    tpu.enqueue_dma source(%dma_start3A_391 : memref<2x40x50xi32, #tpu.memory_space<hbm>>) target(%dma_start3A_386 : memref<2x40x50xi32, #tpu.memory_space<vmem>>) target_semaphore(%arg13 : memref<!tpu.dma_semaphore, #tpu.memory_space<semaphore_mem>>)
    %dma_start3A_392 = arith.constant 1 : i32
    %dma_start3A_393 = arith.constant 0 : i32
    %dma_start3A_394 = arith.constant 0 : i32
    %dma_start3A_395 = arith.constant 0 : i32
    %dma_start3A_396 = arith.constant 0 : i32
    %dma_start3A_397 = arith.constant 0 : i32
    %dma_start3A_398 = tpu.memref_slice %arg7[%dma_start3A_395, %dma_start3A_396, %dma_start3A_397] : memref<4x50x16xf32, #tpu.memory_space<vmem>> -> memref<1x50x16xf32, #tpu.memory_space<vmem>>
    %dma_start3A_399 = tpu.memref_squeeze %dma_start3A_398 : memref<1x50x16xf32, #tpu.memory_space<vmem>> -> memref<50x16xf32, #tpu.memory_space<vmem>>
    %dma_start3A_400 = arith.constant 0 : i32
    %dma_start3A_401 = arith.constant 0 : i32
    %dma_start3A_402 = tpu.memref_slice %arg6[%dma_start3A_392, %dma_start3A_393, %dma_start3A_400, %dma_start3A_401] : memref<2x2x40x50xi32, #tpu.memory_space<vmem>> -> memref<1x1x40x50xi32, #tpu.memory_space<vmem>>
    %dma_start3A_403 = tpu.memref_squeeze %dma_start3A_402 : memref<1x1x40x50xi32, #tpu.memory_space<vmem>> -> memref<40x50xi32, #tpu.memory_space<vmem>>
    %dma_start3A_404 = arith.constant 0 : i32
    %dma_start3A_405 = tpu.memref_slice %dma_start3A_403[%dma_start3A_394, %dma_start3A_404] : memref<40x50xi32, #tpu.memory_space<vmem>> -> memref<1x50xi32, #tpu.memory_space<vmem>>
    %dma_start3A_406 = tpu.memref_squeeze %dma_start3A_405 : memref<1x50xi32, #tpu.memory_space<vmem>> -> memref<50xi32, #tpu.memory_space<vmem>>
    %dma_start3A_407 = arith.constant 0 : i32
    %dma_start3A_408 = arith.constant 0 : i32
    %dma_start3A_409 = tpu.memref_slice %arg2[%dma_start3A_407, %dma_start3A_408] : memref<10000x16xf32, #tpu.memory_space<hbm>> -> memref<10000x16xf32, #tpu.memory_space<hbm>>
    tpu.enqueue_indirect_dma source(%dma_start3A_409 : memref<10000x16xf32, #tpu.memory_space<hbm>>) target(%dma_start3A_399 : memref<50x16xf32, #tpu.memory_space<vmem>>) offsets(%dma_start3A_406 : memref<50xi32, #tpu.memory_space<vmem>>) semaphore(%arg9 : memref<!tpu.dma_semaphore, #tpu.memory_space<semaphore_mem>>)
    %dma_start3A_410 = arith.constant 1 : i32
    %dma_start3A_411 = arith.constant 0 : i32
    %dma_start3A_412 = arith.constant 1 : i32
    %dma_start3A_413 = arith.constant 1 : i32
    %dma_start3A_414 = arith.constant 0 : i32
    %dma_start3A_415 = arith.constant 0 : i32
    %dma_start3A_416 = tpu.memref_slice %arg7[%dma_start3A_413, %dma_start3A_414, %dma_start3A_415] : memref<4x50x16xf32, #tpu.memory_space<vmem>> -> memref<1x50x16xf32, #tpu.memory_space<vmem>>
    %dma_start3A_417 = tpu.memref_squeeze %dma_start3A_416 : memref<1x50x16xf32, #tpu.memory_space<vmem>> -> memref<50x16xf32, #tpu.memory_space<vmem>>
    %dma_start3A_418 = arith.constant 0 : i32
    %dma_start3A_419 = arith.constant 0 : i32
    %dma_start3A_420 = tpu.memref_slice %arg6[%dma_start3A_410, %dma_start3A_411, %dma_start3A_418, %dma_start3A_419] : memref<2x2x40x50xi32, #tpu.memory_space<vmem>> -> memref<1x1x40x50xi32, #tpu.memory_space<vmem>>
    %dma_start3A_421 = tpu.memref_squeeze %dma_start3A_420 : memref<1x1x40x50xi32, #tpu.memory_space<vmem>> -> memref<40x50xi32, #tpu.memory_space<vmem>>
    %dma_start3A_422 = arith.constant 0 : i32
    %dma_start3A_423 = tpu.memref_slice %dma_start3A_421[%dma_start3A_412, %dma_start3A_422] : memref<40x50xi32, #tpu.memory_space<vmem>> -> memref<1x50xi32, #tpu.memory_space<vmem>>
    %dma_start3A_424 = tpu.memref_squeeze %dma_start3A_423 : memref<1x50xi32, #tpu.memory_space<vmem>> -> memref<50xi32, #tpu.memory_space<vmem>>
    %dma_start3A_425 = arith.constant 0 : i32
    %dma_start3A_426 = arith.constant 0 : i32
    %dma_start3A_427 = tpu.memref_slice %arg2[%dma_start3A_425, %dma_start3A_426] : memref<10000x16xf32, #tpu.memory_space<hbm>> -> memref<10000x16xf32, #tpu.memory_space<hbm>>
    tpu.enqueue_indirect_dma source(%dma_start3A_427 : memref<10000x16xf32, #tpu.memory_space<hbm>>) target(%dma_start3A_417 : memref<50x16xf32, #tpu.memory_space<vmem>>) offsets(%dma_start3A_424 : memref<50xi32, #tpu.memory_space<vmem>>) semaphore(%arg10 : memref<!tpu.dma_semaphore, #tpu.memory_space<semaphore_mem>>)
    %dma_start3A_428 = arith.constant 1 : i32
    %dma_start3A_429 = arith.constant 0 : i32
    %dma_start3A_430 = arith.constant 2 : i32
    %dma_start3A_431 = arith.constant 2 : i32
    %dma_start3A_432 = arith.constant 0 : i32
    %dma_start3A_433 = arith.constant 0 : i32
    %dma_start3A_434 = tpu.memref_slice %arg7[%dma_start3A_431, %dma_start3A_432, %dma_start3A_433] : memref<4x50x16xf32, #tpu.memory_space<vmem>> -> memref<1x50x16xf32, #tpu.memory_space<vmem>>
    %dma_start3A_435 = tpu.memref_squeeze %dma_start3A_434 : memref<1x50x16xf32, #tpu.memory_space<vmem>> -> memref<50x16xf32, #tpu.memory_space<vmem>>
    %dma_start3A_436 = arith.constant 0 : i32
    %dma_start3A_437 = arith.constant 0 : i32
    %dma_start3A_438 = tpu.memref_slice %arg6[%dma_start3A_428, %dma_start3A_429, %dma_start3A_436, %dma_start3A_437] : memref<2x2x40x50xi32, #tpu.memory_space<vmem>> -> memref<1x1x40x50xi32, #tpu.memory_space<vmem>>
    %dma_start3A_439 = tpu.memref_squeeze %dma_start3A_438 : memref<1x1x40x50xi32, #tpu.memory_space<vmem>> -> memref<40x50xi32, #tpu.memory_space<vmem>>
    %dma_start3A_440 = arith.constant 0 : i32
    %dma_start3A_441 = tpu.memref_slice %dma_start3A_439[%dma_start3A_430, %dma_start3A_440] : memref<40x50xi32, #tpu.memory_space<vmem>> -> memref<1x50xi32, #tpu.memory_space<vmem>>
    %dma_start3A_442 = tpu.memref_squeeze %dma_start3A_441 : memref<1x50xi32, #tpu.memory_space<vmem>> -> memref<50xi32, #tpu.memory_space<vmem>>
    %dma_start3A_443 = arith.constant 0 : i32
    %dma_start3A_444 = arith.constant 0 : i32
    %dma_start3A_445 = tpu.memref_slice %arg2[%dma_start3A_443, %dma_start3A_444] : memref<10000x16xf32, #tpu.memory_space<hbm>> -> memref<10000x16xf32, #tpu.memory_space<hbm>>
    tpu.enqueue_indirect_dma source(%dma_start3A_445 : memref<10000x16xf32, #tpu.memory_space<hbm>>) target(%dma_start3A_435 : memref<50x16xf32, #tpu.memory_space<vmem>>) offsets(%dma_start3A_442 : memref<50xi32, #tpu.memory_space<vmem>>) semaphore(%arg11 : memref<!tpu.dma_semaphore, #tpu.memory_space<semaphore_mem>>)
    %scan3A_446 = arith.constant 0 : i32
    %scan3A_447 = arith.constant 1 : i32
    %scan3A_448 = arith.constant 0 : i32
    %scan3A_449 = arith.constant 1 : i32
    %scan3A_450 = arith.constant 1 : i32
    %scan3A_451 = arith.constant 0 : i32
    %scan3A_452 = arith.constant 10 : i32
    %scan3A_453 = arith.addi %scan3A_451, %scan3A_452 : i32
    %scan3A_454 = arith.constant 1 : i32
    scf.for %scan3A_548 = %scan3A_451 to %scan3A_453 step %scan3A_454  : i32 {
      %mul3A_549 = arith.constant 4 : i32
      %mul3A_550 = arith.muli %mul3A_549, %scan3A_548 : i32
      %add3A_551 = arith.constant 0 : i32
      %add3A_552 = arith.addi %mul3A_550, %add3A_551 : i32
      %add3A_553 = arith.constant 3 : i32
      %add3A_554 = arith.addi %add3A_552, %add3A_553 : i32
      %lt3A = arith.constant 40 : i32
      %lt3A_555 = arith.cmpi slt, %add3A_554, %lt3A : i32
      %convert_element_type3A_556 = arith.extui %lt3A_555 : i1 to i32
      %cond3A_557 = arith.constant 0 : i32
      %cond3A_558 = arith.cmpi ne, %convert_element_type3A_556, %cond3A_557 : i32
      scf.if %cond3A_558 {
        %dma_start3A_649 = arith.constant 3 : i32
        %dma_start3A_650 = arith.constant 0 : i32
        %dma_start3A_651 = arith.constant 0 : i32
        %dma_start3A_652 = tpu.memref_slice %arg7[%dma_start3A_649, %dma_start3A_650, %dma_start3A_651] : memref<4x50x16xf32, #tpu.memory_space<vmem>> -> memref<1x50x16xf32, #tpu.memory_space<vmem>>
        %dma_start3A_653 = tpu.memref_squeeze %dma_start3A_652 : memref<1x50x16xf32, #tpu.memory_space<vmem>> -> memref<50x16xf32, #tpu.memory_space<vmem>>
        %dma_start3A_654 = arith.constant 0 : i32
        %dma_start3A_655 = arith.constant 0 : i32
        %dma_start3A_656 = tpu.memref_slice %arg6[%scan3A_447, %scan3A_448, %dma_start3A_654, %dma_start3A_655] : memref<2x2x40x50xi32, #tpu.memory_space<vmem>> -> memref<1x1x40x50xi32, #tpu.memory_space<vmem>>
        %dma_start3A_657 = tpu.memref_squeeze %dma_start3A_656 : memref<1x1x40x50xi32, #tpu.memory_space<vmem>> -> memref<40x50xi32, #tpu.memory_space<vmem>>
        %dma_start3A_658 = arith.constant 0 : i32
        %dma_start3A_659 = tpu.memref_slice %dma_start3A_657[%add3A_554, %dma_start3A_658] : memref<40x50xi32, #tpu.memory_space<vmem>> -> memref<1x50xi32, #tpu.memory_space<vmem>>
        %dma_start3A_660 = tpu.memref_squeeze %dma_start3A_659 : memref<1x50xi32, #tpu.memory_space<vmem>> -> memref<50xi32, #tpu.memory_space<vmem>>
        %dma_start3A_661 = arith.constant 0 : i32
        %dma_start3A_662 = arith.constant 0 : i32
        %dma_start3A_663 = tpu.memref_slice %arg2[%dma_start3A_661, %dma_start3A_662] : memref<10000x16xf32, #tpu.memory_space<hbm>> -> memref<10000x16xf32, #tpu.memory_space<hbm>>
        tpu.enqueue_indirect_dma source(%dma_start3A_663 : memref<10000x16xf32, #tpu.memory_space<hbm>>) target(%dma_start3A_653 : memref<50x16xf32, #tpu.memory_space<vmem>>) offsets(%dma_start3A_660 : memref<50xi32, #tpu.memory_space<vmem>>) semaphore(%arg12 : memref<!tpu.dma_semaphore, #tpu.memory_space<semaphore_mem>>)
      } else {
      }
      %dma_wait3A_559 = arith.constant 0 : i32
      %dma_wait3A_560 = arith.constant 0 : i32
      %dma_wait3A_561 = arith.constant 0 : i32
      %dma_wait3A_562 = tpu.memref_slice %arg7[%dma_wait3A_559, %dma_wait3A_560, %dma_wait3A_561] : memref<4x50x16xf32, #tpu.memory_space<vmem>> -> memref<1x50x16xf32, #tpu.memory_space<vmem>>
      %dma_wait3A_563 = tpu.memref_squeeze %dma_wait3A_562 : memref<1x50x16xf32, #tpu.memory_space<vmem>> -> memref<50x16xf32, #tpu.memory_space<vmem>>
      %dma_wait3A_564 = arith.constant 0 : i32
      %dma_wait3A_565 = arith.constant 0 : i32
      %dma_wait3A_566 = tpu.memref_slice %arg6[%scan3A_447, %scan3A_448, %dma_wait3A_564, %dma_wait3A_565] : memref<2x2x40x50xi32, #tpu.memory_space<vmem>> -> memref<1x1x40x50xi32, #tpu.memory_space<vmem>>
      %dma_wait3A_567 = tpu.memref_squeeze %dma_wait3A_566 : memref<1x1x40x50xi32, #tpu.memory_space<vmem>> -> memref<40x50xi32, #tpu.memory_space<vmem>>
      %dma_wait3A_568 = arith.constant 0 : i32
      %dma_wait3A_569 = tpu.memref_slice %dma_wait3A_567[%add3A_552, %dma_wait3A_568] : memref<40x50xi32, #tpu.memory_space<vmem>> -> memref<1x50xi32, #tpu.memory_space<vmem>>
      %dma_wait3A_570 = tpu.memref_squeeze %dma_wait3A_569 : memref<1x50xi32, #tpu.memory_space<vmem>> -> memref<50xi32, #tpu.memory_space<vmem>>
      %dma_wait3A_571 = arith.constant 0 : i32
      %dma_wait3A_572 = arith.constant 0 : i32
      %dma_wait3A_573 = tpu.memref_slice %arg2[%dma_wait3A_571, %dma_wait3A_572] : memref<10000x16xf32, #tpu.memory_space<hbm>> -> memref<10000x16xf32, #tpu.memory_space<hbm>>
      tpu.wait_indirect_dma semaphore(%arg9 : memref<!tpu.dma_semaphore, #tpu.memory_space<semaphore_mem>>) src(%dma_wait3A_573 : memref<10000x16xf32, #tpu.memory_space<hbm>>) dst(%dma_wait3A_563 : memref<50x16xf32, #tpu.memory_space<vmem>>)
      %run_scoped3A = arith.constant 0 : i32
      "tpu.region"() ({
        %run_scoped3A_649 = tpu.sem_alloc : memref<!tpu.dma_semaphore, #tpu.memory_space<semaphore_mem>>
        %dma_start3A_650 = arith.constant 0 : i32
        %dma_start3A_651 = arith.constant 0 : i32
        %dma_start3A_652 = tpu.memref_slice %arg7[%run_scoped3A, %dma_start3A_650, %dma_start3A_651] : memref<4x50x16xf32, #tpu.memory_space<vmem>> -> memref<1x50x16xf32, #tpu.memory_space<vmem>>
        %dma_start3A_653 = tpu.memref_squeeze %dma_start3A_652 : memref<1x50x16xf32, #tpu.memory_space<vmem>> -> memref<50x16xf32, #tpu.memory_space<vmem>>
        %dma_start3A_654 = arith.constant 0 : i32
        %dma_start3A_655 = arith.constant 0 : i32
        %dma_start3A_656 = tpu.memref_slice %arg6[%scan3A_449, %scan3A_450, %dma_start3A_654, %dma_start3A_655] : memref<2x2x40x50xi32, #tpu.memory_space<vmem>> -> memref<1x1x40x50xi32, #tpu.memory_space<vmem>>
        %dma_start3A_657 = tpu.memref_squeeze %dma_start3A_656 : memref<1x1x40x50xi32, #tpu.memory_space<vmem>> -> memref<40x50xi32, #tpu.memory_space<vmem>>
        %dma_start3A_658 = arith.constant 0 : i32
        %dma_start3A_659 = tpu.memref_slice %dma_start3A_657[%add3A_552, %dma_start3A_658] : memref<40x50xi32, #tpu.memory_space<vmem>> -> memref<1x50xi32, #tpu.memory_space<vmem>>
        %dma_start3A_660 = tpu.memref_squeeze %dma_start3A_659 : memref<1x50xi32, #tpu.memory_space<vmem>> -> memref<50xi32, #tpu.memory_space<vmem>>
        %dma_start3A_661 = arith.constant 0 : i32
        %dma_start3A_662 = arith.constant 0 : i32
        %dma_start3A_663 = tpu.memref_slice %arg8[%dma_start3A_661, %dma_start3A_662] : memref<10000x16xf32, #tpu.memory_space<vmem_shared>> -> memref<10000x16xf32, #tpu.memory_space<vmem_shared>>
        tpu.enqueue_indirect_dma source(%dma_start3A_653 : memref<50x16xf32, #tpu.memory_space<vmem>>) target(%dma_start3A_663 : memref<10000x16xf32, #tpu.memory_space<vmem_shared>>) offsets(%dma_start3A_660 : memref<50xi32, #tpu.memory_space<vmem>>) semaphore(%run_scoped3A_649 : memref<!tpu.dma_semaphore, #tpu.memory_space<semaphore_mem>>) {add = true}
        %dma_wait3A_664 = arith.constant 0 : i32
        %dma_wait3A_665 = arith.constant 0 : i32
        %dma_wait3A_666 = tpu.memref_slice %arg7[%run_scoped3A, %dma_wait3A_664, %dma_wait3A_665] : memref<4x50x16xf32, #tpu.memory_space<vmem>> -> memref<1x50x16xf32, #tpu.memory_space<vmem>>
        %dma_wait3A_667 = tpu.memref_squeeze %dma_wait3A_666 : memref<1x50x16xf32, #tpu.memory_space<vmem>> -> memref<50x16xf32, #tpu.memory_space<vmem>>
        %dma_wait3A_668 = arith.constant 0 : i32
        %dma_wait3A_669 = arith.constant 0 : i32
        %dma_wait3A_670 = tpu.memref_slice %arg6[%scan3A_449, %scan3A_450, %dma_wait3A_668, %dma_wait3A_669] : memref<2x2x40x50xi32, #tpu.memory_space<vmem>> -> memref<1x1x40x50xi32, #tpu.memory_space<vmem>>
        %dma_wait3A_671 = tpu.memref_squeeze %dma_wait3A_670 : memref<1x1x40x50xi32, #tpu.memory_space<vmem>> -> memref<40x50xi32, #tpu.memory_space<vmem>>
        %dma_wait3A_672 = arith.constant 0 : i32
        %dma_wait3A_673 = tpu.memref_slice %dma_wait3A_671[%add3A_552, %dma_wait3A_672] : memref<40x50xi32, #tpu.memory_space<vmem>> -> memref<1x50xi32, #tpu.memory_space<vmem>>
        %dma_wait3A_674 = tpu.memref_squeeze %dma_wait3A_673 : memref<1x50xi32, #tpu.memory_space<vmem>> -> memref<50xi32, #tpu.memory_space<vmem>>
        %dma_wait3A_675 = arith.constant 0 : i32
        %dma_wait3A_676 = arith.constant 0 : i32
        %dma_wait3A_677 = tpu.memref_slice %arg8[%dma_wait3A_675, %dma_wait3A_676] : memref<10000x16xf32, #tpu.memory_space<vmem_shared>> -> memref<10000x16xf32, #tpu.memory_space<vmem_shared>>
        tpu.wait_indirect_dma semaphore(%run_scoped3A_649 : memref<!tpu.dma_semaphore, #tpu.memory_space<semaphore_mem>>) src(%dma_wait3A_667 : memref<50x16xf32, #tpu.memory_space<vmem>>) dst(%dma_wait3A_677 : memref<10000x16xf32, #tpu.memory_space<vmem_shared>>)
        tpu.yield
      }) : () -> ()
      %add3A_574 = arith.constant 1 : i32
      %add3A_575 = arith.addi %mul3A_550, %add3A_574 : i32
      %add3A_576 = arith.constant 3 : i32
      %add3A_577 = arith.addi %add3A_575, %add3A_576 : i32
      %lt3A_578 = arith.constant 40 : i32
      %lt3A_579 = arith.cmpi slt, %add3A_577, %lt3A_578 : i32
      %convert_element_type3A_580 = arith.extui %lt3A_579 : i1 to i32
      %cond3A_581 = arith.constant 0 : i32
      %cond3A_582 = arith.cmpi ne, %convert_element_type3A_580, %cond3A_581 : i32
      scf.if %cond3A_582 {
        %dma_start3A_649 = arith.constant 0 : i32
        %dma_start3A_650 = arith.constant 0 : i32
        %dma_start3A_651 = arith.constant 0 : i32
        %dma_start3A_652 = tpu.memref_slice %arg7[%dma_start3A_649, %dma_start3A_650, %dma_start3A_651] : memref<4x50x16xf32, #tpu.memory_space<vmem>> -> memref<1x50x16xf32, #tpu.memory_space<vmem>>
        %dma_start3A_653 = tpu.memref_squeeze %dma_start3A_652 : memref<1x50x16xf32, #tpu.memory_space<vmem>> -> memref<50x16xf32, #tpu.memory_space<vmem>>
        %dma_start3A_654 = arith.constant 0 : i32
        %dma_start3A_655 = arith.constant 0 : i32
        %dma_start3A_656 = tpu.memref_slice %arg6[%scan3A_447, %scan3A_448, %dma_start3A_654, %dma_start3A_655] : memref<2x2x40x50xi32, #tpu.memory_space<vmem>> -> memref<1x1x40x50xi32, #tpu.memory_space<vmem>>
        %dma_start3A_657 = tpu.memref_squeeze %dma_start3A_656 : memref<1x1x40x50xi32, #tpu.memory_space<vmem>> -> memref<40x50xi32, #tpu.memory_space<vmem>>
        %dma_start3A_658 = arith.constant 0 : i32
        %dma_start3A_659 = tpu.memref_slice %dma_start3A_657[%add3A_577, %dma_start3A_658] : memref<40x50xi32, #tpu.memory_space<vmem>> -> memref<1x50xi32, #tpu.memory_space<vmem>>
        %dma_start3A_660 = tpu.memref_squeeze %dma_start3A_659 : memref<1x50xi32, #tpu.memory_space<vmem>> -> memref<50xi32, #tpu.memory_space<vmem>>
        %dma_start3A_661 = arith.constant 0 : i32
        %dma_start3A_662 = arith.constant 0 : i32
        %dma_start3A_663 = tpu.memref_slice %arg2[%dma_start3A_661, %dma_start3A_662] : memref<10000x16xf32, #tpu.memory_space<hbm>> -> memref<10000x16xf32, #tpu.memory_space<hbm>>
        tpu.enqueue_indirect_dma source(%dma_start3A_663 : memref<10000x16xf32, #tpu.memory_space<hbm>>) target(%dma_start3A_653 : memref<50x16xf32, #tpu.memory_space<vmem>>) offsets(%dma_start3A_660 : memref<50xi32, #tpu.memory_space<vmem>>) semaphore(%arg9 : memref<!tpu.dma_semaphore, #tpu.memory_space<semaphore_mem>>)
      } else {
      }
      %dma_wait3A_583 = arith.constant 1 : i32
      %dma_wait3A_584 = arith.constant 0 : i32
      %dma_wait3A_585 = arith.constant 0 : i32
      %dma_wait3A_586 = tpu.memref_slice %arg7[%dma_wait3A_583, %dma_wait3A_584, %dma_wait3A_585] : memref<4x50x16xf32, #tpu.memory_space<vmem>> -> memref<1x50x16xf32, #tpu.memory_space<vmem>>
      %dma_wait3A_587 = tpu.memref_squeeze %dma_wait3A_586 : memref<1x50x16xf32, #tpu.memory_space<vmem>> -> memref<50x16xf32, #tpu.memory_space<vmem>>
      %dma_wait3A_588 = arith.constant 0 : i32
      %dma_wait3A_589 = arith.constant 0 : i32
      %dma_wait3A_590 = tpu.memref_slice %arg6[%scan3A_447, %scan3A_448, %dma_wait3A_588, %dma_wait3A_589] : memref<2x2x40x50xi32, #tpu.memory_space<vmem>> -> memref<1x1x40x50xi32, #tpu.memory_space<vmem>>
      %dma_wait3A_591 = tpu.memref_squeeze %dma_wait3A_590 : memref<1x1x40x50xi32, #tpu.memory_space<vmem>> -> memref<40x50xi32, #tpu.memory_space<vmem>>
      %dma_wait3A_592 = arith.constant 0 : i32
      %dma_wait3A_593 = tpu.memref_slice %dma_wait3A_591[%add3A_575, %dma_wait3A_592] : memref<40x50xi32, #tpu.memory_space<vmem>> -> memref<1x50xi32, #tpu.memory_space<vmem>>
      %dma_wait3A_594 = tpu.memref_squeeze %dma_wait3A_593 : memref<1x50xi32, #tpu.memory_space<vmem>> -> memref<50xi32, #tpu.memory_space<vmem>>
      %dma_wait3A_595 = arith.constant 0 : i32
      %dma_wait3A_596 = arith.constant 0 : i32
      %dma_wait3A_597 = tpu.memref_slice %arg2[%dma_wait3A_595, %dma_wait3A_596] : memref<10000x16xf32, #tpu.memory_space<hbm>> -> memref<10000x16xf32, #tpu.memory_space<hbm>>
      tpu.wait_indirect_dma semaphore(%arg10 : memref<!tpu.dma_semaphore, #tpu.memory_space<semaphore_mem>>) src(%dma_wait3A_597 : memref<10000x16xf32, #tpu.memory_space<hbm>>) dst(%dma_wait3A_587 : memref<50x16xf32, #tpu.memory_space<vmem>>)
      %run_scoped3A_598 = arith.constant 1 : i32
      "tpu.region"() ({
        %run_scoped3A_649 = tpu.sem_alloc : memref<!tpu.dma_semaphore, #tpu.memory_space<semaphore_mem>>
        %dma_start3A_650 = arith.constant 0 : i32
        %dma_start3A_651 = arith.constant 0 : i32
        %dma_start3A_652 = tpu.memref_slice %arg7[%run_scoped3A_598, %dma_start3A_650, %dma_start3A_651] : memref<4x50x16xf32, #tpu.memory_space<vmem>> -> memref<1x50x16xf32, #tpu.memory_space<vmem>>
        %dma_start3A_653 = tpu.memref_squeeze %dma_start3A_652 : memref<1x50x16xf32, #tpu.memory_space<vmem>> -> memref<50x16xf32, #tpu.memory_space<vmem>>
        %dma_start3A_654 = arith.constant 0 : i32
        %dma_start3A_655 = arith.constant 0 : i32
        %dma_start3A_656 = tpu.memref_slice %arg6[%scan3A_449, %scan3A_450, %dma_start3A_654, %dma_start3A_655] : memref<2x2x40x50xi32, #tpu.memory_space<vmem>> -> memref<1x1x40x50xi32, #tpu.memory_space<vmem>>
        %dma_start3A_657 = tpu.memref_squeeze %dma_start3A_656 : memref<1x1x40x50xi32, #tpu.memory_space<vmem>> -> memref<40x50xi32, #tpu.memory_space<vmem>>
        %dma_start3A_658 = arith.constant 0 : i32
        %dma_start3A_659 = tpu.memref_slice %dma_start3A_657[%add3A_575, %dma_start3A_658] : memref<40x50xi32, #tpu.memory_space<vmem>> -> memref<1x50xi32, #tpu.memory_space<vmem>>
        %dma_start3A_660 = tpu.memref_squeeze %dma_start3A_659 : memref<1x50xi32, #tpu.memory_space<vmem>> -> memref<50xi32, #tpu.memory_space<vmem>>
        %dma_start3A_661 = arith.constant 0 : i32
        %dma_start3A_662 = arith.constant 0 : i32
        %dma_start3A_663 = tpu.memref_slice %arg8[%dma_start3A_661, %dma_start3A_662] : memref<10000x16xf32, #tpu.memory_space<vmem_shared>> -> memref<10000x16xf32, #tpu.memory_space<vmem_shared>>
        tpu.enqueue_indirect_dma source(%dma_start3A_653 : memref<50x16xf32, #tpu.memory_space<vmem>>) target(%dma_start3A_663 : memref<10000x16xf32, #tpu.memory_space<vmem_shared>>) offsets(%dma_start3A_660 : memref<50xi32, #tpu.memory_space<vmem>>) semaphore(%run_scoped3A_649 : memref<!tpu.dma_semaphore, #tpu.memory_space<semaphore_mem>>) {add = true}
        %dma_wait3A_664 = arith.constant 0 : i32
        %dma_wait3A_665 = arith.constant 0 : i32
        %dma_wait3A_666 = tpu.memref_slice %arg7[%run_scoped3A_598, %dma_wait3A_664, %dma_wait3A_665] : memref<4x50x16xf32, #tpu.memory_space<vmem>> -> memref<1x50x16xf32, #tpu.memory_space<vmem>>
        %dma_wait3A_667 = tpu.memref_squeeze %dma_wait3A_666 : memref<1x50x16xf32, #tpu.memory_space<vmem>> -> memref<50x16xf32, #tpu.memory_space<vmem>>
        %dma_wait3A_668 = arith.constant 0 : i32
        %dma_wait3A_669 = arith.constant 0 : i32
        %dma_wait3A_670 = tpu.memref_slice %arg6[%scan3A_449, %scan3A_450, %dma_wait3A_668, %dma_wait3A_669] : memref<2x2x40x50xi32, #tpu.memory_space<vmem>> -> memref<1x1x40x50xi32, #tpu.memory_space<vmem>>
        %dma_wait3A_671 = tpu.memref_squeeze %dma_wait3A_670 : memref<1x1x40x50xi32, #tpu.memory_space<vmem>> -> memref<40x50xi32, #tpu.memory_space<vmem>>
        %dma_wait3A_672 = arith.constant 0 : i32
        %dma_wait3A_673 = tpu.memref_slice %dma_wait3A_671[%add3A_575, %dma_wait3A_672] : memref<40x50xi32, #tpu.memory_space<vmem>> -> memref<1x50xi32, #tpu.memory_space<vmem>>
        %dma_wait3A_674 = tpu.memref_squeeze %dma_wait3A_673 : memref<1x50xi32, #tpu.memory_space<vmem>> -> memref<50xi32, #tpu.memory_space<vmem>>
        %dma_wait3A_675 = arith.constant 0 : i32
        %dma_wait3A_676 = arith.constant 0 : i32
        %dma_wait3A_677 = tpu.memref_slice %arg8[%dma_wait3A_675, %dma_wait3A_676] : memref<10000x16xf32, #tpu.memory_space<vmem_shared>> -> memref<10000x16xf32, #tpu.memory_space<vmem_shared>>
        tpu.wait_indirect_dma semaphore(%run_scoped3A_649 : memref<!tpu.dma_semaphore, #tpu.memory_space<semaphore_mem>>) src(%dma_wait3A_667 : memref<50x16xf32, #tpu.memory_space<vmem>>) dst(%dma_wait3A_677 : memref<10000x16xf32, #tpu.memory_space<vmem_shared>>)
        tpu.yield
      }) : () -> ()
      %add3A_599 = arith.constant 2 : i32
      %add3A_600 = arith.addi %mul3A_550, %add3A_599 : i32
      %add3A_601 = arith.constant 3 : i32
      %add3A_602 = arith.addi %add3A_600, %add3A_601 : i32
      %lt3A_603 = arith.constant 40 : i32
      %lt3A_604 = arith.cmpi slt, %add3A_602, %lt3A_603 : i32
      %convert_element_type3A_605 = arith.extui %lt3A_604 : i1 to i32
      %cond3A_606 = arith.constant 0 : i32
      %cond3A_607 = arith.cmpi ne, %convert_element_type3A_605, %cond3A_606 : i32
      scf.if %cond3A_607 {
        %dma_start3A_649 = arith.constant 1 : i32
        %dma_start3A_650 = arith.constant 0 : i32
        %dma_start3A_651 = arith.constant 0 : i32
        %dma_start3A_652 = tpu.memref_slice %arg7[%dma_start3A_649, %dma_start3A_650, %dma_start3A_651] : memref<4x50x16xf32, #tpu.memory_space<vmem>> -> memref<1x50x16xf32, #tpu.memory_space<vmem>>
        %dma_start3A_653 = tpu.memref_squeeze %dma_start3A_652 : memref<1x50x16xf32, #tpu.memory_space<vmem>> -> memref<50x16xf32, #tpu.memory_space<vmem>>
        %dma_start3A_654 = arith.constant 0 : i32
        %dma_start3A_655 = arith.constant 0 : i32
        %dma_start3A_656 = tpu.memref_slice %arg6[%scan3A_447, %scan3A_448, %dma_start3A_654, %dma_start3A_655] : memref<2x2x40x50xi32, #tpu.memory_space<vmem>> -> memref<1x1x40x50xi32, #tpu.memory_space<vmem>>
        %dma_start3A_657 = tpu.memref_squeeze %dma_start3A_656 : memref<1x1x40x50xi32, #tpu.memory_space<vmem>> -> memref<40x50xi32, #tpu.memory_space<vmem>>
        %dma_start3A_658 = arith.constant 0 : i32
        %dma_start3A_659 = tpu.memref_slice %dma_start3A_657[%add3A_602, %dma_start3A_658] : memref<40x50xi32, #tpu.memory_space<vmem>> -> memref<1x50xi32, #tpu.memory_space<vmem>>
        %dma_start3A_660 = tpu.memref_squeeze %dma_start3A_659 : memref<1x50xi32, #tpu.memory_space<vmem>> -> memref<50xi32, #tpu.memory_space<vmem>>
        %dma_start3A_661 = arith.constant 0 : i32
        %dma_start3A_662 = arith.constant 0 : i32
        %dma_start3A_663 = tpu.memref_slice %arg2[%dma_start3A_661, %dma_start3A_662] : memref<10000x16xf32, #tpu.memory_space<hbm>> -> memref<10000x16xf32, #tpu.memory_space<hbm>>
        tpu.enqueue_indirect_dma source(%dma_start3A_663 : memref<10000x16xf32, #tpu.memory_space<hbm>>) target(%dma_start3A_653 : memref<50x16xf32, #tpu.memory_space<vmem>>) offsets(%dma_start3A_660 : memref<50xi32, #tpu.memory_space<vmem>>) semaphore(%arg10 : memref<!tpu.dma_semaphore, #tpu.memory_space<semaphore_mem>>)
      } else {
      }
      %dma_wait3A_608 = arith.constant 2 : i32
      %dma_wait3A_609 = arith.constant 0 : i32
      %dma_wait3A_610 = arith.constant 0 : i32
      %dma_wait3A_611 = tpu.memref_slice %arg7[%dma_wait3A_608, %dma_wait3A_609, %dma_wait3A_610] : memref<4x50x16xf32, #tpu.memory_space<vmem>> -> memref<1x50x16xf32, #tpu.memory_space<vmem>>
      %dma_wait3A_612 = tpu.memref_squeeze %dma_wait3A_611 : memref<1x50x16xf32, #tpu.memory_space<vmem>> -> memref<50x16xf32, #tpu.memory_space<vmem>>
      %dma_wait3A_613 = arith.constant 0 : i32
      %dma_wait3A_614 = arith.constant 0 : i32
      %dma_wait3A_615 = tpu.memref_slice %arg6[%scan3A_447, %scan3A_448, %dma_wait3A_613, %dma_wait3A_614] : memref<2x2x40x50xi32, #tpu.memory_space<vmem>> -> memref<1x1x40x50xi32, #tpu.memory_space<vmem>>
      %dma_wait3A_616 = tpu.memref_squeeze %dma_wait3A_615 : memref<1x1x40x50xi32, #tpu.memory_space<vmem>> -> memref<40x50xi32, #tpu.memory_space<vmem>>
      %dma_wait3A_617 = arith.constant 0 : i32
      %dma_wait3A_618 = tpu.memref_slice %dma_wait3A_616[%add3A_600, %dma_wait3A_617] : memref<40x50xi32, #tpu.memory_space<vmem>> -> memref<1x50xi32, #tpu.memory_space<vmem>>
      %dma_wait3A_619 = tpu.memref_squeeze %dma_wait3A_618 : memref<1x50xi32, #tpu.memory_space<vmem>> -> memref<50xi32, #tpu.memory_space<vmem>>
      %dma_wait3A_620 = arith.constant 0 : i32
      %dma_wait3A_621 = arith.constant 0 : i32
      %dma_wait3A_622 = tpu.memref_slice %arg2[%dma_wait3A_620, %dma_wait3A_621] : memref<10000x16xf32, #tpu.memory_space<hbm>> -> memref<10000x16xf32, #tpu.memory_space<hbm>>
      tpu.wait_indirect_dma semaphore(%arg11 : memref<!tpu.dma_semaphore, #tpu.memory_space<semaphore_mem>>) src(%dma_wait3A_622 : memref<10000x16xf32, #tpu.memory_space<hbm>>) dst(%dma_wait3A_612 : memref<50x16xf32, #tpu.memory_space<vmem>>)
      %run_scoped3A_623 = arith.constant 2 : i32
      "tpu.region"() ({
        %run_scoped3A_649 = tpu.sem_alloc : memref<!tpu.dma_semaphore, #tpu.memory_space<semaphore_mem>>
        %dma_start3A_650 = arith.constant 0 : i32
        %dma_start3A_651 = arith.constant 0 : i32
        %dma_start3A_652 = tpu.memref_slice %arg7[%run_scoped3A_623, %dma_start3A_650, %dma_start3A_651] : memref<4x50x16xf32, #tpu.memory_space<vmem>> -> memref<1x50x16xf32, #tpu.memory_space<vmem>>
        %dma_start3A_653 = tpu.memref_squeeze %dma_start3A_652 : memref<1x50x16xf32, #tpu.memory_space<vmem>> -> memref<50x16xf32, #tpu.memory_space<vmem>>
        %dma_start3A_654 = arith.constant 0 : i32
        %dma_start3A_655 = arith.constant 0 : i32
        %dma_start3A_656 = tpu.memref_slice %arg6[%scan3A_449, %scan3A_450, %dma_start3A_654, %dma_start3A_655] : memref<2x2x40x50xi32, #tpu.memory_space<vmem>> -> memref<1x1x40x50xi32, #tpu.memory_space<vmem>>
        %dma_start3A_657 = tpu.memref_squeeze %dma_start3A_656 : memref<1x1x40x50xi32, #tpu.memory_space<vmem>> -> memref<40x50xi32, #tpu.memory_space<vmem>>
        %dma_start3A_658 = arith.constant 0 : i32
        %dma_start3A_659 = tpu.memref_slice %dma_start3A_657[%add3A_600, %dma_start3A_658] : memref<40x50xi32, #tpu.memory_space<vmem>> -> memref<1x50xi32, #tpu.memory_space<vmem>>
        %dma_start3A_660 = tpu.memref_squeeze %dma_start3A_659 : memref<1x50xi32, #tpu.memory_space<vmem>> -> memref<50xi32, #tpu.memory_space<vmem>>
        %dma_start3A_661 = arith.constant 0 : i32
        %dma_start3A_662 = arith.constant 0 : i32
        %dma_start3A_663 = tpu.memref_slice %arg8[%dma_start3A_661, %dma_start3A_662] : memref<10000x16xf32, #tpu.memory_space<vmem_shared>> -> memref<10000x16xf32, #tpu.memory_space<vmem_shared>>
        tpu.enqueue_indirect_dma source(%dma_start3A_653 : memref<50x16xf32, #tpu.memory_space<vmem>>) target(%dma_start3A_663 : memref<10000x16xf32, #tpu.memory_space<vmem_shared>>) offsets(%dma_start3A_660 : memref<50xi32, #tpu.memory_space<vmem>>) semaphore(%run_scoped3A_649 : memref<!tpu.dma_semaphore, #tpu.memory_space<semaphore_mem>>) {add = true}
        %dma_wait3A_664 = arith.constant 0 : i32
        %dma_wait3A_665 = arith.constant 0 : i32
        %dma_wait3A_666 = tpu.memref_slice %arg7[%run_scoped3A_623, %dma_wait3A_664, %dma_wait3A_665] : memref<4x50x16xf32, #tpu.memory_space<vmem>> -> memref<1x50x16xf32, #tpu.memory_space<vmem>>
        %dma_wait3A_667 = tpu.memref_squeeze %dma_wait3A_666 : memref<1x50x16xf32, #tpu.memory_space<vmem>> -> memref<50x16xf32, #tpu.memory_space<vmem>>
        %dma_wait3A_668 = arith.constant 0 : i32
        %dma_wait3A_669 = arith.constant 0 : i32
        %dma_wait3A_670 = tpu.memref_slice %arg6[%scan3A_449, %scan3A_450, %dma_wait3A_668, %dma_wait3A_669] : memref<2x2x40x50xi32, #tpu.memory_space<vmem>> -> memref<1x1x40x50xi32, #tpu.memory_space<vmem>>
        %dma_wait3A_671 = tpu.memref_squeeze %dma_wait3A_670 : memref<1x1x40x50xi32, #tpu.memory_space<vmem>> -> memref<40x50xi32, #tpu.memory_space<vmem>>
        %dma_wait3A_672 = arith.constant 0 : i32
        %dma_wait3A_673 = tpu.memref_slice %dma_wait3A_671[%add3A_600, %dma_wait3A_672] : memref<40x50xi32, #tpu.memory_space<vmem>> -> memref<1x50xi32, #tpu.memory_space<vmem>>
        %dma_wait3A_674 = tpu.memref_squeeze %dma_wait3A_673 : memref<1x50xi32, #tpu.memory_space<vmem>> -> memref<50xi32, #tpu.memory_space<vmem>>
        %dma_wait3A_675 = arith.constant 0 : i32
        %dma_wait3A_676 = arith.constant 0 : i32
        %dma_wait3A_677 = tpu.memref_slice %arg8[%dma_wait3A_675, %dma_wait3A_676] : memref<10000x16xf32, #tpu.memory_space<vmem_shared>> -> memref<10000x16xf32, #tpu.memory_space<vmem_shared>>
        tpu.wait_indirect_dma semaphore(%run_scoped3A_649 : memref<!tpu.dma_semaphore, #tpu.memory_space<semaphore_mem>>) src(%dma_wait3A_667 : memref<50x16xf32, #tpu.memory_space<vmem>>) dst(%dma_wait3A_677 : memref<10000x16xf32, #tpu.memory_space<vmem_shared>>)
        tpu.yield
      }) : () -> ()
      %add3A_624 = arith.constant 3 : i32
      %add3A_625 = arith.addi %mul3A_550, %add3A_624 : i32
      %add3A_626 = arith.constant 3 : i32
      %add3A_627 = arith.addi %add3A_625, %add3A_626 : i32
      %lt3A_628 = arith.constant 40 : i32
      %lt3A_629 = arith.cmpi slt, %add3A_627, %lt3A_628 : i32
      %convert_element_type3A_630 = arith.extui %lt3A_629 : i1 to i32
      %cond3A_631 = arith.constant 0 : i32
      %cond3A_632 = arith.cmpi ne, %convert_element_type3A_630, %cond3A_631 : i32
      scf.if %cond3A_632 {
        %dma_start3A_649 = arith.constant 2 : i32
        %dma_start3A_650 = arith.constant 0 : i32
        %dma_start3A_651 = arith.constant 0 : i32
        %dma_start3A_652 = tpu.memref_slice %arg7[%dma_start3A_649, %dma_start3A_650, %dma_start3A_651] : memref<4x50x16xf32, #tpu.memory_space<vmem>> -> memref<1x50x16xf32, #tpu.memory_space<vmem>>
        %dma_start3A_653 = tpu.memref_squeeze %dma_start3A_652 : memref<1x50x16xf32, #tpu.memory_space<vmem>> -> memref<50x16xf32, #tpu.memory_space<vmem>>
        %dma_start3A_654 = arith.constant 0 : i32
        %dma_start3A_655 = arith.constant 0 : i32
        %dma_start3A_656 = tpu.memref_slice %arg6[%scan3A_447, %scan3A_448, %dma_start3A_654, %dma_start3A_655] : memref<2x2x40x50xi32, #tpu.memory_space<vmem>> -> memref<1x1x40x50xi32, #tpu.memory_space<vmem>>
        %dma_start3A_657 = tpu.memref_squeeze %dma_start3A_656 : memref<1x1x40x50xi32, #tpu.memory_space<vmem>> -> memref<40x50xi32, #tpu.memory_space<vmem>>
        %dma_start3A_658 = arith.constant 0 : i32
        %dma_start3A_659 = tpu.memref_slice %dma_start3A_657[%add3A_627, %dma_start3A_658] : memref<40x50xi32, #tpu.memory_space<vmem>> -> memref<1x50xi32, #tpu.memory_space<vmem>>
        %dma_start3A_660 = tpu.memref_squeeze %dma_start3A_659 : memref<1x50xi32, #tpu.memory_space<vmem>> -> memref<50xi32, #tpu.memory_space<vmem>>
        %dma_start3A_661 = arith.constant 0 : i32
        %dma_start3A_662 = arith.constant 0 : i32
        %dma_start3A_663 = tpu.memref_slice %arg2[%dma_start3A_661, %dma_start3A_662] : memref<10000x16xf32, #tpu.memory_space<hbm>> -> memref<10000x16xf32, #tpu.memory_space<hbm>>
        tpu.enqueue_indirect_dma source(%dma_start3A_663 : memref<10000x16xf32, #tpu.memory_space<hbm>>) target(%dma_start3A_653 : memref<50x16xf32, #tpu.memory_space<vmem>>) offsets(%dma_start3A_660 : memref<50xi32, #tpu.memory_space<vmem>>) semaphore(%arg11 : memref<!tpu.dma_semaphore, #tpu.memory_space<semaphore_mem>>)
      } else {
      }
      %dma_wait3A_633 = arith.constant 3 : i32
      %dma_wait3A_634 = arith.constant 0 : i32
      %dma_wait3A_635 = arith.constant 0 : i32
      %dma_wait3A_636 = tpu.memref_slice %arg7[%dma_wait3A_633, %dma_wait3A_634, %dma_wait3A_635] : memref<4x50x16xf32, #tpu.memory_space<vmem>> -> memref<1x50x16xf32, #tpu.memory_space<vmem>>
      %dma_wait3A_637 = tpu.memref_squeeze %dma_wait3A_636 : memref<1x50x16xf32, #tpu.memory_space<vmem>> -> memref<50x16xf32, #tpu.memory_space<vmem>>
      %dma_wait3A_638 = arith.constant 0 : i32
      %dma_wait3A_639 = arith.constant 0 : i32
      %dma_wait3A_640 = tpu.memref_slice %arg6[%scan3A_447, %scan3A_448, %dma_wait3A_638, %dma_wait3A_639] : memref<2x2x40x50xi32, #tpu.memory_space<vmem>> -> memref<1x1x40x50xi32, #tpu.memory_space<vmem>>
      %dma_wait3A_641 = tpu.memref_squeeze %dma_wait3A_640 : memref<1x1x40x50xi32, #tpu.memory_space<vmem>> -> memref<40x50xi32, #tpu.memory_space<vmem>>
      %dma_wait3A_642 = arith.constant 0 : i32
      %dma_wait3A_643 = tpu.memref_slice %dma_wait3A_641[%add3A_625, %dma_wait3A_642] : memref<40x50xi32, #tpu.memory_space<vmem>> -> memref<1x50xi32, #tpu.memory_space<vmem>>
      %dma_wait3A_644 = tpu.memref_squeeze %dma_wait3A_643 : memref<1x50xi32, #tpu.memory_space<vmem>> -> memref<50xi32, #tpu.memory_space<vmem>>
      %dma_wait3A_645 = arith.constant 0 : i32
      %dma_wait3A_646 = arith.constant 0 : i32
      %dma_wait3A_647 = tpu.memref_slice %arg2[%dma_wait3A_645, %dma_wait3A_646] : memref<10000x16xf32, #tpu.memory_space<hbm>> -> memref<10000x16xf32, #tpu.memory_space<hbm>>
      tpu.wait_indirect_dma semaphore(%arg12 : memref<!tpu.dma_semaphore, #tpu.memory_space<semaphore_mem>>) src(%dma_wait3A_647 : memref<10000x16xf32, #tpu.memory_space<hbm>>) dst(%dma_wait3A_637 : memref<50x16xf32, #tpu.memory_space<vmem>>)
      %run_scoped3A_648 = arith.constant 3 : i32
      "tpu.region"() ({
        %run_scoped3A_649 = tpu.sem_alloc : memref<!tpu.dma_semaphore, #tpu.memory_space<semaphore_mem>>
        %dma_start3A_650 = arith.constant 0 : i32
        %dma_start3A_651 = arith.constant 0 : i32
        %dma_start3A_652 = tpu.memref_slice %arg7[%run_scoped3A_648, %dma_start3A_650, %dma_start3A_651] : memref<4x50x16xf32, #tpu.memory_space<vmem>> -> memref<1x50x16xf32, #tpu.memory_space<vmem>>
        %dma_start3A_653 = tpu.memref_squeeze %dma_start3A_652 : memref<1x50x16xf32, #tpu.memory_space<vmem>> -> memref<50x16xf32, #tpu.memory_space<vmem>>
        %dma_start3A_654 = arith.constant 0 : i32
        %dma_start3A_655 = arith.constant 0 : i32
        %dma_start3A_656 = tpu.memref_slice %arg6[%scan3A_449, %scan3A_450, %dma_start3A_654, %dma_start3A_655] : memref<2x2x40x50xi32, #tpu.memory_space<vmem>> -> memref<1x1x40x50xi32, #tpu.memory_space<vmem>>
        %dma_start3A_657 = tpu.memref_squeeze %dma_start3A_656 : memref<1x1x40x50xi32, #tpu.memory_space<vmem>> -> memref<40x50xi32, #tpu.memory_space<vmem>>
        %dma_start3A_658 = arith.constant 0 : i32
        %dma_start3A_659 = tpu.memref_slice %dma_start3A_657[%add3A_625, %dma_start3A_658] : memref<40x50xi32, #tpu.memory_space<vmem>> -> memref<1x50xi32, #tpu.memory_space<vmem>>
        %dma_start3A_660 = tpu.memref_squeeze %dma_start3A_659 : memref<1x50xi32, #tpu.memory_space<vmem>> -> memref<50xi32, #tpu.memory_space<vmem>>
        %dma_start3A_661 = arith.constant 0 : i32
        %dma_start3A_662 = arith.constant 0 : i32
        %dma_start3A_663 = tpu.memref_slice %arg8[%dma_start3A_661, %dma_start3A_662] : memref<10000x16xf32, #tpu.memory_space<vmem_shared>> -> memref<10000x16xf32, #tpu.memory_space<vmem_shared>>
        tpu.enqueue_indirect_dma source(%dma_start3A_653 : memref<50x16xf32, #tpu.memory_space<vmem>>) target(%dma_start3A_663 : memref<10000x16xf32, #tpu.memory_space<vmem_shared>>) offsets(%dma_start3A_660 : memref<50xi32, #tpu.memory_space<vmem>>) semaphore(%run_scoped3A_649 : memref<!tpu.dma_semaphore, #tpu.memory_space<semaphore_mem>>) {add = true}
        %dma_wait3A_664 = arith.constant 0 : i32
        %dma_wait3A_665 = arith.constant 0 : i32
        %dma_wait3A_666 = tpu.memref_slice %arg7[%run_scoped3A_648, %dma_wait3A_664, %dma_wait3A_665] : memref<4x50x16xf32, #tpu.memory_space<vmem>> -> memref<1x50x16xf32, #tpu.memory_space<vmem>>
        %dma_wait3A_667 = tpu.memref_squeeze %dma_wait3A_666 : memref<1x50x16xf32, #tpu.memory_space<vmem>> -> memref<50x16xf32, #tpu.memory_space<vmem>>
        %dma_wait3A_668 = arith.constant 0 : i32
        %dma_wait3A_669 = arith.constant 0 : i32
        %dma_wait3A_670 = tpu.memref_slice %arg6[%scan3A_449, %scan3A_450, %dma_wait3A_668, %dma_wait3A_669] : memref<2x2x40x50xi32, #tpu.memory_space<vmem>> -> memref<1x1x40x50xi32, #tpu.memory_space<vmem>>
        %dma_wait3A_671 = tpu.memref_squeeze %dma_wait3A_670 : memref<1x1x40x50xi32, #tpu.memory_space<vmem>> -> memref<40x50xi32, #tpu.memory_space<vmem>>
        %dma_wait3A_672 = arith.constant 0 : i32
        %dma_wait3A_673 = tpu.memref_slice %dma_wait3A_671[%add3A_625, %dma_wait3A_672] : memref<40x50xi32, #tpu.memory_space<vmem>> -> memref<1x50xi32, #tpu.memory_space<vmem>>
        %dma_wait3A_674 = tpu.memref_squeeze %dma_wait3A_673 : memref<1x50xi32, #tpu.memory_space<vmem>> -> memref<50xi32, #tpu.memory_space<vmem>>
        %dma_wait3A_675 = arith.constant 0 : i32
        %dma_wait3A_676 = arith.constant 0 : i32
        %dma_wait3A_677 = tpu.memref_slice %arg8[%dma_wait3A_675, %dma_wait3A_676] : memref<10000x16xf32, #tpu.memory_space<vmem_shared>> -> memref<10000x16xf32, #tpu.memory_space<vmem_shared>>
        tpu.wait_indirect_dma semaphore(%run_scoped3A_649 : memref<!tpu.dma_semaphore, #tpu.memory_space<semaphore_mem>>) src(%dma_wait3A_667 : memref<50x16xf32, #tpu.memory_space<vmem>>) dst(%dma_wait3A_677 : memref<10000x16xf32, #tpu.memory_space<vmem_shared>>)
        tpu.yield
      }) : () -> ()
    }
    %scan3A_455 = arith.constant 10 : i32
    %dma_wait3A_456 = arith.constant 4 : i32
    %dma_wait3A_457 = arith.constant 0 : i32
    %dma_wait3A_458 = arith.constant 0 : i32
    %dma_wait3A_459 = arith.constant 0 : i32
    %dma_wait3A_460 = arith.constant 0 : i32
    %dma_wait3A_461 = tpu.memref_slice %arg6[%dma_wait3A_457, %dma_wait3A_458, %dma_wait3A_459, %dma_wait3A_460] : memref<2x2x40x50xi32, #tpu.memory_space<vmem>> -> memref<1x2x40x50xi32, #tpu.memory_space<vmem>>
    %dma_wait3A_462 = tpu.memref_squeeze %dma_wait3A_461 : memref<1x2x40x50xi32, #tpu.memory_space<vmem>> -> memref<2x40x50xi32, #tpu.memory_space<vmem>>
    %dma_wait3A_463 = arith.constant 0 : i32
    %dma_wait3A_464 = arith.constant 0 : i32
    %dma_wait3A_465 = arith.constant 0 : i32
    %dma_wait3A_466 = tpu.memref_slice %arg3[%add3A, %dma_wait3A_456, %dma_wait3A_463, %dma_wait3A_464, %dma_wait3A_465] : memref<32x5x2x40x50xi32, #tpu.memory_space<hbm>> -> memref<1x1x2x40x50xi32, #tpu.memory_space<hbm>>
    %dma_wait3A_467 = tpu.memref_squeeze %dma_wait3A_466 : memref<1x1x2x40x50xi32, #tpu.memory_space<hbm>> -> memref<2x40x50xi32, #tpu.memory_space<hbm>>
    %dma_wait3A_468 = arith.constant 0 : i32
    %dma_wait3A_469 = arith.constant 0 : i32
    %dma_wait3A_470 = arith.constant 0 : i32
    %dma_wait3A_471 = tpu.memref_slice %arg6[%dma_wait3A_457, %dma_wait3A_468, %dma_wait3A_469, %dma_wait3A_470] : memref<2x2x40x50xi32, #tpu.memory_space<vmem>> -> memref<1x2x40x50xi32, #tpu.memory_space<vmem>>
    %dma_wait3A_472 = tpu.memref_squeeze %dma_wait3A_471 : memref<1x2x40x50xi32, #tpu.memory_space<vmem>> -> memref<2x40x50xi32, #tpu.memory_space<vmem>>
    %dma_wait3A_473 = arith.constant 0 : i32
    %dma_wait3A_474 = arith.constant 0 : i32
    %dma_wait3A_475 = arith.constant 0 : i32
    %dma_wait3A_476 = tpu.memref_slice %arg3[%add3A, %dma_wait3A_456, %dma_wait3A_473, %dma_wait3A_474, %dma_wait3A_475] : memref<32x5x2x40x50xi32, #tpu.memory_space<hbm>> -> memref<1x1x2x40x50xi32, #tpu.memory_space<hbm>>
    %dma_wait3A_477 = tpu.memref_squeeze %dma_wait3A_476 : memref<1x1x2x40x50xi32, #tpu.memory_space<hbm>> -> memref<2x40x50xi32, #tpu.memory_space<hbm>>
    tpu.wait_dma2 semaphore(%arg13 : memref<!tpu.dma_semaphore, #tpu.memory_space<semaphore_mem>>) src(%dma_wait3A_477 : memref<2x40x50xi32, #tpu.memory_space<hbm>>) dst(%dma_wait3A_472 : memref<2x40x50xi32, #tpu.memory_space<vmem>>)
    %dma_start3A_478 = arith.constant 0 : i32
    %dma_start3A_479 = arith.constant 0 : i32
    %dma_start3A_480 = arith.constant 0 : i32
    %dma_start3A_481 = arith.constant 0 : i32
    %dma_start3A_482 = arith.constant 0 : i32
    %dma_start3A_483 = arith.constant 0 : i32
    %dma_start3A_484 = tpu.memref_slice %arg7[%dma_start3A_481, %dma_start3A_482, %dma_start3A_483] : memref<4x50x16xf32, #tpu.memory_space<vmem>> -> memref<1x50x16xf32, #tpu.memory_space<vmem>>
    %dma_start3A_485 = tpu.memref_squeeze %dma_start3A_484 : memref<1x50x16xf32, #tpu.memory_space<vmem>> -> memref<50x16xf32, #tpu.memory_space<vmem>>
    %dma_start3A_486 = arith.constant 0 : i32
    %dma_start3A_487 = arith.constant 0 : i32
    %dma_start3A_488 = tpu.memref_slice %arg6[%dma_start3A_478, %dma_start3A_479, %dma_start3A_486, %dma_start3A_487] : memref<2x2x40x50xi32, #tpu.memory_space<vmem>> -> memref<1x1x40x50xi32, #tpu.memory_space<vmem>>
    %dma_start3A_489 = tpu.memref_squeeze %dma_start3A_488 : memref<1x1x40x50xi32, #tpu.memory_space<vmem>> -> memref<40x50xi32, #tpu.memory_space<vmem>>
    %dma_start3A_490 = arith.constant 0 : i32
    %dma_start3A_491 = tpu.memref_slice %dma_start3A_489[%dma_start3A_480, %dma_start3A_490] : memref<40x50xi32, #tpu.memory_space<vmem>> -> memref<1x50xi32, #tpu.memory_space<vmem>>
    %dma_start3A_492 = tpu.memref_squeeze %dma_start3A_491 : memref<1x50xi32, #tpu.memory_space<vmem>> -> memref<50xi32, #tpu.memory_space<vmem>>
    %dma_start3A_493 = arith.constant 0 : i32
    %dma_start3A_494 = arith.constant 0 : i32
    %dma_start3A_495 = tpu.memref_slice %arg2[%dma_start3A_493, %dma_start3A_494] : memref<10000x16xf32, #tpu.memory_space<hbm>> -> memref<10000x16xf32, #tpu.memory_space<hbm>>
    tpu.enqueue_indirect_dma source(%dma_start3A_495 : memref<10000x16xf32, #tpu.memory_space<hbm>>) target(%dma_start3A_485 : memref<50x16xf32, #tpu.memory_space<vmem>>) offsets(%dma_start3A_492 : memref<50xi32, #tpu.memory_space<vmem>>) semaphore(%arg9 : memref<!tpu.dma_semaphore, #tpu.memory_space<semaphore_mem>>)
    %dma_start3A_496 = arith.constant 0 : i32
    %dma_start3A_497 = arith.constant 0 : i32
    %dma_start3A_498 = arith.constant 1 : i32
    %dma_start3A_499 = arith.constant 1 : i32
    %dma_start3A_500 = arith.constant 0 : i32
    %dma_start3A_501 = arith.constant 0 : i32
    %dma_start3A_502 = tpu.memref_slice %arg7[%dma_start3A_499, %dma_start3A_500, %dma_start3A_501] : memref<4x50x16xf32, #tpu.memory_space<vmem>> -> memref<1x50x16xf32, #tpu.memory_space<vmem>>
    %dma_start3A_503 = tpu.memref_squeeze %dma_start3A_502 : memref<1x50x16xf32, #tpu.memory_space<vmem>> -> memref<50x16xf32, #tpu.memory_space<vmem>>
    %dma_start3A_504 = arith.constant 0 : i32
    %dma_start3A_505 = arith.constant 0 : i32
    %dma_start3A_506 = tpu.memref_slice %arg6[%dma_start3A_496, %dma_start3A_497, %dma_start3A_504, %dma_start3A_505] : memref<2x2x40x50xi32, #tpu.memory_space<vmem>> -> memref<1x1x40x50xi32, #tpu.memory_space<vmem>>
    %dma_start3A_507 = tpu.memref_squeeze %dma_start3A_506 : memref<1x1x40x50xi32, #tpu.memory_space<vmem>> -> memref<40x50xi32, #tpu.memory_space<vmem>>
    %dma_start3A_508 = arith.constant 0 : i32
    %dma_start3A_509 = tpu.memref_slice %dma_start3A_507[%dma_start3A_498, %dma_start3A_508] : memref<40x50xi32, #tpu.memory_space<vmem>> -> memref<1x50xi32, #tpu.memory_space<vmem>>
    %dma_start3A_510 = tpu.memref_squeeze %dma_start3A_509 : memref<1x50xi32, #tpu.memory_space<vmem>> -> memref<50xi32, #tpu.memory_space<vmem>>
    %dma_start3A_511 = arith.constant 0 : i32
    %dma_start3A_512 = arith.constant 0 : i32
    %dma_start3A_513 = tpu.memref_slice %arg2[%dma_start3A_511, %dma_start3A_512] : memref<10000x16xf32, #tpu.memory_space<hbm>> -> memref<10000x16xf32, #tpu.memory_space<hbm>>
    tpu.enqueue_indirect_dma source(%dma_start3A_513 : memref<10000x16xf32, #tpu.memory_space<hbm>>) target(%dma_start3A_503 : memref<50x16xf32, #tpu.memory_space<vmem>>) offsets(%dma_start3A_510 : memref<50xi32, #tpu.memory_space<vmem>>) semaphore(%arg10 : memref<!tpu.dma_semaphore, #tpu.memory_space<semaphore_mem>>)
    %dma_start3A_514 = arith.constant 0 : i32
    %dma_start3A_515 = arith.constant 0 : i32
    %dma_start3A_516 = arith.constant 2 : i32
    %dma_start3A_517 = arith.constant 2 : i32
    %dma_start3A_518 = arith.constant 0 : i32
    %dma_start3A_519 = arith.constant 0 : i32
    %dma_start3A_520 = tpu.memref_slice %arg7[%dma_start3A_517, %dma_start3A_518, %dma_start3A_519] : memref<4x50x16xf32, #tpu.memory_space<vmem>> -> memref<1x50x16xf32, #tpu.memory_space<vmem>>
    %dma_start3A_521 = tpu.memref_squeeze %dma_start3A_520 : memref<1x50x16xf32, #tpu.memory_space<vmem>> -> memref<50x16xf32, #tpu.memory_space<vmem>>
    %dma_start3A_522 = arith.constant 0 : i32
    %dma_start3A_523 = arith.constant 0 : i32
    %dma_start3A_524 = tpu.memref_slice %arg6[%dma_start3A_514, %dma_start3A_515, %dma_start3A_522, %dma_start3A_523] : memref<2x2x40x50xi32, #tpu.memory_space<vmem>> -> memref<1x1x40x50xi32, #tpu.memory_space<vmem>>
    %dma_start3A_525 = tpu.memref_squeeze %dma_start3A_524 : memref<1x1x40x50xi32, #tpu.memory_space<vmem>> -> memref<40x50xi32, #tpu.memory_space<vmem>>
    %dma_start3A_526 = arith.constant 0 : i32
    %dma_start3A_527 = tpu.memref_slice %dma_start3A_525[%dma_start3A_516, %dma_start3A_526] : memref<40x50xi32, #tpu.memory_space<vmem>> -> memref<1x50xi32, #tpu.memory_space<vmem>>
    %dma_start3A_528 = tpu.memref_squeeze %dma_start3A_527 : memref<1x50xi32, #tpu.memory_space<vmem>> -> memref<50xi32, #tpu.memory_space<vmem>>
    %dma_start3A_529 = arith.constant 0 : i32
    %dma_start3A_530 = arith.constant 0 : i32
    %dma_start3A_531 = tpu.memref_slice %arg2[%dma_start3A_529, %dma_start3A_530] : memref<10000x16xf32, #tpu.memory_space<hbm>> -> memref<10000x16xf32, #tpu.memory_space<hbm>>
    tpu.enqueue_indirect_dma source(%dma_start3A_531 : memref<10000x16xf32, #tpu.memory_space<hbm>>) target(%dma_start3A_521 : memref<50x16xf32, #tpu.memory_space<vmem>>) offsets(%dma_start3A_528 : memref<50xi32, #tpu.memory_space<vmem>>) semaphore(%arg11 : memref<!tpu.dma_semaphore, #tpu.memory_space<semaphore_mem>>)
    %scan3A_532 = arith.constant 0 : i32
    %scan3A_533 = arith.constant 0 : i32
    %scan3A_534 = arith.constant 0 : i32
    %scan3A_535 = arith.constant 0 : i32
    %scan3A_536 = arith.constant 1 : i32
    %scan3A_537 = arith.constant 0 : i32
    %scan3A_538 = arith.constant 10 : i32
    %scan3A_539 = arith.addi %scan3A_537, %scan3A_538 : i32
    %scan3A_540 = arith.constant 1 : i32
    scf.for %scan3A_548 = %scan3A_537 to %scan3A_539 step %scan3A_540  : i32 {
      %mul3A_549 = arith.constant 4 : i32
      %mul3A_550 = arith.muli %mul3A_549, %scan3A_548 : i32
      %add3A_551 = arith.constant 0 : i32
      %add3A_552 = arith.addi %mul3A_550, %add3A_551 : i32
      %add3A_553 = arith.constant 3 : i32
      %add3A_554 = arith.addi %add3A_552, %add3A_553 : i32
      %lt3A = arith.constant 40 : i32
      %lt3A_555 = arith.cmpi slt, %add3A_554, %lt3A : i32
      %convert_element_type3A_556 = arith.extui %lt3A_555 : i1 to i32
      %cond3A_557 = arith.constant 0 : i32
      %cond3A_558 = arith.cmpi ne, %convert_element_type3A_556, %cond3A_557 : i32
      scf.if %cond3A_558 {
        %dma_start3A_649 = arith.constant 3 : i32
        %dma_start3A_650 = arith.constant 0 : i32
        %dma_start3A_651 = arith.constant 0 : i32
        %dma_start3A_652 = tpu.memref_slice %arg7[%dma_start3A_649, %dma_start3A_650, %dma_start3A_651] : memref<4x50x16xf32, #tpu.memory_space<vmem>> -> memref<1x50x16xf32, #tpu.memory_space<vmem>>
        %dma_start3A_653 = tpu.memref_squeeze %dma_start3A_652 : memref<1x50x16xf32, #tpu.memory_space<vmem>> -> memref<50x16xf32, #tpu.memory_space<vmem>>
        %dma_start3A_654 = arith.constant 0 : i32
        %dma_start3A_655 = arith.constant 0 : i32
        %dma_start3A_656 = tpu.memref_slice %arg6[%scan3A_533, %scan3A_534, %dma_start3A_654, %dma_start3A_655] : memref<2x2x40x50xi32, #tpu.memory_space<vmem>> -> memref<1x1x40x50xi32, #tpu.memory_space<vmem>>
        %dma_start3A_657 = tpu.memref_squeeze %dma_start3A_656 : memref<1x1x40x50xi32, #tpu.memory_space<vmem>> -> memref<40x50xi32, #tpu.memory_space<vmem>>
        %dma_start3A_658 = arith.constant 0 : i32
        %dma_start3A_659 = tpu.memref_slice %dma_start3A_657[%add3A_554, %dma_start3A_658] : memref<40x50xi32, #tpu.memory_space<vmem>> -> memref<1x50xi32, #tpu.memory_space<vmem>>
        %dma_start3A_660 = tpu.memref_squeeze %dma_start3A_659 : memref<1x50xi32, #tpu.memory_space<vmem>> -> memref<50xi32, #tpu.memory_space<vmem>>
        %dma_start3A_661 = arith.constant 0 : i32
        %dma_start3A_662 = arith.constant 0 : i32
        %dma_start3A_663 = tpu.memref_slice %arg2[%dma_start3A_661, %dma_start3A_662] : memref<10000x16xf32, #tpu.memory_space<hbm>> -> memref<10000x16xf32, #tpu.memory_space<hbm>>
        tpu.enqueue_indirect_dma source(%dma_start3A_663 : memref<10000x16xf32, #tpu.memory_space<hbm>>) target(%dma_start3A_653 : memref<50x16xf32, #tpu.memory_space<vmem>>) offsets(%dma_start3A_660 : memref<50xi32, #tpu.memory_space<vmem>>) semaphore(%arg12 : memref<!tpu.dma_semaphore, #tpu.memory_space<semaphore_mem>>)
      } else {
      }
      %dma_wait3A_559 = arith.constant 0 : i32
      %dma_wait3A_560 = arith.constant 0 : i32
      %dma_wait3A_561 = arith.constant 0 : i32
      %dma_wait3A_562 = tpu.memref_slice %arg7[%dma_wait3A_559, %dma_wait3A_560, %dma_wait3A_561] : memref<4x50x16xf32, #tpu.memory_space<vmem>> -> memref<1x50x16xf32, #tpu.memory_space<vmem>>
      %dma_wait3A_563 = tpu.memref_squeeze %dma_wait3A_562 : memref<1x50x16xf32, #tpu.memory_space<vmem>> -> memref<50x16xf32, #tpu.memory_space<vmem>>
      %dma_wait3A_564 = arith.constant 0 : i32
      %dma_wait3A_565 = arith.constant 0 : i32
      %dma_wait3A_566 = tpu.memref_slice %arg6[%scan3A_533, %scan3A_534, %dma_wait3A_564, %dma_wait3A_565] : memref<2x2x40x50xi32, #tpu.memory_space<vmem>> -> memref<1x1x40x50xi32, #tpu.memory_space<vmem>>
      %dma_wait3A_567 = tpu.memref_squeeze %dma_wait3A_566 : memref<1x1x40x50xi32, #tpu.memory_space<vmem>> -> memref<40x50xi32, #tpu.memory_space<vmem>>
      %dma_wait3A_568 = arith.constant 0 : i32
      %dma_wait3A_569 = tpu.memref_slice %dma_wait3A_567[%add3A_552, %dma_wait3A_568] : memref<40x50xi32, #tpu.memory_space<vmem>> -> memref<1x50xi32, #tpu.memory_space<vmem>>
      %dma_wait3A_570 = tpu.memref_squeeze %dma_wait3A_569 : memref<1x50xi32, #tpu.memory_space<vmem>> -> memref<50xi32, #tpu.memory_space<vmem>>
      %dma_wait3A_571 = arith.constant 0 : i32
      %dma_wait3A_572 = arith.constant 0 : i32
      %dma_wait3A_573 = tpu.memref_slice %arg2[%dma_wait3A_571, %dma_wait3A_572] : memref<10000x16xf32, #tpu.memory_space<hbm>> -> memref<10000x16xf32, #tpu.memory_space<hbm>>
      tpu.wait_indirect_dma semaphore(%arg9 : memref<!tpu.dma_semaphore, #tpu.memory_space<semaphore_mem>>) src(%dma_wait3A_573 : memref<10000x16xf32, #tpu.memory_space<hbm>>) dst(%dma_wait3A_563 : memref<50x16xf32, #tpu.memory_space<vmem>>)
      %run_scoped3A = arith.constant 0 : i32
      "tpu.region"() ({
        %run_scoped3A_649 = tpu.sem_alloc : memref<!tpu.dma_semaphore, #tpu.memory_space<semaphore_mem>>
        %dma_start3A_650 = arith.constant 0 : i32
        %dma_start3A_651 = arith.constant 0 : i32
        %dma_start3A_652 = tpu.memref_slice %arg7[%run_scoped3A, %dma_start3A_650, %dma_start3A_651] : memref<4x50x16xf32, #tpu.memory_space<vmem>> -> memref<1x50x16xf32, #tpu.memory_space<vmem>>
        %dma_start3A_653 = tpu.memref_squeeze %dma_start3A_652 : memref<1x50x16xf32, #tpu.memory_space<vmem>> -> memref<50x16xf32, #tpu.memory_space<vmem>>
        %dma_start3A_654 = arith.constant 0 : i32
        %dma_start3A_655 = arith.constant 0 : i32
        %dma_start3A_656 = tpu.memref_slice %arg6[%scan3A_535, %scan3A_536, %dma_start3A_654, %dma_start3A_655] : memref<2x2x40x50xi32, #tpu.memory_space<vmem>> -> memref<1x1x40x50xi32, #tpu.memory_space<vmem>>
        %dma_start3A_657 = tpu.memref_squeeze %dma_start3A_656 : memref<1x1x40x50xi32, #tpu.memory_space<vmem>> -> memref<40x50xi32, #tpu.memory_space<vmem>>
        %dma_start3A_658 = arith.constant 0 : i32
        %dma_start3A_659 = tpu.memref_slice %dma_start3A_657[%add3A_552, %dma_start3A_658] : memref<40x50xi32, #tpu.memory_space<vmem>> -> memref<1x50xi32, #tpu.memory_space<vmem>>
        %dma_start3A_660 = tpu.memref_squeeze %dma_start3A_659 : memref<1x50xi32, #tpu.memory_space<vmem>> -> memref<50xi32, #tpu.memory_space<vmem>>
        %dma_start3A_661 = arith.constant 0 : i32
        %dma_start3A_662 = arith.constant 0 : i32
        %dma_start3A_663 = tpu.memref_slice %arg8[%dma_start3A_661, %dma_start3A_662] : memref<10000x16xf32, #tpu.memory_space<vmem_shared>> -> memref<10000x16xf32, #tpu.memory_space<vmem_shared>>
        tpu.enqueue_indirect_dma source(%dma_start3A_653 : memref<50x16xf32, #tpu.memory_space<vmem>>) target(%dma_start3A_663 : memref<10000x16xf32, #tpu.memory_space<vmem_shared>>) offsets(%dma_start3A_660 : memref<50xi32, #tpu.memory_space<vmem>>) semaphore(%run_scoped3A_649 : memref<!tpu.dma_semaphore, #tpu.memory_space<semaphore_mem>>) {add = true}
        %dma_wait3A_664 = arith.constant 0 : i32
        %dma_wait3A_665 = arith.constant 0 : i32
        %dma_wait3A_666 = tpu.memref_slice %arg7[%run_scoped3A, %dma_wait3A_664, %dma_wait3A_665] : memref<4x50x16xf32, #tpu.memory_space<vmem>> -> memref<1x50x16xf32, #tpu.memory_space<vmem>>
        %dma_wait3A_667 = tpu.memref_squeeze %dma_wait3A_666 : memref<1x50x16xf32, #tpu.memory_space<vmem>> -> memref<50x16xf32, #tpu.memory_space<vmem>>
        %dma_wait3A_668 = arith.constant 0 : i32
        %dma_wait3A_669 = arith.constant 0 : i32
        %dma_wait3A_670 = tpu.memref_slice %arg6[%scan3A_535, %scan3A_536, %dma_wait3A_668, %dma_wait3A_669] : memref<2x2x40x50xi32, #tpu.memory_space<vmem>> -> memref<1x1x40x50xi32, #tpu.memory_space<vmem>>
        %dma_wait3A_671 = tpu.memref_squeeze %dma_wait3A_670 : memref<1x1x40x50xi32, #tpu.memory_space<vmem>> -> memref<40x50xi32, #tpu.memory_space<vmem>>
        %dma_wait3A_672 = arith.constant 0 : i32
        %dma_wait3A_673 = tpu.memref_slice %dma_wait3A_671[%add3A_552, %dma_wait3A_672] : memref<40x50xi32, #tpu.memory_space<vmem>> -> memref<1x50xi32, #tpu.memory_space<vmem>>
        %dma_wait3A_674 = tpu.memref_squeeze %dma_wait3A_673 : memref<1x50xi32, #tpu.memory_space<vmem>> -> memref<50xi32, #tpu.memory_space<vmem>>
        %dma_wait3A_675 = arith.constant 0 : i32
        %dma_wait3A_676 = arith.constant 0 : i32
        %dma_wait3A_677 = tpu.memref_slice %arg8[%dma_wait3A_675, %dma_wait3A_676] : memref<10000x16xf32, #tpu.memory_space<vmem_shared>> -> memref<10000x16xf32, #tpu.memory_space<vmem_shared>>
        tpu.wait_indirect_dma semaphore(%run_scoped3A_649 : memref<!tpu.dma_semaphore, #tpu.memory_space<semaphore_mem>>) src(%dma_wait3A_667 : memref<50x16xf32, #tpu.memory_space<vmem>>) dst(%dma_wait3A_677 : memref<10000x16xf32, #tpu.memory_space<vmem_shared>>)
        tpu.yield
      }) : () -> ()
      %add3A_574 = arith.constant 1 : i32
      %add3A_575 = arith.addi %mul3A_550, %add3A_574 : i32
      %add3A_576 = arith.constant 3 : i32
      %add3A_577 = arith.addi %add3A_575, %add3A_576 : i32
      %lt3A_578 = arith.constant 40 : i32
      %lt3A_579 = arith.cmpi slt, %add3A_577, %lt3A_578 : i32
      %convert_element_type3A_580 = arith.extui %lt3A_579 : i1 to i32
      %cond3A_581 = arith.constant 0 : i32
      %cond3A_582 = arith.cmpi ne, %convert_element_type3A_580, %cond3A_581 : i32
      scf.if %cond3A_582 {
        %dma_start3A_649 = arith.constant 0 : i32
        %dma_start3A_650 = arith.constant 0 : i32
        %dma_start3A_651 = arith.constant 0 : i32
        %dma_start3A_652 = tpu.memref_slice %arg7[%dma_start3A_649, %dma_start3A_650, %dma_start3A_651] : memref<4x50x16xf32, #tpu.memory_space<vmem>> -> memref<1x50x16xf32, #tpu.memory_space<vmem>>
        %dma_start3A_653 = tpu.memref_squeeze %dma_start3A_652 : memref<1x50x16xf32, #tpu.memory_space<vmem>> -> memref<50x16xf32, #tpu.memory_space<vmem>>
        %dma_start3A_654 = arith.constant 0 : i32
        %dma_start3A_655 = arith.constant 0 : i32
        %dma_start3A_656 = tpu.memref_slice %arg6[%scan3A_533, %scan3A_534, %dma_start3A_654, %dma_start3A_655] : memref<2x2x40x50xi32, #tpu.memory_space<vmem>> -> memref<1x1x40x50xi32, #tpu.memory_space<vmem>>
        %dma_start3A_657 = tpu.memref_squeeze %dma_start3A_656 : memref<1x1x40x50xi32, #tpu.memory_space<vmem>> -> memref<40x50xi32, #tpu.memory_space<vmem>>
        %dma_start3A_658 = arith.constant 0 : i32
        %dma_start3A_659 = tpu.memref_slice %dma_start3A_657[%add3A_577, %dma_start3A_658] : memref<40x50xi32, #tpu.memory_space<vmem>> -> memref<1x50xi32, #tpu.memory_space<vmem>>
        %dma_start3A_660 = tpu.memref_squeeze %dma_start3A_659 : memref<1x50xi32, #tpu.memory_space<vmem>> -> memref<50xi32, #tpu.memory_space<vmem>>
        %dma_start3A_661 = arith.constant 0 : i32
        %dma_start3A_662 = arith.constant 0 : i32
        %dma_start3A_663 = tpu.memref_slice %arg2[%dma_start3A_661, %dma_start3A_662] : memref<10000x16xf32, #tpu.memory_space<hbm>> -> memref<10000x16xf32, #tpu.memory_space<hbm>>
        tpu.enqueue_indirect_dma source(%dma_start3A_663 : memref<10000x16xf32, #tpu.memory_space<hbm>>) target(%dma_start3A_653 : memref<50x16xf32, #tpu.memory_space<vmem>>) offsets(%dma_start3A_660 : memref<50xi32, #tpu.memory_space<vmem>>) semaphore(%arg9 : memref<!tpu.dma_semaphore, #tpu.memory_space<semaphore_mem>>)
      } else {
      }
      %dma_wait3A_583 = arith.constant 1 : i32
      %dma_wait3A_584 = arith.constant 0 : i32
      %dma_wait3A_585 = arith.constant 0 : i32
      %dma_wait3A_586 = tpu.memref_slice %arg7[%dma_wait3A_583, %dma_wait3A_584, %dma_wait3A_585] : memref<4x50x16xf32, #tpu.memory_space<vmem>> -> memref<1x50x16xf32, #tpu.memory_space<vmem>>
      %dma_wait3A_587 = tpu.memref_squeeze %dma_wait3A_586 : memref<1x50x16xf32, #tpu.memory_space<vmem>> -> memref<50x16xf32, #tpu.memory_space<vmem>>
      %dma_wait3A_588 = arith.constant 0 : i32
      %dma_wait3A_589 = arith.constant 0 : i32
      %dma_wait3A_590 = tpu.memref_slice %arg6[%scan3A_533, %scan3A_534, %dma_wait3A_588, %dma_wait3A_589] : memref<2x2x40x50xi32, #tpu.memory_space<vmem>> -> memref<1x1x40x50xi32, #tpu.memory_space<vmem>>
      %dma_wait3A_591 = tpu.memref_squeeze %dma_wait3A_590 : memref<1x1x40x50xi32, #tpu.memory_space<vmem>> -> memref<40x50xi32, #tpu.memory_space<vmem>>
      %dma_wait3A_592 = arith.constant 0 : i32
      %dma_wait3A_593 = tpu.memref_slice %dma_wait3A_591[%add3A_575, %dma_wait3A_592] : memref<40x50xi32, #tpu.memory_space<vmem>> -> memref<1x50xi32, #tpu.memory_space<vmem>>
      %dma_wait3A_594 = tpu.memref_squeeze %dma_wait3A_593 : memref<1x50xi32, #tpu.memory_space<vmem>> -> memref<50xi32, #tpu.memory_space<vmem>>
      %dma_wait3A_595 = arith.constant 0 : i32
      %dma_wait3A_596 = arith.constant 0 : i32
      %dma_wait3A_597 = tpu.memref_slice %arg2[%dma_wait3A_595, %dma_wait3A_596] : memref<10000x16xf32, #tpu.memory_space<hbm>> -> memref<10000x16xf32, #tpu.memory_space<hbm>>
      tpu.wait_indirect_dma semaphore(%arg10 : memref<!tpu.dma_semaphore, #tpu.memory_space<semaphore_mem>>) src(%dma_wait3A_597 : memref<10000x16xf32, #tpu.memory_space<hbm>>) dst(%dma_wait3A_587 : memref<50x16xf32, #tpu.memory_space<vmem>>)
      %run_scoped3A_598 = arith.constant 1 : i32
      "tpu.region"() ({
        %run_scoped3A_649 = tpu.sem_alloc : memref<!tpu.dma_semaphore, #tpu.memory_space<semaphore_mem>>
        %dma_start3A_650 = arith.constant 0 : i32
        %dma_start3A_651 = arith.constant 0 : i32
        %dma_start3A_652 = tpu.memref_slice %arg7[%run_scoped3A_598, %dma_start3A_650, %dma_start3A_651] : memref<4x50x16xf32, #tpu.memory_space<vmem>> -> memref<1x50x16xf32, #tpu.memory_space<vmem>>
        %dma_start3A_653 = tpu.memref_squeeze %dma_start3A_652 : memref<1x50x16xf32, #tpu.memory_space<vmem>> -> memref<50x16xf32, #tpu.memory_space<vmem>>
        %dma_start3A_654 = arith.constant 0 : i32
        %dma_start3A_655 = arith.constant 0 : i32
        %dma_start3A_656 = tpu.memref_slice %arg6[%scan3A_535, %scan3A_536, %dma_start3A_654, %dma_start3A_655] : memref<2x2x40x50xi32, #tpu.memory_space<vmem>> -> memref<1x1x40x50xi32, #tpu.memory_space<vmem>>
        %dma_start3A_657 = tpu.memref_squeeze %dma_start3A_656 : memref<1x1x40x50xi32, #tpu.memory_space<vmem>> -> memref<40x50xi32, #tpu.memory_space<vmem>>
        %dma_start3A_658 = arith.constant 0 : i32
        %dma_start3A_659 = tpu.memref_slice %dma_start3A_657[%add3A_575, %dma_start3A_658] : memref<40x50xi32, #tpu.memory_space<vmem>> -> memref<1x50xi32, #tpu.memory_space<vmem>>
        %dma_start3A_660 = tpu.memref_squeeze %dma_start3A_659 : memref<1x50xi32, #tpu.memory_space<vmem>> -> memref<50xi32, #tpu.memory_space<vmem>>
        %dma_start3A_661 = arith.constant 0 : i32
        %dma_start3A_662 = arith.constant 0 : i32
        %dma_start3A_663 = tpu.memref_slice %arg8[%dma_start3A_661, %dma_start3A_662] : memref<10000x16xf32, #tpu.memory_space<vmem_shared>> -> memref<10000x16xf32, #tpu.memory_space<vmem_shared>>
        tpu.enqueue_indirect_dma source(%dma_start3A_653 : memref<50x16xf32, #tpu.memory_space<vmem>>) target(%dma_start3A_663 : memref<10000x16xf32, #tpu.memory_space<vmem_shared>>) offsets(%dma_start3A_660 : memref<50xi32, #tpu.memory_space<vmem>>) semaphore(%run_scoped3A_649 : memref<!tpu.dma_semaphore, #tpu.memory_space<semaphore_mem>>) {add = true}
        %dma_wait3A_664 = arith.constant 0 : i32
        %dma_wait3A_665 = arith.constant 0 : i32
        %dma_wait3A_666 = tpu.memref_slice %arg7[%run_scoped3A_598, %dma_wait3A_664, %dma_wait3A_665] : memref<4x50x16xf32, #tpu.memory_space<vmem>> -> memref<1x50x16xf32, #tpu.memory_space<vmem>>
        %dma_wait3A_667 = tpu.memref_squeeze %dma_wait3A_666 : memref<1x50x16xf32, #tpu.memory_space<vmem>> -> memref<50x16xf32, #tpu.memory_space<vmem>>
        %dma_wait3A_668 = arith.constant 0 : i32
        %dma_wait3A_669 = arith.constant 0 : i32
        %dma_wait3A_670 = tpu.memref_slice %arg6[%scan3A_535, %scan3A_536, %dma_wait3A_668, %dma_wait3A_669] : memref<2x2x40x50xi32, #tpu.memory_space<vmem>> -> memref<1x1x40x50xi32, #tpu.memory_space<vmem>>
        %dma_wait3A_671 = tpu.memref_squeeze %dma_wait3A_670 : memref<1x1x40x50xi32, #tpu.memory_space<vmem>> -> memref<40x50xi32, #tpu.memory_space<vmem>>
        %dma_wait3A_672 = arith.constant 0 : i32
        %dma_wait3A_673 = tpu.memref_slice %dma_wait3A_671[%add3A_575, %dma_wait3A_672] : memref<40x50xi32, #tpu.memory_space<vmem>> -> memref<1x50xi32, #tpu.memory_space<vmem>>
        %dma_wait3A_674 = tpu.memref_squeeze %dma_wait3A_673 : memref<1x50xi32, #tpu.memory_space<vmem>> -> memref<50xi32, #tpu.memory_space<vmem>>
        %dma_wait3A_675 = arith.constant 0 : i32
        %dma_wait3A_676 = arith.constant 0 : i32
        %dma_wait3A_677 = tpu.memref_slice %arg8[%dma_wait3A_675, %dma_wait3A_676] : memref<10000x16xf32, #tpu.memory_space<vmem_shared>> -> memref<10000x16xf32, #tpu.memory_space<vmem_shared>>
        tpu.wait_indirect_dma semaphore(%run_scoped3A_649 : memref<!tpu.dma_semaphore, #tpu.memory_space<semaphore_mem>>) src(%dma_wait3A_667 : memref<50x16xf32, #tpu.memory_space<vmem>>) dst(%dma_wait3A_677 : memref<10000x16xf32, #tpu.memory_space<vmem_shared>>)
        tpu.yield
      }) : () -> ()
      %add3A_599 = arith.constant 2 : i32
      %add3A_600 = arith.addi %mul3A_550, %add3A_599 : i32
      %add3A_601 = arith.constant 3 : i32
      %add3A_602 = arith.addi %add3A_600, %add3A_601 : i32
      %lt3A_603 = arith.constant 40 : i32
      %lt3A_604 = arith.cmpi slt, %add3A_602, %lt3A_603 : i32
      %convert_element_type3A_605 = arith.extui %lt3A_604 : i1 to i32
      %cond3A_606 = arith.constant 0 : i32
      %cond3A_607 = arith.cmpi ne, %convert_element_type3A_605, %cond3A_606 : i32
      scf.if %cond3A_607 {
        %dma_start3A_649 = arith.constant 1 : i32
        %dma_start3A_650 = arith.constant 0 : i32
        %dma_start3A_651 = arith.constant 0 : i32
        %dma_start3A_652 = tpu.memref_slice %arg7[%dma_start3A_649, %dma_start3A_650, %dma_start3A_651] : memref<4x50x16xf32, #tpu.memory_space<vmem>> -> memref<1x50x16xf32, #tpu.memory_space<vmem>>
        %dma_start3A_653 = tpu.memref_squeeze %dma_start3A_652 : memref<1x50x16xf32, #tpu.memory_space<vmem>> -> memref<50x16xf32, #tpu.memory_space<vmem>>
        %dma_start3A_654 = arith.constant 0 : i32
        %dma_start3A_655 = arith.constant 0 : i32
        %dma_start3A_656 = tpu.memref_slice %arg6[%scan3A_533, %scan3A_534, %dma_start3A_654, %dma_start3A_655] : memref<2x2x40x50xi32, #tpu.memory_space<vmem>> -> memref<1x1x40x50xi32, #tpu.memory_space<vmem>>
        %dma_start3A_657 = tpu.memref_squeeze %dma_start3A_656 : memref<1x1x40x50xi32, #tpu.memory_space<vmem>> -> memref<40x50xi32, #tpu.memory_space<vmem>>
        %dma_start3A_658 = arith.constant 0 : i32
        %dma_start3A_659 = tpu.memref_slice %dma_start3A_657[%add3A_602, %dma_start3A_658] : memref<40x50xi32, #tpu.memory_space<vmem>> -> memref<1x50xi32, #tpu.memory_space<vmem>>
        %dma_start3A_660 = tpu.memref_squeeze %dma_start3A_659 : memref<1x50xi32, #tpu.memory_space<vmem>> -> memref<50xi32, #tpu.memory_space<vmem>>
        %dma_start3A_661 = arith.constant 0 : i32
        %dma_start3A_662 = arith.constant 0 : i32
        %dma_start3A_663 = tpu.memref_slice %arg2[%dma_start3A_661, %dma_start3A_662] : memref<10000x16xf32, #tpu.memory_space<hbm>> -> memref<10000x16xf32, #tpu.memory_space<hbm>>
        tpu.enqueue_indirect_dma source(%dma_start3A_663 : memref<10000x16xf32, #tpu.memory_space<hbm>>) target(%dma_start3A_653 : memref<50x16xf32, #tpu.memory_space<vmem>>) offsets(%dma_start3A_660 : memref<50xi32, #tpu.memory_space<vmem>>) semaphore(%arg10 : memref<!tpu.dma_semaphore, #tpu.memory_space<semaphore_mem>>)
      } else {
      }
      %dma_wait3A_608 = arith.constant 2 : i32
      %dma_wait3A_609 = arith.constant 0 : i32
      %dma_wait3A_610 = arith.constant 0 : i32
      %dma_wait3A_611 = tpu.memref_slice %arg7[%dma_wait3A_608, %dma_wait3A_609, %dma_wait3A_610] : memref<4x50x16xf32, #tpu.memory_space<vmem>> -> memref<1x50x16xf32, #tpu.memory_space<vmem>>
      %dma_wait3A_612 = tpu.memref_squeeze %dma_wait3A_611 : memref<1x50x16xf32, #tpu.memory_space<vmem>> -> memref<50x16xf32, #tpu.memory_space<vmem>>
      %dma_wait3A_613 = arith.constant 0 : i32
      %dma_wait3A_614 = arith.constant 0 : i32
      %dma_wait3A_615 = tpu.memref_slice %arg6[%scan3A_533, %scan3A_534, %dma_wait3A_613, %dma_wait3A_614] : memref<2x2x40x50xi32, #tpu.memory_space<vmem>> -> memref<1x1x40x50xi32, #tpu.memory_space<vmem>>
      %dma_wait3A_616 = tpu.memref_squeeze %dma_wait3A_615 : memref<1x1x40x50xi32, #tpu.memory_space<vmem>> -> memref<40x50xi32, #tpu.memory_space<vmem>>
      %dma_wait3A_617 = arith.constant 0 : i32
      %dma_wait3A_618 = tpu.memref_slice %dma_wait3A_616[%add3A_600, %dma_wait3A_617] : memref<40x50xi32, #tpu.memory_space<vmem>> -> memref<1x50xi32, #tpu.memory_space<vmem>>
      %dma_wait3A_619 = tpu.memref_squeeze %dma_wait3A_618 : memref<1x50xi32, #tpu.memory_space<vmem>> -> memref<50xi32, #tpu.memory_space<vmem>>
      %dma_wait3A_620 = arith.constant 0 : i32
      %dma_wait3A_621 = arith.constant 0 : i32
      %dma_wait3A_622 = tpu.memref_slice %arg2[%dma_wait3A_620, %dma_wait3A_621] : memref<10000x16xf32, #tpu.memory_space<hbm>> -> memref<10000x16xf32, #tpu.memory_space<hbm>>
      tpu.wait_indirect_dma semaphore(%arg11 : memref<!tpu.dma_semaphore, #tpu.memory_space<semaphore_mem>>) src(%dma_wait3A_622 : memref<10000x16xf32, #tpu.memory_space<hbm>>) dst(%dma_wait3A_612 : memref<50x16xf32, #tpu.memory_space<vmem>>)
      %run_scoped3A_623 = arith.constant 2 : i32
      "tpu.region"() ({
        %run_scoped3A_649 = tpu.sem_alloc : memref<!tpu.dma_semaphore, #tpu.memory_space<semaphore_mem>>
        %dma_start3A_650 = arith.constant 0 : i32
        %dma_start3A_651 = arith.constant 0 : i32
        %dma_start3A_652 = tpu.memref_slice %arg7[%run_scoped3A_623, %dma_start3A_650, %dma_start3A_651] : memref<4x50x16xf32, #tpu.memory_space<vmem>> -> memref<1x50x16xf32, #tpu.memory_space<vmem>>
        %dma_start3A_653 = tpu.memref_squeeze %dma_start3A_652 : memref<1x50x16xf32, #tpu.memory_space<vmem>> -> memref<50x16xf32, #tpu.memory_space<vmem>>
        %dma_start3A_654 = arith.constant 0 : i32
        %dma_start3A_655 = arith.constant 0 : i32
        %dma_start3A_656 = tpu.memref_slice %arg6[%scan3A_535, %scan3A_536, %dma_start3A_654, %dma_start3A_655] : memref<2x2x40x50xi32, #tpu.memory_space<vmem>> -> memref<1x1x40x50xi32, #tpu.memory_space<vmem>>
        %dma_start3A_657 = tpu.memref_squeeze %dma_start3A_656 : memref<1x1x40x50xi32, #tpu.memory_space<vmem>> -> memref<40x50xi32, #tpu.memory_space<vmem>>
        %dma_start3A_658 = arith.constant 0 : i32
        %dma_start3A_659 = tpu.memref_slice %dma_start3A_657[%add3A_600, %dma_start3A_658] : memref<40x50xi32, #tpu.memory_space<vmem>> -> memref<1x50xi32, #tpu.memory_space<vmem>>
        %dma_start3A_660 = tpu.memref_squeeze %dma_start3A_659 : memref<1x50xi32, #tpu.memory_space<vmem>> -> memref<50xi32, #tpu.memory_space<vmem>>
        %dma_start3A_661 = arith.constant 0 : i32
        %dma_start3A_662 = arith.constant 0 : i32
        %dma_start3A_663 = tpu.memref_slice %arg8[%dma_start3A_661, %dma_start3A_662] : memref<10000x16xf32, #tpu.memory_space<vmem_shared>> -> memref<10000x16xf32, #tpu.memory_space<vmem_shared>>
        tpu.enqueue_indirect_dma source(%dma_start3A_653 : memref<50x16xf32, #tpu.memory_space<vmem>>) target(%dma_start3A_663 : memref<10000x16xf32, #tpu.memory_space<vmem_shared>>) offsets(%dma_start3A_660 : memref<50xi32, #tpu.memory_space<vmem>>) semaphore(%run_scoped3A_649 : memref<!tpu.dma_semaphore, #tpu.memory_space<semaphore_mem>>) {add = true}
        %dma_wait3A_664 = arith.constant 0 : i32
        %dma_wait3A_665 = arith.constant 0 : i32
        %dma_wait3A_666 = tpu.memref_slice %arg7[%run_scoped3A_623, %dma_wait3A_664, %dma_wait3A_665] : memref<4x50x16xf32, #tpu.memory_space<vmem>> -> memref<1x50x16xf32, #tpu.memory_space<vmem>>
        %dma_wait3A_667 = tpu.memref_squeeze %dma_wait3A_666 : memref<1x50x16xf32, #tpu.memory_space<vmem>> -> memref<50x16xf32, #tpu.memory_space<vmem>>
        %dma_wait3A_668 = arith.constant 0 : i32
        %dma_wait3A_669 = arith.constant 0 : i32
        %dma_wait3A_670 = tpu.memref_slice %arg6[%scan3A_535, %scan3A_536, %dma_wait3A_668, %dma_wait3A_669] : memref<2x2x40x50xi32, #tpu.memory_space<vmem>> -> memref<1x1x40x50xi32, #tpu.memory_space<vmem>>
        %dma_wait3A_671 = tpu.memref_squeeze %dma_wait3A_670 : memref<1x1x40x50xi32, #tpu.memory_space<vmem>> -> memref<40x50xi32, #tpu.memory_space<vmem>>
        %dma_wait3A_672 = arith.constant 0 : i32
        %dma_wait3A_673 = tpu.memref_slice %dma_wait3A_671[%add3A_600, %dma_wait3A_672] : memref<40x50xi32, #tpu.memory_space<vmem>> -> memref<1x50xi32, #tpu.memory_space<vmem>>
        %dma_wait3A_674 = tpu.memref_squeeze %dma_wait3A_673 : memref<1x50xi32, #tpu.memory_space<vmem>> -> memref<50xi32, #tpu.memory_space<vmem>>
        %dma_wait3A_675 = arith.constant 0 : i32
        %dma_wait3A_676 = arith.constant 0 : i32
        %dma_wait3A_677 = tpu.memref_slice %arg8[%dma_wait3A_675, %dma_wait3A_676] : memref<10000x16xf32, #tpu.memory_space<vmem_shared>> -> memref<10000x16xf32, #tpu.memory_space<vmem_shared>>
        tpu.wait_indirect_dma semaphore(%run_scoped3A_649 : memref<!tpu.dma_semaphore, #tpu.memory_space<semaphore_mem>>) src(%dma_wait3A_667 : memref<50x16xf32, #tpu.memory_space<vmem>>) dst(%dma_wait3A_677 : memref<10000x16xf32, #tpu.memory_space<vmem_shared>>)
        tpu.yield
      }) : () -> ()
      %add3A_624 = arith.constant 3 : i32
      %add3A_625 = arith.addi %mul3A_550, %add3A_624 : i32
      %add3A_626 = arith.constant 3 : i32
      %add3A_627 = arith.addi %add3A_625, %add3A_626 : i32
      %lt3A_628 = arith.constant 40 : i32
      %lt3A_629 = arith.cmpi slt, %add3A_627, %lt3A_628 : i32
      %convert_element_type3A_630 = arith.extui %lt3A_629 : i1 to i32
      %cond3A_631 = arith.constant 0 : i32
      %cond3A_632 = arith.cmpi ne, %convert_element_type3A_630, %cond3A_631 : i32
      scf.if %cond3A_632 {
        %dma_start3A_649 = arith.constant 2 : i32
        %dma_start3A_650 = arith.constant 0 : i32
        %dma_start3A_651 = arith.constant 0 : i32
        %dma_start3A_652 = tpu.memref_slice %arg7[%dma_start3A_649, %dma_start3A_650, %dma_start3A_651] : memref<4x50x16xf32, #tpu.memory_space<vmem>> -> memref<1x50x16xf32, #tpu.memory_space<vmem>>
        %dma_start3A_653 = tpu.memref_squeeze %dma_start3A_652 : memref<1x50x16xf32, #tpu.memory_space<vmem>> -> memref<50x16xf32, #tpu.memory_space<vmem>>
        %dma_start3A_654 = arith.constant 0 : i32
        %dma_start3A_655 = arith.constant 0 : i32
        %dma_start3A_656 = tpu.memref_slice %arg6[%scan3A_533, %scan3A_534, %dma_start3A_654, %dma_start3A_655] : memref<2x2x40x50xi32, #tpu.memory_space<vmem>> -> memref<1x1x40x50xi32, #tpu.memory_space<vmem>>
        %dma_start3A_657 = tpu.memref_squeeze %dma_start3A_656 : memref<1x1x40x50xi32, #tpu.memory_space<vmem>> -> memref<40x50xi32, #tpu.memory_space<vmem>>
        %dma_start3A_658 = arith.constant 0 : i32
        %dma_start3A_659 = tpu.memref_slice %dma_start3A_657[%add3A_627, %dma_start3A_658] : memref<40x50xi32, #tpu.memory_space<vmem>> -> memref<1x50xi32, #tpu.memory_space<vmem>>
        %dma_start3A_660 = tpu.memref_squeeze %dma_start3A_659 : memref<1x50xi32, #tpu.memory_space<vmem>> -> memref<50xi32, #tpu.memory_space<vmem>>
        %dma_start3A_661 = arith.constant 0 : i32
        %dma_start3A_662 = arith.constant 0 : i32
        %dma_start3A_663 = tpu.memref_slice %arg2[%dma_start3A_661, %dma_start3A_662] : memref<10000x16xf32, #tpu.memory_space<hbm>> -> memref<10000x16xf32, #tpu.memory_space<hbm>>
        tpu.enqueue_indirect_dma source(%dma_start3A_663 : memref<10000x16xf32, #tpu.memory_space<hbm>>) target(%dma_start3A_653 : memref<50x16xf32, #tpu.memory_space<vmem>>) offsets(%dma_start3A_660 : memref<50xi32, #tpu.memory_space<vmem>>) semaphore(%arg11 : memref<!tpu.dma_semaphore, #tpu.memory_space<semaphore_mem>>)
      } else {
      }
      %dma_wait3A_633 = arith.constant 3 : i32
      %dma_wait3A_634 = arith.constant 0 : i32
      %dma_wait3A_635 = arith.constant 0 : i32
      %dma_wait3A_636 = tpu.memref_slice %arg7[%dma_wait3A_633, %dma_wait3A_634, %dma_wait3A_635] : memref<4x50x16xf32, #tpu.memory_space<vmem>> -> memref<1x50x16xf32, #tpu.memory_space<vmem>>
      %dma_wait3A_637 = tpu.memref_squeeze %dma_wait3A_636 : memref<1x50x16xf32, #tpu.memory_space<vmem>> -> memref<50x16xf32, #tpu.memory_space<vmem>>
      %dma_wait3A_638 = arith.constant 0 : i32
      %dma_wait3A_639 = arith.constant 0 : i32
      %dma_wait3A_640 = tpu.memref_slice %arg6[%scan3A_533, %scan3A_534, %dma_wait3A_638, %dma_wait3A_639] : memref<2x2x40x50xi32, #tpu.memory_space<vmem>> -> memref<1x1x40x50xi32, #tpu.memory_space<vmem>>
      %dma_wait3A_641 = tpu.memref_squeeze %dma_wait3A_640 : memref<1x1x40x50xi32, #tpu.memory_space<vmem>> -> memref<40x50xi32, #tpu.memory_space<vmem>>
      %dma_wait3A_642 = arith.constant 0 : i32
      %dma_wait3A_643 = tpu.memref_slice %dma_wait3A_641[%add3A_625, %dma_wait3A_642] : memref<40x50xi32, #tpu.memory_space<vmem>> -> memref<1x50xi32, #tpu.memory_space<vmem>>
      %dma_wait3A_644 = tpu.memref_squeeze %dma_wait3A_643 : memref<1x50xi32, #tpu.memory_space<vmem>> -> memref<50xi32, #tpu.memory_space<vmem>>
      %dma_wait3A_645 = arith.constant 0 : i32
      %dma_wait3A_646 = arith.constant 0 : i32
      %dma_wait3A_647 = tpu.memref_slice %arg2[%dma_wait3A_645, %dma_wait3A_646] : memref<10000x16xf32, #tpu.memory_space<hbm>> -> memref<10000x16xf32, #tpu.memory_space<hbm>>
      tpu.wait_indirect_dma semaphore(%arg12 : memref<!tpu.dma_semaphore, #tpu.memory_space<semaphore_mem>>) src(%dma_wait3A_647 : memref<10000x16xf32, #tpu.memory_space<hbm>>) dst(%dma_wait3A_637 : memref<50x16xf32, #tpu.memory_space<vmem>>)
      %run_scoped3A_648 = arith.constant 3 : i32
      "tpu.region"() ({
        %run_scoped3A_649 = tpu.sem_alloc : memref<!tpu.dma_semaphore, #tpu.memory_space<semaphore_mem>>
        %dma_start3A_650 = arith.constant 0 : i32
        %dma_start3A_651 = arith.constant 0 : i32
        %dma_start3A_652 = tpu.memref_slice %arg7[%run_scoped3A_648, %dma_start3A_650, %dma_start3A_651] : memref<4x50x16xf32, #tpu.memory_space<vmem>> -> memref<1x50x16xf32, #tpu.memory_space<vmem>>
        %dma_start3A_653 = tpu.memref_squeeze %dma_start3A_652 : memref<1x50x16xf32, #tpu.memory_space<vmem>> -> memref<50x16xf32, #tpu.memory_space<vmem>>
        %dma_start3A_654 = arith.constant 0 : i32
        %dma_start3A_655 = arith.constant 0 : i32
        %dma_start3A_656 = tpu.memref_slice %arg6[%scan3A_535, %scan3A_536, %dma_start3A_654, %dma_start3A_655] : memref<2x2x40x50xi32, #tpu.memory_space<vmem>> -> memref<1x1x40x50xi32, #tpu.memory_space<vmem>>
        %dma_start3A_657 = tpu.memref_squeeze %dma_start3A_656 : memref<1x1x40x50xi32, #tpu.memory_space<vmem>> -> memref<40x50xi32, #tpu.memory_space<vmem>>
        %dma_start3A_658 = arith.constant 0 : i32
        %dma_start3A_659 = tpu.memref_slice %dma_start3A_657[%add3A_625, %dma_start3A_658] : memref<40x50xi32, #tpu.memory_space<vmem>> -> memref<1x50xi32, #tpu.memory_space<vmem>>
        %dma_start3A_660 = tpu.memref_squeeze %dma_start3A_659 : memref<1x50xi32, #tpu.memory_space<vmem>> -> memref<50xi32, #tpu.memory_space<vmem>>
        %dma_start3A_661 = arith.constant 0 : i32
        %dma_start3A_662 = arith.constant 0 : i32
        %dma_start3A_663 = tpu.memref_slice %arg8[%dma_start3A_661, %dma_start3A_662] : memref<10000x16xf32, #tpu.memory_space<vmem_shared>> -> memref<10000x16xf32, #tpu.memory_space<vmem_shared>>
        tpu.enqueue_indirect_dma source(%dma_start3A_653 : memref<50x16xf32, #tpu.memory_space<vmem>>) target(%dma_start3A_663 : memref<10000x16xf32, #tpu.memory_space<vmem_shared>>) offsets(%dma_start3A_660 : memref<50xi32, #tpu.memory_space<vmem>>) semaphore(%run_scoped3A_649 : memref<!tpu.dma_semaphore, #tpu.memory_space<semaphore_mem>>) {add = true}
        %dma_wait3A_664 = arith.constant 0 : i32
        %dma_wait3A_665 = arith.constant 0 : i32
        %dma_wait3A_666 = tpu.memref_slice %arg7[%run_scoped3A_648, %dma_wait3A_664, %dma_wait3A_665] : memref<4x50x16xf32, #tpu.memory_space<vmem>> -> memref<1x50x16xf32, #tpu.memory_space<vmem>>
        %dma_wait3A_667 = tpu.memref_squeeze %dma_wait3A_666 : memref<1x50x16xf32, #tpu.memory_space<vmem>> -> memref<50x16xf32, #tpu.memory_space<vmem>>
        %dma_wait3A_668 = arith.constant 0 : i32
        %dma_wait3A_669 = arith.constant 0 : i32
        %dma_wait3A_670 = tpu.memref_slice %arg6[%scan3A_535, %scan3A_536, %dma_wait3A_668, %dma_wait3A_669] : memref<2x2x40x50xi32, #tpu.memory_space<vmem>> -> memref<1x1x40x50xi32, #tpu.memory_space<vmem>>
        %dma_wait3A_671 = tpu.memref_squeeze %dma_wait3A_670 : memref<1x1x40x50xi32, #tpu.memory_space<vmem>> -> memref<40x50xi32, #tpu.memory_space<vmem>>
        %dma_wait3A_672 = arith.constant 0 : i32
        %dma_wait3A_673 = tpu.memref_slice %dma_wait3A_671[%add3A_625, %dma_wait3A_672] : memref<40x50xi32, #tpu.memory_space<vmem>> -> memref<1x50xi32, #tpu.memory_space<vmem>>
        %dma_wait3A_674 = tpu.memref_squeeze %dma_wait3A_673 : memref<1x50xi32, #tpu.memory_space<vmem>> -> memref<50xi32, #tpu.memory_space<vmem>>
        %dma_wait3A_675 = arith.constant 0 : i32
        %dma_wait3A_676 = arith.constant 0 : i32
        %dma_wait3A_677 = tpu.memref_slice %arg8[%dma_wait3A_675, %dma_wait3A_676] : memref<10000x16xf32, #tpu.memory_space<vmem_shared>> -> memref<10000x16xf32, #tpu.memory_space<vmem_shared>>
        tpu.wait_indirect_dma semaphore(%run_scoped3A_649 : memref<!tpu.dma_semaphore, #tpu.memory_space<semaphore_mem>>) src(%dma_wait3A_667 : memref<50x16xf32, #tpu.memory_space<vmem>>) dst(%dma_wait3A_677 : memref<10000x16xf32, #tpu.memory_space<vmem_shared>>)
        tpu.yield
      }) : () -> ()
    }
    %scan3A_541 = arith.constant 10 : i32
    %barrier3A_542 = arith.constant 0 : index
    tpu.barrier barrier_id(%barrier3A_542)
    "tpu.region"() ({
      %run_scoped3A = tpu.sem_alloc : memref<!tpu.dma_semaphore, #tpu.memory_space<semaphore_mem>>
      %dma_start3A_548 = arith.constant 0 : i32
      %dma_start3A_549 = tpu.memref_slice %arg5[%arg0, %mul3A_2, %dma_start3A_548] : memref<2x10000x16xf32, #tpu.memory_space<hbm>> -> memref<1x624x16xf32, #tpu.memory_space<hbm>>
      %dma_start3A_550 = tpu.memref_squeeze %dma_start3A_549 : memref<1x624x16xf32, #tpu.memory_space<hbm>> -> memref<624x16xf32, #tpu.memory_space<hbm>>
      %dma_start3A_551 = arith.constant 0 : i32
      %dma_start3A_552 = tpu.memref_slice %arg8[%mul3A_2, %dma_start3A_551] : memref<10000x16xf32, #tpu.memory_space<vmem_shared>> -> memref<624x16xf32, #tpu.memory_space<vmem_shared>>
      tpu.enqueue_dma source(%dma_start3A_552 : memref<624x16xf32, #tpu.memory_space<vmem_shared>>) target(%dma_start3A_550 : memref<624x16xf32, #tpu.memory_space<hbm>>) target_semaphore(%run_scoped3A : memref<!tpu.dma_semaphore, #tpu.memory_space<semaphore_mem>>)
      %dma_wait3A_553 = arith.constant 0 : i32
      %dma_wait3A_554 = tpu.memref_slice %arg5[%arg0, %mul3A_2, %dma_wait3A_553] : memref<2x10000x16xf32, #tpu.memory_space<hbm>> -> memref<1x624x16xf32, #tpu.memory_space<hbm>>
      %dma_wait3A_555 = tpu.memref_squeeze %dma_wait3A_554 : memref<1x624x16xf32, #tpu.memory_space<hbm>> -> memref<624x16xf32, #tpu.memory_space<hbm>>
      %dma_wait3A_556 = arith.constant 0 : i32
      %dma_wait3A_557 = tpu.memref_slice %arg8[%mul3A_2, %dma_wait3A_556] : memref<10000x16xf32, #tpu.memory_space<vmem_shared>> -> memref<624x16xf32, #tpu.memory_space<vmem_shared>>
      tpu.wait_dma2 semaphore(%run_scoped3A : memref<!tpu.dma_semaphore, #tpu.memory_space<semaphore_mem>>) src(%dma_wait3A_557 : memref<624x16xf32, #tpu.memory_space<vmem_shared>>) dst(%dma_wait3A_555 : memref<624x16xf32, #tpu.memory_space<hbm>>)
      tpu.yield
    }) : () -> ()
    %eq3A_543 = arith.constant 15 : i32
    %eq3A_544 = arith.cmpi eq, %arg1, %eq3A_543 : i32
    %convert_element_type3A_545 = arith.extui %eq3A_544 : i1 to i32
    %cond3A_546 = arith.constant 0 : i32
    %cond3A_547 = arith.cmpi ne, %convert_element_type3A_545, %cond3A_546 : i32
    scf.if %cond3A_547 {
      "tpu.region"() ({
        %run_scoped3A = tpu.sem_alloc : memref<!tpu.dma_semaphore, #tpu.memory_space<semaphore_mem>>
        %dma_start3A_548 = arith.constant 9984 : i32
        %dma_start3A_549 = arith.constant 0 : i32
        %dma_start3A_550 = tpu.memref_slice %arg5[%arg0, %dma_start3A_548, %dma_start3A_549] : memref<2x10000x16xf32, #tpu.memory_space<hbm>> -> memref<1x16x16xf32, #tpu.memory_space<hbm>>
        %dma_start3A_551 = tpu.memref_squeeze %dma_start3A_550 : memref<1x16x16xf32, #tpu.memory_space<hbm>> -> memref<16x16xf32, #tpu.memory_space<hbm>>
        %dma_start3A_552 = arith.constant 9984 : i32
        %dma_start3A_553 = arith.constant 0 : i32
        %dma_start3A_554 = tpu.memref_slice %arg8[%dma_start3A_552, %dma_start3A_553] : memref<10000x16xf32, #tpu.memory_space<vmem_shared>> -> memref<16x16xf32, #tpu.memory_space<vmem_shared>>
        tpu.enqueue_dma source(%dma_start3A_554 : memref<16x16xf32, #tpu.memory_space<vmem_shared>>) target(%dma_start3A_551 : memref<16x16xf32, #tpu.memory_space<hbm>>) target_semaphore(%run_scoped3A : memref<!tpu.dma_semaphore, #tpu.memory_space<semaphore_mem>>)
        %dma_wait3A_555 = arith.constant 9984 : i32
        %dma_wait3A_556 = arith.constant 0 : i32
        %dma_wait3A_557 = tpu.memref_slice %arg5[%arg0, %dma_wait3A_555, %dma_wait3A_556] : memref<2x10000x16xf32, #tpu.memory_space<hbm>> -> memref<1x16x16xf32, #tpu.memory_space<hbm>>
        %dma_wait3A_558 = tpu.memref_squeeze %dma_wait3A_557 : memref<1x16x16xf32, #tpu.memory_space<hbm>> -> memref<16x16xf32, #tpu.memory_space<hbm>>
        %dma_wait3A_559 = arith.constant 9984 : i32
        %dma_wait3A_560 = arith.constant 0 : i32
        %dma_wait3A_561 = tpu.memref_slice %arg8[%dma_wait3A_559, %dma_wait3A_560] : memref<10000x16xf32, #tpu.memory_space<vmem_shared>> -> memref<16x16xf32, #tpu.memory_space<vmem_shared>>
        tpu.wait_dma2 semaphore(%run_scoped3A : memref<!tpu.dma_semaphore, #tpu.memory_space<semaphore_mem>>) src(%dma_wait3A_561 : memref<16x16xf32, #tpu.memory_space<vmem_shared>>) dst(%dma_wait3A_558 : memref<16x16xf32, #tpu.memory_space<hbm>>)
        tpu.yield
      }) : () -> ()
    } else {
    }
    return
  }
}

</mosaic_0001>

<sc_bundles>
// kernel: _sc_spmm_lap.3.cloned.1.call-start
scs
__scs_entry_jumppad:
0x0: {  	(pc) =	sbr.rel $0x88, $3  }
0x1: {  	(tag) =	ssettag $0x0;
	lr =	simm.s32 $0x1  }
0x2: {  	[smem:$0x3F9E] =	sst lr;
	_ =	strace $0xD0000000  }
0x3: {  	_ = 	snop  }
0x4: {  	_ = 	snop  }
0x5: {  	_ = 	snop  }
0x6: {  	_ = 	snop  }
0x7: {  	_ = 	snop  }
__scs_overlays_trampoline_lowered:
0x8: {  	[smem:$0x3FAD] =	sst s0  }
0x9: {  	[smem:$0x3FAE] =	sst s1  }
0xa: {  	[smem:$0x3FAF] =	sst s2  }
0xb: {  	[smem:$0x3FB0] =	sst s3  }
0xc: {  	[smem:$0x3FB1] =	sst s4  }
0xd: {  	[smem:$0x3FB2] =	sst s5  }
0xe: {  	[smem:$0x3FB3] =	sst s6  }
0xf: {  	[smem:$0x3FB4] =	sst s7  }
0x10: {  	[smem:$0x3FB5] =	sst s8  }
0x11: {  	[smem:$0x3FB6] =	sst s9;
	s0 =	simm.s32 @!p0 $0x0  }
0x12: {  	s1 =	sld [smem:$0x3F9C];
	s0 =	simm.s32 @p0 $0x1  }
0x13: {  	[smem:$0x3FB7] =	sst s0;
	s0 =	simm.s32 @!p1 $0x0  }
0x14: {  	s2 =	sld [smem:$0x3F9B];
	s0 =	simm.s32 @p1 $0x1  }
0x15: {  	[smem:$0x3FB8] =	sst s0;
	s0 =	simm.s32 @!p2 $0x0  }
0x16: {  	s3 =	sld [smem:$0x3FDB];
	s0 =	simm.s32 @p2 $0x1  }
0x17: {  	s4 =	simm.s32 $0x1BF5;
	[smem:$0x3FBA] =	sst s0  }
0x18: {  	s0 =	sld [smem:$0x3F9D];
	_ =	swait.ge [sflag:s4], $0x0  }
0x19: {  	s7 =	sld [smem:$0x3F9E]  }
0x1a: {  	s8 =	sadd.s32 $0xFFFFE003, lr  }
0x1b: {  	s9 =	sadd.s32 $0xFFFFFEF7, lr;
	s5 =	simm.s32 $0xFFFFFFFF;
	p2 =	slt.u32 s8, $0xFFFFF086  }
0x1c: {  	p1 =	slt.u32 s9, $0xF7A;
	s5 =	simm.s32 @!p2 $0x0  }
0x1d: {  	s5 =	simm.s32 @p1 $0x1;
	p0 =	seq.s32 s7, s2  }
0x1e: {  	s7 =	smul.u32 @!p0 $0xF7A, s2;
	p2 =	seq.s32 @!p0 s5, $0x0  }
0x1f: {  	s9 =	smul.u32 $0xF7A, s1;
	s8 =	simm.s32 @!p0 $0x1BF5;
	p2 =	por !p2, p0  }
0x20: {  	[sflag:s8] =	ssyncset.s32 @!p0 $0xFFFFF086;
	s6 =	sadd.s32 @!p0 s3, s7;
	s7 =	simm.s32 @!p0 $0x108  }
0x21: {  	s3 =	sadd.s32 s3, s9;
	s6 =	sadd.s32 @!p0 $0x88, s6;
	s7 =	simm.s32 @p2 $0x1082  }
0x22: {  	[simem:s7], [sflag:s8] =	dma.local @!p0 [hbm:s6], $0xF7A  }
0x23: {  	s9 =	sor.u32 $0xD0000000, s2;
	s6 =	simm.s32 $0x108;
	_ =	swait.ge @!p0 [sflag:s8], $0x0  }
0x24: {  	s3 =	sadd.s32 $0x88, s3;
	s6 =	simm.s32 @!p1 $0x1082;
	[sflag:s4] =	ssyncset.s32 $0xFFFFF086  }
0x25: {  	[simem:s6], [sflag:s4] =	dma.local [hbm:s3], $0xF7A  }
0x26: {  	[smem:$0x3F9E] =	sst s1;
	(tag) =	ssettag s2;
	_ =	strace s9  }
0x27: {  	s1 =	sld [smem:$0x3FAE]  }
0x28: {  	s2 =	sld [smem:$0x3FAF]  }
0x29: {  	s4 =	sld [smem:$0x3FB1]  }
0x2a: {  	p0 =	seq.s32 s5, $0x0;
	s5 =	sld [smem:$0x3FB2]  }
0x2b: {  	s6 =	sld [smem:$0x3FB3]  }
0x2c: {  	s7 =	sld [smem:$0x3FB4]  }
0x2d: {  	s3 =	simm.s32 $0x108;
	s8 =	sld [smem:$0x3FB5]  }
0x2e: {  	s3 =	simm.s32 @!p0 $0x1082;
	s9 =	sld [smem:$0x3FB6]  }
0x2f: {  	lr =	sadd.s32 s0, s3;
	s0 =	sld [smem:$0x3FAD]  }
0x30: {  	s3 =	sld [smem:$0x3FB0]  }
0x31: {  	[smem:$0x3FB9] =	sst s10  }
0x32: {  	s10 =	sld [smem:$0x3FB7];
	_ =	sdelay $0x3  }
0x33: {  	p0 =	seq.s32 s10, $0x1;
	s10 =	sld [smem:$0x3FB9];
	_ =	sdelay $0x3  }
0x34: {  	[smem:$0x3FB9] =	sst s10  }
0x35: {  	s10 =	sld [smem:$0x3FB8];
	_ =	sdelay $0x3  }
0x36: {  	p1 =	seq.s32 s10, $0x1;
	s10 =	sld [smem:$0x3FB9];
	_ =	sdelay $0x3  }
0x37: {  	[smem:$0x3FB9] =	sst s10  }
0x38: {  	s10 =	sld [smem:$0x3FBA]  }
0x39: {  	_ = 	snop;
	(pc) =	sbr.ind lr, $3  }
0x3a: {  	_ = 	snop  }
0x3b: {  	_ = 	snop  }
0x3c: {  	p2 =	seq.s32 s10, $0x1;
	s10 =	sld [smem:$0x3FB9]  }
0x3d: {  	_ =	shalt  }
0x3e: {  	_ =	shalt  }
0x3f: {  	_ =	shalt  }
0x40: {  	_ =	shalt  }
0x41: {  	_ =	shalt  }
0x42: {  	_ =	shalt  }
0x43: {  	_ =	shalt  }
0x44: {  	_ =	shalt  }
0x45: {  	_ =	shalt  }
0x46: {  	_ =	shalt  }
0x47: {  	_ =	shalt  }
0x48: {  	_ =	shalt  }
0x49: {  	_ =	shalt  }
0x4a: {  	_ =	shalt  }
0x4b: {  	_ =	shalt  }
0x4c: {  	_ =	shalt  }
0x4d: {  	_ =	shalt  }
0x4e: {  	_ =	shalt  }
0x4f: {  	_ =	shalt  }
0x50: {  	_ =	shalt  }
0x51: {  	_ =	shalt  }
0x52: {  	_ =	shalt  }
0x53: {  	_ =	shalt  }
0x54: {  	_ =	shalt  }
0x55: {  	_ =	shalt  }
0x56: {  	_ =	shalt  }
0x57: {  	_ =	shalt  }
0x58: {  	_ =	shalt  }
0x59: {  	_ =	shalt  }
0x5a: {  	_ =	shalt  }
0x5b: {  	_ =	shalt  }
0x5c: {  	_ =	shalt  }
0x5d: {  	_ =	shalt  }
0x5e: {  	_ =	shalt  }
0x5f: {  	_ =	shalt  }
0x60: {  	_ =	shalt  }
0x61: {  	_ =	shalt  }
0x62: {  	_ =	shalt  }
0x63: {  	_ =	shalt  }
0x64: {  	_ =	shalt  }
0x65: {  	_ =	shalt  }
0x66: {  	_ =	shalt  }
0x67: {  	_ =	shalt  }
0x68: {  	_ =	shalt  }
0x69: {  	_ =	shalt  }
0x6a: {  	_ =	shalt  }
0x6b: {  	_ =	shalt  }
0x6c: {  	_ =	shalt  }
0x6d: {  	_ =	shalt  }
0x6e: {  	_ =	shalt  }
0x6f: {  	_ =	shalt  }
0x70: {  	_ =	shalt  }
0x71: {  	_ =	shalt  }
0x72: {  	_ =	shalt  }
0x73: {  	_ =	shalt  }
0x74: {  	_ =	shalt  }
0x75: {  	_ =	shalt  }
0x76: {  	_ =	shalt  }
0x77: {  	_ =	shalt  }
0x78: {  	_ =	shalt  }
0x79: {  	_ =	shalt  }
0x7a: {  	_ =	shalt  }
0x7b: {  	_ =	shalt  }
0x7c: {  	_ =	shalt  }
0x7d: {  	_ =	shalt  }
0x7e: {  	_ =	shalt  }
0x7f: {  	_ =	shalt  }
0x80: {  	_ =	shalt  }
0x81: {  	_ =	shalt  }
0x82: {  	_ =	shalt  }
0x83: {  	_ =	shalt  }
0x84: {  	_ =	shalt  }
0x85: {  	_ =	shalt  }
0x86: {  	_ =	shalt  }
0x87: {  	_ =	shalt  }
.Lfunc_end0:
.L_simem_size_0:
called_computation_lowered:
.L_overlay_start_0:
0x88: {  	s2 =	sld [smem:$0x3FD9]  }
0x89: {  	s3 =	sld [smem:$0x3FFE];
	_ =	sdelay $0x1  }
0x8a: {  	s1 =	srdreg.scid  }
0x8b: {  	s0 =	sand.u32 $0x1, s1  }
0x8c: {  	s17 =	sshll.u32 s0, $0xA;
	s2 =	sadd.s32 s3, s2  }
0x8d: {  	s2 =	sadd.s32 s2, s17  }
0x8e: {  	[smem:$0x3FC5] =	sst s2  }
0x8f: {  	_ = 	snop  }
0x90: {  	s2 =	sld [smem:$0x3FD0];
	(tm) =	ssettm $0x1  }
0x91: {  	s18 =	sld [smem:$0x3FFB];
	_ =	sdelay $0x3  }
0x92: {  	_ =	strace s18  }
0x93: {  	s3 =	sld [smem:$0x3FFC];
	_ =	sdelay $0x3  }
0x94: {  	_ =	strace s3  }
0x95: {  	s3 =	sld [smem:$0x3FFD];
	_ =	sdelay $0x3  }
0x96: {  	_ =	strace s3  }
0x97: {  	_ =	strace $0x8FFFFFFF  }
0x98: {  	s19 =	sld [smem:$0x3FDB];
	_ =	sdelay $0x1  }
0x99: {  	s4 =	simm.s32 $_scs_section_size  }
0x9a: {  	s5 =	simm.s32 $_size__tile_overlayer_lowered;
	s6 =	simm.s32 $_tile_overlayer_lowered  }
0x9b: {  	s22 =	simm.s32 $0x1BFF;
	s21 =	sshll.u32 s6, $0x1;
	s3 =	sadd.s32 s4, s19  }
0x9c: {  	s7 =	simm.s32 $0x0;
	s20 =	sshll.u32 s5, $0x1;
	s5 =	sadd.s32 s21, s3  }
0x9d: {  	[timem:s7], [sflag:s22] =	dma.local [hbm:s5], s20  }
0x9e: {  	_ =	swait.ge [sflag:s22], s20  }
0x9f: {  	s4 =	ssub.s32 $0x0, s20;
	[sflag:s22] =	ssyncset.done $0x0  }
0xa0: {  	[sflag:s22] =	ssyncadd.s32 s4;
	_ =	sdelay $0x1  }
0xa1: {  	s23 =	simm.s32 $0x1B8B  }
0xa2: {  	_ =	swait.ge [sflag:s23], $0x1  }
0xa3: {  	[sflag:s23] =	ssyncset.done $0x0  }
0xa4: {  	s25 =	simm.s32 $0x1B8E;
	s24 =	sld [smem:$0x3FFE];
	[sflag:s23] =	ssyncadd.s32 $0xFFFFFFFF  }
0xa5: {  	s26 =	simm.s32 $execute0_lowered;
	[smem:$0x3FD2] =	sst s25  }
0xa6: {  	s5 =	sshll.u32 s26, $0x1;
	_ =	strace $0x80000046;
	[dreg:$0x1] =	wrdreg $0xFFFFFFFF  }
0xa7: {  	s28 =	simm.s32 $_size_execute0_lowered;
	s3 =	sadd.s32 s3, s5;
	[dreg:$0x0] =	wrdreg $0x0  }
0xa8: {  	s5 =	sshll.u32 s28, $0x1;
	[dreg:$0x2] =	wrdreg s3  }
0xa9: {  	[dreg:$0x3] =	wrdreg s5  }
0xaa: {  	[dreg:$0x4] =	wrdreg $0xC0  }
0xab: {  	_ =	task [dreg:s7], $0x5FFFF  }
0xac: {  	[dreg:$0x1] =	wrdreg $0xFFFFFFFF  }
0xad: {  	[dreg:$0x0] =	wrdreg $0x60  }
0xae: {  	[dreg:$0x2] =	wrdreg s24  }
0xaf: {  	[dreg:$0x3] =	wrdreg s2  }
0xb0: {  	[dreg:$0x4] =	wrdreg $0x2F800  }
0xb1: {  	[dreg:$0x5] =	wrdreg $0x9  }
0xb2: {  	_ =	task.clear_ibuf [dreg:s7], $0x6FFFF;
	_ =	strace $0x90000046  }
0xb3: {  	s29 =	simm.s32 $0x9;
	_ =	strace $0x80000048  }
0xb4: {  	_ =	swait.ge [sflag:s29], $0x1  }
0xb5: {  	[sflag:s29] =	ssyncadd.s32 $0xFFFFFFFF  }
0xb6: {  	_ =	strace $0x90000048  }
0xb7: {  	_ =	sfence  }
0xb8: {  	s30 =	sld [smem:$0x0];
	_ =	sdelay $0x2  }
0xb9: {  	s31 =	sshll.u32 s1, $0xD;
	s1 =	sshrl.u32 s1, $0x2  }
0xba: {  	s3 =	sand.u32 $0x4000, s31;
	s1 =	sadd.s32 s1, s30  }
0xbb: {  	s0 =	sor.u32 s3, s0;
	s1 =	sshll.u32 s1, $0x11  }
0xbc: {  	s0 =	sor.u32 s1, s0  }
0xbd: {  	s0 =	sadd.s32 $0x8F2B, s0  }
0xbe: {  	[sflag:s0] =	ssyncadd.remote.s32 $0x1  }
0xbf: {  	_ =	sfence.sel $0xFFFF  }
0xc0: {  	[dreg:$0x0] =	wrdreg $0xFFFFFFFF;
	(pc) =	sbr.abs _section_cstart, $3  }
0xc1: {  	[dreg:$0x1] =	wrdreg $0xFFFFFFFF  }
0xc2: {  	_ =	task.clear_ibuf [dreg:s7], $0x2FFFF;
	_ =	strace $0x9FFFFFFF  }
0xc3: {  	(tm) =	ssettm $0x7FFFFFFF  }
tec
execute0_lowered:
.L_overlay_start_1:
0x0: {  	(tag) =	ssettag $0x1  }
0x1: {  	s1 =	rddreg [dreg:$0x0]  }
0x2: {  	s0 =	srdreg.scid;
	s3 =	rddreg [dreg:$0x1]  }
0x3: {  	s11 =	stileid.u32;
	s2 =	rddreg [dreg:$0x2]  }
0x4: {  	s5 =	simm.s32 $0x0;
	s16 =	simm.s32 $0x7;
	s18 =	simm.s32 $0x5  }
0x5: {  	s28 =	simm.s32 $0x1;
	s29 =	simm.s32 $0x2;
	s30 =	simm.s32 $0x3  }
0x6: {  	s31 =	simm.s32 $0x4;
	s14 =	simm.s32 $0x0;
	s0 =	sand.u32 $0x1, s0  }
0x7: {  	[smem:$0x7FF] =	sst s5;
	s5 =	sadd.s32 $0xC00, s1;
	s21 =	smul.u32 $0x2700, s11  }
0x8: {  	s23 =	sshll.u32 s11, $0x6;
	s10 =	sadd.s32 $0x27000, s2;
	p0 =	sne.s32 s11, $0xF  }
0x9: {  	s4 =	sshll.u32 s0, $0x4;
	_ =	strace $0x80000047;
	s6 =	ssub.s32 $0x2, s0  }
0xa: {  	s0 =	smul.u32 $0x27100, s0;
	s17 =	sshrl.u32 @!p0 s10, $0x3;
	s10 =	simm.s32 $0x6  }
0xb: {  	s4 =	sor.u32 s11, s4;
	s7 =	sshrl.u32 s6, $0x1;
	s9 =	sadd.s32 s21, s2  }
0xc: {  	s4 =	smul.u32 $0x5780, s4;
	s20 =	ssub.s32 s6, s7;
	s7 =	sor.u32 $0x1C07, s23  }
0xd: {  	s6 =	sadd.s32 s21, s0;
	s0 =	sshrl.u32 s0, $0x3;
	s15 =	sshrl.u32 s9, $0x3  }
0xe: {  	s21 =	simm.s32 $0x2300;
	s23 =	simm.s32 $0x2620;
	s9 =	simm.s32 $0x1148  }
0xf: {  	s6 =	sshrl.u32 s6, $0x3;
	s0 =	sadd.s32 s3, s0;
	s26 =	smax.u32 s20, $0x1  }
0x10: {  	s19 =	sshrl.u32 s4, $0x3;
	s6 =	sadd.s32 s3, s6;
	[dreg:$0xb] =	wrdreg s26  }
0x11: {  	s0 =	sadd.s32 $0x4E00, s0;
	s8 =	sadd.s32 s19, s1;
	[dreg:$0x9] =	wrdreg s6  }
0x12: {  	s20 =	simm.s32 $0x32;
	[dreg:$0xa] =	wrdreg s0;
	s22 =	sadd.s32 $0x6200, s8  }
0x13: {  	s4 =	sadd.s32 $0x1200, s1;
	s12 =	sadd.s32 $0x6430, s8;
	[dreg:$0x4] =	wrdreg s22  }
0x14: {  	s26 =	simm.s32 $0x2C60;
	s24 =	sadd.s32 $0x6660, s8;
	[dreg:$0x5] =	wrdreg s12  }
0x15: {  	s19 =	simm.s32 $0x1180;
	s25 =	sadd.s32 $0x6890, s8;
	[dreg:$0x6] =	wrdreg s24  }
0x16: {  	s1 =	simm.s32 $0x888;
	s8 =	sadd.s32 $0x6AC0, s8;
	[dreg:$0x7] =	wrdreg s25  }
0x17: {  	s0 =	simm.s32 $0x10A0;
	s6 =	simm.s32 $0x10D8;
	[dreg:$0x8] =	wrdreg s8  }
0x18: {  	s24 =	simm.s32 $0x70;
	s25 =	simm.s32 $0x2940;
	s8 =	simm.s32 $0x1110  }
.LBB2_1:
0x19: {  	s11 =	simm.s32 $0x0;
	s3 =	rddreg [dreg:$0x4]  }
0x1a: {  	[tilespmem:s11], [sflag:$0x5] =	stream.linear.gather [hbm4b:s3+s11], $0x1180, $0x38;
	[tilespmem:$0x5690] =	vst v63  }
0x1b: {  	[spmem:s15], [sflag:s7] =	dma.local [hbm:s5], $0x4E0  }
0x1c: {  	_ =	swait.ge [sflag:s16], $0x4E0  }
0x1d: {  	[sflag:s16] =	ssyncset.done $0x0  }
0x1e: {  	s3 =	simm.s32 @!p0 $0x7;
	[sflag:s16] =	ssyncadd.s32 $0xFFFFFB20  }
0x1f: {  	[spmem:s17], [sflag:s7] =	dma.local @!p0 [hbm:s5], $0x20  }
0x20: {  	_ =	swait.ge @!p0 [sflag:s3], $0x20  }
0x21: {  	[sflag:s3] =	ssyncset.done @!p0 $0x0  }
0x22: {  	[sflag:s3] =	ssyncadd.s32 @!p0 $0xFFFFFFE0  }
0x23: {  	[bflag:$0x0] =	sbarrier.arrive $0xFFFF  }
0x24: {  	_ =	swait.ge [sflag:s18], $0x1180  }
0x25: {  	[sflag:s18] =	ssyncset.done $0x0  }
0x26: {  	s13 =	rddreg [dreg:$0x5];
	[sflag:s18] =	ssyncadd.s32 $0xFFFFEE80  }
0x27: {  	[tilespmem:s19], [sflag:$0x6] =	stream.linear.gather [hbm4b:s13+s11], $0x1180, $0x38;
	[tilespmem:$0x5690] =	vst v63  }
0x28: {  	_ = 	snop  }
0x29: {  	[tilespmem:s21], [sflag:$0x1] =	stream.indirect.gather [hbm4b:s4+s20], $0x10, s11, s20, $0xb8;
	[tilespmem:$0x5690] =	vst v63  }
0x2a: {  	s22 =	simm.s32 $0x38  }
0x2b: {  	[tilespmem:s23], [sflag:$0x2] =	stream.indirect.gather [hbm4b:s4+s20], $0x10, s22, s20, $0xb8;
	[tilespmem:$0x5690] =	vst v63  }
0x2c: {  	_ = 	snop  }
0x2d: {  	[tilespmem:s25], [sflag:$0x3] =	stream.indirect.gather [hbm4b:s4+s20], $0x10, s24, s20, $0xb8;
	[tilespmem:$0x5690] =	vst v63  }
0x2e: {  	s11 =	simm.s32 $0xA8  }
0x2f: {  	[tilespmem:s26], [sflag:$0x4] =	stream.indirect.gather [hbm4b:s4+s20], $0x10, s11, s20, $0xb8;
	[tilespmem:$0x5690] =	vst v63  }
0x30: {  	_ =	swait.ge [sflag:s28], $0x320  }
0x31: {  	[sflag:s28] =	ssyncset.done $0x0  }
0x32: {  	s12 =	simm.s32 $0x8C0;
	[sflag:s28] =	ssyncadd.s32 $0xFFFFFCE0  }
0x33: {  	[spmem:s2] =	stream.indirect.scatter.add.f32 [tilespmem:s21], [sflag:$0x7], $0x10, s12, s20, $0xb8;
	[tilespmem:$0x5690] =	vst v63  }
0x34: {  	_ =	swait.ge [sflag:s16], $0x320  }
0x35: {  	[sflag:s16] =	ssyncset.done $0x0  }
0x36: {  	s13 =	simm.s32 $0xE0;
	[sflag:s16] =	ssyncadd.s32 $0xFFFFFCE0  }
0x37: {  	[tilespmem:s21], [sflag:$0x1] =	stream.indirect.gather [hbm4b:s4+s20], $0x10, s13, s20, $0xb8;
	[tilespmem:$0x5690] =	vst v63  }
0x38: {  	_ =	swait.ge [sflag:s29], $0x320  }
0x39: {  	[sflag:s29] =	ssyncset.done $0x0  }
0x3a: {  	s22 =	simm.s32 $0x8F8;
	[sflag:s29] =	ssyncadd.s32 $0xFFFFFCE0  }
0x3b: {  	[spmem:s2] =	stream.indirect.scatter.add.f32 [tilespmem:s23], [sflag:$0x7], $0x10, s22, s20, $0xb8;
	[tilespmem:$0x5690] =	vst v63  }
0x3c: {  	_ =	swait.ge [sflag:s16], $0x320  }
0x3d: {  	[sflag:s16] =	ssyncset.done $0x0  }
0x3e: {  	s11 =	simm.s32 $0x118;
	[sflag:s16] =	ssyncadd.s32 $0xFFFFFCE0  }
0x3f: {  	[tilespmem:s23], [sflag:$0x2] =	stream.indirect.gather [hbm4b:s4+s20], $0x10, s11, s20, $0xb8;
	[tilespmem:$0x5690] =	vst v63  }
0x40: {  	_ =	swait.ge [sflag:s30], $0x320  }
0x41: {  	[sflag:s30] =	ssyncset.done $0x0  }
0x42: {  	s12 =	simm.s32 $0x930;
	[sflag:s30] =	ssyncadd.s32 $0xFFFFFCE0  }
0x43: {  	[spmem:s2] =	stream.indirect.scatter.add.f32 [tilespmem:s25], [sflag:$0x7], $0x10, s12, s20, $0xb8;
	[tilespmem:$0x5690] =	vst v63  }
0x44: {  	_ =	swait.ge [sflag:s16], $0x320  }
0x45: {  	[sflag:s16] =	ssyncset.done $0x0  }
0x46: {  	s13 =	simm.s32 $0x150;
	[sflag:s16] =	ssyncadd.s32 $0xFFFFFCE0  }
0x47: {  	[tilespmem:s25], [sflag:$0x3] =	stream.indirect.gather [hbm4b:s4+s20], $0x10, s13, s20, $0xb8;
	[tilespmem:$0x5690] =	vst v63  }
0x48: {  	_ =	swait.ge [sflag:s31], $0x320  }
0x49: {  	[sflag:s31] =	ssyncset.done $0x0  }
0x4a: {  	s22 =	simm.s32 $0x968;
	[sflag:s31] =	ssyncadd.s32 $0xFFFFFCE0  }
0x4b: {  	[spmem:s2] =	stream.indirect.scatter.add.f32 [tilespmem:s26], [sflag:$0x7], $0x10, s22, s20, $0xb8;
	[tilespmem:$0x5690] =	vst v63  }
0x4c: {  	_ =	swait.ge [sflag:s16], $0x320  }
0x4d: {  	s11 =	simm.s32 $0xE0;
	s12 =	simm.s32 $0x700;
	[sflag:s16] =	ssyncset.done $0x0  }
.LBB2_2:
0x4e: {  	s22 =	sadd.s32 $0xA8, s11  }
0x4f: {  	[sflag:s16] =	ssyncadd.s32 $0xFFFFFCE0;
	s13 =	smov.u32 s12;
	s3 =	sadd.s32 $0x380, s12  }
0x50: {  	[tilespmem:s26], [sflag:$0x4] =	stream.indirect.gather [hbm4b:s4+s20], $0x10, s22, s20, $0xb8;
	[tilespmem:$0x5690] =	vst v63  }
0x51: {  	p1 =	sne.s32 s12, $0x1C00;
	_ =	swait.ge [sflag:s28], $0x320  }
0x52: {  	[sflag:s28] =	ssyncset.done $0x0  }
0x53: {  	s12 =	sadd.s32 $0x8C0, s11;
	[sflag:s28] =	ssyncadd.s32 $0xFFFFFCE0  }
0x54: {  	[spmem:s2] =	stream.indirect.scatter.add.f32 [tilespmem:s21], [sflag:$0x7], $0x10, s12, s20, $0xb8;
	[tilespmem:$0x5690] =	vst v63  }
0x55: {  	_ =	swait.ge [sflag:s16], $0x320  }
0x56: {  	[sflag:s16] =	ssyncset.done $0x0  }
0x57: {  	s12 =	sadd.s32 $0xE0, s11;
	[sflag:s16] =	ssyncadd.s32 $0xFFFFFCE0  }
0x58: {  	[tilespmem:s21], [sflag:$0x1] =	stream.indirect.gather [hbm4b:s4+s20], $0x10, s12, s20, $0xb8;
	[tilespmem:$0x5690] =	vst v63  }
0x59: {  	_ =	swait.ge [sflag:s29], $0x320  }
0x5a: {  	[sflag:s29] =	ssyncset.done $0x0  }
0x5b: {  	s12 =	sadd.s32 $0x8F8, s11;
	[sflag:s29] =	ssyncadd.s32 $0xFFFFFCE0  }
0x5c: {  	[spmem:s2] =	stream.indirect.scatter.add.f32 [tilespmem:s23], [sflag:$0x7], $0x10, s12, s20, $0xb8;
	[tilespmem:$0x5690] =	vst v63  }
0x5d: {  	_ =	swait.ge [sflag:s16], $0x320  }
0x5e: {  	[sflag:s16] =	ssyncset.done $0x0  }
0x5f: {  	s12 =	sadd.s32 $0x118, s11;
	[sflag:s16] =	ssyncadd.s32 $0xFFFFFCE0  }
0x60: {  	[tilespmem:s23], [sflag:$0x2] =	stream.indirect.gather [hbm4b:s4+s20], $0x10, s12, s20, $0xb8;
	[tilespmem:$0x5690] =	vst v63  }
0x61: {  	_ =	swait.ge [sflag:s30], $0x320  }
0x62: {  	[sflag:s30] =	ssyncset.done $0x0  }
0x63: {  	s12 =	sadd.s32 $0x930, s11;
	[sflag:s30] =	ssyncadd.s32 $0xFFFFFCE0  }
0x64: {  	[spmem:s2] =	stream.indirect.scatter.add.f32 [tilespmem:s25], [sflag:$0x7], $0x10, s12, s20, $0xb8;
	[tilespmem:$0x5690] =	vst v63  }
0x65: {  	_ =	swait.ge [sflag:s16], $0x320  }
0x66: {  	[sflag:s16] =	ssyncset.done $0x0  }
0x67: {  	s12 =	sadd.s32 $0x150, s11;
	[sflag:s16] =	ssyncadd.s32 $0xFFFFFCE0  }
0x68: {  	[tilespmem:s25], [sflag:$0x3] =	stream.indirect.gather [hbm4b:s4+s20], $0x10, s12, s20, $0xb8;
	[tilespmem:$0x5690] =	vst v63  }
0x69: {  	_ =	swait.ge [sflag:s31], $0x320  }
.Ltmp0:
0x6a: {  	[sflag:s31] =	ssyncset.done $0x0;
	(pc) =	sbr.rel @p1 .LBB2_2-.Ltmp0, $4  }
0x6b: {  	s11 =	sadd.s32 $0x968, s11;
	[sflag:s31] =	ssyncadd.s32 $0xFFFFFCE0  }
0x6c: {  	[spmem:s2] =	stream.indirect.scatter.add.f32 [tilespmem:s26], [sflag:$0x7], $0x10, s11, s20, $0xb8;
	[tilespmem:$0x5690] =	vst v63  }
0x6d: {  	_ =	swait.ge [sflag:s16], $0x320  }
0x6e: {  	s12 =	smov.u32 s3;
	s11 =	sshra.s32 s13, $0x2;
	[sflag:s16] =	ssyncset.done $0x0  }
0x6f: {  	s3 =	sadd.s32 $0xA8, s11;
	[sflag:s16] =	ssyncadd.s32 $0xFFFFFCE0  }
0x70: {  	[tilespmem:s26], [sflag:$0x4] =	stream.indirect.gather [hbm4b:s4+s20], $0x10, s3, s20, $0xb8;
	[tilespmem:$0x5690] =	vst v63  }
0x71: {  	_ =	swait.ge [sflag:s28], $0x320  }
0x72: {  	[sflag:s28] =	ssyncset.done $0x0  }
0x73: {  	s22 =	sadd.s32 $0x8C0, s11;
	[sflag:s28] =	ssyncadd.s32 $0xFFFFFCE0  }
0x74: {  	[spmem:s2] =	stream.indirect.scatter.add.f32 [tilespmem:s21], [sflag:$0x7], $0x10, s22, s20, $0xb8;
	[tilespmem:$0x5690] =	vst v63  }
0x75: {  	_ =	swait.ge [sflag:s16], $0x320  }
0x76: {  	[sflag:s16] =	ssyncset.done $0x0  }
0x77: {  	s12 =	sadd.s32 $0xE0, s11;
	[sflag:s16] =	ssyncadd.s32 $0xFFFFFCE0  }
0x78: {  	[tilespmem:s21], [sflag:$0x1] =	stream.indirect.gather [hbm4b:s4+s20], $0x10, s12, s20, $0xb8;
	[tilespmem:$0x5690] =	vst v63  }
0x79: {  	_ =	swait.ge [sflag:s29], $0x320  }
0x7a: {  	[sflag:s29] =	ssyncset.done $0x0  }
0x7b: {  	s13 =	sadd.s32 $0x8F8, s11;
	[sflag:s29] =	ssyncadd.s32 $0xFFFFFCE0  }
0x7c: {  	[spmem:s2] =	stream.indirect.scatter.add.f32 [tilespmem:s23], [sflag:$0x7], $0x10, s13, s20, $0xb8;
	[tilespmem:$0x5690] =	vst v63  }
0x7d: {  	_ =	swait.ge [sflag:s16], $0x320  }
0x7e: {  	[sflag:s16] =	ssyncset.done $0x0  }
0x7f: {  	s22 =	sadd.s32 $0x118, s11;
	[sflag:s16] =	ssyncadd.s32 $0xFFFFFCE0  }
0x80: {  	[tilespmem:s23], [sflag:$0x2] =	stream.indirect.gather [hbm4b:s4+s20], $0x10, s22, s20, $0xb8;
	[tilespmem:$0x5690] =	vst v63  }
0x81: {  	_ =	swait.ge [sflag:s30], $0x320  }
0x82: {  	[sflag:s30] =	ssyncset.done $0x0  }
0x83: {  	s12 =	sadd.s32 $0x930, s11;
	[sflag:s30] =	ssyncadd.s32 $0xFFFFFCE0  }
0x84: {  	[spmem:s2] =	stream.indirect.scatter.add.f32 [tilespmem:s25], [sflag:$0x7], $0x10, s12, s20, $0xb8;
	[tilespmem:$0x5690] =	vst v63  }
0x85: {  	_ =	swait.ge [sflag:s16], $0x320  }
0x86: {  	[sflag:s16] =	ssyncset.done $0x0  }
0x87: {  	s13 =	sadd.s32 $0x150, s11;
	[sflag:s16] =	ssyncadd.s32 $0xFFFFFCE0  }
0x88: {  	[tilespmem:s25], [sflag:$0x3] =	stream.indirect.gather [hbm4b:s4+s20], $0x10, s13, s20, $0xb8;
	[tilespmem:$0x5690] =	vst v63  }
0x89: {  	_ =	swait.ge [sflag:s31], $0x320  }
0x8a: {  	[sflag:s31] =	ssyncset.done $0x0  }
0x8b: {  	s22 =	sadd.s32 $0x968, s11;
	[sflag:s31] =	ssyncadd.s32 $0xFFFFFCE0  }
0x8c: {  	[spmem:s2] =	stream.indirect.scatter.add.f32 [tilespmem:s26], [sflag:$0x7], $0x10, s22, s20, $0xb8;
	[tilespmem:$0x5690] =	vst v63  }
0x8d: {  	_ =	swait.ge [sflag:s16], $0x320  }
0x8e: {  	[sflag:s16] =	ssyncset.done $0x0  }
0x8f: {  	[sflag:s16] =	ssyncadd.s32 $0xFFFFFCE0  }
0x90: {  	[tilespmem:s26], [sflag:$0x4] =	stream.indirect.gather [hbm4b:s4+s20], $0x10, s1, s20, $0xb8;
	[tilespmem:$0x5690] =	vst v63  }
0x91: {  	_ =	swait.ge [sflag:s28], $0x320  }
0x92: {  	[sflag:s28] =	ssyncset.done $0x0  }
0x93: {  	[sflag:s28] =	ssyncadd.s32 $0xFFFFFCE0  }
0x94: {  	[spmem:s2] =	stream.indirect.scatter.add.f32 [tilespmem:s21], [sflag:$0x7], $0x10, s0, s20, $0xb8;
	[tilespmem:$0x5690] =	vst v63  }
0x95: {  	_ =	swait.ge [sflag:s16], $0x320  }
0x96: {  	[sflag:s16] =	ssyncset.done $0x0  }
0x97: {  	[sflag:s16] =	ssyncadd.s32 $0xFFFFFCE0  }
0x98: {  	_ =	swait.ge [sflag:s29], $0x320  }
0x99: {  	[sflag:s29] =	ssyncset.done $0x0  }
0x9a: {  	[sflag:s29] =	ssyncadd.s32 $0xFFFFFCE0  }
0x9b: {  	[spmem:s2] =	stream.indirect.scatter.add.f32 [tilespmem:s23], [sflag:$0x7], $0x10, s6, s20, $0xb8;
	[tilespmem:$0x5690] =	vst v63  }
0x9c: {  	_ =	swait.ge [sflag:s16], $0x320  }
0x9d: {  	[sflag:s16] =	ssyncset.done $0x0  }
0x9e: {  	[sflag:s16] =	ssyncadd.s32 $0xFFFFFCE0  }
0x9f: {  	_ =	swait.ge [sflag:s30], $0x320  }
0xa0: {  	[sflag:s30] =	ssyncset.done $0x0  }
0xa1: {  	[sflag:s30] =	ssyncadd.s32 $0xFFFFFCE0  }
0xa2: {  	[spmem:s2] =	stream.indirect.scatter.add.f32 [tilespmem:s25], [sflag:$0x7], $0x10, s8, s20, $0xb8;
	[tilespmem:$0x5690] =	vst v63  }
0xa3: {  	_ =	swait.ge [sflag:s16], $0x320  }
0xa4: {  	[sflag:s16] =	ssyncset.done $0x0  }
0xa5: {  	[sflag:s16] =	ssyncadd.s32 $0xFFFFFCE0  }
0xa6: {  	_ =	swait.ge [sflag:s31], $0x320  }
0xa7: {  	[sflag:s31] =	ssyncset.done $0x0  }
0xa8: {  	[sflag:s31] =	ssyncadd.s32 $0xFFFFFCE0  }
0xa9: {  	[spmem:s2] =	stream.indirect.scatter.add.f32 [tilespmem:s26], [sflag:$0x7], $0x10, s9, s20, $0xb8;
	[tilespmem:$0x5690] =	vst v63  }
0xaa: {  	_ =	swait.ge [sflag:s16], $0x320  }
0xab: {  	[sflag:s16] =	ssyncset.done $0x0  }
0xac: {  	[sflag:s16] =	ssyncadd.s32 $0xFFFFFCE0  }
0xad: {  	_ =	swait.ge [sflag:s10], $0x1180  }
0xae: {  	[sflag:s10] =	ssyncset.done $0x0  }
0xaf: {  	s11 =	simm.s32 $0x0;
	s12 =	rddreg [dreg:$0x6];
	[sflag:s10] =	ssyncadd.s32 $0xFFFFEE80  }
0xb0: {  	[tilespmem:s11], [sflag:$0x5] =	stream.linear.gather [hbm4b:s12+s11], $0x1180, $0x38;
	[tilespmem:$0x5690] =	vst v63  }
0xb1: {  	_ = 	snop  }
0xb2: {  	[tilespmem:s21], [sflag:$0x1] =	stream.indirect.gather [hbm4b:s4+s20], $0x10, s19, s20, $0xb8;
	[tilespmem:$0x5690] =	vst v63  }
0xb3: {  	s13 =	simm.s32 $0x11B8  }
0xb4: {  	[tilespmem:s23], [sflag:$0x2] =	stream.indirect.gather [hbm4b:s4+s20], $0x10, s13, s20, $0xb8;
	[tilespmem:$0x5690] =	vst v63  }
0xb5: {  	s22 =	simm.s32 $0x11F0  }
0xb6: {  	[tilespmem:s25], [sflag:$0x3] =	stream.indirect.gather [hbm4b:s4+s20], $0x10, s22, s20, $0xb8;
	[tilespmem:$0x5690] =	vst v63  }
0xb7: {  	s11 =	simm.s32 $0x1228  }
0xb8: {  	[tilespmem:s26], [sflag:$0x4] =	stream.indirect.gather [hbm4b:s4+s20], $0x10, s11, s20, $0xb8;
	[tilespmem:$0x5690] =	vst v63  }
0xb9: {  	_ =	swait.ge [sflag:s28], $0x320  }
0xba: {  	[sflag:s28] =	ssyncset.done $0x0  }
0xbb: {  	s12 =	simm.s32 $0x1A40;
	[sflag:s28] =	ssyncadd.s32 $0xFFFFFCE0  }
0xbc: {  	[spmem:s2] =	stream.indirect.scatter.add.f32 [tilespmem:s21], [sflag:$0x7], $0x10, s12, s20, $0xb8;
	[tilespmem:$0x5690] =	vst v63  }
0xbd: {  	_ =	swait.ge [sflag:s16], $0x320  }
0xbe: {  	[sflag:s16] =	ssyncset.done $0x0  }
0xbf: {  	s13 =	simm.s32 $0x1260;
	[sflag:s16] =	ssyncadd.s32 $0xFFFFFCE0  }
0xc0: {  	[tilespmem:s21], [sflag:$0x1] =	stream.indirect.gather [hbm4b:s4+s20], $0x10, s13, s20, $0xb8;
	[tilespmem:$0x5690] =	vst v63  }
0xc1: {  	_ =	swait.ge [sflag:s29], $0x320  }
0xc2: {  	[sflag:s29] =	ssyncset.done $0x0  }
0xc3: {  	s22 =	simm.s32 $0x1A78;
	[sflag:s29] =	ssyncadd.s32 $0xFFFFFCE0  }
0xc4: {  	[spmem:s2] =	stream.indirect.scatter.add.f32 [tilespmem:s23], [sflag:$0x7], $0x10, s22, s20, $0xb8;
	[tilespmem:$0x5690] =	vst v63  }
0xc5: {  	_ =	swait.ge [sflag:s16], $0x320  }
0xc6: {  	[sflag:s16] =	ssyncset.done $0x0  }
0xc7: {  	s11 =	simm.s32 $0x1298;
	[sflag:s16] =	ssyncadd.s32 $0xFFFFFCE0  }
0xc8: {  	[tilespmem:s23], [sflag:$0x2] =	stream.indirect.gather [hbm4b:s4+s20], $0x10, s11, s20, $0xb8;
	[tilespmem:$0x5690] =	vst v63  }
0xc9: {  	_ =	swait.ge [sflag:s30], $0x320  }
0xca: {  	[sflag:s30] =	ssyncset.done $0x0  }
0xcb: {  	s12 =	simm.s32 $0x1AB0;
	[sflag:s30] =	ssyncadd.s32 $0xFFFFFCE0  }
0xcc: {  	[spmem:s2] =	stream.indirect.scatter.add.f32 [tilespmem:s25], [sflag:$0x7], $0x10, s12, s20, $0xb8;
	[tilespmem:$0x5690] =	vst v63  }
0xcd: {  	_ =	swait.ge [sflag:s16], $0x320  }
0xce: {  	[sflag:s16] =	ssyncset.done $0x0  }
0xcf: {  	s13 =	simm.s32 $0x12D0;
	[sflag:s16] =	ssyncadd.s32 $0xFFFFFCE0  }
0xd0: {  	[tilespmem:s25], [sflag:$0x3] =	stream.indirect.gather [hbm4b:s4+s20], $0x10, s13, s20, $0xb8;
	[tilespmem:$0x5690] =	vst v63  }
0xd1: {  	_ =	swait.ge [sflag:s31], $0x320  }
0xd2: {  	[sflag:s31] =	ssyncset.done $0x0  }
0xd3: {  	s22 =	simm.s32 $0x1AE8;
	[sflag:s31] =	ssyncadd.s32 $0xFFFFFCE0  }
0xd4: {  	[spmem:s2] =	stream.indirect.scatter.add.f32 [tilespmem:s26], [sflag:$0x7], $0x10, s22, s20, $0xb8;
	[tilespmem:$0x5690] =	vst v63  }
0xd5: {  	_ =	swait.ge [sflag:s16], $0x320  }
0xd6: {  	s3 =	simm.s32 $0x700;
	s11 =	simm.s32 $0xE0;
	[sflag:s16] =	ssyncset.done $0x0  }
.LBB2_4:
0xd7: {  	s22 =	sadd.s32 $0x1228, s11  }
0xd8: {  	[sflag:s16] =	ssyncadd.s32 $0xFFFFFCE0;
	s13 =	smov.u32 s3;
	s12 =	sadd.s32 $0x380, s3  }
0xd9: {  	[tilespmem:s26], [sflag:$0x4] =	stream.indirect.gather [hbm4b:s4+s20], $0x10, s22, s20, $0xb8;
	[tilespmem:$0x5690] =	vst v63  }
0xda: {  	p1 =	sne.s32 s3, $0x1C00;
	_ =	swait.ge [sflag:s28], $0x320  }
0xdb: {  	[sflag:s28] =	ssyncset.done $0x0  }
0xdc: {  	s3 =	sadd.s32 $0x1A40, s11;
	[sflag:s28] =	ssyncadd.s32 $0xFFFFFCE0  }
0xdd: {  	[spmem:s2] =	stream.indirect.scatter.add.f32 [tilespmem:s21], [sflag:$0x7], $0x10, s3, s20, $0xb8;
	[tilespmem:$0x5690] =	vst v63  }
0xde: {  	_ =	swait.ge [sflag:s16], $0x320  }
0xdf: {  	[sflag:s16] =	ssyncset.done $0x0  }
0xe0: {  	s3 =	sadd.s32 $0x1260, s11;
	[sflag:s16] =	ssyncadd.s32 $0xFFFFFCE0  }
0xe1: {  	[tilespmem:s21], [sflag:$0x1] =	stream.indirect.gather [hbm4b:s4+s20], $0x10, s3, s20, $0xb8;
	[tilespmem:$0x5690] =	vst v63  }
0xe2: {  	_ =	swait.ge [sflag:s29], $0x320  }
0xe3: {  	[sflag:s29] =	ssyncset.done $0x0  }
0xe4: {  	s3 =	sadd.s32 $0x1A78, s11;
	[sflag:s29] =	ssyncadd.s32 $0xFFFFFCE0  }
0xe5: {  	[spmem:s2] =	stream.indirect.scatter.add.f32 [tilespmem:s23], [sflag:$0x7], $0x10, s3, s20, $0xb8;
	[tilespmem:$0x5690] =	vst v63  }
0xe6: {  	_ =	swait.ge [sflag:s16], $0x320  }
0xe7: {  	[sflag:s16] =	ssyncset.done $0x0  }
0xe8: {  	s3 =	sadd.s32 $0x1298, s11;
	[sflag:s16] =	ssyncadd.s32 $0xFFFFFCE0  }
0xe9: {  	[tilespmem:s23], [sflag:$0x2] =	stream.indirect.gather [hbm4b:s4+s20], $0x10, s3, s20, $0xb8;
	[tilespmem:$0x5690] =	vst v63  }
0xea: {  	_ =	swait.ge [sflag:s30], $0x320  }
0xeb: {  	[sflag:s30] =	ssyncset.done $0x0  }
0xec: {  	s3 =	sadd.s32 $0x1AB0, s11;
	[sflag:s30] =	ssyncadd.s32 $0xFFFFFCE0  }
0xed: {  	[spmem:s2] =	stream.indirect.scatter.add.f32 [tilespmem:s25], [sflag:$0x7], $0x10, s3, s20, $0xb8;
	[tilespmem:$0x5690] =	vst v63  }
0xee: {  	_ =	swait.ge [sflag:s16], $0x320  }
0xef: {  	[sflag:s16] =	ssyncset.done $0x0  }
0xf0: {  	s3 =	sadd.s32 $0x12D0, s11;
	[sflag:s16] =	ssyncadd.s32 $0xFFFFFCE0  }
0xf1: {  	[tilespmem:s25], [sflag:$0x3] =	stream.indirect.gather [hbm4b:s4+s20], $0x10, s3, s20, $0xb8;
	[tilespmem:$0x5690] =	vst v63  }
0xf2: {  	_ =	swait.ge [sflag:s31], $0x320  }
.Ltmp1:
0xf3: {  	[sflag:s31] =	ssyncset.done $0x0;
	(pc) =	sbr.rel @p1 .LBB2_4-.Ltmp1, $4  }
0xf4: {  	s3 =	sadd.s32 $0x1AE8, s11;
	[sflag:s31] =	ssyncadd.s32 $0xFFFFFCE0  }
0xf5: {  	[spmem:s2] =	stream.indirect.scatter.add.f32 [tilespmem:s26], [sflag:$0x7], $0x10, s3, s20, $0xb8;
	[tilespmem:$0x5690] =	vst v63  }
0xf6: {  	_ =	swait.ge [sflag:s16], $0x320  }
0xf7: {  	s11 =	sshra.s32 s13, $0x2;
	s3 =	smov.u32 s12;
	[sflag:s16] =	ssyncset.done $0x0  }
0xf8: {  	s3 =	sadd.s32 $0x1228, s11;
	[sflag:s16] =	ssyncadd.s32 $0xFFFFFCE0  }
0xf9: {  	[tilespmem:s26], [sflag:$0x4] =	stream.indirect.gather [hbm4b:s4+s20], $0x10, s3, s20, $0xb8;
	[tilespmem:$0x5690] =	vst v63  }
0xfa: {  	_ =	swait.ge [sflag:s28], $0x320  }
0xfb: {  	[sflag:s28] =	ssyncset.done $0x0  }
0xfc: {  	s22 =	sadd.s32 $0x1A40, s11;
	[sflag:s28] =	ssyncadd.s32 $0xFFFFFCE0  }
0xfd: {  	[spmem:s2] =	stream.indirect.scatter.add.f32 [tilespmem:s21], [sflag:$0x7], $0x10, s22, s20, $0xb8;
	[tilespmem:$0x5690] =	vst v63  }
0xfe: {  	_ =	swait.ge [sflag:s16], $0x320  }
0xff: {  	[sflag:s16] =	ssyncset.done $0x0  }
0x100: {  	s12 =	sadd.s32 $0x1260, s11;
	[sflag:s16] =	ssyncadd.s32 $0xFFFFFCE0  }
0x101: {  	[tilespmem:s21], [sflag:$0x1] =	stream.indirect.gather [hbm4b:s4+s20], $0x10, s12, s20, $0xb8;
	[tilespmem:$0x5690] =	vst v63  }
0x102: {  	_ =	swait.ge [sflag:s29], $0x320  }
0x103: {  	[sflag:s29] =	ssyncset.done $0x0  }
0x104: {  	s13 =	sadd.s32 $0x1A78, s11;
	[sflag:s29] =	ssyncadd.s32 $0xFFFFFCE0  }
0x105: {  	[spmem:s2] =	stream.indirect.scatter.add.f32 [tilespmem:s23], [sflag:$0x7], $0x10, s13, s20, $0xb8;
	[tilespmem:$0x5690] =	vst v63  }
0x106: {  	_ =	swait.ge [sflag:s16], $0x320  }
0x107: {  	[sflag:s16] =	ssyncset.done $0x0  }
0x108: {  	s22 =	sadd.s32 $0x1298, s11;
	[sflag:s16] =	ssyncadd.s32 $0xFFFFFCE0  }
0x109: {  	[tilespmem:s23], [sflag:$0x2] =	stream.indirect.gather [hbm4b:s4+s20], $0x10, s22, s20, $0xb8;
	[tilespmem:$0x5690] =	vst v63  }
0x10a: {  	_ =	swait.ge [sflag:s30], $0x320  }
0x10b: {  	[sflag:s30] =	ssyncset.done $0x0  }
0x10c: {  	s12 =	sadd.s32 $0x1AB0, s11;
	[sflag:s30] =	ssyncadd.s32 $0xFFFFFCE0  }
0x10d: {  	[spmem:s2] =	stream.indirect.scatter.add.f32 [tilespmem:s25], [sflag:$0x7], $0x10, s12, s20, $0xb8;
	[tilespmem:$0x5690] =	vst v63  }
0x10e: {  	_ =	swait.ge [sflag:s16], $0x320  }
0x10f: {  	[sflag:s16] =	ssyncset.done $0x0  }
0x110: {  	s13 =	sadd.s32 $0x12D0, s11;
	[sflag:s16] =	ssyncadd.s32 $0xFFFFFCE0  }
0x111: {  	[tilespmem:s25], [sflag:$0x3] =	stream.indirect.gather [hbm4b:s4+s20], $0x10, s13, s20, $0xb8;
	[tilespmem:$0x5690] =	vst v63  }
0x112: {  	_ =	swait.ge [sflag:s31], $0x320  }
0x113: {  	[sflag:s31] =	ssyncset.done $0x0  }
0x114: {  	s22 =	sadd.s32 $0x1AE8, s11;
	[sflag:s31] =	ssyncadd.s32 $0xFFFFFCE0  }
0x115: {  	[spmem:s2] =	stream.indirect.scatter.add.f32 [tilespmem:s26], [sflag:$0x7], $0x10, s22, s20, $0xb8;
	[tilespmem:$0x5690] =	vst v63  }
0x116: {  	_ =	swait.ge [sflag:s16], $0x320  }
0x117: {  	[sflag:s16] =	ssyncset.done $0x0  }
0x118: {  	s11 =	simm.s32 $0x1A08;
	[sflag:s16] =	ssyncadd.s32 $0xFFFFFCE0  }
0x119: {  	[tilespmem:s26], [sflag:$0x4] =	stream.indirect.gather [hbm4b:s4+s20], $0x10, s11, s20, $0xb8;
	[tilespmem:$0x5690] =	vst v63  }
0x11a: {  	_ =	swait.ge [sflag:s28], $0x320  }
0x11b: {  	[sflag:s28] =	ssyncset.done $0x0  }
0x11c: {  	s12 =	simm.s32 $0x2220;
	[sflag:s28] =	ssyncadd.s32 $0xFFFFFCE0  }
0x11d: {  	[spmem:s2] =	stream.indirect.scatter.add.f32 [tilespmem:s21], [sflag:$0x7], $0x10, s12, s20, $0xb8;
	[tilespmem:$0x5690] =	vst v63  }
0x11e: {  	_ =	swait.ge [sflag:s16], $0x320  }
0x11f: {  	[sflag:s16] =	ssyncset.done $0x0  }
0x120: {  	[sflag:s16] =	ssyncadd.s32 $0xFFFFFCE0  }
0x121: {  	_ =	swait.ge [sflag:s29], $0x320  }
0x122: {  	[sflag:s29] =	ssyncset.done $0x0  }
0x123: {  	s13 =	simm.s32 $0x2258;
	[sflag:s29] =	ssyncadd.s32 $0xFFFFFCE0  }
0x124: {  	[spmem:s2] =	stream.indirect.scatter.add.f32 [tilespmem:s23], [sflag:$0x7], $0x10, s13, s20, $0xb8;
	[tilespmem:$0x5690] =	vst v63  }
0x125: {  	_ =	swait.ge [sflag:s16], $0x320  }
0x126: {  	[sflag:s16] =	ssyncset.done $0x0  }
0x127: {  	[sflag:s16] =	ssyncadd.s32 $0xFFFFFCE0  }
0x128: {  	_ =	swait.ge [sflag:s30], $0x320  }
0x129: {  	[sflag:s30] =	ssyncset.done $0x0  }
0x12a: {  	s22 =	simm.s32 $0x2290;
	[sflag:s30] =	ssyncadd.s32 $0xFFFFFCE0  }
0x12b: {  	[spmem:s2] =	stream.indirect.scatter.add.f32 [tilespmem:s25], [sflag:$0x7], $0x10, s22, s20, $0xb8;
	[tilespmem:$0x5690] =	vst v63  }
0x12c: {  	_ =	swait.ge [sflag:s16], $0x320  }
0x12d: {  	[sflag:s16] =	ssyncset.done $0x0  }
0x12e: {  	[sflag:s16] =	ssyncadd.s32 $0xFFFFFCE0  }
0x12f: {  	_ =	swait.ge [sflag:s31], $0x320  }
0x130: {  	[sflag:s31] =	ssyncset.done $0x0  }
0x131: {  	s11 =	simm.s32 $0x22C8;
	[sflag:s31] =	ssyncadd.s32 $0xFFFFFCE0  }
0x132: {  	[spmem:s2] =	stream.indirect.scatter.add.f32 [tilespmem:s26], [sflag:$0x7], $0x10, s11, s20, $0xb8;
	[tilespmem:$0x5690] =	vst v63  }
0x133: {  	_ =	swait.ge [sflag:s16], $0x320  }
0x134: {  	[sflag:s16] =	ssyncset.done $0x0  }
0x135: {  	[sflag:s16] =	ssyncadd.s32 $0xFFFFFCE0  }
0x136: {  	_ =	swait.ge [sflag:s18], $0x1180  }
0x137: {  	[sflag:s18] =	ssyncset.done $0x0  }
0x138: {  	s12 =	simm.s32 $0x0;
	s13 =	rddreg [dreg:$0x7];
	[sflag:s18] =	ssyncadd.s32 $0xFFFFEE80  }
0x139: {  	[tilespmem:s19], [sflag:$0x6] =	stream.linear.gather [hbm4b:s13+s12], $0x1180, $0x38;
	[tilespmem:$0x5690] =	vst v63  }
0x13a: {  	_ = 	snop  }
0x13b: {  	[tilespmem:s21], [sflag:$0x1] =	stream.indirect.gather [hbm4b:s4+s20], $0x10, s12, s20, $0xb8;
	[tilespmem:$0x5690] =	vst v63  }
0x13c: {  	s22 =	simm.s32 $0x38  }
0x13d: {  	[tilespmem:s23], [sflag:$0x2] =	stream.indirect.gather [hbm4b:s4+s20], $0x10, s22, s20, $0xb8;
	[tilespmem:$0x5690] =	vst v63  }
0x13e: {  	_ = 	snop  }
0x13f: {  	[tilespmem:s25], [sflag:$0x3] =	stream.indirect.gather [hbm4b:s4+s20], $0x10, s24, s20, $0xb8;
	[tilespmem:$0x5690] =	vst v63  }
0x140: {  	s11 =	simm.s32 $0xA8  }
0x141: {  	[tilespmem:s26], [sflag:$0x4] =	stream.indirect.gather [hbm4b:s4+s20], $0x10, s11, s20, $0xb8;
	[tilespmem:$0x5690] =	vst v63  }
0x142: {  	_ =	swait.ge [sflag:s28], $0x320  }
0x143: {  	[sflag:s28] =	ssyncset.done $0x0  }
0x144: {  	s12 =	simm.s32 $0x8C0;
	[sflag:s28] =	ssyncadd.s32 $0xFFFFFCE0  }
0x145: {  	[spmem:s2] =	stream.indirect.scatter.add.f32 [tilespmem:s21], [sflag:$0x7], $0x10, s12, s20, $0xb8;
	[tilespmem:$0x5690] =	vst v63  }
0x146: {  	_ =	swait.ge [sflag:s16], $0x320  }
0x147: {  	[sflag:s16] =	ssyncset.done $0x0  }
0x148: {  	s13 =	simm.s32 $0xE0;
	[sflag:s16] =	ssyncadd.s32 $0xFFFFFCE0  }
0x149: {  	[tilespmem:s21], [sflag:$0x1] =	stream.indirect.gather [hbm4b:s4+s20], $0x10, s13, s20, $0xb8;
	[tilespmem:$0x5690] =	vst v63  }
0x14a: {  	_ =	swait.ge [sflag:s29], $0x320  }
0x14b: {  	[sflag:s29] =	ssyncset.done $0x0  }
0x14c: {  	s22 =	simm.s32 $0x8F8;
	[sflag:s29] =	ssyncadd.s32 $0xFFFFFCE0  }
0x14d: {  	[spmem:s2] =	stream.indirect.scatter.add.f32 [tilespmem:s23], [sflag:$0x7], $0x10, s22, s20, $0xb8;
	[tilespmem:$0x5690] =	vst v63  }
0x14e: {  	_ =	swait.ge [sflag:s16], $0x320  }
0x14f: {  	[sflag:s16] =	ssyncset.done $0x0  }
0x150: {  	s11 =	simm.s32 $0x118;
	[sflag:s16] =	ssyncadd.s32 $0xFFFFFCE0  }
0x151: {  	[tilespmem:s23], [sflag:$0x2] =	stream.indirect.gather [hbm4b:s4+s20], $0x10, s11, s20, $0xb8;
	[tilespmem:$0x5690] =	vst v63  }
0x152: {  	_ =	swait.ge [sflag:s30], $0x320  }
0x153: {  	[sflag:s30] =	ssyncset.done $0x0  }
0x154: {  	s12 =	simm.s32 $0x930;
	[sflag:s30] =	ssyncadd.s32 $0xFFFFFCE0  }
0x155: {  	[spmem:s2] =	stream.indirect.scatter.add.f32 [tilespmem:s25], [sflag:$0x7], $0x10, s12, s20, $0xb8;
	[tilespmem:$0x5690] =	vst v63  }
0x156: {  	_ =	swait.ge [sflag:s16], $0x320  }
0x157: {  	[sflag:s16] =	ssyncset.done $0x0  }
0x158: {  	s13 =	simm.s32 $0x150;
	[sflag:s16] =	ssyncadd.s32 $0xFFFFFCE0  }
0x159: {  	[tilespmem:s25], [sflag:$0x3] =	stream.indirect.gather [hbm4b:s4+s20], $0x10, s13, s20, $0xb8;
	[tilespmem:$0x5690] =	vst v63  }
0x15a: {  	_ =	swait.ge [sflag:s31], $0x320  }
0x15b: {  	[sflag:s31] =	ssyncset.done $0x0  }
0x15c: {  	s22 =	simm.s32 $0x968;
	[sflag:s31] =	ssyncadd.s32 $0xFFFFFCE0  }
0x15d: {  	[spmem:s2] =	stream.indirect.scatter.add.f32 [tilespmem:s26], [sflag:$0x7], $0x10, s22, s20, $0xb8;
	[tilespmem:$0x5690] =	vst v63  }
0x15e: {  	_ =	swait.ge [sflag:s16], $0x320  }
0x15f: {  	s3 =	simm.s32 $0x700;
	s11 =	simm.s32 $0xE0;
	[sflag:s16] =	ssyncset.done $0x0  }
.LBB2_6:
0x160: {  	s22 =	sadd.s32 $0xA8, s11  }
0x161: {  	[sflag:s16] =	ssyncadd.s32 $0xFFFFFCE0;
	s13 =	smov.u32 s3;
	s12 =	sadd.s32 $0x380, s3  }
0x162: {  	[tilespmem:s26], [sflag:$0x4] =	stream.indirect.gather [hbm4b:s4+s20], $0x10, s22, s20, $0xb8;
	[tilespmem:$0x5690] =	vst v63  }
0x163: {  	p1 =	sne.s32 s3, $0x1C00;
	_ =	swait.ge [sflag:s28], $0x320  }
0x164: {  	[sflag:s28] =	ssyncset.done $0x0  }
0x165: {  	s3 =	sadd.s32 $0x8C0, s11;
	[sflag:s28] =	ssyncadd.s32 $0xFFFFFCE0  }
0x166: {  	[spmem:s2] =	stream.indirect.scatter.add.f32 [tilespmem:s21], [sflag:$0x7], $0x10, s3, s20, $0xb8;
	[tilespmem:$0x5690] =	vst v63  }
0x167: {  	_ =	swait.ge [sflag:s16], $0x320  }
0x168: {  	[sflag:s16] =	ssyncset.done $0x0  }
0x169: {  	s3 =	sadd.s32 $0xE0, s11;
	[sflag:s16] =	ssyncadd.s32 $0xFFFFFCE0  }
0x16a: {  	[tilespmem:s21], [sflag:$0x1] =	stream.indirect.gather [hbm4b:s4+s20], $0x10, s3, s20, $0xb8;
	[tilespmem:$0x5690] =	vst v63  }
0x16b: {  	_ =	swait.ge [sflag:s29], $0x320  }
0x16c: {  	[sflag:s29] =	ssyncset.done $0x0  }
0x16d: {  	s3 =	sadd.s32 $0x8F8, s11;
	[sflag:s29] =	ssyncadd.s32 $0xFFFFFCE0  }
0x16e: {  	[spmem:s2] =	stream.indirect.scatter.add.f32 [tilespmem:s23], [sflag:$0x7], $0x10, s3, s20, $0xb8;
	[tilespmem:$0x5690] =	vst v63  }
0x16f: {  	_ =	swait.ge [sflag:s16], $0x320  }
0x170: {  	[sflag:s16] =	ssyncset.done $0x0  }
0x171: {  	s3 =	sadd.s32 $0x118, s11;
	[sflag:s16] =	ssyncadd.s32 $0xFFFFFCE0  }
0x172: {  	[tilespmem:s23], [sflag:$0x2] =	stream.indirect.gather [hbm4b:s4+s20], $0x10, s3, s20, $0xb8;
	[tilespmem:$0x5690] =	vst v63  }
0x173: {  	_ =	swait.ge [sflag:s30], $0x320  }
0x174: {  	[sflag:s30] =	ssyncset.done $0x0  }
0x175: {  	s3 =	sadd.s32 $0x930, s11;
	[sflag:s30] =	ssyncadd.s32 $0xFFFFFCE0  }
0x176: {  	[spmem:s2] =	stream.indirect.scatter.add.f32 [tilespmem:s25], [sflag:$0x7], $0x10, s3, s20, $0xb8;
	[tilespmem:$0x5690] =	vst v63  }
0x177: {  	_ =	swait.ge [sflag:s16], $0x320  }
0x178: {  	[sflag:s16] =	ssyncset.done $0x0  }
0x179: {  	s3 =	sadd.s32 $0x150, s11;
	[sflag:s16] =	ssyncadd.s32 $0xFFFFFCE0  }
0x17a: {  	[tilespmem:s25], [sflag:$0x3] =	stream.indirect.gather [hbm4b:s4+s20], $0x10, s3, s20, $0xb8;
	[tilespmem:$0x5690] =	vst v63  }
0x17b: {  	_ =	swait.ge [sflag:s31], $0x320  }
.Ltmp2:
0x17c: {  	[sflag:s31] =	ssyncset.done $0x0;
	(pc) =	sbr.rel @p1 .LBB2_6-.Ltmp2, $4  }
0x17d: {  	s3 =	sadd.s32 $0x968, s11;
	[sflag:s31] =	ssyncadd.s32 $0xFFFFFCE0  }
0x17e: {  	[spmem:s2] =	stream.indirect.scatter.add.f32 [tilespmem:s26], [sflag:$0x7], $0x10, s3, s20, $0xb8;
	[tilespmem:$0x5690] =	vst v63  }
0x17f: {  	_ =	swait.ge [sflag:s16], $0x320  }
0x180: {  	s11 =	sshra.s32 s13, $0x2;
	s3 =	smov.u32 s12;
	[sflag:s16] =	ssyncset.done $0x0  }
0x181: {  	s3 =	sadd.s32 $0xA8, s11;
	[sflag:s16] =	ssyncadd.s32 $0xFFFFFCE0  }
0x182: {  	[tilespmem:s26], [sflag:$0x4] =	stream.indirect.gather [hbm4b:s4+s20], $0x10, s3, s20, $0xb8;
	[tilespmem:$0x5690] =	vst v63  }
0x183: {  	_ =	swait.ge [sflag:s28], $0x320  }
0x184: {  	[sflag:s28] =	ssyncset.done $0x0  }
0x185: {  	s22 =	sadd.s32 $0x8C0, s11;
	[sflag:s28] =	ssyncadd.s32 $0xFFFFFCE0  }
0x186: {  	[spmem:s2] =	stream.indirect.scatter.add.f32 [tilespmem:s21], [sflag:$0x7], $0x10, s22, s20, $0xb8;
	[tilespmem:$0x5690] =	vst v63  }
0x187: {  	_ =	swait.ge [sflag:s16], $0x320  }
0x188: {  	[sflag:s16] =	ssyncset.done $0x0  }
0x189: {  	s12 =	sadd.s32 $0xE0, s11;
	[sflag:s16] =	ssyncadd.s32 $0xFFFFFCE0  }
0x18a: {  	[tilespmem:s21], [sflag:$0x1] =	stream.indirect.gather [hbm4b:s4+s20], $0x10, s12, s20, $0xb8;
	[tilespmem:$0x5690] =	vst v63  }
0x18b: {  	_ =	swait.ge [sflag:s29], $0x320  }
0x18c: {  	[sflag:s29] =	ssyncset.done $0x0  }
0x18d: {  	s13 =	sadd.s32 $0x8F8, s11;
	[sflag:s29] =	ssyncadd.s32 $0xFFFFFCE0  }
0x18e: {  	[spmem:s2] =	stream.indirect.scatter.add.f32 [tilespmem:s23], [sflag:$0x7], $0x10, s13, s20, $0xb8;
	[tilespmem:$0x5690] =	vst v63  }
0x18f: {  	_ =	swait.ge [sflag:s16], $0x320  }
0x190: {  	[sflag:s16] =	ssyncset.done $0x0  }
0x191: {  	s22 =	sadd.s32 $0x118, s11;
	[sflag:s16] =	ssyncadd.s32 $0xFFFFFCE0  }
0x192: {  	[tilespmem:s23], [sflag:$0x2] =	stream.indirect.gather [hbm4b:s4+s20], $0x10, s22, s20, $0xb8;
	[tilespmem:$0x5690] =	vst v63  }
0x193: {  	_ =	swait.ge [sflag:s30], $0x320  }
0x194: {  	[sflag:s30] =	ssyncset.done $0x0  }
0x195: {  	s12 =	sadd.s32 $0x930, s11;
	[sflag:s30] =	ssyncadd.s32 $0xFFFFFCE0  }
0x196: {  	[spmem:s2] =	stream.indirect.scatter.add.f32 [tilespmem:s25], [sflag:$0x7], $0x10, s12, s20, $0xb8;
	[tilespmem:$0x5690] =	vst v63  }
0x197: {  	_ =	swait.ge [sflag:s16], $0x320  }
0x198: {  	[sflag:s16] =	ssyncset.done $0x0  }
0x199: {  	s13 =	sadd.s32 $0x150, s11;
	[sflag:s16] =	ssyncadd.s32 $0xFFFFFCE0  }
0x19a: {  	[tilespmem:s25], [sflag:$0x3] =	stream.indirect.gather [hbm4b:s4+s20], $0x10, s13, s20, $0xb8;
	[tilespmem:$0x5690] =	vst v63  }
0x19b: {  	_ =	swait.ge [sflag:s31], $0x320  }
0x19c: {  	[sflag:s31] =	ssyncset.done $0x0  }
0x19d: {  	s22 =	sadd.s32 $0x968, s11;
	[sflag:s31] =	ssyncadd.s32 $0xFFFFFCE0  }
0x19e: {  	[spmem:s2] =	stream.indirect.scatter.add.f32 [tilespmem:s26], [sflag:$0x7], $0x10, s22, s20, $0xb8;
	[tilespmem:$0x5690] =	vst v63  }
0x19f: {  	_ =	swait.ge [sflag:s16], $0x320  }
0x1a0: {  	[sflag:s16] =	ssyncset.done $0x0  }
0x1a1: {  	[sflag:s16] =	ssyncadd.s32 $0xFFFFFCE0  }
0x1a2: {  	[tilespmem:s26], [sflag:$0x4] =	stream.indirect.gather [hbm4b:s4+s20], $0x10, s1, s20, $0xb8;
	[tilespmem:$0x5690] =	vst v63  }
0x1a3: {  	_ =	swait.ge [sflag:s28], $0x320  }
0x1a4: {  	[sflag:s28] =	ssyncset.done $0x0  }
0x1a5: {  	[sflag:s28] =	ssyncadd.s32 $0xFFFFFCE0  }
0x1a6: {  	[spmem:s2] =	stream.indirect.scatter.add.f32 [tilespmem:s21], [sflag:$0x7], $0x10, s0, s20, $0xb8;
	[tilespmem:$0x5690] =	vst v63  }
0x1a7: {  	_ =	swait.ge [sflag:s16], $0x320  }
0x1a8: {  	[sflag:s16] =	ssyncset.done $0x0  }
0x1a9: {  	[sflag:s16] =	ssyncadd.s32 $0xFFFFFCE0  }
0x1aa: {  	_ =	swait.ge [sflag:s29], $0x320  }
0x1ab: {  	[sflag:s29] =	ssyncset.done $0x0  }
0x1ac: {  	[sflag:s29] =	ssyncadd.s32 $0xFFFFFCE0  }
0x1ad: {  	[spmem:s2] =	stream.indirect.scatter.add.f32 [tilespmem:s23], [sflag:$0x7], $0x10, s6, s20, $0xb8;
	[tilespmem:$0x5690] =	vst v63  }
0x1ae: {  	_ =	swait.ge [sflag:s16], $0x320  }
0x1af: {  	[sflag:s16] =	ssyncset.done $0x0  }
0x1b0: {  	[sflag:s16] =	ssyncadd.s32 $0xFFFFFCE0  }
0x1b1: {  	_ =	swait.ge [sflag:s30], $0x320  }
0x1b2: {  	[sflag:s30] =	ssyncset.done $0x0  }
0x1b3: {  	[sflag:s30] =	ssyncadd.s32 $0xFFFFFCE0  }
0x1b4: {  	[spmem:s2] =	stream.indirect.scatter.add.f32 [tilespmem:s25], [sflag:$0x7], $0x10, s8, s20, $0xb8;
	[tilespmem:$0x5690] =	vst v63  }
0x1b5: {  	_ =	swait.ge [sflag:s16], $0x320  }
0x1b6: {  	[sflag:s16] =	ssyncset.done $0x0  }
0x1b7: {  	[sflag:s16] =	ssyncadd.s32 $0xFFFFFCE0  }
0x1b8: {  	_ =	swait.ge [sflag:s31], $0x320  }
0x1b9: {  	[sflag:s31] =	ssyncset.done $0x0  }
0x1ba: {  	[sflag:s31] =	ssyncadd.s32 $0xFFFFFCE0  }
0x1bb: {  	[spmem:s2] =	stream.indirect.scatter.add.f32 [tilespmem:s26], [sflag:$0x7], $0x10, s9, s20, $0xb8;
	[tilespmem:$0x5690] =	vst v63  }
0x1bc: {  	_ =	swait.ge [sflag:s16], $0x320  }
0x1bd: {  	[sflag:s16] =	ssyncset.done $0x0  }
0x1be: {  	[sflag:s16] =	ssyncadd.s32 $0xFFFFFCE0  }
0x1bf: {  	_ =	swait.ge [sflag:s10], $0x1180  }
0x1c0: {  	[sflag:s10] =	ssyncset.done $0x0  }
0x1c1: {  	s11 =	simm.s32 $0x0;
	s12 =	rddreg [dreg:$0x8];
	[sflag:s10] =	ssyncadd.s32 $0xFFFFEE80  }
0x1c2: {  	[tilespmem:s11], [sflag:$0x5] =	stream.linear.gather [hbm4b:s12+s11], $0x1180, $0x38;
	[tilespmem:$0x5690] =	vst v63  }
0x1c3: {  	_ = 	snop  }
0x1c4: {  	[tilespmem:s21], [sflag:$0x1] =	stream.indirect.gather [hbm4b:s4+s20], $0x10, s19, s20, $0xb8;
	[tilespmem:$0x5690] =	vst v63  }
0x1c5: {  	s13 =	simm.s32 $0x11B8  }
0x1c6: {  	[tilespmem:s23], [sflag:$0x2] =	stream.indirect.gather [hbm4b:s4+s20], $0x10, s13, s20, $0xb8;
	[tilespmem:$0x5690] =	vst v63  }
0x1c7: {  	s22 =	simm.s32 $0x11F0  }
0x1c8: {  	[tilespmem:s25], [sflag:$0x3] =	stream.indirect.gather [hbm4b:s4+s20], $0x10, s22, s20, $0xb8;
	[tilespmem:$0x5690] =	vst v63  }
0x1c9: {  	s11 =	simm.s32 $0x1228  }
0x1ca: {  	[tilespmem:s26], [sflag:$0x4] =	stream.indirect.gather [hbm4b:s4+s20], $0x10, s11, s20, $0xb8;
	[tilespmem:$0x5690] =	vst v63  }
0x1cb: {  	_ =	swait.ge [sflag:s28], $0x320  }
0x1cc: {  	[sflag:s28] =	ssyncset.done $0x0  }
0x1cd: {  	s12 =	simm.s32 $0x1A40;
	[sflag:s28] =	ssyncadd.s32 $0xFFFFFCE0  }
0x1ce: {  	[spmem:s2] =	stream.indirect.scatter.add.f32 [tilespmem:s21], [sflag:$0x7], $0x10, s12, s20, $0xb8;
	[tilespmem:$0x5690] =	vst v63  }
0x1cf: {  	_ =	swait.ge [sflag:s16], $0x320  }
0x1d0: {  	[sflag:s16] =	ssyncset.done $0x0  }
0x1d1: {  	s13 =	simm.s32 $0x1260;
	[sflag:s16] =	ssyncadd.s32 $0xFFFFFCE0  }
0x1d2: {  	[tilespmem:s21], [sflag:$0x1] =	stream.indirect.gather [hbm4b:s4+s20], $0x10, s13, s20, $0xb8;
	[tilespmem:$0x5690] =	vst v63  }
0x1d3: {  	_ =	swait.ge [sflag:s29], $0x320  }
0x1d4: {  	[sflag:s29] =	ssyncset.done $0x0  }
0x1d5: {  	s22 =	simm.s32 $0x1A78;
	[sflag:s29] =	ssyncadd.s32 $0xFFFFFCE0  }
0x1d6: {  	[spmem:s2] =	stream.indirect.scatter.add.f32 [tilespmem:s23], [sflag:$0x7], $0x10, s22, s20, $0xb8;
	[tilespmem:$0x5690] =	vst v63  }
0x1d7: {  	_ =	swait.ge [sflag:s16], $0x320  }
0x1d8: {  	[sflag:s16] =	ssyncset.done $0x0  }
0x1d9: {  	s11 =	simm.s32 $0x1298;
	[sflag:s16] =	ssyncadd.s32 $0xFFFFFCE0  }
0x1da: {  	[tilespmem:s23], [sflag:$0x2] =	stream.indirect.gather [hbm4b:s4+s20], $0x10, s11, s20, $0xb8;
	[tilespmem:$0x5690] =	vst v63  }
0x1db: {  	_ =	swait.ge [sflag:s30], $0x320  }
0x1dc: {  	[sflag:s30] =	ssyncset.done $0x0  }
0x1dd: {  	s12 =	simm.s32 $0x1AB0;
	[sflag:s30] =	ssyncadd.s32 $0xFFFFFCE0  }
0x1de: {  	[spmem:s2] =	stream.indirect.scatter.add.f32 [tilespmem:s25], [sflag:$0x7], $0x10, s12, s20, $0xb8;
	[tilespmem:$0x5690] =	vst v63  }
0x1df: {  	_ =	swait.ge [sflag:s16], $0x320  }
0x1e0: {  	[sflag:s16] =	ssyncset.done $0x0  }
0x1e1: {  	s13 =	simm.s32 $0x12D0;
	[sflag:s16] =	ssyncadd.s32 $0xFFFFFCE0  }
0x1e2: {  	[tilespmem:s25], [sflag:$0x3] =	stream.indirect.gather [hbm4b:s4+s20], $0x10, s13, s20, $0xb8;
	[tilespmem:$0x5690] =	vst v63  }
0x1e3: {  	_ =	swait.ge [sflag:s31], $0x320  }
0x1e4: {  	[sflag:s31] =	ssyncset.done $0x0  }
0x1e5: {  	s22 =	simm.s32 $0x1AE8;
	[sflag:s31] =	ssyncadd.s32 $0xFFFFFCE0  }
0x1e6: {  	[spmem:s2] =	stream.indirect.scatter.add.f32 [tilespmem:s26], [sflag:$0x7], $0x10, s22, s20, $0xb8;
	[tilespmem:$0x5690] =	vst v63  }
0x1e7: {  	_ =	swait.ge [sflag:s16], $0x320  }
0x1e8: {  	s3 =	simm.s32 $0x700;
	s11 =	simm.s32 $0xE0;
	[sflag:s16] =	ssyncset.done $0x0  }
.LBB2_8:
0x1e9: {  	s22 =	sadd.s32 $0x1228, s11  }
0x1ea: {  	[sflag:s16] =	ssyncadd.s32 $0xFFFFFCE0;
	s13 =	smov.u32 s3;
	s12 =	sadd.s32 $0x380, s3  }
0x1eb: {  	[tilespmem:s26], [sflag:$0x4] =	stream.indirect.gather [hbm4b:s4+s20], $0x10, s22, s20, $0xb8;
	[tilespmem:$0x5690] =	vst v63  }
0x1ec: {  	p1 =	sne.s32 s3, $0x1C00;
	_ =	swait.ge [sflag:s28], $0x320  }
0x1ed: {  	[sflag:s28] =	ssyncset.done $0x0  }
0x1ee: {  	s3 =	sadd.s32 $0x1A40, s11;
	[sflag:s28] =	ssyncadd.s32 $0xFFFFFCE0  }
0x1ef: {  	[spmem:s2] =	stream.indirect.scatter.add.f32 [tilespmem:s21], [sflag:$0x7], $0x10, s3, s20, $0xb8;
	[tilespmem:$0x5690] =	vst v63  }
0x1f0: {  	_ =	swait.ge [sflag:s16], $0x320  }
0x1f1: {  	[sflag:s16] =	ssyncset.done $0x0  }
0x1f2: {  	s3 =	sadd.s32 $0x1260, s11;
	[sflag:s16] =	ssyncadd.s32 $0xFFFFFCE0  }
0x1f3: {  	[tilespmem:s21], [sflag:$0x1] =	stream.indirect.gather [hbm4b:s4+s20], $0x10, s3, s20, $0xb8;
	[tilespmem:$0x5690] =	vst v63  }
0x1f4: {  	_ =	swait.ge [sflag:s29], $0x320  }
0x1f5: {  	[sflag:s29] =	ssyncset.done $0x0  }
0x1f6: {  	s3 =	sadd.s32 $0x1A78, s11;
	[sflag:s29] =	ssyncadd.s32 $0xFFFFFCE0  }
0x1f7: {  	[spmem:s2] =	stream.indirect.scatter.add.f32 [tilespmem:s23], [sflag:$0x7], $0x10, s3, s20, $0xb8;
	[tilespmem:$0x5690] =	vst v63  }
0x1f8: {  	_ =	swait.ge [sflag:s16], $0x320  }
0x1f9: {  	[sflag:s16] =	ssyncset.done $0x0  }
0x1fa: {  	s3 =	sadd.s32 $0x1298, s11;
	[sflag:s16] =	ssyncadd.s32 $0xFFFFFCE0  }
0x1fb: {  	[tilespmem:s23], [sflag:$0x2] =	stream.indirect.gather [hbm4b:s4+s20], $0x10, s3, s20, $0xb8;
	[tilespmem:$0x5690] =	vst v63  }
0x1fc: {  	_ =	swait.ge [sflag:s30], $0x320  }
0x1fd: {  	[sflag:s30] =	ssyncset.done $0x0  }
0x1fe: {  	s3 =	sadd.s32 $0x1AB0, s11;
	[sflag:s30] =	ssyncadd.s32 $0xFFFFFCE0  }
0x1ff: {  	[spmem:s2] =	stream.indirect.scatter.add.f32 [tilespmem:s25], [sflag:$0x7], $0x10, s3, s20, $0xb8;
	[tilespmem:$0x5690] =	vst v63  }
0x200: {  	_ =	swait.ge [sflag:s16], $0x320  }
0x201: {  	[sflag:s16] =	ssyncset.done $0x0  }
0x202: {  	s3 =	sadd.s32 $0x12D0, s11;
	[sflag:s16] =	ssyncadd.s32 $0xFFFFFCE0  }
0x203: {  	[tilespmem:s25], [sflag:$0x3] =	stream.indirect.gather [hbm4b:s4+s20], $0x10, s3, s20, $0xb8;
	[tilespmem:$0x5690] =	vst v63  }
0x204: {  	_ =	swait.ge [sflag:s31], $0x320  }
.Ltmp3:
0x205: {  	[sflag:s31] =	ssyncset.done $0x0;
	(pc) =	sbr.rel @p1 .LBB2_8-.Ltmp3, $4  }
0x206: {  	s3 =	sadd.s32 $0x1AE8, s11;
	[sflag:s31] =	ssyncadd.s32 $0xFFFFFCE0  }
0x207: {  	[spmem:s2] =	stream.indirect.scatter.add.f32 [tilespmem:s26], [sflag:$0x7], $0x10, s3, s20, $0xb8;
	[tilespmem:$0x5690] =	vst v63  }
0x208: {  	_ =	swait.ge [sflag:s16], $0x320  }
0x209: {  	s11 =	sshra.s32 s13, $0x2;
	s3 =	smov.u32 s12;
	[sflag:s16] =	ssyncset.done $0x0  }
0x20a: {  	s3 =	sadd.s32 $0x1228, s11;
	[sflag:s16] =	ssyncadd.s32 $0xFFFFFCE0  }
0x20b: {  	[tilespmem:s26], [sflag:$0x4] =	stream.indirect.gather [hbm4b:s4+s20], $0x10, s3, s20, $0xb8;
	[tilespmem:$0x5690] =	vst v63  }
0x20c: {  	_ =	swait.ge [sflag:s28], $0x320  }
0x20d: {  	[sflag:s28] =	ssyncset.done $0x0  }
0x20e: {  	s12 =	sadd.s32 $0x1A40, s11;
	[sflag:s28] =	ssyncadd.s32 $0xFFFFFCE0  }
0x20f: {  	[spmem:s2] =	stream.indirect.scatter.add.f32 [tilespmem:s21], [sflag:$0x7], $0x10, s12, s20, $0xb8;
	[tilespmem:$0x5690] =	vst v63  }
0x210: {  	_ =	swait.ge [sflag:s16], $0x320  }
0x211: {  	[sflag:s16] =	ssyncset.done $0x0  }
0x212: {  	s13 =	sadd.s32 $0x1260, s11;
	[sflag:s16] =	ssyncadd.s32 $0xFFFFFCE0  }
0x213: {  	[tilespmem:s21], [sflag:$0x1] =	stream.indirect.gather [hbm4b:s4+s20], $0x10, s13, s20, $0xb8;
	[tilespmem:$0x5690] =	vst v63  }
0x214: {  	_ =	swait.ge [sflag:s29], $0x320  }
0x215: {  	[sflag:s29] =	ssyncset.done $0x0  }
0x216: {  	s22 =	sadd.s32 $0x1A78, s11;
	[sflag:s29] =	ssyncadd.s32 $0xFFFFFCE0  }
0x217: {  	[spmem:s2] =	stream.indirect.scatter.add.f32 [tilespmem:s23], [sflag:$0x7], $0x10, s22, s20, $0xb8;
	[tilespmem:$0x5690] =	vst v63  }
0x218: {  	_ =	swait.ge [sflag:s16], $0x320  }
0x219: {  	[sflag:s16] =	ssyncset.done $0x0  }
0x21a: {  	s12 =	sadd.s32 $0x1298, s11;
	[sflag:s16] =	ssyncadd.s32 $0xFFFFFCE0  }
0x21b: {  	[tilespmem:s23], [sflag:$0x2] =	stream.indirect.gather [hbm4b:s4+s20], $0x10, s12, s20, $0xb8;
	[tilespmem:$0x5690] =	vst v63  }
0x21c: {  	_ =	swait.ge [sflag:s30], $0x320  }
0x21d: {  	[sflag:s30] =	ssyncset.done $0x0  }
0x21e: {  	s13 =	sadd.s32 $0x1AB0, s11;
	[sflag:s30] =	ssyncadd.s32 $0xFFFFFCE0  }
0x21f: {  	[spmem:s2] =	stream.indirect.scatter.add.f32 [tilespmem:s25], [sflag:$0x7], $0x10, s13, s20, $0xb8;
	[tilespmem:$0x5690] =	vst v63  }
0x220: {  	_ =	swait.ge [sflag:s16], $0x320  }
0x221: {  	[sflag:s16] =	ssyncset.done $0x0  }
0x222: {  	s22 =	sadd.s32 $0x12D0, s11;
	[sflag:s16] =	ssyncadd.s32 $0xFFFFFCE0  }
0x223: {  	[tilespmem:s25], [sflag:$0x3] =	stream.indirect.gather [hbm4b:s4+s20], $0x10, s22, s20, $0xb8;
	[tilespmem:$0x5690] =	vst v63  }
0x224: {  	_ =	swait.ge [sflag:s31], $0x320  }
0x225: {  	[sflag:s31] =	ssyncset.done $0x0  }
0x226: {  	s11 =	sadd.s32 $0x1AE8, s11;
	[sflag:s31] =	ssyncadd.s32 $0xFFFFFCE0  }
0x227: {  	[spmem:s2] =	stream.indirect.scatter.add.f32 [tilespmem:s26], [sflag:$0x7], $0x10, s11, s20, $0xb8;
	[tilespmem:$0x5690] =	vst v63  }
0x228: {  	_ =	swait.ge [sflag:s16], $0x320  }
0x229: {  	[sflag:s16] =	ssyncset.done $0x0  }
0x22a: {  	s12 =	simm.s32 $0x1A08;
	[sflag:s16] =	ssyncadd.s32 $0xFFFFFCE0  }
0x22b: {  	[tilespmem:s26], [sflag:$0x4] =	stream.indirect.gather [hbm4b:s4+s20], $0x10, s12, s20, $0xb8;
	[tilespmem:$0x5690] =	vst v63  }
0x22c: {  	_ =	swait.ge [sflag:s28], $0x320  }
0x22d: {  	[sflag:s28] =	ssyncset.done $0x0  }
0x22e: {  	s13 =	simm.s32 $0x2220;
	[sflag:s28] =	ssyncadd.s32 $0xFFFFFCE0  }
0x22f: {  	[spmem:s2] =	stream.indirect.scatter.add.f32 [tilespmem:s21], [sflag:$0x7], $0x10, s13, s20, $0xb8;
	[tilespmem:$0x5690] =	vst v63  }
0x230: {  	_ =	swait.ge [sflag:s16], $0x320  }
0x231: {  	[sflag:s16] =	ssyncset.done $0x0  }
0x232: {  	[sflag:s16] =	ssyncadd.s32 $0xFFFFFCE0  }
0x233: {  	_ =	swait.ge [sflag:s29], $0x320  }
0x234: {  	[sflag:s29] =	ssyncset.done $0x0  }
0x235: {  	s22 =	simm.s32 $0x2258;
	[sflag:s29] =	ssyncadd.s32 $0xFFFFFCE0  }
0x236: {  	[spmem:s2] =	stream.indirect.scatter.add.f32 [tilespmem:s23], [sflag:$0x7], $0x10, s22, s20, $0xb8;
	[tilespmem:$0x5690] =	vst v63  }
0x237: {  	_ =	swait.ge [sflag:s16], $0x320  }
0x238: {  	[sflag:s16] =	ssyncset.done $0x0  }
0x239: {  	[sflag:s16] =	ssyncadd.s32 $0xFFFFFCE0  }
0x23a: {  	_ =	swait.ge [sflag:s30], $0x320  }
0x23b: {  	[sflag:s30] =	ssyncset.done $0x0  }
0x23c: {  	s11 =	simm.s32 $0x2290;
	[sflag:s30] =	ssyncadd.s32 $0xFFFFFCE0  }
0x23d: {  	[spmem:s2] =	stream.indirect.scatter.add.f32 [tilespmem:s25], [sflag:$0x7], $0x10, s11, s20, $0xb8;
	[tilespmem:$0x5690] =	vst v63  }
0x23e: {  	_ =	swait.ge [sflag:s16], $0x320  }
0x23f: {  	[sflag:s16] =	ssyncset.done $0x0  }
0x240: {  	[sflag:s16] =	ssyncadd.s32 $0xFFFFFCE0  }
0x241: {  	_ =	swait.ge [sflag:s31], $0x320  }
0x242: {  	[sflag:s31] =	ssyncset.done $0x0  }
0x243: {  	s12 =	simm.s32 $0x22C8;
	[sflag:s31] =	ssyncadd.s32 $0xFFFFFCE0  }
0x244: {  	[spmem:s2] =	stream.indirect.scatter.add.f32 [tilespmem:s26], [sflag:$0x7], $0x10, s12, s20, $0xb8;
	[tilespmem:$0x5690] =	vst v63  }
0x245: {  	_ =	swait.ge [sflag:s16], $0x320  }
0x246: {  	[sflag:s16] =	ssyncset.done $0x0  }
0x247: {  	[sflag:s16] =	ssyncadd.s32 $0xFFFFFCE0  }
0x248: {  	_ =	swait.ge [sflag:s18], $0x1180  }
0x249: {  	[sflag:s18] =	ssyncset.done $0x0  }
0x24a: {  	s13 =	simm.s32 $0x0;
	[sflag:s18] =	ssyncadd.s32 $0xFFFFEE80  }
0x24b: {  	[tilespmem:s21], [sflag:$0x1] =	stream.indirect.gather [hbm4b:s4+s20], $0x10, s13, s20, $0xb8;
	[tilespmem:$0x5690] =	vst v63  }
0x24c: {  	s22 =	simm.s32 $0x38  }
0x24d: {  	[tilespmem:s23], [sflag:$0x2] =	stream.indirect.gather [hbm4b:s4+s20], $0x10, s22, s20, $0xb8;
	[tilespmem:$0x5690] =	vst v63  }
0x24e: {  	_ = 	snop  }
0x24f: {  	[tilespmem:s25], [sflag:$0x3] =	stream.indirect.gather [hbm4b:s4+s20], $0x10, s24, s20, $0xb8;
	[tilespmem:$0x5690] =	vst v63  }
0x250: {  	s11 =	simm.s32 $0xA8  }
0x251: {  	[tilespmem:s26], [sflag:$0x4] =	stream.indirect.gather [hbm4b:s4+s20], $0x10, s11, s20, $0xb8;
	[tilespmem:$0x5690] =	vst v63  }
0x252: {  	_ =	swait.ge [sflag:s28], $0x320  }
0x253: {  	[sflag:s28] =	ssyncset.done $0x0  }
0x254: {  	s12 =	simm.s32 $0x8C0;
	[sflag:s28] =	ssyncadd.s32 $0xFFFFFCE0  }
0x255: {  	[spmem:s2] =	stream.indirect.scatter.add.f32 [tilespmem:s21], [sflag:$0x7], $0x10, s12, s20, $0xb8;
	[tilespmem:$0x5690] =	vst v63  }
0x256: {  	_ =	swait.ge [sflag:s16], $0x320  }
0x257: {  	[sflag:s16] =	ssyncset.done $0x0  }
0x258: {  	s13 =	simm.s32 $0xE0;
	[sflag:s16] =	ssyncadd.s32 $0xFFFFFCE0  }
0x259: {  	[tilespmem:s21], [sflag:$0x1] =	stream.indirect.gather [hbm4b:s4+s20], $0x10, s13, s20, $0xb8;
	[tilespmem:$0x5690] =	vst v63  }
0x25a: {  	_ =	swait.ge [sflag:s29], $0x320  }
0x25b: {  	[sflag:s29] =	ssyncset.done $0x0  }
0x25c: {  	s22 =	simm.s32 $0x8F8;
	[sflag:s29] =	ssyncadd.s32 $0xFFFFFCE0  }
0x25d: {  	[spmem:s2] =	stream.indirect.scatter.add.f32 [tilespmem:s23], [sflag:$0x7], $0x10, s22, s20, $0xb8;
	[tilespmem:$0x5690] =	vst v63  }
0x25e: {  	_ =	swait.ge [sflag:s16], $0x320  }
0x25f: {  	[sflag:s16] =	ssyncset.done $0x0  }
0x260: {  	s11 =	simm.s32 $0x118;
	[sflag:s16] =	ssyncadd.s32 $0xFFFFFCE0  }
0x261: {  	[tilespmem:s23], [sflag:$0x2] =	stream.indirect.gather [hbm4b:s4+s20], $0x10, s11, s20, $0xb8;
	[tilespmem:$0x5690] =	vst v63  }
0x262: {  	_ =	swait.ge [sflag:s30], $0x320  }
0x263: {  	[sflag:s30] =	ssyncset.done $0x0  }
0x264: {  	s12 =	simm.s32 $0x930;
	[sflag:s30] =	ssyncadd.s32 $0xFFFFFCE0  }
0x265: {  	[spmem:s2] =	stream.indirect.scatter.add.f32 [tilespmem:s25], [sflag:$0x7], $0x10, s12, s20, $0xb8;
	[tilespmem:$0x5690] =	vst v63  }
0x266: {  	_ =	swait.ge [sflag:s16], $0x320  }
0x267: {  	[sflag:s16] =	ssyncset.done $0x0  }
0x268: {  	s13 =	simm.s32 $0x150;
	[sflag:s16] =	ssyncadd.s32 $0xFFFFFCE0  }
0x269: {  	[tilespmem:s25], [sflag:$0x3] =	stream.indirect.gather [hbm4b:s4+s20], $0x10, s13, s20, $0xb8;
	[tilespmem:$0x5690] =	vst v63  }
0x26a: {  	_ =	swait.ge [sflag:s31], $0x320  }
0x26b: {  	[sflag:s31] =	ssyncset.done $0x0  }
0x26c: {  	s22 =	simm.s32 $0x968;
	[sflag:s31] =	ssyncadd.s32 $0xFFFFFCE0  }
0x26d: {  	[spmem:s2] =	stream.indirect.scatter.add.f32 [tilespmem:s26], [sflag:$0x7], $0x10, s22, s20, $0xb8;
	[tilespmem:$0x5690] =	vst v63  }
0x26e: {  	_ =	swait.ge [sflag:s16], $0x320  }
0x26f: {  	s3 =	simm.s32 $0x700;
	s11 =	simm.s32 $0xE0;
	[sflag:s16] =	ssyncset.done $0x0  }
.LBB2_10:
0x270: {  	s22 =	sadd.s32 $0xA8, s11  }
0x271: {  	[sflag:s16] =	ssyncadd.s32 $0xFFFFFCE0;
	s13 =	smov.u32 s3;
	s12 =	sadd.s32 $0x380, s3  }
0x272: {  	[tilespmem:s26], [sflag:$0x4] =	stream.indirect.gather [hbm4b:s4+s20], $0x10, s22, s20, $0xb8;
	[tilespmem:$0x5690] =	vst v63  }
0x273: {  	p1 =	sne.s32 s3, $0x1C00;
	_ =	swait.ge [sflag:s28], $0x320  }
0x274: {  	[sflag:s28] =	ssyncset.done $0x0  }
0x275: {  	s3 =	sadd.s32 $0x8C0, s11;
	[sflag:s28] =	ssyncadd.s32 $0xFFFFFCE0  }
0x276: {  	[spmem:s2] =	stream.indirect.scatter.add.f32 [tilespmem:s21], [sflag:$0x7], $0x10, s3, s20, $0xb8;
	[tilespmem:$0x5690] =	vst v63  }
0x277: {  	_ =	swait.ge [sflag:s16], $0x320  }
0x278: {  	[sflag:s16] =	ssyncset.done $0x0  }
0x279: {  	s3 =	sadd.s32 $0xE0, s11;
	[sflag:s16] =	ssyncadd.s32 $0xFFFFFCE0  }
0x27a: {  	[tilespmem:s21], [sflag:$0x1] =	stream.indirect.gather [hbm4b:s4+s20], $0x10, s3, s20, $0xb8;
	[tilespmem:$0x5690] =	vst v63  }
0x27b: {  	_ =	swait.ge [sflag:s29], $0x320  }
0x27c: {  	[sflag:s29] =	ssyncset.done $0x0  }
0x27d: {  	s3 =	sadd.s32 $0x8F8, s11;
	[sflag:s29] =	ssyncadd.s32 $0xFFFFFCE0  }
0x27e: {  	[spmem:s2] =	stream.indirect.scatter.add.f32 [tilespmem:s23], [sflag:$0x7], $0x10, s3, s20, $0xb8;
	[tilespmem:$0x5690] =	vst v63  }
0x27f: {  	_ =	swait.ge [sflag:s16], $0x320  }
0x280: {  	[sflag:s16] =	ssyncset.done $0x0  }
0x281: {  	s3 =	sadd.s32 $0x118, s11;
	[sflag:s16] =	ssyncadd.s32 $0xFFFFFCE0  }
0x282: {  	[tilespmem:s23], [sflag:$0x2] =	stream.indirect.gather [hbm4b:s4+s20], $0x10, s3, s20, $0xb8;
	[tilespmem:$0x5690] =	vst v63  }
0x283: {  	_ =	swait.ge [sflag:s30], $0x320  }
0x284: {  	[sflag:s30] =	ssyncset.done $0x0  }
0x285: {  	s3 =	sadd.s32 $0x930, s11;
	[sflag:s30] =	ssyncadd.s32 $0xFFFFFCE0  }
0x286: {  	[spmem:s2] =	stream.indirect.scatter.add.f32 [tilespmem:s25], [sflag:$0x7], $0x10, s3, s20, $0xb8;
	[tilespmem:$0x5690] =	vst v63  }
0x287: {  	_ =	swait.ge [sflag:s16], $0x320  }
0x288: {  	[sflag:s16] =	ssyncset.done $0x0  }
0x289: {  	s3 =	sadd.s32 $0x150, s11;
	[sflag:s16] =	ssyncadd.s32 $0xFFFFFCE0  }
0x28a: {  	[tilespmem:s25], [sflag:$0x3] =	stream.indirect.gather [hbm4b:s4+s20], $0x10, s3, s20, $0xb8;
	[tilespmem:$0x5690] =	vst v63  }
0x28b: {  	_ =	swait.ge [sflag:s31], $0x320  }
.Ltmp4:
0x28c: {  	[sflag:s31] =	ssyncset.done $0x0;
	(pc) =	sbr.rel @p1 .LBB2_10-.Ltmp4, $4  }
0x28d: {  	s3 =	sadd.s32 $0x968, s11;
	[sflag:s31] =	ssyncadd.s32 $0xFFFFFCE0  }
0x28e: {  	[spmem:s2] =	stream.indirect.scatter.add.f32 [tilespmem:s26], [sflag:$0x7], $0x10, s3, s20, $0xb8;
	[tilespmem:$0x5690] =	vst v63  }
0x28f: {  	_ =	swait.ge [sflag:s16], $0x320  }
0x290: {  	s11 =	sshra.s32 s13, $0x2;
	s3 =	smov.u32 s12;
	[sflag:s16] =	ssyncset.done $0x0  }
0x291: {  	s3 =	sadd.s32 $0xA8, s11;
	[sflag:s16] =	ssyncadd.s32 $0xFFFFFCE0  }
0x292: {  	[tilespmem:s26], [sflag:$0x4] =	stream.indirect.gather [hbm4b:s4+s20], $0x10, s3, s20, $0xb8;
	[tilespmem:$0x5690] =	vst v63  }
0x293: {  	_ =	swait.ge [sflag:s28], $0x320  }
0x294: {  	[sflag:s28] =	ssyncset.done $0x0  }
0x295: {  	s12 =	sadd.s32 $0x8C0, s11;
	[sflag:s28] =	ssyncadd.s32 $0xFFFFFCE0  }
0x296: {  	[spmem:s2] =	stream.indirect.scatter.add.f32 [tilespmem:s21], [sflag:$0x7], $0x10, s12, s20, $0xb8;
	[tilespmem:$0x5690] =	vst v63  }
0x297: {  	_ =	swait.ge [sflag:s16], $0x320  }
0x298: {  	[sflag:s16] =	ssyncset.done $0x0  }
0x299: {  	s13 =	sadd.s32 $0xE0, s11;
	[sflag:s16] =	ssyncadd.s32 $0xFFFFFCE0  }
0x29a: {  	[tilespmem:s21], [sflag:$0x1] =	stream.indirect.gather [hbm4b:s4+s20], $0x10, s13, s20, $0xb8;
	[tilespmem:$0x5690] =	vst v63  }
0x29b: {  	_ =	swait.ge [sflag:s29], $0x320  }
0x29c: {  	[sflag:s29] =	ssyncset.done $0x0  }
0x29d: {  	s22 =	sadd.s32 $0x8F8, s11;
	[sflag:s29] =	ssyncadd.s32 $0xFFFFFCE0  }
0x29e: {  	[spmem:s2] =	stream.indirect.scatter.add.f32 [tilespmem:s23], [sflag:$0x7], $0x10, s22, s20, $0xb8;
	[tilespmem:$0x5690] =	vst v63  }
0x29f: {  	_ =	swait.ge [sflag:s16], $0x320  }
0x2a0: {  	[sflag:s16] =	ssyncset.done $0x0  }
0x2a1: {  	s12 =	sadd.s32 $0x118, s11;
	[sflag:s16] =	ssyncadd.s32 $0xFFFFFCE0  }
0x2a2: {  	[tilespmem:s23], [sflag:$0x2] =	stream.indirect.gather [hbm4b:s4+s20], $0x10, s12, s20, $0xb8;
	[tilespmem:$0x5690] =	vst v63  }
0x2a3: {  	_ =	swait.ge [sflag:s30], $0x320  }
0x2a4: {  	[sflag:s30] =	ssyncset.done $0x0  }
0x2a5: {  	s13 =	sadd.s32 $0x930, s11;
	[sflag:s30] =	ssyncadd.s32 $0xFFFFFCE0  }
0x2a6: {  	[spmem:s2] =	stream.indirect.scatter.add.f32 [tilespmem:s25], [sflag:$0x7], $0x10, s13, s20, $0xb8;
	[tilespmem:$0x5690] =	vst v63  }
0x2a7: {  	_ =	swait.ge [sflag:s16], $0x320  }
0x2a8: {  	[sflag:s16] =	ssyncset.done $0x0  }
0x2a9: {  	s22 =	sadd.s32 $0x150, s11;
	[sflag:s16] =	ssyncadd.s32 $0xFFFFFCE0  }
0x2aa: {  	[tilespmem:s25], [sflag:$0x3] =	stream.indirect.gather [hbm4b:s4+s20], $0x10, s22, s20, $0xb8;
	[tilespmem:$0x5690] =	vst v63  }
0x2ab: {  	_ =	swait.ge [sflag:s31], $0x320  }
0x2ac: {  	[sflag:s31] =	ssyncset.done $0x0  }
0x2ad: {  	s12 =	sadd.s32 $0x968, s11;
	[sflag:s31] =	ssyncadd.s32 $0xFFFFFCE0  }
0x2ae: {  	[spmem:s2] =	stream.indirect.scatter.add.f32 [tilespmem:s26], [sflag:$0x7], $0x10, s12, s20, $0xb8;
	[tilespmem:$0x5690] =	vst v63  }
0x2af: {  	_ =	swait.ge [sflag:s16], $0x320  }
0x2b0: {  	[sflag:s16] =	ssyncset.done $0x0  }
0x2b1: {  	[sflag:s16] =	ssyncadd.s32 $0xFFFFFCE0  }
0x2b2: {  	[tilespmem:s26], [sflag:$0x4] =	stream.indirect.gather [hbm4b:s4+s20], $0x10, s1, s20, $0xb8;
	[tilespmem:$0x5690] =	vst v63  }
0x2b3: {  	_ =	swait.ge [sflag:s28], $0x320  }
0x2b4: {  	[sflag:s28] =	ssyncset.done $0x0  }
0x2b5: {  	[sflag:s28] =	ssyncadd.s32 $0xFFFFFCE0  }
0x2b6: {  	[spmem:s2] =	stream.indirect.scatter.add.f32 [tilespmem:s21], [sflag:$0x7], $0x10, s0, s20, $0xb8;
	[tilespmem:$0x5690] =	vst v63  }
0x2b7: {  	_ =	swait.ge [sflag:s16], $0x320  }
0x2b8: {  	[sflag:s16] =	ssyncset.done $0x0  }
0x2b9: {  	[sflag:s16] =	ssyncadd.s32 $0xFFFFFCE0  }
0x2ba: {  	_ =	swait.ge [sflag:s29], $0x320  }
0x2bb: {  	[sflag:s29] =	ssyncset.done $0x0  }
0x2bc: {  	[sflag:s29] =	ssyncadd.s32 $0xFFFFFCE0  }
0x2bd: {  	[spmem:s2] =	stream.indirect.scatter.add.f32 [tilespmem:s23], [sflag:$0x7], $0x10, s6, s20, $0xb8;
	[tilespmem:$0x5690] =	vst v63  }
0x2be: {  	_ =	swait.ge [sflag:s16], $0x320  }
0x2bf: {  	[sflag:s16] =	ssyncset.done $0x0  }
0x2c0: {  	[sflag:s16] =	ssyncadd.s32 $0xFFFFFCE0  }
0x2c1: {  	_ =	swait.ge [sflag:s30], $0x320  }
0x2c2: {  	[sflag:s30] =	ssyncset.done $0x0  }
0x2c3: {  	[sflag:s30] =	ssyncadd.s32 $0xFFFFFCE0  }
0x2c4: {  	[spmem:s2] =	stream.indirect.scatter.add.f32 [tilespmem:s25], [sflag:$0x7], $0x10, s8, s20, $0xb8;
	[tilespmem:$0x5690] =	vst v63  }
0x2c5: {  	_ =	swait.ge [sflag:s16], $0x320  }
0x2c6: {  	[sflag:s16] =	ssyncset.done $0x0  }
0x2c7: {  	[sflag:s16] =	ssyncadd.s32 $0xFFFFFCE0  }
0x2c8: {  	_ =	swait.ge [sflag:s31], $0x320  }
0x2c9: {  	[sflag:s31] =	ssyncset.done $0x0  }
0x2ca: {  	[sflag:s31] =	ssyncadd.s32 $0xFFFFFCE0  }
0x2cb: {  	[spmem:s2] =	stream.indirect.scatter.add.f32 [tilespmem:s26], [sflag:$0x7], $0x10, s9, s20, $0xb8;
	[tilespmem:$0x5690] =	vst v63  }
0x2cc: {  	_ =	swait.ge [sflag:s16], $0x320  }
0x2cd: {  	[sflag:s16] =	ssyncset.done $0x0  }
0x2ce: {  	[sflag:s16] =	ssyncadd.s32 $0xFFFFFCE0  }
0x2cf: {  	[bflag:$0x0] =	sbarrier.arrive $0xFFFF  }
0x2d0: {  	s13 =	rddreg [dreg:$0x9]  }
0x2d1: {  	[hbm:s13], [sflag:s7] =	dma.local [spmem:s15], $0x4E0  }
0x2d2: {  	_ =	swait.ge [sflag:s16], $0x4E0  }
0x2d3: {  	[sflag:s16] =	ssyncset.done $0x0  }
0x2d4: {  	s3 =	rddreg [dreg:$0xa];
	[sflag:s16] =	ssyncadd.s32 $0xFFFFFB20  }
0x2d5: {  	[hbm:s3], [sflag:s7] =	dma.local @!p0 [spmem:s17], $0x20  }
0x2d6: {  	s3 =	simm.s32 @!p0 $0x7  }
0x2d7: {  	_ =	swait.ge @!p0 [sflag:s3], $0x20  }
0x2d8: {  	s14 =	sadd.s32 $0x1, s14;
	s22 =	rddreg [dreg:$0xb]  }
0x2d9: {  	p1 =	sne.s32 s14, s22  }
.Ltmp5:
0x2da: {  	_ = 	snop;
	(pc) =	sbr.rel @p1 .LBB2_1-.Ltmp5, $3  }
0x2db: {  	_ =	sdelay $0x1  }
0x2dc: {  	[sflag:s3] =	ssyncset.done @!p0 $0x0  }
0x2dd: {  	[sflag:s3] =	ssyncadd.s32 @!p0 $0xFFFFFFE0  }
0x2de: {  	_ =	sfence.sel $0x180000  }
0x2df: {  	[bflag:$0x0] =	sbarrier.arrive $0xFFFF  }
0x2e0: {  	_ =	strace $0x90000047  }
0x2e1: {  	s0 =	stileid.u32;
	[bflag:$0x2] =	sbarrier.arrive $0xFFFF  }
0x2e2: {  	p0 =	sne.s32 s0, $0x0;
	s0 =	rddreg [dreg:$0x3]  }
0x2e3: {  	s0 =	sadd.s32 @!p0 $0x100000, s0  }
0x2e4: {  	[sflag:s0] =	ssyncadd.tile.s32 @!p0 $0x1;
	_ =	shalt  }
.Lfunc_end2:
_tile_overlayer_lowered:
.L_overlay_start_2:
0x2e5: {  	(tag) =	ssettag $0x2  }
0x2e6: {  	s0 =	rddreg [dreg:$0x0];
	s2 =	stileid.u32  }
0x2e7: {  	s1 =	rddreg [dreg:$0x1];
	p0 =	sne.s32 s2, $0x0  }
0x2e8: {  	s3 =	rddreg [dreg:$0x2];
	[bflag:$0x3] =	sbarrier.arrive $0xFFFF;
	s2 =	simm.s32 @!p0 $0x1C07  }
0x2e9: {  	[timem:s3], [sflag:s2] =	dma.local @!p0 [hbm:s0], s1  }
0x2ea: {  	s0 =	simm.s32 @!p0 $0x7  }
0x2eb: {  	_ =	swait.ge @!p0 [sflag:s0], s1  }
0x2ec: {  	s1 =	ssub.s32 @!p0 $0x0, s1;
	[sflag:s0] =	ssyncset.done @!p0 $0x0  }
0x2ed: {  	[sflag:s0] =	ssyncadd.s32 @!p0 s1  }
0x2ee: {  	[bflag:$0x3] =	sbarrier.arrive $0xFFFF  }
0x2ef: {  	_ =	shalt  }

</sc_bundles>
